<compile_context>
chip_gen: v7x
topology: tpu7x:2x2x1
jax: 0.10.2.dev20260603
libtpu: 0.0.44.dev20260713+nightly
codegen_flags: <defaults>
</compile_context>

<pallas_src>
import functools

import jax
import jax.numpy as jnp
from jax import lax
from jax.experimental import pallas as pl
from jax.experimental.pallas import tpu as pltpu
from jax.experimental.pallas import tpu_sc as plsc

B = 64
S = 512
H = 768
EPS = 1e-12
NC = 2
NS = 16
NW = NC * NS
SPT = S // NW
HV = H // 16

_GATHER_DNUMS = lax.GatherDimensionNumbers(
    offset_dims=(), collapsed_slice_dims=(0,), start_index_map=(0,))


def _lane_sum(x):
    lanes = lax.iota(jnp.int32, 16)
    for sh in (8, 4, 2, 1):
        idx = (lanes + sh) & 15
        x = x + lax.gather(x, idx[:, None], _GATHER_DNUMS, (1,),
                           mode=lax.GatherScatterMode.PROMISE_IN_BOUNDS)
    return x


def _rsqrt_vec(x):
    half = jnp.full((16,), 0.5, jnp.float32)
    three_half = jnp.full((16,), 1.5, jnp.float32)
    i = plsc.bitcast(x, jnp.int32)
    i = jnp.full((16,), 0x5F3759DF, jnp.int32) - lax.shift_right_arithmetic(i, 1)
    y = plsc.bitcast(i, jnp.float32)
    hx = half * x
    for _ in range(2):
        y = y * (three_half - hx * y * y)
    return y


def _tile_body(ids_hbm, word_hbm, pos_hbm, tok_hbm, g_hbm, bt_hbm, out_hbm,
               idx_v, bias_v, tok_v, gamma_v, beta_v,
               in0, in1, ob0, ob1, sg0, sg1, so0, so1):
    c = lax.axis_index("c")
    s_ = lax.axis_index("s")
    w = s_ * NC + c

    pltpu.sync_copy(ids_hbm.at[w], idx_v)
    pltpu.sync_copy(pos_hbm.at[pl.ds(w * SPT, SPT)], bias_v)
    pltpu.sync_copy(tok_hbm.at[0], tok_v)
    pltpu.sync_copy(g_hbm, gamma_v)
    pltpu.sync_copy(bt_hbm, beta_v)

    def _fold(sl, carry):
        for j in range(HV):
            d = pl.ds(j * 16, 16)
            bias_v[sl, d] = bias_v[sl, d] + tok_v[d]
        return carry
    lax.fori_loop(0, SPT, _fold, 0)

    one_over_h = jnp.full((16,), 1.0 / H, jnp.float32)
    eps_v = jnp.full((16,), EPS, jnp.float32)

    KEEP = 24

    def _one_row(src, dst, r):
        s0 = s1 = q0 = q1 = jnp.zeros((16,), jnp.float32)
        xs = []
        for j in range(HV):
            d = pl.ds(j * 16, 16)
            xb = src[r, d] + bias_v[r, d]
            if j < KEEP:
                xs.append(xb)
            else:
                dst[r, d] = xb
            if j & 1:
                s1 = s1 + xb
                q1 = q1 + xb * xb
            else:
                s0 = s0 + xb
                q0 = q0 + xb * xb
        mean = _lane_sum(s0 + s1) * one_over_h
        var = _lane_sum(q0 + q1) * one_over_h - mean * mean
        istd = _rsqrt_vec(var + eps_v)
        for j in range(HV):
            d = pl.ds(j * 16, 16)
            xb = xs[j] if j < KEEP else dst[r, d]
            t = (xb - mean) * istd
            dst[r, d] = t * gamma_v[d] + beta_v[d]

    def _ln16(src, dst):
        def _r_step(r, carry):
            _one_row(src, dst, r)
            return carry
        lax.fori_loop(0, SPT, _r_step, 0)

    def _start_gather(b, buf, sem):
        pltpu.async_copy(word_hbm.at[idx_v.at[pl.ds(b * SPT, SPT)]], buf, sem)

    def _wait_gather(b, buf, sem):
        pltpu.make_async_copy(
            word_hbm.at[idx_v.at[pl.ds(b * SPT, SPT)]], buf, sem).wait()

    def _out_slice(b):
        return out_hbm.at[pl.ds(b * S + w * SPT, SPT)]

    _start_gather(0, in0, sg0)
    _start_gather(1, in1, sg1)
    pltpu.async_copy(pos_hbm.at[pl.ds(w * SPT, SPT)], ob0, so0)
    pltpu.async_copy(pos_hbm.at[pl.ds(w * SPT, SPT)], ob1, so1)

    def _b_step(i, carry):
        for p, (inb, ob, sg, so) in enumerate(
                ((in0, ob0, sg0, so0), (in1, ob1, sg1, so1))):
            b = i * 2 + p
            _wait_gather(b, inb, sg)
            pltpu.make_async_copy(ob, _out_slice(0), so).wait()
            _ln16(inb, ob)
            pltpu.async_copy(ob, _out_slice(b), so)
            _start_gather(jnp.minimum(b + 2, B - 2 + p), inb, sg)
        return carry
    lax.fori_loop(0, B // 2, _b_step, 0)

    _wait_gather(0, in0, sg0)
    _wait_gather(1, in1, sg1)
    pltpu.make_async_copy(ob0, _out_slice(B - 2), so0).wait()
    pltpu.make_async_copy(ob1, _out_slice(B - 1), so1).wait()


_sc_call = functools.partial(
    pl.kernel,
    out_type=jax.ShapeDtypeStruct((B * S, H), jnp.float32),
    mesh=plsc.VectorSubcoreMesh(core_axis_name="c", subcore_axis_name="s"),
    compiler_params=pltpu.CompilerParams(needs_layout_passes=False),
    scratch_types=[
        pltpu.VMEM((B * SPT,), jnp.int32),
        pltpu.VMEM((SPT, H), jnp.float32),
        pltpu.VMEM((H,), jnp.float32),
        pltpu.VMEM((H,), jnp.float32),
        pltpu.VMEM((H,), jnp.float32),
        pltpu.VMEM((SPT, H), jnp.float32),
        pltpu.VMEM((SPT, H), jnp.float32),
        pltpu.VMEM((SPT, H), jnp.float32),
        pltpu.VMEM((SPT, H), jnp.float32),
        pltpu.SemaphoreType.DMA,
        pltpu.SemaphoreType.DMA,
        pltpu.SemaphoreType.DMA,
        pltpu.SemaphoreType.DMA,
    ],
)(_tile_body)


def kernel(input_ids, word_emb, pos_emb, tok_emb, gamma, beta):
    ids = input_ids.astype(jnp.int32).reshape(B, NW, SPT)
    ids = ids.transpose(1, 0, 2).reshape(NW, B * SPT)
    out = _sc_call(ids, word_emb, pos_emb, tok_emb, gamma, beta)
    return out.reshape(B, S, H)

# --- scband reference (transcript-rebuilt; emitter-appended) ---
"""Pipeline reference for scband-bert-embeddings-37744172597935 (READ-ONLY COPY).

The authoritative reference and input builder live on the scoring server;
editing this copy changes nothing except your own understanding.
"""

import jax, jax.numpy as jnp
import numpy as np

VOCAB = 30522
HIDDEN = 768
MAX_POS = 512
TYPE_VOCAB = 2
EPS = 1e-12
BATCH = 64
SEQ = 512


def setup_inputs(seed: int = 0) -> dict:
    key = jax.random.key(seed)
    ks = jax.random.split(key, 6)
    input_ids = jax.random.randint(ks[0], (BATCH, SEQ), 0, VOCAB, dtype=jnp.int32).astype(jnp.int64) if False else jax.random.randint(ks[0], (BATCH, SEQ), 0, VOCAB)
    word_emb = jax.random.normal(ks[1], (VOCAB, HIDDEN), dtype=jnp.float32) * 0.02
    # emulate padding_idx=0: that row is initialized to zeros
    word_emb = word_emb.at[0].set(0.0)
    pos_emb = jax.random.normal(ks[2], (MAX_POS, HIDDEN), dtype=jnp.float32) * 0.02
    tok_emb = jax.random.normal(ks[3], (TYPE_VOCAB, HIDDEN), dtype=jnp.float32) * 0.02
    gamma = jnp.ones((HIDDEN,), dtype=jnp.float32)
    beta = jnp.zeros((HIDDEN,), dtype=jnp.float32)
    return {
        "input_ids": input_ids,
        "word_emb": word_emb,
        "pos_emb": pos_emb,
        "tok_emb": tok_emb,
        "gamma": gamma,
        "beta": beta,
    }


def reference(input_ids, word_emb, pos_emb, tok_emb, gamma, beta):
    # word embedding lookup (padding_idx row forced to zero, like torch)
    w = word_emb.at[0].set(0.0)
    inputs_embeds = jnp.take(w, input_ids, axis=0)  # [B, S, H]
    seq_length = input_ids.shape[1]
    # default position_ids = arange(seq_len) (past_key_values_length = 0)
    position_ids = jnp.arange(seq_length)
    position_embeddings = jnp.take(pos_emb, position_ids, axis=0)[None, :, :]  # [1, S, H]
    # default token_type_ids = zeros
    token_type_ids = jnp.zeros(input_ids.shape, dtype=jnp.int32)
    token_type_embeddings = jnp.take(tok_emb, token_type_ids, axis=0)  # [B, S, H]
    embeddings = inputs_embeds + token_type_embeddings + position_embeddings
    # LayerNorm (eps=1e-12), biased variance as in torch
    mean = jnp.mean(embeddings, axis=-1, keepdims=True)
    var = jnp.mean(jnp.square(embeddings - mean), axis=-1, keepdims=True)
    normed = (embeddings - mean) / jnp.sqrt(var + EPS)
    out = normed * gamma + beta
    # dropout is identity in eval mode
    return out

if __name__ == "__main__":
    import jax
    _d = setup_inputs()
    print(jax.jit(kernel)(*tuple(_d.values())))

</pallas_src>

<mosaic_0001>
#map = affine_map<(d0, d1) -> (0, 0)>
#map1 = affine_map<(d0, d1) -> (0)>
module attributes {stable_mosaic.version = 14 : i64} {
  func.func @_tile_body(%arg0: i32, %arg1: i32, %arg2: memref<32x1024xi32, #tpu.memory_space<hbm>>, %arg3: memref<30522x768xf32, #tpu.memory_space<hbm>>, %arg4: memref<512x768xf32, #tpu.memory_space<hbm>>, %arg5: memref<2x768xf32, #tpu.memory_space<hbm>>, %arg6: memref<768xf32, #tpu.memory_space<hbm>>, %arg7: memref<768xf32, #tpu.memory_space<hbm>>, %arg8: memref<32768x768xf32, #tpu.memory_space<hbm>>, %arg9: memref<1024xi32, #tpu.memory_space<vmem>>, %arg10: memref<16x768xf32, #tpu.memory_space<vmem>>, %arg11: memref<768xf32, #tpu.memory_space<vmem>>, %arg12: memref<768xf32, #tpu.memory_space<vmem>>, %arg13: memref<768xf32, #tpu.memory_space<vmem>>, %arg14: memref<16x768xf32, #tpu.memory_space<vmem>>, %arg15: memref<16x768xf32, #tpu.memory_space<vmem>>, %arg16: memref<16x768xf32, #tpu.memory_space<vmem>>, %arg17: memref<16x768xf32, #tpu.memory_space<vmem>>, %arg18: memref<!tpu.dma_semaphore, #tpu.memory_space<semaphore_mem>>, %arg19: memref<!tpu.dma_semaphore, #tpu.memory_space<semaphore_mem>>, %arg20: memref<!tpu.dma_semaphore, #tpu.memory_space<semaphore_mem>>, %arg21: memref<!tpu.dma_semaphore, #tpu.memory_space<semaphore_mem>>) attributes {dimension_semantics = [#tpu.dimension_semantics<core_parallel>, #tpu.dimension_semantics<subcore_parallel>], iteration_bounds = array<i64: 2, 16>, scalar_prefetch = 0 : i64, scratch_operands = 13 : i64, tpu.core_type = #tpu.core_type<sc_vector_subcore>, window_params = [{transform_indices = #map}, {transform_indices = #map}, {transform_indices = #map}, {transform_indices = #map}, {transform_indices = #map1}, {transform_indices = #map1}, {transform_indices = #map}]} {
    %mul3A = arith.constant 2 : i32
    %mul3A_0 = arith.muli %arg1, %mul3A : i32
    %add3A = arith.addi %mul3A_0, %arg0 : i32
    "tpu.region"() ({
      %run_scoped3A_63 = tpu.sem_alloc : memref<!tpu.dma_semaphore, #tpu.memory_space<semaphore_mem>>
      %dma_start3A_64 = arith.constant 0 : i32
      %dma_start3A_65 = tpu.memref_slice %arg2[%add3A, %dma_start3A_64] : memref<32x1024xi32, #tpu.memory_space<hbm>> -> memref<1x1024xi32, #tpu.memory_space<hbm>>
      %dma_start3A_66 = tpu.memref_squeeze %dma_start3A_65 : memref<1x1024xi32, #tpu.memory_space<hbm>> -> memref<1024xi32, #tpu.memory_space<hbm>>
      %dma_start3A_67 = arith.constant 0 : i32
      %dma_start3A_68 = tpu.memref_slice %arg2[%add3A, %dma_start3A_67] : memref<32x1024xi32, #tpu.memory_space<hbm>> -> memref<1x1024xi32, #tpu.memory_space<hbm>>
      %dma_start3A_69 = tpu.memref_squeeze %dma_start3A_68 : memref<1x1024xi32, #tpu.memory_space<hbm>> -> memref<1024xi32, #tpu.memory_space<hbm>>
      tpu.enqueue_dma source(%dma_start3A_69 : memref<1024xi32, #tpu.memory_space<hbm>>) target(%arg9 : memref<1024xi32, #tpu.memory_space<vmem>>) target_semaphore(%run_scoped3A_63 : memref<!tpu.dma_semaphore, #tpu.memory_space<semaphore_mem>>)
      %dma_wait3A_70 = arith.constant 0 : i32
      %dma_wait3A_71 = tpu.memref_slice %arg2[%add3A, %dma_wait3A_70] : memref<32x1024xi32, #tpu.memory_space<hbm>> -> memref<1x1024xi32, #tpu.memory_space<hbm>>
      %dma_wait3A_72 = tpu.memref_squeeze %dma_wait3A_71 : memref<1x1024xi32, #tpu.memory_space<hbm>> -> memref<1024xi32, #tpu.memory_space<hbm>>
      %dma_wait3A_73 = arith.constant 0 : i32
      %dma_wait3A_74 = tpu.memref_slice %arg2[%add3A, %dma_wait3A_73] : memref<32x1024xi32, #tpu.memory_space<hbm>> -> memref<1x1024xi32, #tpu.memory_space<hbm>>
      %dma_wait3A_75 = tpu.memref_squeeze %dma_wait3A_74 : memref<1x1024xi32, #tpu.memory_space<hbm>> -> memref<1024xi32, #tpu.memory_space<hbm>>
      tpu.wait_dma2 semaphore(%run_scoped3A_63 : memref<!tpu.dma_semaphore, #tpu.memory_space<semaphore_mem>>) src(%dma_wait3A_75 : memref<1024xi32, #tpu.memory_space<hbm>>) dst(%arg9 : memref<1024xi32, #tpu.memory_space<vmem>>)
      tpu.yield
    }) : () -> ()
    %mul3A_1 = arith.constant 16 : i32
    %mul3A_2 = arith.muli %add3A, %mul3A_1 : i32
    "tpu.region"() ({
      %run_scoped3A_63 = tpu.sem_alloc : memref<!tpu.dma_semaphore, #tpu.memory_space<semaphore_mem>>
      %dma_start3A_64 = arith.constant 0 : i32
      %dma_start3A_65 = tpu.memref_slice %arg4[%mul3A_2, %dma_start3A_64] : memref<512x768xf32, #tpu.memory_space<hbm>> -> memref<16x768xf32, #tpu.memory_space<hbm>>
      %dma_start3A_66 = arith.constant 0 : i32
      %dma_start3A_67 = tpu.memref_slice %arg4[%mul3A_2, %dma_start3A_66] : memref<512x768xf32, #tpu.memory_space<hbm>> -> memref<16x768xf32, #tpu.memory_space<hbm>>
      tpu.enqueue_dma source(%dma_start3A_67 : memref<16x768xf32, #tpu.memory_space<hbm>>) target(%arg10 : memref<16x768xf32, #tpu.memory_space<vmem>>) target_semaphore(%run_scoped3A_63 : memref<!tpu.dma_semaphore, #tpu.memory_space<semaphore_mem>>)
      %dma_wait3A_68 = arith.constant 0 : i32
      %dma_wait3A_69 = tpu.memref_slice %arg4[%mul3A_2, %dma_wait3A_68] : memref<512x768xf32, #tpu.memory_space<hbm>> -> memref<16x768xf32, #tpu.memory_space<hbm>>
      %dma_wait3A_70 = arith.constant 0 : i32
      %dma_wait3A_71 = tpu.memref_slice %arg4[%mul3A_2, %dma_wait3A_70] : memref<512x768xf32, #tpu.memory_space<hbm>> -> memref<16x768xf32, #tpu.memory_space<hbm>>
      tpu.wait_dma2 semaphore(%run_scoped3A_63 : memref<!tpu.dma_semaphore, #tpu.memory_space<semaphore_mem>>) src(%dma_wait3A_71 : memref<16x768xf32, #tpu.memory_space<hbm>>) dst(%arg10 : memref<16x768xf32, #tpu.memory_space<vmem>>)
      tpu.yield
    }) : () -> ()
    %run_scoped3A = arith.constant 0 : i32
    "tpu.region"() ({
      %run_scoped3A_63 = tpu.sem_alloc : memref<!tpu.dma_semaphore, #tpu.memory_space<semaphore_mem>>
      %dma_start3A_64 = arith.constant 0 : i32
      %dma_start3A_65 = tpu.memref_slice %arg5[%run_scoped3A, %dma_start3A_64] : memref<2x768xf32, #tpu.memory_space<hbm>> -> memref<1x768xf32, #tpu.memory_space<hbm>>
      %dma_start3A_66 = tpu.memref_squeeze %dma_start3A_65 : memref<1x768xf32, #tpu.memory_space<hbm>> -> memref<768xf32, #tpu.memory_space<hbm>>
      %dma_start3A_67 = arith.constant 0 : i32
      %dma_start3A_68 = tpu.memref_slice %arg5[%run_scoped3A, %dma_start3A_67] : memref<2x768xf32, #tpu.memory_space<hbm>> -> memref<1x768xf32, #tpu.memory_space<hbm>>
      %dma_start3A_69 = tpu.memref_squeeze %dma_start3A_68 : memref<1x768xf32, #tpu.memory_space<hbm>> -> memref<768xf32, #tpu.memory_space<hbm>>
      tpu.enqueue_dma source(%dma_start3A_69 : memref<768xf32, #tpu.memory_space<hbm>>) target(%arg11 : memref<768xf32, #tpu.memory_space<vmem>>) target_semaphore(%run_scoped3A_63 : memref<!tpu.dma_semaphore, #tpu.memory_space<semaphore_mem>>)
      %dma_wait3A_70 = arith.constant 0 : i32
      %dma_wait3A_71 = tpu.memref_slice %arg5[%run_scoped3A, %dma_wait3A_70] : memref<2x768xf32, #tpu.memory_space<hbm>> -> memref<1x768xf32, #tpu.memory_space<hbm>>
      %dma_wait3A_72 = tpu.memref_squeeze %dma_wait3A_71 : memref<1x768xf32, #tpu.memory_space<hbm>> -> memref<768xf32, #tpu.memory_space<hbm>>
      %dma_wait3A_73 = arith.constant 0 : i32
      %dma_wait3A_74 = tpu.memref_slice %arg5[%run_scoped3A, %dma_wait3A_73] : memref<2x768xf32, #tpu.memory_space<hbm>> -> memref<1x768xf32, #tpu.memory_space<hbm>>
      %dma_wait3A_75 = tpu.memref_squeeze %dma_wait3A_74 : memref<1x768xf32, #tpu.memory_space<hbm>> -> memref<768xf32, #tpu.memory_space<hbm>>
      tpu.wait_dma2 semaphore(%run_scoped3A_63 : memref<!tpu.dma_semaphore, #tpu.memory_space<semaphore_mem>>) src(%dma_wait3A_75 : memref<768xf32, #tpu.memory_space<hbm>>) dst(%arg11 : memref<768xf32, #tpu.memory_space<vmem>>)
      tpu.yield
    }) : () -> ()
    "tpu.region"() ({
      %run_scoped3A_63 = tpu.sem_alloc : memref<!tpu.dma_semaphore, #tpu.memory_space<semaphore_mem>>
      tpu.enqueue_dma source(%arg6 : memref<768xf32, #tpu.memory_space<hbm>>) target(%arg12 : memref<768xf32, #tpu.memory_space<vmem>>) target_semaphore(%run_scoped3A_63 : memref<!tpu.dma_semaphore, #tpu.memory_space<semaphore_mem>>)
      tpu.wait_dma2 semaphore(%run_scoped3A_63 : memref<!tpu.dma_semaphore, #tpu.memory_space<semaphore_mem>>) src(%arg6 : memref<768xf32, #tpu.memory_space<hbm>>) dst(%arg12 : memref<768xf32, #tpu.memory_space<vmem>>)
      tpu.yield
    }) : () -> ()
    "tpu.region"() ({
      %run_scoped3A_63 = tpu.sem_alloc : memref<!tpu.dma_semaphore, #tpu.memory_space<semaphore_mem>>
      tpu.enqueue_dma source(%arg7 : memref<768xf32, #tpu.memory_space<hbm>>) target(%arg13 : memref<768xf32, #tpu.memory_space<vmem>>) target_semaphore(%run_scoped3A_63 : memref<!tpu.dma_semaphore, #tpu.memory_space<semaphore_mem>>)
      tpu.wait_dma2 semaphore(%run_scoped3A_63 : memref<!tpu.dma_semaphore, #tpu.memory_space<semaphore_mem>>) src(%arg7 : memref<768xf32, #tpu.memory_space<hbm>>) dst(%arg13 : memref<768xf32, #tpu.memory_space<vmem>>)
      tpu.yield
    }) : () -> ()
    %scan3A = arith.constant 0 : i32
    %scan3A_3 = arith.constant 0 : i32
    %scan3A_4 = arith.constant 16 : i32
    %scan3A_5 = arith.addi %scan3A_3, %scan3A_4 : i32
    %scan3A_6 = arith.constant 1 : i32
    scf.for %scan3A_63 = %scan3A_3 to %scan3A_5 step %scan3A_6  : i32 {
      %get3A = arith.index_cast %scan3A_63 : i32 to index
      %get3A_64 = arith.constant 0 : index
      %get3A_65 = tpu.vector_load %arg10[%get3A, %get3A_64] {strides = array<i32>} : memref<16x768xf32, #tpu.memory_space<vmem>>, vector<16xf32>,
      %get3A_66 = arith.constant 0 : index
      %get3A_67 = tpu.vector_load %arg11[%get3A_66] {strides = array<i32>} : memref<768xf32, #tpu.memory_space<vmem>>, vector<16xf32>,
      %add3A_68 = arith.addf %get3A_65, %get3A_67 : vector<16xf32>
      %swap3A = arith.index_cast %scan3A_63 : i32 to index
      %swap3A_69 = arith.constant 0 : index
      %swap3A_70 = tpu.vector_load %arg10[%swap3A, %swap3A_69] {strides = array<i32>} : memref<16x768xf32, #tpu.memory_space<vmem>>, vector<16xf32>,
      tpu.vector_store %arg10[%swap3A, %swap3A_69], %add3A_68 {strides = array<i32>} : memref<16x768xf32, #tpu.memory_space<vmem>>, vector<16xf32>,
      %get3A_71 = arith.index_cast %scan3A_63 : i32 to index
      %get3A_72 = arith.constant 16 : index
      %get3A_73 = tpu.vector_load %arg10[%get3A_71, %get3A_72] {strides = array<i32>} : memref<16x768xf32, #tpu.memory_space<vmem>>, vector<16xf32>,
      %get3A_74 = arith.constant 16 : index
      %get3A_75 = tpu.vector_load %arg11[%get3A_74] {strides = array<i32>} : memref<768xf32, #tpu.memory_space<vmem>>, vector<16xf32>,
      %add3A_76 = arith.addf %get3A_73, %get3A_75 : vector<16xf32>
      %swap3A_77 = arith.index_cast %scan3A_63 : i32 to index
      %swap3A_78 = arith.constant 16 : index
      %swap3A_79 = tpu.vector_load %arg10[%swap3A_77, %swap3A_78] {strides = array<i32>} : memref<16x768xf32, #tpu.memory_space<vmem>>, vector<16xf32>,
      tpu.vector_store %arg10[%swap3A_77, %swap3A_78], %add3A_76 {strides = array<i32>} : memref<16x768xf32, #tpu.memory_space<vmem>>, vector<16xf32>,
      %get3A_80 = arith.index_cast %scan3A_63 : i32 to index
      %get3A_81 = arith.constant 32 : index
      %get3A_82 = tpu.vector_load %arg10[%get3A_80, %get3A_81] {strides = array<i32>} : memref<16x768xf32, #tpu.memory_space<vmem>>, vector<16xf32>,
      %get3A_83 = arith.constant 32 : index
      %get3A_84 = tpu.vector_load %arg11[%get3A_83] {strides = array<i32>} : memref<768xf32, #tpu.memory_space<vmem>>, vector<16xf32>,
      %add3A_85 = arith.addf %get3A_82, %get3A_84 : vector<16xf32>
      %swap3A_86 = arith.index_cast %scan3A_63 : i32 to index
      %swap3A_87 = arith.constant 32 : index
      %swap3A_88 = tpu.vector_load %arg10[%swap3A_86, %swap3A_87] {strides = array<i32>} : memref<16x768xf32, #tpu.memory_space<vmem>>, vector<16xf32>,
      tpu.vector_store %arg10[%swap3A_86, %swap3A_87], %add3A_85 {strides = array<i32>} : memref<16x768xf32, #tpu.memory_space<vmem>>, vector<16xf32>,
      %get3A_89 = arith.index_cast %scan3A_63 : i32 to index
      %get3A_90 = arith.constant 48 : index
      %get3A_91 = tpu.vector_load %arg10[%get3A_89, %get3A_90] {strides = array<i32>} : memref<16x768xf32, #tpu.memory_space<vmem>>, vector<16xf32>,
      %get3A_92 = arith.constant 48 : index
      %get3A_93 = tpu.vector_load %arg11[%get3A_92] {strides = array<i32>} : memref<768xf32, #tpu.memory_space<vmem>>, vector<16xf32>,
      %add3A_94 = arith.addf %get3A_91, %get3A_93 : vector<16xf32>
      %swap3A_95 = arith.index_cast %scan3A_63 : i32 to index
      %swap3A_96 = arith.constant 48 : index
      %swap3A_97 = tpu.vector_load %arg10[%swap3A_95, %swap3A_96] {strides = array<i32>} : memref<16x768xf32, #tpu.memory_space<vmem>>, vector<16xf32>,
      tpu.vector_store %arg10[%swap3A_95, %swap3A_96], %add3A_94 {strides = array<i32>} : memref<16x768xf32, #tpu.memory_space<vmem>>, vector<16xf32>,
      %get3A_98 = arith.index_cast %scan3A_63 : i32 to index
      %get3A_99 = arith.constant 64 : index
      %get3A_100 = tpu.vector_load %arg10[%get3A_98, %get3A_99] {strides = array<i32>} : memref<16x768xf32, #tpu.memory_space<vmem>>, vector<16xf32>,
      %get3A_101 = arith.constant 64 : index
      %get3A_102 = tpu.vector_load %arg11[%get3A_101] {strides = array<i32>} : memref<768xf32, #tpu.memory_space<vmem>>, vector<16xf32>,
      %add3A_103 = arith.addf %get3A_100, %get3A_102 : vector<16xf32>
      %swap3A_104 = arith.index_cast %scan3A_63 : i32 to index
      %swap3A_105 = arith.constant 64 : index
      %swap3A_106 = tpu.vector_load %arg10[%swap3A_104, %swap3A_105] {strides = array<i32>} : memref<16x768xf32, #tpu.memory_space<vmem>>, vector<16xf32>,
      tpu.vector_store %arg10[%swap3A_104, %swap3A_105], %add3A_103 {strides = array<i32>} : memref<16x768xf32, #tpu.memory_space<vmem>>, vector<16xf32>,
      %get3A_107 = arith.index_cast %scan3A_63 : i32 to index
      %get3A_108 = arith.constant 80 : index
      %get3A_109 = tpu.vector_load %arg10[%get3A_107, %get3A_108] {strides = array<i32>} : memref<16x768xf32, #tpu.memory_space<vmem>>, vector<16xf32>,
      %get3A_110 = arith.constant 80 : index
      %get3A_111 = tpu.vector_load %arg11[%get3A_110] {strides = array<i32>} : memref<768xf32, #tpu.memory_space<vmem>>, vector<16xf32>,
      %add3A_112 = arith.addf %get3A_109, %get3A_111 : vector<16xf32>
      %swap3A_113 = arith.index_cast %scan3A_63 : i32 to index
      %swap3A_114 = arith.constant 80 : index
      %swap3A_115 = tpu.vector_load %arg10[%swap3A_113, %swap3A_114] {strides = array<i32>} : memref<16x768xf32, #tpu.memory_space<vmem>>, vector<16xf32>,
      tpu.vector_store %arg10[%swap3A_113, %swap3A_114], %add3A_112 {strides = array<i32>} : memref<16x768xf32, #tpu.memory_space<vmem>>, vector<16xf32>,
      %get3A_116 = arith.index_cast %scan3A_63 : i32 to index
      %get3A_117 = arith.constant 96 : index
      %get3A_118 = tpu.vector_load %arg10[%get3A_116, %get3A_117] {strides = array<i32>} : memref<16x768xf32, #tpu.memory_space<vmem>>, vector<16xf32>,
      %get3A_119 = arith.constant 96 : index
      %get3A_120 = tpu.vector_load %arg11[%get3A_119] {strides = array<i32>} : memref<768xf32, #tpu.memory_space<vmem>>, vector<16xf32>,
      %add3A_121 = arith.addf %get3A_118, %get3A_120 : vector<16xf32>
      %swap3A_122 = arith.index_cast %scan3A_63 : i32 to index
      %swap3A_123 = arith.constant 96 : index
      %swap3A_124 = tpu.vector_load %arg10[%swap3A_122, %swap3A_123] {strides = array<i32>} : memref<16x768xf32, #tpu.memory_space<vmem>>, vector<16xf32>,
      tpu.vector_store %arg10[%swap3A_122, %swap3A_123], %add3A_121 {strides = array<i32>} : memref<16x768xf32, #tpu.memory_space<vmem>>, vector<16xf32>,
      %get3A_125 = arith.index_cast %scan3A_63 : i32 to index
      %get3A_126 = arith.constant 112 : index
      %get3A_127 = tpu.vector_load %arg10[%get3A_125, %get3A_126] {strides = array<i32>} : memref<16x768xf32, #tpu.memory_space<vmem>>, vector<16xf32>,
      %get3A_128 = arith.constant 112 : index
      %get3A_129 = tpu.vector_load %arg11[%get3A_128] {strides = array<i32>} : memref<768xf32, #tpu.memory_space<vmem>>, vector<16xf32>,
      %add3A_130 = arith.addf %get3A_127, %get3A_129 : vector<16xf32>
      %swap3A_131 = arith.index_cast %scan3A_63 : i32 to index
      %swap3A_132 = arith.constant 112 : index
      %swap3A_133 = tpu.vector_load %arg10[%swap3A_131, %swap3A_132] {strides = array<i32>} : memref<16x768xf32, #tpu.memory_space<vmem>>, vector<16xf32>,
      tpu.vector_store %arg10[%swap3A_131, %swap3A_132], %add3A_130 {strides = array<i32>} : memref<16x768xf32, #tpu.memory_space<vmem>>, vector<16xf32>,
      %get3A_134 = arith.index_cast %scan3A_63 : i32 to index
      %get3A_135 = arith.constant 128 : index
      %get3A_136 = tpu.vector_load %arg10[%get3A_134, %get3A_135] {strides = array<i32>} : memref<16x768xf32, #tpu.memory_space<vmem>>, vector<16xf32>,
      %get3A_137 = arith.constant 128 : index
      %get3A_138 = tpu.vector_load %arg11[%get3A_137] {strides = array<i32>} : memref<768xf32, #tpu.memory_space<vmem>>, vector<16xf32>,
      %add3A_139 = arith.addf %get3A_136, %get3A_138 : vector<16xf32>
      %swap3A_140 = arith.index_cast %scan3A_63 : i32 to index
      %swap3A_141 = arith.constant 128 : index
      %swap3A_142 = tpu.vector_load %arg10[%swap3A_140, %swap3A_141] {strides = array<i32>} : memref<16x768xf32, #tpu.memory_space<vmem>>, vector<16xf32>,
      tpu.vector_store %arg10[%swap3A_140, %swap3A_141], %add3A_139 {strides = array<i32>} : memref<16x768xf32, #tpu.memory_space<vmem>>, vector<16xf32>,
      %get3A_143 = arith.index_cast %scan3A_63 : i32 to index
      %get3A_144 = arith.constant 144 : index
      %get3A_145 = tpu.vector_load %arg10[%get3A_143, %get3A_144] {strides = array<i32>} : memref<16x768xf32, #tpu.memory_space<vmem>>, vector<16xf32>,
      %get3A_146 = arith.constant 144 : index
      %get3A_147 = tpu.vector_load %arg11[%get3A_146] {strides = array<i32>} : memref<768xf32, #tpu.memory_space<vmem>>, vector<16xf32>,
      %add3A_148 = arith.addf %get3A_145, %get3A_147 : vector<16xf32>
      %swap3A_149 = arith.index_cast %scan3A_63 : i32 to index
      %swap3A_150 = arith.constant 144 : index
      %swap3A_151 = tpu.vector_load %arg10[%swap3A_149, %swap3A_150] {strides = array<i32>} : memref<16x768xf32, #tpu.memory_space<vmem>>, vector<16xf32>,
      tpu.vector_store %arg10[%swap3A_149, %swap3A_150], %add3A_148 {strides = array<i32>} : memref<16x768xf32, #tpu.memory_space<vmem>>, vector<16xf32>,
      %get3A_152 = arith.index_cast %scan3A_63 : i32 to index
      %get3A_153 = arith.constant 160 : index
      %get3A_154 = tpu.vector_load %arg10[%get3A_152, %get3A_153] {strides = array<i32>} : memref<16x768xf32, #tpu.memory_space<vmem>>, vector<16xf32>,
      %get3A_155 = arith.constant 160 : index
      %get3A_156 = tpu.vector_load %arg11[%get3A_155] {strides = array<i32>} : memref<768xf32, #tpu.memory_space<vmem>>, vector<16xf32>,
      %add3A_157 = arith.addf %get3A_154, %get3A_156 : vector<16xf32>
      %swap3A_158 = arith.index_cast %scan3A_63 : i32 to index
      %swap3A_159 = arith.constant 160 : index
      %swap3A_160 = tpu.vector_load %arg10[%swap3A_158, %swap3A_159] {strides = array<i32>} : memref<16x768xf32, #tpu.memory_space<vmem>>, vector<16xf32>,
      tpu.vector_store %arg10[%swap3A_158, %swap3A_159], %add3A_157 {strides = array<i32>} : memref<16x768xf32, #tpu.memory_space<vmem>>, vector<16xf32>,
      %get3A_161 = arith.index_cast %scan3A_63 : i32 to index
      %get3A_162 = arith.constant 176 : index
      %get3A_163 = tpu.vector_load %arg10[%get3A_161, %get3A_162] {strides = array<i32>} : memref<16x768xf32, #tpu.memory_space<vmem>>, vector<16xf32>,
      %get3A_164 = arith.constant 176 : index
      %get3A_165 = tpu.vector_load %arg11[%get3A_164] {strides = array<i32>} : memref<768xf32, #tpu.memory_space<vmem>>, vector<16xf32>,
      %add3A_166 = arith.addf %get3A_163, %get3A_165 : vector<16xf32>
      %swap3A_167 = arith.index_cast %scan3A_63 : i32 to index
      %swap3A_168 = arith.constant 176 : index
      %swap3A_169 = tpu.vector_load %arg10[%swap3A_167, %swap3A_168] {strides = array<i32>} : memref<16x768xf32, #tpu.memory_space<vmem>>, vector<16xf32>,
      tpu.vector_store %arg10[%swap3A_167, %swap3A_168], %add3A_166 {strides = array<i32>} : memref<16x768xf32, #tpu.memory_space<vmem>>, vector<16xf32>,
      %get3A_170 = arith.index_cast %scan3A_63 : i32 to index
      %get3A_171 = arith.constant 192 : index
      %get3A_172 = tpu.vector_load %arg10[%get3A_170, %get3A_171] {strides = array<i32>} : memref<16x768xf32, #tpu.memory_space<vmem>>, vector<16xf32>,
      %get3A_173 = arith.constant 192 : index
      %get3A_174 = tpu.vector_load %arg11[%get3A_173] {strides = array<i32>} : memref<768xf32, #tpu.memory_space<vmem>>, vector<16xf32>,
      %add3A_175 = arith.addf %get3A_172, %get3A_174 : vector<16xf32>
      %swap3A_176 = arith.index_cast %scan3A_63 : i32 to index
      %swap3A_177 = arith.constant 192 : index
      %swap3A_178 = tpu.vector_load %arg10[%swap3A_176, %swap3A_177] {strides = array<i32>} : memref<16x768xf32, #tpu.memory_space<vmem>>, vector<16xf32>,
      tpu.vector_store %arg10[%swap3A_176, %swap3A_177], %add3A_175 {strides = array<i32>} : memref<16x768xf32, #tpu.memory_space<vmem>>, vector<16xf32>,
      %get3A_179 = arith.index_cast %scan3A_63 : i32 to index
      %get3A_180 = arith.constant 208 : index
      %get3A_181 = tpu.vector_load %arg10[%get3A_179, %get3A_180] {strides = array<i32>} : memref<16x768xf32, #tpu.memory_space<vmem>>, vector<16xf32>,
      %get3A_182 = arith.constant 208 : index
      %get3A_183 = tpu.vector_load %arg11[%get3A_182] {strides = array<i32>} : memref<768xf32, #tpu.memory_space<vmem>>, vector<16xf32>,
      %add3A_184 = arith.addf %get3A_181, %get3A_183 : vector<16xf32>
      %swap3A_185 = arith.index_cast %scan3A_63 : i32 to index
      %swap3A_186 = arith.constant 208 : index
      %swap3A_187 = tpu.vector_load %arg10[%swap3A_185, %swap3A_186] {strides = array<i32>} : memref<16x768xf32, #tpu.memory_space<vmem>>, vector<16xf32>,
      tpu.vector_store %arg10[%swap3A_185, %swap3A_186], %add3A_184 {strides = array<i32>} : memref<16x768xf32, #tpu.memory_space<vmem>>, vector<16xf32>,
      %get3A_188 = arith.index_cast %scan3A_63 : i32 to index
      %get3A_189 = arith.constant 224 : index
      %get3A_190 = tpu.vector_load %arg10[%get3A_188, %get3A_189] {strides = array<i32>} : memref<16x768xf32, #tpu.memory_space<vmem>>, vector<16xf32>,
      %get3A_191 = arith.constant 224 : index
      %get3A_192 = tpu.vector_load %arg11[%get3A_191] {strides = array<i32>} : memref<768xf32, #tpu.memory_space<vmem>>, vector<16xf32>,
      %add3A_193 = arith.addf %get3A_190, %get3A_192 : vector<16xf32>
      %swap3A_194 = arith.index_cast %scan3A_63 : i32 to index
      %swap3A_195 = arith.constant 224 : index
      %swap3A_196 = tpu.vector_load %arg10[%swap3A_194, %swap3A_195] {strides = array<i32>} : memref<16x768xf32, #tpu.memory_space<vmem>>, vector<16xf32>,
      tpu.vector_store %arg10[%swap3A_194, %swap3A_195], %add3A_193 {strides = array<i32>} : memref<16x768xf32, #tpu.memory_space<vmem>>, vector<16xf32>,
      %get3A_197 = arith.index_cast %scan3A_63 : i32 to index
      %get3A_198 = arith.constant 240 : index
      %get3A_199 = tpu.vector_load %arg10[%get3A_197, %get3A_198] {strides = array<i32>} : memref<16x768xf32, #tpu.memory_space<vmem>>, vector<16xf32>,
      %get3A_200 = arith.constant 240 : index
      %get3A_201 = tpu.vector_load %arg11[%get3A_200] {strides = array<i32>} : memref<768xf32, #tpu.memory_space<vmem>>, vector<16xf32>,
      %add3A_202 = arith.addf %get3A_199, %get3A_201 : vector<16xf32>
      %swap3A_203 = arith.index_cast %scan3A_63 : i32 to index
      %swap3A_204 = arith.constant 240 : index
      %swap3A_205 = tpu.vector_load %arg10[%swap3A_203, %swap3A_204] {strides = array<i32>} : memref<16x768xf32, #tpu.memory_space<vmem>>, vector<16xf32>,
      tpu.vector_store %arg10[%swap3A_203, %swap3A_204], %add3A_202 {strides = array<i32>} : memref<16x768xf32, #tpu.memory_space<vmem>>, vector<16xf32>,
      %get3A_206 = arith.index_cast %scan3A_63 : i32 to index
      %get3A_207 = arith.constant 256 : index
      %get3A_208 = tpu.vector_load %arg10[%get3A_206, %get3A_207] {strides = array<i32>} : memref<16x768xf32, #tpu.memory_space<vmem>>, vector<16xf32>,
      %get3A_209 = arith.constant 256 : index
      %get3A_210 = tpu.vector_load %arg11[%get3A_209] {strides = array<i32>} : memref<768xf32, #tpu.memory_space<vmem>>, vector<16xf32>,
      %add3A_211 = arith.addf %get3A_208, %get3A_210 : vector<16xf32>
      %swap3A_212 = arith.index_cast %scan3A_63 : i32 to index
      %swap3A_213 = arith.constant 256 : index
      %swap3A_214 = tpu.vector_load %arg10[%swap3A_212, %swap3A_213] {strides = array<i32>} : memref<16x768xf32, #tpu.memory_space<vmem>>, vector<16xf32>,
      tpu.vector_store %arg10[%swap3A_212, %swap3A_213], %add3A_211 {strides = array<i32>} : memref<16x768xf32, #tpu.memory_space<vmem>>, vector<16xf32>,
      %get3A_215 = arith.index_cast %scan3A_63 : i32 to index
      %get3A_216 = arith.constant 272 : index
      %get3A_217 = tpu.vector_load %arg10[%get3A_215, %get3A_216] {strides = array<i32>} : memref<16x768xf32, #tpu.memory_space<vmem>>, vector<16xf32>,
      %get3A_218 = arith.constant 272 : index
      %get3A_219 = tpu.vector_load %arg11[%get3A_218] {strides = array<i32>} : memref<768xf32, #tpu.memory_space<vmem>>, vector<16xf32>,
      %add3A_220 = arith.addf %get3A_217, %get3A_219 : vector<16xf32>
      %swap3A_221 = arith.index_cast %scan3A_63 : i32 to index
      %swap3A_222 = arith.constant 272 : index
      %swap3A_223 = tpu.vector_load %arg10[%swap3A_221, %swap3A_222] {strides = array<i32>} : memref<16x768xf32, #tpu.memory_space<vmem>>, vector<16xf32>,
      tpu.vector_store %arg10[%swap3A_221, %swap3A_222], %add3A_220 {strides = array<i32>} : memref<16x768xf32, #tpu.memory_space<vmem>>, vector<16xf32>,
      %get3A_224 = arith.index_cast %scan3A_63 : i32 to index
      %get3A_225 = arith.constant 288 : index
      %get3A_226 = tpu.vector_load %arg10[%get3A_224, %get3A_225] {strides = array<i32>} : memref<16x768xf32, #tpu.memory_space<vmem>>, vector<16xf32>,
      %get3A_227 = arith.constant 288 : index
      %get3A_228 = tpu.vector_load %arg11[%get3A_227] {strides = array<i32>} : memref<768xf32, #tpu.memory_space<vmem>>, vector<16xf32>,
      %add3A_229 = arith.addf %get3A_226, %get3A_228 : vector<16xf32>
      %swap3A_230 = arith.index_cast %scan3A_63 : i32 to index
      %swap3A_231 = arith.constant 288 : index
      %swap3A_232 = tpu.vector_load %arg10[%swap3A_230, %swap3A_231] {strides = array<i32>} : memref<16x768xf32, #tpu.memory_space<vmem>>, vector<16xf32>,
      tpu.vector_store %arg10[%swap3A_230, %swap3A_231], %add3A_229 {strides = array<i32>} : memref<16x768xf32, #tpu.memory_space<vmem>>, vector<16xf32>,
      %get3A_233 = arith.index_cast %scan3A_63 : i32 to index
      %get3A_234 = arith.constant 304 : index
      %get3A_235 = tpu.vector_load %arg10[%get3A_233, %get3A_234] {strides = array<i32>} : memref<16x768xf32, #tpu.memory_space<vmem>>, vector<16xf32>,
      %get3A_236 = arith.constant 304 : index
      %get3A_237 = tpu.vector_load %arg11[%get3A_236] {strides = array<i32>} : memref<768xf32, #tpu.memory_space<vmem>>, vector<16xf32>,
      %add3A_238 = arith.addf %get3A_235, %get3A_237 : vector<16xf32>
      %swap3A_239 = arith.index_cast %scan3A_63 : i32 to index
      %swap3A_240 = arith.constant 304 : index
      %swap3A_241 = tpu.vector_load %arg10[%swap3A_239, %swap3A_240] {strides = array<i32>} : memref<16x768xf32, #tpu.memory_space<vmem>>, vector<16xf32>,
      tpu.vector_store %arg10[%swap3A_239, %swap3A_240], %add3A_238 {strides = array<i32>} : memref<16x768xf32, #tpu.memory_space<vmem>>, vector<16xf32>,
      %get3A_242 = arith.index_cast %scan3A_63 : i32 to index
      %get3A_243 = arith.constant 320 : index
      %get3A_244 = tpu.vector_load %arg10[%get3A_242, %get3A_243] {strides = array<i32>} : memref<16x768xf32, #tpu.memory_space<vmem>>, vector<16xf32>,
      %get3A_245 = arith.constant 320 : index
      %get3A_246 = tpu.vector_load %arg11[%get3A_245] {strides = array<i32>} : memref<768xf32, #tpu.memory_space<vmem>>, vector<16xf32>,
      %add3A_247 = arith.addf %get3A_244, %get3A_246 : vector<16xf32>
      %swap3A_248 = arith.index_cast %scan3A_63 : i32 to index
      %swap3A_249 = arith.constant 320 : index
      %swap3A_250 = tpu.vector_load %arg10[%swap3A_248, %swap3A_249] {strides = array<i32>} : memref<16x768xf32, #tpu.memory_space<vmem>>, vector<16xf32>,
      tpu.vector_store %arg10[%swap3A_248, %swap3A_249], %add3A_247 {strides = array<i32>} : memref<16x768xf32, #tpu.memory_space<vmem>>, vector<16xf32>,
      %get3A_251 = arith.index_cast %scan3A_63 : i32 to index
      %get3A_252 = arith.constant 336 : index
      %get3A_253 = tpu.vector_load %arg10[%get3A_251, %get3A_252] {strides = array<i32>} : memref<16x768xf32, #tpu.memory_space<vmem>>, vector<16xf32>,
      %get3A_254 = arith.constant 336 : index
      %get3A_255 = tpu.vector_load %arg11[%get3A_254] {strides = array<i32>} : memref<768xf32, #tpu.memory_space<vmem>>, vector<16xf32>,
      %add3A_256 = arith.addf %get3A_253, %get3A_255 : vector<16xf32>
      %swap3A_257 = arith.index_cast %scan3A_63 : i32 to index
      %swap3A_258 = arith.constant 336 : index
      %swap3A_259 = tpu.vector_load %arg10[%swap3A_257, %swap3A_258] {strides = array<i32>} : memref<16x768xf32, #tpu.memory_space<vmem>>, vector<16xf32>,
      tpu.vector_store %arg10[%swap3A_257, %swap3A_258], %add3A_256 {strides = array<i32>} : memref<16x768xf32, #tpu.memory_space<vmem>>, vector<16xf32>,
      %get3A_260 = arith.index_cast %scan3A_63 : i32 to index
      %get3A_261 = arith.constant 352 : index
      %get3A_262 = tpu.vector_load %arg10[%get3A_260, %get3A_261] {strides = array<i32>} : memref<16x768xf32, #tpu.memory_space<vmem>>, vector<16xf32>,
      %get3A_263 = arith.constant 352 : index
      %get3A_264 = tpu.vector_load %arg11[%get3A_263] {strides = array<i32>} : memref<768xf32, #tpu.memory_space<vmem>>, vector<16xf32>,
      %add3A_265 = arith.addf %get3A_262, %get3A_264 : vector<16xf32>
      %swap3A_266 = arith.index_cast %scan3A_63 : i32 to index
      %swap3A_267 = arith.constant 352 : index
      %swap3A_268 = tpu.vector_load %arg10[%swap3A_266, %swap3A_267] {strides = array<i32>} : memref<16x768xf32, #tpu.memory_space<vmem>>, vector<16xf32>,
      tpu.vector_store %arg10[%swap3A_266, %swap3A_267], %add3A_265 {strides = array<i32>} : memref<16x768xf32, #tpu.memory_space<vmem>>, vector<16xf32>,
      %get3A_269 = arith.index_cast %scan3A_63 : i32 to index
      %get3A_270 = arith.constant 368 : index
      %get3A_271 = tpu.vector_load %arg10[%get3A_269, %get3A_270] {strides = array<i32>} : memref<16x768xf32, #tpu.memory_space<vmem>>, vector<16xf32>,
      %get3A_272 = arith.constant 368 : index
      %get3A_273 = tpu.vector_load %arg11[%get3A_272] {strides = array<i32>} : memref<768xf32, #tpu.memory_space<vmem>>, vector<16xf32>,
      %add3A_274 = arith.addf %get3A_271, %get3A_273 : vector<16xf32>
      %swap3A_275 = arith.index_cast %scan3A_63 : i32 to index
      %swap3A_276 = arith.constant 368 : index
      %swap3A_277 = tpu.vector_load %arg10[%swap3A_275, %swap3A_276] {strides = array<i32>} : memref<16x768xf32, #tpu.memory_space<vmem>>, vector<16xf32>,
      tpu.vector_store %arg10[%swap3A_275, %swap3A_276], %add3A_274 {strides = array<i32>} : memref<16x768xf32, #tpu.memory_space<vmem>>, vector<16xf32>,
      %get3A_278 = arith.index_cast %scan3A_63 : i32 to index
      %get3A_279 = arith.constant 384 : index
      %get3A_280 = tpu.vector_load %arg10[%get3A_278, %get3A_279] {strides = array<i32>} : memref<16x768xf32, #tpu.memory_space<vmem>>, vector<16xf32>,
      %get3A_281 = arith.constant 384 : index
      %get3A_282 = tpu.vector_load %arg11[%get3A_281] {strides = array<i32>} : memref<768xf32, #tpu.memory_space<vmem>>, vector<16xf32>,
      %add3A_283 = arith.addf %get3A_280, %get3A_282 : vector<16xf32>
      %swap3A_284 = arith.index_cast %scan3A_63 : i32 to index
      %swap3A_285 = arith.constant 384 : index
      %swap3A_286 = tpu.vector_load %arg10[%swap3A_284, %swap3A_285] {strides = array<i32>} : memref<16x768xf32, #tpu.memory_space<vmem>>, vector<16xf32>,
      tpu.vector_store %arg10[%swap3A_284, %swap3A_285], %add3A_283 {strides = array<i32>} : memref<16x768xf32, #tpu.memory_space<vmem>>, vector<16xf32>,
      %get3A_287 = arith.index_cast %scan3A_63 : i32 to index
      %get3A_288 = arith.constant 400 : index
      %get3A_289 = tpu.vector_load %arg10[%get3A_287, %get3A_288] {strides = array<i32>} : memref<16x768xf32, #tpu.memory_space<vmem>>, vector<16xf32>,
      %get3A_290 = arith.constant 400 : index
      %get3A_291 = tpu.vector_load %arg11[%get3A_290] {strides = array<i32>} : memref<768xf32, #tpu.memory_space<vmem>>, vector<16xf32>,
      %add3A_292 = arith.addf %get3A_289, %get3A_291 : vector<16xf32>
      %swap3A_293 = arith.index_cast %scan3A_63 : i32 to index
      %swap3A_294 = arith.constant 400 : index
      %swap3A_295 = tpu.vector_load %arg10[%swap3A_293, %swap3A_294] {strides = array<i32>} : memref<16x768xf32, #tpu.memory_space<vmem>>, vector<16xf32>,
      tpu.vector_store %arg10[%swap3A_293, %swap3A_294], %add3A_292 {strides = array<i32>} : memref<16x768xf32, #tpu.memory_space<vmem>>, vector<16xf32>,
      %get3A_296 = arith.index_cast %scan3A_63 : i32 to index
      %get3A_297 = arith.constant 416 : index
      %get3A_298 = tpu.vector_load %arg10[%get3A_296, %get3A_297] {strides = array<i32>} : memref<16x768xf32, #tpu.memory_space<vmem>>, vector<16xf32>,
      %get3A_299 = arith.constant 416 : index
      %get3A_300 = tpu.vector_load %arg11[%get3A_299] {strides = array<i32>} : memref<768xf32, #tpu.memory_space<vmem>>, vector<16xf32>,
      %add3A_301 = arith.addf %get3A_298, %get3A_300 : vector<16xf32>
      %swap3A_302 = arith.index_cast %scan3A_63 : i32 to index
      %swap3A_303 = arith.constant 416 : index
      %swap3A_304 = tpu.vector_load %arg10[%swap3A_302, %swap3A_303] {strides = array<i32>} : memref<16x768xf32, #tpu.memory_space<vmem>>, vector<16xf32>,
      tpu.vector_store %arg10[%swap3A_302, %swap3A_303], %add3A_301 {strides = array<i32>} : memref<16x768xf32, #tpu.memory_space<vmem>>, vector<16xf32>,
      %get3A_305 = arith.index_cast %scan3A_63 : i32 to index
      %get3A_306 = arith.constant 432 : index
      %get3A_307 = tpu.vector_load %arg10[%get3A_305, %get3A_306] {strides = array<i32>} : memref<16x768xf32, #tpu.memory_space<vmem>>, vector<16xf32>,
      %get3A_308 = arith.constant 432 : index
      %get3A_309 = tpu.vector_load %arg11[%get3A_308] {strides = array<i32>} : memref<768xf32, #tpu.memory_space<vmem>>, vector<16xf32>,
      %add3A_310 = arith.addf %get3A_307, %get3A_309 : vector<16xf32>
      %swap3A_311 = arith.index_cast %scan3A_63 : i32 to index
      %swap3A_312 = arith.constant 432 : index
      %swap3A_313 = tpu.vector_load %arg10[%swap3A_311, %swap3A_312] {strides = array<i32>} : memref<16x768xf32, #tpu.memory_space<vmem>>, vector<16xf32>,
      tpu.vector_store %arg10[%swap3A_311, %swap3A_312], %add3A_310 {strides = array<i32>} : memref<16x768xf32, #tpu.memory_space<vmem>>, vector<16xf32>,
      %get3A_314 = arith.index_cast %scan3A_63 : i32 to index
      %get3A_315 = arith.constant 448 : index
      %get3A_316 = tpu.vector_load %arg10[%get3A_314, %get3A_315] {strides = array<i32>} : memref<16x768xf32, #tpu.memory_space<vmem>>, vector<16xf32>,
      %get3A_317 = arith.constant 448 : index
      %get3A_318 = tpu.vector_load %arg11[%get3A_317] {strides = array<i32>} : memref<768xf32, #tpu.memory_space<vmem>>, vector<16xf32>,
      %add3A_319 = arith.addf %get3A_316, %get3A_318 : vector<16xf32>
      %swap3A_320 = arith.index_cast %scan3A_63 : i32 to index
      %swap3A_321 = arith.constant 448 : index
      %swap3A_322 = tpu.vector_load %arg10[%swap3A_320, %swap3A_321] {strides = array<i32>} : memref<16x768xf32, #tpu.memory_space<vmem>>, vector<16xf32>,
      tpu.vector_store %arg10[%swap3A_320, %swap3A_321], %add3A_319 {strides = array<i32>} : memref<16x768xf32, #tpu.memory_space<vmem>>, vector<16xf32>,
      %get3A_323 = arith.index_cast %scan3A_63 : i32 to index
      %get3A_324 = arith.constant 464 : index
      %get3A_325 = tpu.vector_load %arg10[%get3A_323, %get3A_324] {strides = array<i32>} : memref<16x768xf32, #tpu.memory_space<vmem>>, vector<16xf32>,
      %get3A_326 = arith.constant 464 : index
      %get3A_327 = tpu.vector_load %arg11[%get3A_326] {strides = array<i32>} : memref<768xf32, #tpu.memory_space<vmem>>, vector<16xf32>,
      %add3A_328 = arith.addf %get3A_325, %get3A_327 : vector<16xf32>
      %swap3A_329 = arith.index_cast %scan3A_63 : i32 to index
      %swap3A_330 = arith.constant 464 : index
      %swap3A_331 = tpu.vector_load %arg10[%swap3A_329, %swap3A_330] {strides = array<i32>} : memref<16x768xf32, #tpu.memory_space<vmem>>, vector<16xf32>,
      tpu.vector_store %arg10[%swap3A_329, %swap3A_330], %add3A_328 {strides = array<i32>} : memref<16x768xf32, #tpu.memory_space<vmem>>, vector<16xf32>,
      %get3A_332 = arith.index_cast %scan3A_63 : i32 to index
      %get3A_333 = arith.constant 480 : index
      %get3A_334 = tpu.vector_load %arg10[%get3A_332, %get3A_333] {strides = array<i32>} : memref<16x768xf32, #tpu.memory_space<vmem>>, vector<16xf32>,
      %get3A_335 = arith.constant 480 : index
      %get3A_336 = tpu.vector_load %arg11[%get3A_335] {strides = array<i32>} : memref<768xf32, #tpu.memory_space<vmem>>, vector<16xf32>,
      %add3A_337 = arith.addf %get3A_334, %get3A_336 : vector<16xf32>
      %swap3A_338 = arith.index_cast %scan3A_63 : i32 to index
      %swap3A_339 = arith.constant 480 : index
      %swap3A_340 = tpu.vector_load %arg10[%swap3A_338, %swap3A_339] {strides = array<i32>} : memref<16x768xf32, #tpu.memory_space<vmem>>, vector<16xf32>,
      tpu.vector_store %arg10[%swap3A_338, %swap3A_339], %add3A_337 {strides = array<i32>} : memref<16x768xf32, #tpu.memory_space<vmem>>, vector<16xf32>,
      %get3A_341 = arith.index_cast %scan3A_63 : i32 to index
      %get3A_342 = arith.constant 496 : index
      %get3A_343 = tpu.vector_load %arg10[%get3A_341, %get3A_342] {strides = array<i32>} : memref<16x768xf32, #tpu.memory_space<vmem>>, vector<16xf32>,
      %get3A_344 = arith.constant 496 : index
      %get3A_345 = tpu.vector_load %arg11[%get3A_344] {strides = array<i32>} : memref<768xf32, #tpu.memory_space<vmem>>, vector<16xf32>,
      %add3A_346 = arith.addf %get3A_343, %get3A_345 : vector<16xf32>
      %swap3A_347 = arith.index_cast %scan3A_63 : i32 to index
      %swap3A_348 = arith.constant 496 : index
      %swap3A_349 = tpu.vector_load %arg10[%swap3A_347, %swap3A_348] {strides = array<i32>} : memref<16x768xf32, #tpu.memory_space<vmem>>, vector<16xf32>,
      tpu.vector_store %arg10[%swap3A_347, %swap3A_348], %add3A_346 {strides = array<i32>} : memref<16x768xf32, #tpu.memory_space<vmem>>, vector<16xf32>,
      %get3A_350 = arith.index_cast %scan3A_63 : i32 to index
      %get3A_351 = arith.constant 512 : index
      %get3A_352 = tpu.vector_load %arg10[%get3A_350, %get3A_351] {strides = array<i32>} : memref<16x768xf32, #tpu.memory_space<vmem>>, vector<16xf32>,
      %get3A_353 = arith.constant 512 : index
      %get3A_354 = tpu.vector_load %arg11[%get3A_353] {strides = array<i32>} : memref<768xf32, #tpu.memory_space<vmem>>, vector<16xf32>,
      %add3A_355 = arith.addf %get3A_352, %get3A_354 : vector<16xf32>
      %swap3A_356 = arith.index_cast %scan3A_63 : i32 to index
      %swap3A_357 = arith.constant 512 : index
      %swap3A_358 = tpu.vector_load %arg10[%swap3A_356, %swap3A_357] {strides = array<i32>} : memref<16x768xf32, #tpu.memory_space<vmem>>, vector<16xf32>,
      tpu.vector_store %arg10[%swap3A_356, %swap3A_357], %add3A_355 {strides = array<i32>} : memref<16x768xf32, #tpu.memory_space<vmem>>, vector<16xf32>,
      %get3A_359 = arith.index_cast %scan3A_63 : i32 to index
      %get3A_360 = arith.constant 528 : index
      %get3A_361 = tpu.vector_load %arg10[%get3A_359, %get3A_360] {strides = array<i32>} : memref<16x768xf32, #tpu.memory_space<vmem>>, vector<16xf32>,
      %get3A_362 = arith.constant 528 : index
      %get3A_363 = tpu.vector_load %arg11[%get3A_362] {strides = array<i32>} : memref<768xf32, #tpu.memory_space<vmem>>, vector<16xf32>,
      %add3A_364 = arith.addf %get3A_361, %get3A_363 : vector<16xf32>
      %swap3A_365 = arith.index_cast %scan3A_63 : i32 to index
      %swap3A_366 = arith.constant 528 : index
      %swap3A_367 = tpu.vector_load %arg10[%swap3A_365, %swap3A_366] {strides = array<i32>} : memref<16x768xf32, #tpu.memory_space<vmem>>, vector<16xf32>,
      tpu.vector_store %arg10[%swap3A_365, %swap3A_366], %add3A_364 {strides = array<i32>} : memref<16x768xf32, #tpu.memory_space<vmem>>, vector<16xf32>,
      %get3A_368 = arith.index_cast %scan3A_63 : i32 to index
      %get3A_369 = arith.constant 544 : index
      %get3A_370 = tpu.vector_load %arg10[%get3A_368, %get3A_369] {strides = array<i32>} : memref<16x768xf32, #tpu.memory_space<vmem>>, vector<16xf32>,
      %get3A_371 = arith.constant 544 : index
      %get3A_372 = tpu.vector_load %arg11[%get3A_371] {strides = array<i32>} : memref<768xf32, #tpu.memory_space<vmem>>, vector<16xf32>,
      %add3A_373 = arith.addf %get3A_370, %get3A_372 : vector<16xf32>
      %swap3A_374 = arith.index_cast %scan3A_63 : i32 to index
      %swap3A_375 = arith.constant 544 : index
      %swap3A_376 = tpu.vector_load %arg10[%swap3A_374, %swap3A_375] {strides = array<i32>} : memref<16x768xf32, #tpu.memory_space<vmem>>, vector<16xf32>,
      tpu.vector_store %arg10[%swap3A_374, %swap3A_375], %add3A_373 {strides = array<i32>} : memref<16x768xf32, #tpu.memory_space<vmem>>, vector<16xf32>,
      %get3A_377 = arith.index_cast %scan3A_63 : i32 to index
      %get3A_378 = arith.constant 560 : index
      %get3A_379 = tpu.vector_load %arg10[%get3A_377, %get3A_378] {strides = array<i32>} : memref<16x768xf32, #tpu.memory_space<vmem>>, vector<16xf32>,
      %get3A_380 = arith.constant 560 : index
      %get3A_381 = tpu.vector_load %arg11[%get3A_380] {strides = array<i32>} : memref<768xf32, #tpu.memory_space<vmem>>, vector<16xf32>,
      %add3A_382 = arith.addf %get3A_379, %get3A_381 : vector<16xf32>
      %swap3A_383 = arith.index_cast %scan3A_63 : i32 to index
      %swap3A_384 = arith.constant 560 : index
      %swap3A_385 = tpu.vector_load %arg10[%swap3A_383, %swap3A_384] {strides = array<i32>} : memref<16x768xf32, #tpu.memory_space<vmem>>, vector<16xf32>,
      tpu.vector_store %arg10[%swap3A_383, %swap3A_384], %add3A_382 {strides = array<i32>} : memref<16x768xf32, #tpu.memory_space<vmem>>, vector<16xf32>,
      %get3A_386 = arith.index_cast %scan3A_63 : i32 to index
      %get3A_387 = arith.constant 576 : index
      %get3A_388 = tpu.vector_load %arg10[%get3A_386, %get3A_387] {strides = array<i32>} : memref<16x768xf32, #tpu.memory_space<vmem>>, vector<16xf32>,
      %get3A_389 = arith.constant 576 : index
      %get3A_390 = tpu.vector_load %arg11[%get3A_389] {strides = array<i32>} : memref<768xf32, #tpu.memory_space<vmem>>, vector<16xf32>,
      %add3A_391 = arith.addf %get3A_388, %get3A_390 : vector<16xf32>
      %swap3A_392 = arith.index_cast %scan3A_63 : i32 to index
      %swap3A_393 = arith.constant 576 : index
      %swap3A_394 = tpu.vector_load %arg10[%swap3A_392, %swap3A_393] {strides = array<i32>} : memref<16x768xf32, #tpu.memory_space<vmem>>, vector<16xf32>,
      tpu.vector_store %arg10[%swap3A_392, %swap3A_393], %add3A_391 {strides = array<i32>} : memref<16x768xf32, #tpu.memory_space<vmem>>, vector<16xf32>,
      %get3A_395 = arith.index_cast %scan3A_63 : i32 to index
      %get3A_396 = arith.constant 592 : index
      %get3A_397 = tpu.vector_load %arg10[%get3A_395, %get3A_396] {strides = array<i32>} : memref<16x768xf32, #tpu.memory_space<vmem>>, vector<16xf32>,
      %get3A_398 = arith.constant 592 : index
      %get3A_399 = tpu.vector_load %arg11[%get3A_398] {strides = array<i32>} : memref<768xf32, #tpu.memory_space<vmem>>, vector<16xf32>,
      %add3A_400 = arith.addf %get3A_397, %get3A_399 : vector<16xf32>
      %swap3A_401 = arith.index_cast %scan3A_63 : i32 to index
      %swap3A_402 = arith.constant 592 : index
      %swap3A_403 = tpu.vector_load %arg10[%swap3A_401, %swap3A_402] {strides = array<i32>} : memref<16x768xf32, #tpu.memory_space<vmem>>, vector<16xf32>,
      tpu.vector_store %arg10[%swap3A_401, %swap3A_402], %add3A_400 {strides = array<i32>} : memref<16x768xf32, #tpu.memory_space<vmem>>, vector<16xf32>,
      %get3A_404 = arith.index_cast %scan3A_63 : i32 to index
      %get3A_405 = arith.constant 608 : index
      %get3A_406 = tpu.vector_load %arg10[%get3A_404, %get3A_405] {strides = array<i32>} : memref<16x768xf32, #tpu.memory_space<vmem>>, vector<16xf32>,
      %get3A_407 = arith.constant 608 : index
      %get3A_408 = tpu.vector_load %arg11[%get3A_407] {strides = array<i32>} : memref<768xf32, #tpu.memory_space<vmem>>, vector<16xf32>,
      %add3A_409 = arith.addf %get3A_406, %get3A_408 : vector<16xf32>
      %swap3A_410 = arith.index_cast %scan3A_63 : i32 to index
      %swap3A_411 = arith.constant 608 : index
      %swap3A_412 = tpu.vector_load %arg10[%swap3A_410, %swap3A_411] {strides = array<i32>} : memref<16x768xf32, #tpu.memory_space<vmem>>, vector<16xf32>,
      tpu.vector_store %arg10[%swap3A_410, %swap3A_411], %add3A_409 {strides = array<i32>} : memref<16x768xf32, #tpu.memory_space<vmem>>, vector<16xf32>,
      %get3A_413 = arith.index_cast %scan3A_63 : i32 to index
      %get3A_414 = arith.constant 624 : index
      %get3A_415 = tpu.vector_load %arg10[%get3A_413, %get3A_414] {strides = array<i32>} : memref<16x768xf32, #tpu.memory_space<vmem>>, vector<16xf32>,
      %get3A_416 = arith.constant 624 : index
      %get3A_417 = tpu.vector_load %arg11[%get3A_416] {strides = array<i32>} : memref<768xf32, #tpu.memory_space<vmem>>, vector<16xf32>,
      %add3A_418 = arith.addf %get3A_415, %get3A_417 : vector<16xf32>
      %swap3A_419 = arith.index_cast %scan3A_63 : i32 to index
      %swap3A_420 = arith.constant 624 : index
      %swap3A_421 = tpu.vector_load %arg10[%swap3A_419, %swap3A_420] {strides = array<i32>} : memref<16x768xf32, #tpu.memory_space<vmem>>, vector<16xf32>,
      tpu.vector_store %arg10[%swap3A_419, %swap3A_420], %add3A_418 {strides = array<i32>} : memref<16x768xf32, #tpu.memory_space<vmem>>, vector<16xf32>,
      %get3A_422 = arith.index_cast %scan3A_63 : i32 to index
      %get3A_423 = arith.constant 640 : index
      %get3A_424 = tpu.vector_load %arg10[%get3A_422, %get3A_423] {strides = array<i32>} : memref<16x768xf32, #tpu.memory_space<vmem>>, vector<16xf32>,
      %get3A_425 = arith.constant 640 : index
      %get3A_426 = tpu.vector_load %arg11[%get3A_425] {strides = array<i32>} : memref<768xf32, #tpu.memory_space<vmem>>, vector<16xf32>,
      %add3A_427 = arith.addf %get3A_424, %get3A_426 : vector<16xf32>
      %swap3A_428 = arith.index_cast %scan3A_63 : i32 to index
      %swap3A_429 = arith.constant 640 : index
      %swap3A_430 = tpu.vector_load %arg10[%swap3A_428, %swap3A_429] {strides = array<i32>} : memref<16x768xf32, #tpu.memory_space<vmem>>, vector<16xf32>,
      tpu.vector_store %arg10[%swap3A_428, %swap3A_429], %add3A_427 {strides = array<i32>} : memref<16x768xf32, #tpu.memory_space<vmem>>, vector<16xf32>,
      %get3A_431 = arith.index_cast %scan3A_63 : i32 to index
      %get3A_432 = arith.constant 656 : index
      %get3A_433 = tpu.vector_load %arg10[%get3A_431, %get3A_432] {strides = array<i32>} : memref<16x768xf32, #tpu.memory_space<vmem>>, vector<16xf32>,
      %get3A_434 = arith.constant 656 : index
      %get3A_435 = tpu.vector_load %arg11[%get3A_434] {strides = array<i32>} : memref<768xf32, #tpu.memory_space<vmem>>, vector<16xf32>,
      %add3A_436 = arith.addf %get3A_433, %get3A_435 : vector<16xf32>
      %swap3A_437 = arith.index_cast %scan3A_63 : i32 to index
      %swap3A_438 = arith.constant 656 : index
      %swap3A_439 = tpu.vector_load %arg10[%swap3A_437, %swap3A_438] {strides = array<i32>} : memref<16x768xf32, #tpu.memory_space<vmem>>, vector<16xf32>,
      tpu.vector_store %arg10[%swap3A_437, %swap3A_438], %add3A_436 {strides = array<i32>} : memref<16x768xf32, #tpu.memory_space<vmem>>, vector<16xf32>,
      %get3A_440 = arith.index_cast %scan3A_63 : i32 to index
      %get3A_441 = arith.constant 672 : index
      %get3A_442 = tpu.vector_load %arg10[%get3A_440, %get3A_441] {strides = array<i32>} : memref<16x768xf32, #tpu.memory_space<vmem>>, vector<16xf32>,
      %get3A_443 = arith.constant 672 : index
      %get3A_444 = tpu.vector_load %arg11[%get3A_443] {strides = array<i32>} : memref<768xf32, #tpu.memory_space<vmem>>, vector<16xf32>,
      %add3A_445 = arith.addf %get3A_442, %get3A_444 : vector<16xf32>
      %swap3A_446 = arith.index_cast %scan3A_63 : i32 to index
      %swap3A_447 = arith.constant 672 : index
      %swap3A_448 = tpu.vector_load %arg10[%swap3A_446, %swap3A_447] {strides = array<i32>} : memref<16x768xf32, #tpu.memory_space<vmem>>, vector<16xf32>,
      tpu.vector_store %arg10[%swap3A_446, %swap3A_447], %add3A_445 {strides = array<i32>} : memref<16x768xf32, #tpu.memory_space<vmem>>, vector<16xf32>,
      %get3A_449 = arith.index_cast %scan3A_63 : i32 to index
      %get3A_450 = arith.constant 688 : index
      %get3A_451 = tpu.vector_load %arg10[%get3A_449, %get3A_450] {strides = array<i32>} : memref<16x768xf32, #tpu.memory_space<vmem>>, vector<16xf32>,
      %get3A_452 = arith.constant 688 : index
      %get3A_453 = tpu.vector_load %arg11[%get3A_452] {strides = array<i32>} : memref<768xf32, #tpu.memory_space<vmem>>, vector<16xf32>,
      %add3A_454 = arith.addf %get3A_451, %get3A_453 : vector<16xf32>
      %swap3A_455 = arith.index_cast %scan3A_63 : i32 to index
      %swap3A_456 = arith.constant 688 : index
      %swap3A_457 = tpu.vector_load %arg10[%swap3A_455, %swap3A_456] {strides = array<i32>} : memref<16x768xf32, #tpu.memory_space<vmem>>, vector<16xf32>,
      tpu.vector_store %arg10[%swap3A_455, %swap3A_456], %add3A_454 {strides = array<i32>} : memref<16x768xf32, #tpu.memory_space<vmem>>, vector<16xf32>,
      %get3A_458 = arith.index_cast %scan3A_63 : i32 to index
      %get3A_459 = arith.constant 704 : index
      %get3A_460 = tpu.vector_load %arg10[%get3A_458, %get3A_459] {strides = array<i32>} : memref<16x768xf32, #tpu.memory_space<vmem>>, vector<16xf32>,
      %get3A_461 = arith.constant 704 : index
      %get3A_462 = tpu.vector_load %arg11[%get3A_461] {strides = array<i32>} : memref<768xf32, #tpu.memory_space<vmem>>, vector<16xf32>,
      %add3A_463 = arith.addf %get3A_460, %get3A_462 : vector<16xf32>
      %swap3A_464 = arith.index_cast %scan3A_63 : i32 to index
      %swap3A_465 = arith.constant 704 : index
      %swap3A_466 = tpu.vector_load %arg10[%swap3A_464, %swap3A_465] {strides = array<i32>} : memref<16x768xf32, #tpu.memory_space<vmem>>, vector<16xf32>,
      tpu.vector_store %arg10[%swap3A_464, %swap3A_465], %add3A_463 {strides = array<i32>} : memref<16x768xf32, #tpu.memory_space<vmem>>, vector<16xf32>,
      %get3A_467 = arith.index_cast %scan3A_63 : i32 to index
      %get3A_468 = arith.constant 720 : index
      %get3A_469 = tpu.vector_load %arg10[%get3A_467, %get3A_468] {strides = array<i32>} : memref<16x768xf32, #tpu.memory_space<vmem>>, vector<16xf32>,
      %get3A_470 = arith.constant 720 : index
      %get3A_471 = tpu.vector_load %arg11[%get3A_470] {strides = array<i32>} : memref<768xf32, #tpu.memory_space<vmem>>, vector<16xf32>,
      %add3A_472 = arith.addf %get3A_469, %get3A_471 : vector<16xf32>
      %swap3A_473 = arith.index_cast %scan3A_63 : i32 to index
      %swap3A_474 = arith.constant 720 : index
      %swap3A_475 = tpu.vector_load %arg10[%swap3A_473, %swap3A_474] {strides = array<i32>} : memref<16x768xf32, #tpu.memory_space<vmem>>, vector<16xf32>,
      tpu.vector_store %arg10[%swap3A_473, %swap3A_474], %add3A_472 {strides = array<i32>} : memref<16x768xf32, #tpu.memory_space<vmem>>, vector<16xf32>,
      %get3A_476 = arith.index_cast %scan3A_63 : i32 to index
      %get3A_477 = arith.constant 736 : index
      %get3A_478 = tpu.vector_load %arg10[%get3A_476, %get3A_477] {strides = array<i32>} : memref<16x768xf32, #tpu.memory_space<vmem>>, vector<16xf32>,
      %get3A_479 = arith.constant 736 : index
      %get3A_480 = tpu.vector_load %arg11[%get3A_479] {strides = array<i32>} : memref<768xf32, #tpu.memory_space<vmem>>, vector<16xf32>,
      %add3A_481 = arith.addf %get3A_478, %get3A_480 : vector<16xf32>
      %swap3A_482 = arith.index_cast %scan3A_63 : i32 to index
      %swap3A_483 = arith.constant 736 : index
      %swap3A_484 = tpu.vector_load %arg10[%swap3A_482, %swap3A_483] {strides = array<i32>} : memref<16x768xf32, #tpu.memory_space<vmem>>, vector<16xf32>,
      tpu.vector_store %arg10[%swap3A_482, %swap3A_483], %add3A_481 {strides = array<i32>} : memref<16x768xf32, #tpu.memory_space<vmem>>, vector<16xf32>,
      %get3A_485 = arith.index_cast %scan3A_63 : i32 to index
      %get3A_486 = arith.constant 752 : index
      %get3A_487 = tpu.vector_load %arg10[%get3A_485, %get3A_486] {strides = array<i32>} : memref<16x768xf32, #tpu.memory_space<vmem>>, vector<16xf32>,
      %get3A_488 = arith.constant 752 : index
      %get3A_489 = tpu.vector_load %arg11[%get3A_488] {strides = array<i32>} : memref<768xf32, #tpu.memory_space<vmem>>, vector<16xf32>,
      %add3A_490 = arith.addf %get3A_487, %get3A_489 : vector<16xf32>
      %swap3A_491 = arith.index_cast %scan3A_63 : i32 to index
      %swap3A_492 = arith.constant 752 : index
      %swap3A_493 = tpu.vector_load %arg10[%swap3A_491, %swap3A_492] {strides = array<i32>} : memref<16x768xf32, #tpu.memory_space<vmem>>, vector<16xf32>,
      tpu.vector_store %arg10[%swap3A_491, %swap3A_492], %add3A_490 {strides = array<i32>} : memref<16x768xf32, #tpu.memory_space<vmem>>, vector<16xf32>,
    }
    %scan3A_7 = arith.constant 16 : i32
    %broadcast_in_dim3A = arith.constant 0.00130208337 : f32
    %broadcast_in_dim3A_8 = vector.broadcast %broadcast_in_dim3A : f32 to vector<16xf32>
    %broadcast_in_dim3A_9 = arith.constant 9.99999996E-13 : f32
    %broadcast_in_dim3A_10 = vector.broadcast %broadcast_in_dim3A_9 : f32 to vector<16xf32>
    %dma_start3A = arith.constant 0 : i32
    %dma_start3A_11 = tpu.memref_slice %arg9[%dma_start3A] : memref<1024xi32, #tpu.memory_space<vmem>> -> memref<16xi32, #tpu.memory_space<vmem>>
    %dma_start3A_12 = arith.constant 0 : i32
    %dma_start3A_13 = arith.constant 0 : i32
    %dma_start3A_14 = tpu.memref_slice %arg3[%dma_start3A_12, %dma_start3A_13] : memref<30522x768xf32, #tpu.memory_space<hbm>> -> memref<30522x768xf32, #tpu.memory_space<hbm>>
    tpu.enqueue_indirect_dma source(%dma_start3A_14 : memref<30522x768xf32, #tpu.memory_space<hbm>>) target(%arg14 : memref<16x768xf32, #tpu.memory_space<vmem>>) offsets(%dma_start3A_11 : memref<16xi32, #tpu.memory_space<vmem>>) semaphore(%arg18 : memref<!tpu.dma_semaphore, #tpu.memory_space<semaphore_mem>>)
    %dma_start3A_15 = arith.constant 16 : i32
    %dma_start3A_16 = tpu.memref_slice %arg9[%dma_start3A_15] : memref<1024xi32, #tpu.memory_space<vmem>> -> memref<16xi32, #tpu.memory_space<vmem>>
    %dma_start3A_17 = arith.constant 0 : i32
    %dma_start3A_18 = arith.constant 0 : i32
    %dma_start3A_19 = tpu.memref_slice %arg3[%dma_start3A_17, %dma_start3A_18] : memref<30522x768xf32, #tpu.memory_space<hbm>> -> memref<30522x768xf32, #tpu.memory_space<hbm>>
    tpu.enqueue_indirect_dma source(%dma_start3A_19 : memref<30522x768xf32, #tpu.memory_space<hbm>>) target(%arg15 : memref<16x768xf32, #tpu.memory_space<vmem>>) offsets(%dma_start3A_16 : memref<16xi32, #tpu.memory_space<vmem>>) semaphore(%arg19 : memref<!tpu.dma_semaphore, #tpu.memory_space<semaphore_mem>>)
    %mul3A_20 = arith.constant 16 : i32
    %mul3A_21 = arith.muli %add3A, %mul3A_20 : i32
    %dma_start3A_22 = arith.constant 0 : i32
    %dma_start3A_23 = tpu.memref_slice %arg4[%mul3A_21, %dma_start3A_22] : memref<512x768xf32, #tpu.memory_space<hbm>> -> memref<16x768xf32, #tpu.memory_space<hbm>>
    %dma_start3A_24 = arith.constant 0 : i32
    %dma_start3A_25 = tpu.memref_slice %arg4[%mul3A_21, %dma_start3A_24] : memref<512x768xf32, #tpu.memory_space<hbm>> -> memref<16x768xf32, #tpu.memory_space<hbm>>
    tpu.enqueue_dma source(%dma_start3A_25 : memref<16x768xf32, #tpu.memory_space<hbm>>) target(%arg16 : memref<16x768xf32, #tpu.memory_space<vmem>>) target_semaphore(%arg20 : memref<!tpu.dma_semaphore, #tpu.memory_space<semaphore_mem>>)
    %mul3A_26 = arith.constant 16 : i32
    %mul3A_27 = arith.muli %add3A, %mul3A_26 : i32
    %dma_start3A_28 = arith.constant 0 : i32
    %dma_start3A_29 = tpu.memref_slice %arg4[%mul3A_27, %dma_start3A_28] : memref<512x768xf32, #tpu.memory_space<hbm>> -> memref<16x768xf32, #tpu.memory_space<hbm>>
    %dma_start3A_30 = arith.constant 0 : i32
    %dma_start3A_31 = tpu.memref_slice %arg4[%mul3A_27, %dma_start3A_30] : memref<512x768xf32, #tpu.memory_space<hbm>> -> memref<16x768xf32, #tpu.memory_space<hbm>>
    tpu.enqueue_dma source(%dma_start3A_31 : memref<16x768xf32, #tpu.memory_space<hbm>>) target(%arg17 : memref<16x768xf32, #tpu.memory_space<vmem>>) target_semaphore(%arg21 : memref<!tpu.dma_semaphore, #tpu.memory_space<semaphore_mem>>)
    %scan3A_32 = arith.constant 0 : i32
    %scan3A_33 = arith.constant 0 : i32
    %scan3A_34 = arith.constant 32 : i32
    %scan3A_35 = arith.addi %scan3A_33, %scan3A_34 : i32
    %scan3A_36 = arith.constant 1 : i32
    scf.for %scan3A_63 = %scan3A_33 to %scan3A_35 step %scan3A_36  : i32 {
      %mul3A_64 = arith.constant 2 : i32
      %mul3A_65 = arith.muli %scan3A_63, %mul3A_64 : i32
      %add3A_66 = arith.constant 0 : i32
      %add3A_67 = arith.addi %mul3A_65, %add3A_66 : i32
      %mul3A_68 = arith.constant 16 : i32
      %mul3A_69 = arith.muli %add3A_67, %mul3A_68 : i32
      %dma_wait3A_70 = tpu.memref_slice %arg9[%mul3A_69] : memref<1024xi32, #tpu.memory_space<vmem>> -> memref<16xi32, #tpu.memory_space<vmem>>
      %dma_wait3A_71 = arith.constant 0 : i32
      %dma_wait3A_72 = arith.constant 0 : i32
      %dma_wait3A_73 = tpu.memref_slice %arg3[%dma_wait3A_71, %dma_wait3A_72] : memref<30522x768xf32, #tpu.memory_space<hbm>> -> memref<30522x768xf32, #tpu.memory_space<hbm>>
      tpu.wait_indirect_dma semaphore(%arg18 : memref<!tpu.dma_semaphore, #tpu.memory_space<semaphore_mem>>) src(%dma_wait3A_73 : memref<30522x768xf32, #tpu.memory_space<hbm>>) dst(%arg14 : memref<16x768xf32, #tpu.memory_space<vmem>>)
      %mul3A_74 = arith.constant 16 : i32
      %mul3A_75 = arith.muli %add3A, %mul3A_74 : i32
      %add3A_76 = arith.constant 0 : i32
      %add3A_77 = arith.addi %add3A_76, %mul3A_75 : i32
      %dma_wait3A_78 = arith.constant 0 : i32
      %dma_wait3A_79 = tpu.memref_slice %arg8[%add3A_77, %dma_wait3A_78] : memref<32768x768xf32, #tpu.memory_space<hbm>> -> memref<16x768xf32, #tpu.memory_space<hbm>>
      %dma_wait3A_80 = arith.constant 0 : i32
      %dma_wait3A_81 = tpu.memref_slice %arg8[%add3A_77, %dma_wait3A_80] : memref<32768x768xf32, #tpu.memory_space<hbm>> -> memref<16x768xf32, #tpu.memory_space<hbm>>
      tpu.wait_dma2 semaphore(%arg20 : memref<!tpu.dma_semaphore, #tpu.memory_space<semaphore_mem>>) src(%arg16 : memref<16x768xf32, #tpu.memory_space<vmem>>) dst(%dma_wait3A_81 : memref<16x768xf32, #tpu.memory_space<hbm>>)
      %scan3A_82 = arith.constant 0 : i32
      %scan3A_83 = arith.constant 0 : i32
      %scan3A_84 = arith.constant 16 : i32
      %scan3A_85 = arith.addi %scan3A_83, %scan3A_84 : i32
      %scan3A_86 = arith.constant 1 : i32
      scf.for %scan3A_149 = %scan3A_83 to %scan3A_85 step %scan3A_86  : i32 {
        %broadcast_in_dim3A_150 = arith.constant 0.000000e+00 : f32
        %broadcast_in_dim3A_151 = vector.broadcast %broadcast_in_dim3A_150 : f32 to vector<16xf32>
        %get3A = arith.index_cast %scan3A_149 : i32 to index
        %get3A_152 = arith.constant 0 : index
        %get3A_153 = tpu.vector_load %arg14[%get3A, %get3A_152] {strides = array<i32>} : memref<16x768xf32, #tpu.memory_space<vmem>>, vector<16xf32>,
        %get3A_154 = arith.index_cast %scan3A_149 : i32 to index
        %get3A_155 = arith.constant 0 : index
        %get3A_156 = tpu.vector_load %arg10[%get3A_154, %get3A_155] {strides = array<i32>} : memref<16x768xf32, #tpu.memory_space<vmem>>, vector<16xf32>,
        %add3A_157 = arith.addf %get3A_153, %get3A_156 : vector<16xf32>
        %add3A_158 = arith.addf %broadcast_in_dim3A_151, %add3A_157 : vector<16xf32>
        %mul3A_159 = arith.mulf %add3A_157, %add3A_157 : vector<16xf32>
        %add3A_160 = arith.addf %broadcast_in_dim3A_151, %mul3A_159 : vector<16xf32>
        %get3A_161 = arith.index_cast %scan3A_149 : i32 to index
        %get3A_162 = arith.constant 16 : index
        %get3A_163 = tpu.vector_load %arg14[%get3A_161, %get3A_162] {strides = array<i32>} : memref<16x768xf32, #tpu.memory_space<vmem>>, vector<16xf32>,
        %get3A_164 = arith.index_cast %scan3A_149 : i32 to index
        %get3A_165 = arith.constant 16 : index
        %get3A_166 = tpu.vector_load %arg10[%get3A_164, %get3A_165] {strides = array<i32>} : memref<16x768xf32, #tpu.memory_space<vmem>>, vector<16xf32>,
        %add3A_167 = arith.addf %get3A_163, %get3A_166 : vector<16xf32>
        %add3A_168 = arith.addf %broadcast_in_dim3A_151, %add3A_167 : vector<16xf32>
        %mul3A_169 = arith.mulf %add3A_167, %add3A_167 : vector<16xf32>
        %add3A_170 = arith.addf %broadcast_in_dim3A_151, %mul3A_169 : vector<16xf32>
        %get3A_171 = arith.index_cast %scan3A_149 : i32 to index
        %get3A_172 = arith.constant 32 : index
        %get3A_173 = tpu.vector_load %arg14[%get3A_171, %get3A_172] {strides = array<i32>} : memref<16x768xf32, #tpu.memory_space<vmem>>, vector<16xf32>,
        %get3A_174 = arith.index_cast %scan3A_149 : i32 to index
        %get3A_175 = arith.constant 32 : index
        %get3A_176 = tpu.vector_load %arg10[%get3A_174, %get3A_175] {strides = array<i32>} : memref<16x768xf32, #tpu.memory_space<vmem>>, vector<16xf32>,
        %add3A_177 = arith.addf %get3A_173, %get3A_176 : vector<16xf32>
        %add3A_178 = arith.addf %add3A_158, %add3A_177 : vector<16xf32>
        %mul3A_179 = arith.mulf %add3A_177, %add3A_177 : vector<16xf32>
        %add3A_180 = arith.addf %add3A_160, %mul3A_179 : vector<16xf32>
        %get3A_181 = arith.index_cast %scan3A_149 : i32 to index
        %get3A_182 = arith.constant 48 : index
        %get3A_183 = tpu.vector_load %arg14[%get3A_181, %get3A_182] {strides = array<i32>} : memref<16x768xf32, #tpu.memory_space<vmem>>, vector<16xf32>,
        %get3A_184 = arith.index_cast %scan3A_149 : i32 to index
        %get3A_185 = arith.constant 48 : index
        %get3A_186 = tpu.vector_load %arg10[%get3A_184, %get3A_185] {strides = array<i32>} : memref<16x768xf32, #tpu.memory_space<vmem>>, vector<16xf32>,
        %add3A_187 = arith.addf %get3A_183, %get3A_186 : vector<16xf32>
        %add3A_188 = arith.addf %add3A_168, %add3A_187 : vector<16xf32>
        %mul3A_189 = arith.mulf %add3A_187, %add3A_187 : vector<16xf32>
        %add3A_190 = arith.addf %add3A_170, %mul3A_189 : vector<16xf32>
        %get3A_191 = arith.index_cast %scan3A_149 : i32 to index
        %get3A_192 = arith.constant 64 : index
        %get3A_193 = tpu.vector_load %arg14[%get3A_191, %get3A_192] {strides = array<i32>} : memref<16x768xf32, #tpu.memory_space<vmem>>, vector<16xf32>,
        %get3A_194 = arith.index_cast %scan3A_149 : i32 to index
        %get3A_195 = arith.constant 64 : index
        %get3A_196 = tpu.vector_load %arg10[%get3A_194, %get3A_195] {strides = array<i32>} : memref<16x768xf32, #tpu.memory_space<vmem>>, vector<16xf32>,
        %add3A_197 = arith.addf %get3A_193, %get3A_196 : vector<16xf32>
        %add3A_198 = arith.addf %add3A_178, %add3A_197 : vector<16xf32>
        %mul3A_199 = arith.mulf %add3A_197, %add3A_197 : vector<16xf32>
        %add3A_200 = arith.addf %add3A_180, %mul3A_199 : vector<16xf32>
        %get3A_201 = arith.index_cast %scan3A_149 : i32 to index
        %get3A_202 = arith.constant 80 : index
        %get3A_203 = tpu.vector_load %arg14[%get3A_201, %get3A_202] {strides = array<i32>} : memref<16x768xf32, #tpu.memory_space<vmem>>, vector<16xf32>,
        %get3A_204 = arith.index_cast %scan3A_149 : i32 to index
        %get3A_205 = arith.constant 80 : index
        %get3A_206 = tpu.vector_load %arg10[%get3A_204, %get3A_205] {strides = array<i32>} : memref<16x768xf32, #tpu.memory_space<vmem>>, vector<16xf32>,
        %add3A_207 = arith.addf %get3A_203, %get3A_206 : vector<16xf32>
        %add3A_208 = arith.addf %add3A_188, %add3A_207 : vector<16xf32>
        %mul3A_209 = arith.mulf %add3A_207, %add3A_207 : vector<16xf32>
        %add3A_210 = arith.addf %add3A_190, %mul3A_209 : vector<16xf32>
        %get3A_211 = arith.index_cast %scan3A_149 : i32 to index
        %get3A_212 = arith.constant 96 : index
        %get3A_213 = tpu.vector_load %arg14[%get3A_211, %get3A_212] {strides = array<i32>} : memref<16x768xf32, #tpu.memory_space<vmem>>, vector<16xf32>,
        %get3A_214 = arith.index_cast %scan3A_149 : i32 to index
        %get3A_215 = arith.constant 96 : index
        %get3A_216 = tpu.vector_load %arg10[%get3A_214, %get3A_215] {strides = array<i32>} : memref<16x768xf32, #tpu.memory_space<vmem>>, vector<16xf32>,
        %add3A_217 = arith.addf %get3A_213, %get3A_216 : vector<16xf32>
        %add3A_218 = arith.addf %add3A_198, %add3A_217 : vector<16xf32>
        %mul3A_219 = arith.mulf %add3A_217, %add3A_217 : vector<16xf32>
        %add3A_220 = arith.addf %add3A_200, %mul3A_219 : vector<16xf32>
        %get3A_221 = arith.index_cast %scan3A_149 : i32 to index
        %get3A_222 = arith.constant 112 : index
        %get3A_223 = tpu.vector_load %arg14[%get3A_221, %get3A_222] {strides = array<i32>} : memref<16x768xf32, #tpu.memory_space<vmem>>, vector<16xf32>,
        %get3A_224 = arith.index_cast %scan3A_149 : i32 to index
        %get3A_225 = arith.constant 112 : index
        %get3A_226 = tpu.vector_load %arg10[%get3A_224, %get3A_225] {strides = array<i32>} : memref<16x768xf32, #tpu.memory_space<vmem>>, vector<16xf32>,
        %add3A_227 = arith.addf %get3A_223, %get3A_226 : vector<16xf32>
        %add3A_228 = arith.addf %add3A_208, %add3A_227 : vector<16xf32>
        %mul3A_229 = arith.mulf %add3A_227, %add3A_227 : vector<16xf32>
        %add3A_230 = arith.addf %add3A_210, %mul3A_229 : vector<16xf32>
        %get3A_231 = arith.index_cast %scan3A_149 : i32 to index
        %get3A_232 = arith.constant 128 : index
        %get3A_233 = tpu.vector_load %arg14[%get3A_231, %get3A_232] {strides = array<i32>} : memref<16x768xf32, #tpu.memory_space<vmem>>, vector<16xf32>,
        %get3A_234 = arith.index_cast %scan3A_149 : i32 to index
        %get3A_235 = arith.constant 128 : index
        %get3A_236 = tpu.vector_load %arg10[%get3A_234, %get3A_235] {strides = array<i32>} : memref<16x768xf32, #tpu.memory_space<vmem>>, vector<16xf32>,
        %add3A_237 = arith.addf %get3A_233, %get3A_236 : vector<16xf32>
        %add3A_238 = arith.addf %add3A_218, %add3A_237 : vector<16xf32>
        %mul3A_239 = arith.mulf %add3A_237, %add3A_237 : vector<16xf32>
        %add3A_240 = arith.addf %add3A_220, %mul3A_239 : vector<16xf32>
        %get3A_241 = arith.index_cast %scan3A_149 : i32 to index
        %get3A_242 = arith.constant 144 : index
        %get3A_243 = tpu.vector_load %arg14[%get3A_241, %get3A_242] {strides = array<i32>} : memref<16x768xf32, #tpu.memory_space<vmem>>, vector<16xf32>,
        %get3A_244 = arith.index_cast %scan3A_149 : i32 to index
        %get3A_245 = arith.constant 144 : index
        %get3A_246 = tpu.vector_load %arg10[%get3A_244, %get3A_245] {strides = array<i32>} : memref<16x768xf32, #tpu.memory_space<vmem>>, vector<16xf32>,
        %add3A_247 = arith.addf %get3A_243, %get3A_246 : vector<16xf32>
        %add3A_248 = arith.addf %add3A_228, %add3A_247 : vector<16xf32>
        %mul3A_249 = arith.mulf %add3A_247, %add3A_247 : vector<16xf32>
        %add3A_250 = arith.addf %add3A_230, %mul3A_249 : vector<16xf32>
        %get3A_251 = arith.index_cast %scan3A_149 : i32 to index
        %get3A_252 = arith.constant 160 : index
        %get3A_253 = tpu.vector_load %arg14[%get3A_251, %get3A_252] {strides = array<i32>} : memref<16x768xf32, #tpu.memory_space<vmem>>, vector<16xf32>,
        %get3A_254 = arith.index_cast %scan3A_149 : i32 to index
        %get3A_255 = arith.constant 160 : index
        %get3A_256 = tpu.vector_load %arg10[%get3A_254, %get3A_255] {strides = array<i32>} : memref<16x768xf32, #tpu.memory_space<vmem>>, vector<16xf32>,
        %add3A_257 = arith.addf %get3A_253, %get3A_256 : vector<16xf32>
        %add3A_258 = arith.addf %add3A_238, %add3A_257 : vector<16xf32>
        %mul3A_259 = arith.mulf %add3A_257, %add3A_257 : vector<16xf32>
        %add3A_260 = arith.addf %add3A_240, %mul3A_259 : vector<16xf32>
        %get3A_261 = arith.index_cast %scan3A_149 : i32 to index
        %get3A_262 = arith.constant 176 : index
        %get3A_263 = tpu.vector_load %arg14[%get3A_261, %get3A_262] {strides = array<i32>} : memref<16x768xf32, #tpu.memory_space<vmem>>, vector<16xf32>,
        %get3A_264 = arith.index_cast %scan3A_149 : i32 to index
        %get3A_265 = arith.constant 176 : index
        %get3A_266 = tpu.vector_load %arg10[%get3A_264, %get3A_265] {strides = array<i32>} : memref<16x768xf32, #tpu.memory_space<vmem>>, vector<16xf32>,
        %add3A_267 = arith.addf %get3A_263, %get3A_266 : vector<16xf32>
        %add3A_268 = arith.addf %add3A_248, %add3A_267 : vector<16xf32>
        %mul3A_269 = arith.mulf %add3A_267, %add3A_267 : vector<16xf32>
        %add3A_270 = arith.addf %add3A_250, %mul3A_269 : vector<16xf32>
        %get3A_271 = arith.index_cast %scan3A_149 : i32 to index
        %get3A_272 = arith.constant 192 : index
        %get3A_273 = tpu.vector_load %arg14[%get3A_271, %get3A_272] {strides = array<i32>} : memref<16x768xf32, #tpu.memory_space<vmem>>, vector<16xf32>,
        %get3A_274 = arith.index_cast %scan3A_149 : i32 to index
        %get3A_275 = arith.constant 192 : index
        %get3A_276 = tpu.vector_load %arg10[%get3A_274, %get3A_275] {strides = array<i32>} : memref<16x768xf32, #tpu.memory_space<vmem>>, vector<16xf32>,
        %add3A_277 = arith.addf %get3A_273, %get3A_276 : vector<16xf32>
        %add3A_278 = arith.addf %add3A_258, %add3A_277 : vector<16xf32>
        %mul3A_279 = arith.mulf %add3A_277, %add3A_277 : vector<16xf32>
        %add3A_280 = arith.addf %add3A_260, %mul3A_279 : vector<16xf32>
        %get3A_281 = arith.index_cast %scan3A_149 : i32 to index
        %get3A_282 = arith.constant 208 : index
        %get3A_283 = tpu.vector_load %arg14[%get3A_281, %get3A_282] {strides = array<i32>} : memref<16x768xf32, #tpu.memory_space<vmem>>, vector<16xf32>,
        %get3A_284 = arith.index_cast %scan3A_149 : i32 to index
        %get3A_285 = arith.constant 208 : index
        %get3A_286 = tpu.vector_load %arg10[%get3A_284, %get3A_285] {strides = array<i32>} : memref<16x768xf32, #tpu.memory_space<vmem>>, vector<16xf32>,
        %add3A_287 = arith.addf %get3A_283, %get3A_286 : vector<16xf32>
        %add3A_288 = arith.addf %add3A_268, %add3A_287 : vector<16xf32>
        %mul3A_289 = arith.mulf %add3A_287, %add3A_287 : vector<16xf32>
        %add3A_290 = arith.addf %add3A_270, %mul3A_289 : vector<16xf32>
        %get3A_291 = arith.index_cast %scan3A_149 : i32 to index
        %get3A_292 = arith.constant 224 : index
        %get3A_293 = tpu.vector_load %arg14[%get3A_291, %get3A_292] {strides = array<i32>} : memref<16x768xf32, #tpu.memory_space<vmem>>, vector<16xf32>,
        %get3A_294 = arith.index_cast %scan3A_149 : i32 to index
        %get3A_295 = arith.constant 224 : index
        %get3A_296 = tpu.vector_load %arg10[%get3A_294, %get3A_295] {strides = array<i32>} : memref<16x768xf32, #tpu.memory_space<vmem>>, vector<16xf32>,
        %add3A_297 = arith.addf %get3A_293, %get3A_296 : vector<16xf32>
        %add3A_298 = arith.addf %add3A_278, %add3A_297 : vector<16xf32>
        %mul3A_299 = arith.mulf %add3A_297, %add3A_297 : vector<16xf32>
        %add3A_300 = arith.addf %add3A_280, %mul3A_299 : vector<16xf32>
        %get3A_301 = arith.index_cast %scan3A_149 : i32 to index
        %get3A_302 = arith.constant 240 : index
        %get3A_303 = tpu.vector_load %arg14[%get3A_301, %get3A_302] {strides = array<i32>} : memref<16x768xf32, #tpu.memory_space<vmem>>, vector<16xf32>,
        %get3A_304 = arith.index_cast %scan3A_149 : i32 to index
        %get3A_305 = arith.constant 240 : index
        %get3A_306 = tpu.vector_load %arg10[%get3A_304, %get3A_305] {strides = array<i32>} : memref<16x768xf32, #tpu.memory_space<vmem>>, vector<16xf32>,
        %add3A_307 = arith.addf %get3A_303, %get3A_306 : vector<16xf32>
        %add3A_308 = arith.addf %add3A_288, %add3A_307 : vector<16xf32>
        %mul3A_309 = arith.mulf %add3A_307, %add3A_307 : vector<16xf32>
        %add3A_310 = arith.addf %add3A_290, %mul3A_309 : vector<16xf32>
        %get3A_311 = arith.index_cast %scan3A_149 : i32 to index
        %get3A_312 = arith.constant 256 : index
        %get3A_313 = tpu.vector_load %arg14[%get3A_311, %get3A_312] {strides = array<i32>} : memref<16x768xf32, #tpu.memory_space<vmem>>, vector<16xf32>,
        %get3A_314 = arith.index_cast %scan3A_149 : i32 to index
        %get3A_315 = arith.constant 256 : index
        %get3A_316 = tpu.vector_load %arg10[%get3A_314, %get3A_315] {strides = array<i32>} : memref<16x768xf32, #tpu.memory_space<vmem>>, vector<16xf32>,
        %add3A_317 = arith.addf %get3A_313, %get3A_316 : vector<16xf32>
        %add3A_318 = arith.addf %add3A_298, %add3A_317 : vector<16xf32>
        %mul3A_319 = arith.mulf %add3A_317, %add3A_317 : vector<16xf32>
        %add3A_320 = arith.addf %add3A_300, %mul3A_319 : vector<16xf32>
        %get3A_321 = arith.index_cast %scan3A_149 : i32 to index
        %get3A_322 = arith.constant 272 : index
        %get3A_323 = tpu.vector_load %arg14[%get3A_321, %get3A_322] {strides = array<i32>} : memref<16x768xf32, #tpu.memory_space<vmem>>, vector<16xf32>,
        %get3A_324 = arith.index_cast %scan3A_149 : i32 to index
        %get3A_325 = arith.constant 272 : index
        %get3A_326 = tpu.vector_load %arg10[%get3A_324, %get3A_325] {strides = array<i32>} : memref<16x768xf32, #tpu.memory_space<vmem>>, vector<16xf32>,
        %add3A_327 = arith.addf %get3A_323, %get3A_326 : vector<16xf32>
        %add3A_328 = arith.addf %add3A_308, %add3A_327 : vector<16xf32>
        %mul3A_329 = arith.mulf %add3A_327, %add3A_327 : vector<16xf32>
        %add3A_330 = arith.addf %add3A_310, %mul3A_329 : vector<16xf32>
        %get3A_331 = arith.index_cast %scan3A_149 : i32 to index
        %get3A_332 = arith.constant 288 : index
        %get3A_333 = tpu.vector_load %arg14[%get3A_331, %get3A_332] {strides = array<i32>} : memref<16x768xf32, #tpu.memory_space<vmem>>, vector<16xf32>,
        %get3A_334 = arith.index_cast %scan3A_149 : i32 to index
        %get3A_335 = arith.constant 288 : index
        %get3A_336 = tpu.vector_load %arg10[%get3A_334, %get3A_335] {strides = array<i32>} : memref<16x768xf32, #tpu.memory_space<vmem>>, vector<16xf32>,
        %add3A_337 = arith.addf %get3A_333, %get3A_336 : vector<16xf32>
        %add3A_338 = arith.addf %add3A_318, %add3A_337 : vector<16xf32>
        %mul3A_339 = arith.mulf %add3A_337, %add3A_337 : vector<16xf32>
        %add3A_340 = arith.addf %add3A_320, %mul3A_339 : vector<16xf32>
        %get3A_341 = arith.index_cast %scan3A_149 : i32 to index
        %get3A_342 = arith.constant 304 : index
        %get3A_343 = tpu.vector_load %arg14[%get3A_341, %get3A_342] {strides = array<i32>} : memref<16x768xf32, #tpu.memory_space<vmem>>, vector<16xf32>,
        %get3A_344 = arith.index_cast %scan3A_149 : i32 to index
        %get3A_345 = arith.constant 304 : index
        %get3A_346 = tpu.vector_load %arg10[%get3A_344, %get3A_345] {strides = array<i32>} : memref<16x768xf32, #tpu.memory_space<vmem>>, vector<16xf32>,
        %add3A_347 = arith.addf %get3A_343, %get3A_346 : vector<16xf32>
        %add3A_348 = arith.addf %add3A_328, %add3A_347 : vector<16xf32>
        %mul3A_349 = arith.mulf %add3A_347, %add3A_347 : vector<16xf32>
        %add3A_350 = arith.addf %add3A_330, %mul3A_349 : vector<16xf32>
        %get3A_351 = arith.index_cast %scan3A_149 : i32 to index
        %get3A_352 = arith.constant 320 : index
        %get3A_353 = tpu.vector_load %arg14[%get3A_351, %get3A_352] {strides = array<i32>} : memref<16x768xf32, #tpu.memory_space<vmem>>, vector<16xf32>,
        %get3A_354 = arith.index_cast %scan3A_149 : i32 to index
        %get3A_355 = arith.constant 320 : index
        %get3A_356 = tpu.vector_load %arg10[%get3A_354, %get3A_355] {strides = array<i32>} : memref<16x768xf32, #tpu.memory_space<vmem>>, vector<16xf32>,
        %add3A_357 = arith.addf %get3A_353, %get3A_356 : vector<16xf32>
        %add3A_358 = arith.addf %add3A_338, %add3A_357 : vector<16xf32>
        %mul3A_359 = arith.mulf %add3A_357, %add3A_357 : vector<16xf32>
        %add3A_360 = arith.addf %add3A_340, %mul3A_359 : vector<16xf32>
        %get3A_361 = arith.index_cast %scan3A_149 : i32 to index
        %get3A_362 = arith.constant 336 : index
        %get3A_363 = tpu.vector_load %arg14[%get3A_361, %get3A_362] {strides = array<i32>} : memref<16x768xf32, #tpu.memory_space<vmem>>, vector<16xf32>,
        %get3A_364 = arith.index_cast %scan3A_149 : i32 to index
        %get3A_365 = arith.constant 336 : index
        %get3A_366 = tpu.vector_load %arg10[%get3A_364, %get3A_365] {strides = array<i32>} : memref<16x768xf32, #tpu.memory_space<vmem>>, vector<16xf32>,
        %add3A_367 = arith.addf %get3A_363, %get3A_366 : vector<16xf32>
        %add3A_368 = arith.addf %add3A_348, %add3A_367 : vector<16xf32>
        %mul3A_369 = arith.mulf %add3A_367, %add3A_367 : vector<16xf32>
        %add3A_370 = arith.addf %add3A_350, %mul3A_369 : vector<16xf32>
        %get3A_371 = arith.index_cast %scan3A_149 : i32 to index
        %get3A_372 = arith.constant 352 : index
        %get3A_373 = tpu.vector_load %arg14[%get3A_371, %get3A_372] {strides = array<i32>} : memref<16x768xf32, #tpu.memory_space<vmem>>, vector<16xf32>,
        %get3A_374 = arith.index_cast %scan3A_149 : i32 to index
        %get3A_375 = arith.constant 352 : index
        %get3A_376 = tpu.vector_load %arg10[%get3A_374, %get3A_375] {strides = array<i32>} : memref<16x768xf32, #tpu.memory_space<vmem>>, vector<16xf32>,
        %add3A_377 = arith.addf %get3A_373, %get3A_376 : vector<16xf32>
        %add3A_378 = arith.addf %add3A_358, %add3A_377 : vector<16xf32>
        %mul3A_379 = arith.mulf %add3A_377, %add3A_377 : vector<16xf32>
        %add3A_380 = arith.addf %add3A_360, %mul3A_379 : vector<16xf32>
        %get3A_381 = arith.index_cast %scan3A_149 : i32 to index
        %get3A_382 = arith.constant 368 : index
        %get3A_383 = tpu.vector_load %arg14[%get3A_381, %get3A_382] {strides = array<i32>} : memref<16x768xf32, #tpu.memory_space<vmem>>, vector<16xf32>,
        %get3A_384 = arith.index_cast %scan3A_149 : i32 to index
        %get3A_385 = arith.constant 368 : index
        %get3A_386 = tpu.vector_load %arg10[%get3A_384, %get3A_385] {strides = array<i32>} : memref<16x768xf32, #tpu.memory_space<vmem>>, vector<16xf32>,
        %add3A_387 = arith.addf %get3A_383, %get3A_386 : vector<16xf32>
        %add3A_388 = arith.addf %add3A_368, %add3A_387 : vector<16xf32>
        %mul3A_389 = arith.mulf %add3A_387, %add3A_387 : vector<16xf32>
        %add3A_390 = arith.addf %add3A_370, %mul3A_389 : vector<16xf32>
        %get3A_391 = arith.index_cast %scan3A_149 : i32 to index
        %get3A_392 = arith.constant 384 : index
        %get3A_393 = tpu.vector_load %arg14[%get3A_391, %get3A_392] {strides = array<i32>} : memref<16x768xf32, #tpu.memory_space<vmem>>, vector<16xf32>,
        %get3A_394 = arith.index_cast %scan3A_149 : i32 to index
        %get3A_395 = arith.constant 384 : index
        %get3A_396 = tpu.vector_load %arg10[%get3A_394, %get3A_395] {strides = array<i32>} : memref<16x768xf32, #tpu.memory_space<vmem>>, vector<16xf32>,
        %add3A_397 = arith.addf %get3A_393, %get3A_396 : vector<16xf32>
        %swap3A = arith.index_cast %scan3A_149 : i32 to index
        %swap3A_398 = arith.constant 384 : index
        %swap3A_399 = tpu.vector_load %arg16[%swap3A, %swap3A_398] {strides = array<i32>} : memref<16x768xf32, #tpu.memory_space<vmem>>, vector<16xf32>,
        tpu.vector_store %arg16[%swap3A, %swap3A_398], %add3A_397 {strides = array<i32>} : memref<16x768xf32, #tpu.memory_space<vmem>>, vector<16xf32>,
        %add3A_400 = arith.addf %add3A_378, %add3A_397 : vector<16xf32>
        %mul3A_401 = arith.mulf %add3A_397, %add3A_397 : vector<16xf32>
        %add3A_402 = arith.addf %add3A_380, %mul3A_401 : vector<16xf32>
        %get3A_403 = arith.index_cast %scan3A_149 : i32 to index
        %get3A_404 = arith.constant 400 : index
        %get3A_405 = tpu.vector_load %arg14[%get3A_403, %get3A_404] {strides = array<i32>} : memref<16x768xf32, #tpu.memory_space<vmem>>, vector<16xf32>,
        %get3A_406 = arith.index_cast %scan3A_149 : i32 to index
        %get3A_407 = arith.constant 400 : index
        %get3A_408 = tpu.vector_load %arg10[%get3A_406, %get3A_407] {strides = array<i32>} : memref<16x768xf32, #tpu.memory_space<vmem>>, vector<16xf32>,
        %add3A_409 = arith.addf %get3A_405, %get3A_408 : vector<16xf32>
        %swap3A_410 = arith.index_cast %scan3A_149 : i32 to index
        %swap3A_411 = arith.constant 400 : index
        %swap3A_412 = tpu.vector_load %arg16[%swap3A_410, %swap3A_411] {strides = array<i32>} : memref<16x768xf32, #tpu.memory_space<vmem>>, vector<16xf32>,
        tpu.vector_store %arg16[%swap3A_410, %swap3A_411], %add3A_409 {strides = array<i32>} : memref<16x768xf32, #tpu.memory_space<vmem>>, vector<16xf32>,
        %add3A_413 = arith.addf %add3A_388, %add3A_409 : vector<16xf32>
        %mul3A_414 = arith.mulf %add3A_409, %add3A_409 : vector<16xf32>
        %add3A_415 = arith.addf %add3A_390, %mul3A_414 : vector<16xf32>
        %get3A_416 = arith.index_cast %scan3A_149 : i32 to index
        %get3A_417 = arith.constant 416 : index
        %get3A_418 = tpu.vector_load %arg14[%get3A_416, %get3A_417] {strides = array<i32>} : memref<16x768xf32, #tpu.memory_space<vmem>>, vector<16xf32>,
        %get3A_419 = arith.index_cast %scan3A_149 : i32 to index
        %get3A_420 = arith.constant 416 : index
        %get3A_421 = tpu.vector_load %arg10[%get3A_419, %get3A_420] {strides = array<i32>} : memref<16x768xf32, #tpu.memory_space<vmem>>, vector<16xf32>,
        %add3A_422 = arith.addf %get3A_418, %get3A_421 : vector<16xf32>
        %swap3A_423 = arith.index_cast %scan3A_149 : i32 to index
        %swap3A_424 = arith.constant 416 : index
        %swap3A_425 = tpu.vector_load %arg16[%swap3A_423, %swap3A_424] {strides = array<i32>} : memref<16x768xf32, #tpu.memory_space<vmem>>, vector<16xf32>,
        tpu.vector_store %arg16[%swap3A_423, %swap3A_424], %add3A_422 {strides = array<i32>} : memref<16x768xf32, #tpu.memory_space<vmem>>, vector<16xf32>,
        %add3A_426 = arith.addf %add3A_400, %add3A_422 : vector<16xf32>
        %mul3A_427 = arith.mulf %add3A_422, %add3A_422 : vector<16xf32>
        %add3A_428 = arith.addf %add3A_402, %mul3A_427 : vector<16xf32>
        %get3A_429 = arith.index_cast %scan3A_149 : i32 to index
        %get3A_430 = arith.constant 432 : index
        %get3A_431 = tpu.vector_load %arg14[%get3A_429, %get3A_430] {strides = array<i32>} : memref<16x768xf32, #tpu.memory_space<vmem>>, vector<16xf32>,
        %get3A_432 = arith.index_cast %scan3A_149 : i32 to index
        %get3A_433 = arith.constant 432 : index
        %get3A_434 = tpu.vector_load %arg10[%get3A_432, %get3A_433] {strides = array<i32>} : memref<16x768xf32, #tpu.memory_space<vmem>>, vector<16xf32>,
        %add3A_435 = arith.addf %get3A_431, %get3A_434 : vector<16xf32>
        %swap3A_436 = arith.index_cast %scan3A_149 : i32 to index
        %swap3A_437 = arith.constant 432 : index
        %swap3A_438 = tpu.vector_load %arg16[%swap3A_436, %swap3A_437] {strides = array<i32>} : memref<16x768xf32, #tpu.memory_space<vmem>>, vector<16xf32>,
        tpu.vector_store %arg16[%swap3A_436, %swap3A_437], %add3A_435 {strides = array<i32>} : memref<16x768xf32, #tpu.memory_space<vmem>>, vector<16xf32>,
        %add3A_439 = arith.addf %add3A_413, %add3A_435 : vector<16xf32>
        %mul3A_440 = arith.mulf %add3A_435, %add3A_435 : vector<16xf32>
        %add3A_441 = arith.addf %add3A_415, %mul3A_440 : vector<16xf32>
        %get3A_442 = arith.index_cast %scan3A_149 : i32 to index
        %get3A_443 = arith.constant 448 : index
        %get3A_444 = tpu.vector_load %arg14[%get3A_442, %get3A_443] {strides = array<i32>} : memref<16x768xf32, #tpu.memory_space<vmem>>, vector<16xf32>,
        %get3A_445 = arith.index_cast %scan3A_149 : i32 to index
        %get3A_446 = arith.constant 448 : index
        %get3A_447 = tpu.vector_load %arg10[%get3A_445, %get3A_446] {strides = array<i32>} : memref<16x768xf32, #tpu.memory_space<vmem>>, vector<16xf32>,
        %add3A_448 = arith.addf %get3A_444, %get3A_447 : vector<16xf32>
        %swap3A_449 = arith.index_cast %scan3A_149 : i32 to index
        %swap3A_450 = arith.constant 448 : index
        %swap3A_451 = tpu.vector_load %arg16[%swap3A_449, %swap3A_450] {strides = array<i32>} : memref<16x768xf32, #tpu.memory_space<vmem>>, vector<16xf32>,
        tpu.vector_store %arg16[%swap3A_449, %swap3A_450], %add3A_448 {strides = array<i32>} : memref<16x768xf32, #tpu.memory_space<vmem>>, vector<16xf32>,
        %add3A_452 = arith.addf %add3A_426, %add3A_448 : vector<16xf32>
        %mul3A_453 = arith.mulf %add3A_448, %add3A_448 : vector<16xf32>
        %add3A_454 = arith.addf %add3A_428, %mul3A_453 : vector<16xf32>
        %get3A_455 = arith.index_cast %scan3A_149 : i32 to index
        %get3A_456 = arith.constant 464 : index
        %get3A_457 = tpu.vector_load %arg14[%get3A_455, %get3A_456] {strides = array<i32>} : memref<16x768xf32, #tpu.memory_space<vmem>>, vector<16xf32>,
        %get3A_458 = arith.index_cast %scan3A_149 : i32 to index
        %get3A_459 = arith.constant 464 : index
        %get3A_460 = tpu.vector_load %arg10[%get3A_458, %get3A_459] {strides = array<i32>} : memref<16x768xf32, #tpu.memory_space<vmem>>, vector<16xf32>,
        %add3A_461 = arith.addf %get3A_457, %get3A_460 : vector<16xf32>
        %swap3A_462 = arith.index_cast %scan3A_149 : i32 to index
        %swap3A_463 = arith.constant 464 : index
        %swap3A_464 = tpu.vector_load %arg16[%swap3A_462, %swap3A_463] {strides = array<i32>} : memref<16x768xf32, #tpu.memory_space<vmem>>, vector<16xf32>,
        tpu.vector_store %arg16[%swap3A_462, %swap3A_463], %add3A_461 {strides = array<i32>} : memref<16x768xf32, #tpu.memory_space<vmem>>, vector<16xf32>,
        %add3A_465 = arith.addf %add3A_439, %add3A_461 : vector<16xf32>
        %mul3A_466 = arith.mulf %add3A_461, %add3A_461 : vector<16xf32>
        %add3A_467 = arith.addf %add3A_441, %mul3A_466 : vector<16xf32>
        %get3A_468 = arith.index_cast %scan3A_149 : i32 to index
        %get3A_469 = arith.constant 480 : index
        %get3A_470 = tpu.vector_load %arg14[%get3A_468, %get3A_469] {strides = array<i32>} : memref<16x768xf32, #tpu.memory_space<vmem>>, vector<16xf32>,
        %get3A_471 = arith.index_cast %scan3A_149 : i32 to index
        %get3A_472 = arith.constant 480 : index
        %get3A_473 = tpu.vector_load %arg10[%get3A_471, %get3A_472] {strides = array<i32>} : memref<16x768xf32, #tpu.memory_space<vmem>>, vector<16xf32>,
        %add3A_474 = arith.addf %get3A_470, %get3A_473 : vector<16xf32>
        %swap3A_475 = arith.index_cast %scan3A_149 : i32 to index
        %swap3A_476 = arith.constant 480 : index
        %swap3A_477 = tpu.vector_load %arg16[%swap3A_475, %swap3A_476] {strides = array<i32>} : memref<16x768xf32, #tpu.memory_space<vmem>>, vector<16xf32>,
        tpu.vector_store %arg16[%swap3A_475, %swap3A_476], %add3A_474 {strides = array<i32>} : memref<16x768xf32, #tpu.memory_space<vmem>>, vector<16xf32>,
        %add3A_478 = arith.addf %add3A_452, %add3A_474 : vector<16xf32>
        %mul3A_479 = arith.mulf %add3A_474, %add3A_474 : vector<16xf32>
        %add3A_480 = arith.addf %add3A_454, %mul3A_479 : vector<16xf32>
        %get3A_481 = arith.index_cast %scan3A_149 : i32 to index
        %get3A_482 = arith.constant 496 : index
        %get3A_483 = tpu.vector_load %arg14[%get3A_481, %get3A_482] {strides = array<i32>} : memref<16x768xf32, #tpu.memory_space<vmem>>, vector<16xf32>,
        %get3A_484 = arith.index_cast %scan3A_149 : i32 to index
        %get3A_485 = arith.constant 496 : index
        %get3A_486 = tpu.vector_load %arg10[%get3A_484, %get3A_485] {strides = array<i32>} : memref<16x768xf32, #tpu.memory_space<vmem>>, vector<16xf32>,
        %add3A_487 = arith.addf %get3A_483, %get3A_486 : vector<16xf32>
        %swap3A_488 = arith.index_cast %scan3A_149 : i32 to index
        %swap3A_489 = arith.constant 496 : index
        %swap3A_490 = tpu.vector_load %arg16[%swap3A_488, %swap3A_489] {strides = array<i32>} : memref<16x768xf32, #tpu.memory_space<vmem>>, vector<16xf32>,
        tpu.vector_store %arg16[%swap3A_488, %swap3A_489], %add3A_487 {strides = array<i32>} : memref<16x768xf32, #tpu.memory_space<vmem>>, vector<16xf32>,
        %add3A_491 = arith.addf %add3A_465, %add3A_487 : vector<16xf32>
        %mul3A_492 = arith.mulf %add3A_487, %add3A_487 : vector<16xf32>
        %add3A_493 = arith.addf %add3A_467, %mul3A_492 : vector<16xf32>
        %get3A_494 = arith.index_cast %scan3A_149 : i32 to index
        %get3A_495 = arith.constant 512 : index
        %get3A_496 = tpu.vector_load %arg14[%get3A_494, %get3A_495] {strides = array<i32>} : memref<16x768xf32, #tpu.memory_space<vmem>>, vector<16xf32>,
        %get3A_497 = arith.index_cast %scan3A_149 : i32 to index
        %get3A_498 = arith.constant 512 : index
        %get3A_499 = tpu.vector_load %arg10[%get3A_497, %get3A_498] {strides = array<i32>} : memref<16x768xf32, #tpu.memory_space<vmem>>, vector<16xf32>,
        %add3A_500 = arith.addf %get3A_496, %get3A_499 : vector<16xf32>
        %swap3A_501 = arith.index_cast %scan3A_149 : i32 to index
        %swap3A_502 = arith.constant 512 : index
        %swap3A_503 = tpu.vector_load %arg16[%swap3A_501, %swap3A_502] {strides = array<i32>} : memref<16x768xf32, #tpu.memory_space<vmem>>, vector<16xf32>,
        tpu.vector_store %arg16[%swap3A_501, %swap3A_502], %add3A_500 {strides = array<i32>} : memref<16x768xf32, #tpu.memory_space<vmem>>, vector<16xf32>,
        %add3A_504 = arith.addf %add3A_478, %add3A_500 : vector<16xf32>
        %mul3A_505 = arith.mulf %add3A_500, %add3A_500 : vector<16xf32>
        %add3A_506 = arith.addf %add3A_480, %mul3A_505 : vector<16xf32>
        %get3A_507 = arith.index_cast %scan3A_149 : i32 to index
        %get3A_508 = arith.constant 528 : index
        %get3A_509 = tpu.vector_load %arg14[%get3A_507, %get3A_508] {strides = array<i32>} : memref<16x768xf32, #tpu.memory_space<vmem>>, vector<16xf32>,
        %get3A_510 = arith.index_cast %scan3A_149 : i32 to index
        %get3A_511 = arith.constant 528 : index
        %get3A_512 = tpu.vector_load %arg10[%get3A_510, %get3A_511] {strides = array<i32>} : memref<16x768xf32, #tpu.memory_space<vmem>>, vector<16xf32>,
        %add3A_513 = arith.addf %get3A_509, %get3A_512 : vector<16xf32>
        %swap3A_514 = arith.index_cast %scan3A_149 : i32 to index
        %swap3A_515 = arith.constant 528 : index
        %swap3A_516 = tpu.vector_load %arg16[%swap3A_514, %swap3A_515] {strides = array<i32>} : memref<16x768xf32, #tpu.memory_space<vmem>>, vector<16xf32>,
        tpu.vector_store %arg16[%swap3A_514, %swap3A_515], %add3A_513 {strides = array<i32>} : memref<16x768xf32, #tpu.memory_space<vmem>>, vector<16xf32>,
        %add3A_517 = arith.addf %add3A_491, %add3A_513 : vector<16xf32>
        %mul3A_518 = arith.mulf %add3A_513, %add3A_513 : vector<16xf32>
        %add3A_519 = arith.addf %add3A_493, %mul3A_518 : vector<16xf32>
        %get3A_520 = arith.index_cast %scan3A_149 : i32 to index
        %get3A_521 = arith.constant 544 : index
        %get3A_522 = tpu.vector_load %arg14[%get3A_520, %get3A_521] {strides = array<i32>} : memref<16x768xf32, #tpu.memory_space<vmem>>, vector<16xf32>,
        %get3A_523 = arith.index_cast %scan3A_149 : i32 to index
        %get3A_524 = arith.constant 544 : index
        %get3A_525 = tpu.vector_load %arg10[%get3A_523, %get3A_524] {strides = array<i32>} : memref<16x768xf32, #tpu.memory_space<vmem>>, vector<16xf32>,
        %add3A_526 = arith.addf %get3A_522, %get3A_525 : vector<16xf32>
        %swap3A_527 = arith.index_cast %scan3A_149 : i32 to index
        %swap3A_528 = arith.constant 544 : index
        %swap3A_529 = tpu.vector_load %arg16[%swap3A_527, %swap3A_528] {strides = array<i32>} : memref<16x768xf32, #tpu.memory_space<vmem>>, vector<16xf32>,
        tpu.vector_store %arg16[%swap3A_527, %swap3A_528], %add3A_526 {strides = array<i32>} : memref<16x768xf32, #tpu.memory_space<vmem>>, vector<16xf32>,
        %add3A_530 = arith.addf %add3A_504, %add3A_526 : vector<16xf32>
        %mul3A_531 = arith.mulf %add3A_526, %add3A_526 : vector<16xf32>
        %add3A_532 = arith.addf %add3A_506, %mul3A_531 : vector<16xf32>
        %get3A_533 = arith.index_cast %scan3A_149 : i32 to index
        %get3A_534 = arith.constant 560 : index
        %get3A_535 = tpu.vector_load %arg14[%get3A_533, %get3A_534] {strides = array<i32>} : memref<16x768xf32, #tpu.memory_space<vmem>>, vector<16xf32>,
        %get3A_536 = arith.index_cast %scan3A_149 : i32 to index
        %get3A_537 = arith.constant 560 : index
        %get3A_538 = tpu.vector_load %arg10[%get3A_536, %get3A_537] {strides = array<i32>} : memref<16x768xf32, #tpu.memory_space<vmem>>, vector<16xf32>,
        %add3A_539 = arith.addf %get3A_535, %get3A_538 : vector<16xf32>
        %swap3A_540 = arith.index_cast %scan3A_149 : i32 to index
        %swap3A_541 = arith.constant 560 : index
        %swap3A_542 = tpu.vector_load %arg16[%swap3A_540, %swap3A_541] {strides = array<i32>} : memref<16x768xf32, #tpu.memory_space<vmem>>, vector<16xf32>,
        tpu.vector_store %arg16[%swap3A_540, %swap3A_541], %add3A_539 {strides = array<i32>} : memref<16x768xf32, #tpu.memory_space<vmem>>, vector<16xf32>,
        %add3A_543 = arith.addf %add3A_517, %add3A_539 : vector<16xf32>
        %mul3A_544 = arith.mulf %add3A_539, %add3A_539 : vector<16xf32>
        %add3A_545 = arith.addf %add3A_519, %mul3A_544 : vector<16xf32>
        %get3A_546 = arith.index_cast %scan3A_149 : i32 to index
        %get3A_547 = arith.constant 576 : index
        %get3A_548 = tpu.vector_load %arg14[%get3A_546, %get3A_547] {strides = array<i32>} : memref<16x768xf32, #tpu.memory_space<vmem>>, vector<16xf32>,
        %get3A_549 = arith.index_cast %scan3A_149 : i32 to index
        %get3A_550 = arith.constant 576 : index
        %get3A_551 = tpu.vector_load %arg10[%get3A_549, %get3A_550] {strides = array<i32>} : memref<16x768xf32, #tpu.memory_space<vmem>>, vector<16xf32>,
        %add3A_552 = arith.addf %get3A_548, %get3A_551 : vector<16xf32>
        %swap3A_553 = arith.index_cast %scan3A_149 : i32 to index
        %swap3A_554 = arith.constant 576 : index
        %swap3A_555 = tpu.vector_load %arg16[%swap3A_553, %swap3A_554] {strides = array<i32>} : memref<16x768xf32, #tpu.memory_space<vmem>>, vector<16xf32>,
        tpu.vector_store %arg16[%swap3A_553, %swap3A_554], %add3A_552 {strides = array<i32>} : memref<16x768xf32, #tpu.memory_space<vmem>>, vector<16xf32>,
        %add3A_556 = arith.addf %add3A_530, %add3A_552 : vector<16xf32>
        %mul3A_557 = arith.mulf %add3A_552, %add3A_552 : vector<16xf32>
        %add3A_558 = arith.addf %add3A_532, %mul3A_557 : vector<16xf32>
        %get3A_559 = arith.index_cast %scan3A_149 : i32 to index
        %get3A_560 = arith.constant 592 : index
        %get3A_561 = tpu.vector_load %arg14[%get3A_559, %get3A_560] {strides = array<i32>} : memref<16x768xf32, #tpu.memory_space<vmem>>, vector<16xf32>,
        %get3A_562 = arith.index_cast %scan3A_149 : i32 to index
        %get3A_563 = arith.constant 592 : index
        %get3A_564 = tpu.vector_load %arg10[%get3A_562, %get3A_563] {strides = array<i32>} : memref<16x768xf32, #tpu.memory_space<vmem>>, vector<16xf32>,
        %add3A_565 = arith.addf %get3A_561, %get3A_564 : vector<16xf32>
        %swap3A_566 = arith.index_cast %scan3A_149 : i32 to index
        %swap3A_567 = arith.constant 592 : index
        %swap3A_568 = tpu.vector_load %arg16[%swap3A_566, %swap3A_567] {strides = array<i32>} : memref<16x768xf32, #tpu.memory_space<vmem>>, vector<16xf32>,
        tpu.vector_store %arg16[%swap3A_566, %swap3A_567], %add3A_565 {strides = array<i32>} : memref<16x768xf32, #tpu.memory_space<vmem>>, vector<16xf32>,
        %add3A_569 = arith.addf %add3A_543, %add3A_565 : vector<16xf32>
        %mul3A_570 = arith.mulf %add3A_565, %add3A_565 : vector<16xf32>
        %add3A_571 = arith.addf %add3A_545, %mul3A_570 : vector<16xf32>
        %get3A_572 = arith.index_cast %scan3A_149 : i32 to index
        %get3A_573 = arith.constant 608 : index
        %get3A_574 = tpu.vector_load %arg14[%get3A_572, %get3A_573] {strides = array<i32>} : memref<16x768xf32, #tpu.memory_space<vmem>>, vector<16xf32>,
        %get3A_575 = arith.index_cast %scan3A_149 : i32 to index
        %get3A_576 = arith.constant 608 : index
        %get3A_577 = tpu.vector_load %arg10[%get3A_575, %get3A_576] {strides = array<i32>} : memref<16x768xf32, #tpu.memory_space<vmem>>, vector<16xf32>,
        %add3A_578 = arith.addf %get3A_574, %get3A_577 : vector<16xf32>
        %swap3A_579 = arith.index_cast %scan3A_149 : i32 to index
        %swap3A_580 = arith.constant 608 : index
        %swap3A_581 = tpu.vector_load %arg16[%swap3A_579, %swap3A_580] {strides = array<i32>} : memref<16x768xf32, #tpu.memory_space<vmem>>, vector<16xf32>,
        tpu.vector_store %arg16[%swap3A_579, %swap3A_580], %add3A_578 {strides = array<i32>} : memref<16x768xf32, #tpu.memory_space<vmem>>, vector<16xf32>,
        %add3A_582 = arith.addf %add3A_556, %add3A_578 : vector<16xf32>
        %mul3A_583 = arith.mulf %add3A_578, %add3A_578 : vector<16xf32>
        %add3A_584 = arith.addf %add3A_558, %mul3A_583 : vector<16xf32>
        %get3A_585 = arith.index_cast %scan3A_149 : i32 to index
        %get3A_586 = arith.constant 624 : index
        %get3A_587 = tpu.vector_load %arg14[%get3A_585, %get3A_586] {strides = array<i32>} : memref<16x768xf32, #tpu.memory_space<vmem>>, vector<16xf32>,
        %get3A_588 = arith.index_cast %scan3A_149 : i32 to index
        %get3A_589 = arith.constant 624 : index
        %get3A_590 = tpu.vector_load %arg10[%get3A_588, %get3A_589] {strides = array<i32>} : memref<16x768xf32, #tpu.memory_space<vmem>>, vector<16xf32>,
        %add3A_591 = arith.addf %get3A_587, %get3A_590 : vector<16xf32>
        %swap3A_592 = arith.index_cast %scan3A_149 : i32 to index
        %swap3A_593 = arith.constant 624 : index
        %swap3A_594 = tpu.vector_load %arg16[%swap3A_592, %swap3A_593] {strides = array<i32>} : memref<16x768xf32, #tpu.memory_space<vmem>>, vector<16xf32>,
        tpu.vector_store %arg16[%swap3A_592, %swap3A_593], %add3A_591 {strides = array<i32>} : memref<16x768xf32, #tpu.memory_space<vmem>>, vector<16xf32>,
        %add3A_595 = arith.addf %add3A_569, %add3A_591 : vector<16xf32>
        %mul3A_596 = arith.mulf %add3A_591, %add3A_591 : vector<16xf32>
        %add3A_597 = arith.addf %add3A_571, %mul3A_596 : vector<16xf32>
        %get3A_598 = arith.index_cast %scan3A_149 : i32 to index
        %get3A_599 = arith.constant 640 : index
        %get3A_600 = tpu.vector_load %arg14[%get3A_598, %get3A_599] {strides = array<i32>} : memref<16x768xf32, #tpu.memory_space<vmem>>, vector<16xf32>,
        %get3A_601 = arith.index_cast %scan3A_149 : i32 to index
        %get3A_602 = arith.constant 640 : index
        %get3A_603 = tpu.vector_load %arg10[%get3A_601, %get3A_602] {strides = array<i32>} : memref<16x768xf32, #tpu.memory_space<vmem>>, vector<16xf32>,
        %add3A_604 = arith.addf %get3A_600, %get3A_603 : vector<16xf32>
        %swap3A_605 = arith.index_cast %scan3A_149 : i32 to index
        %swap3A_606 = arith.constant 640 : index
        %swap3A_607 = tpu.vector_load %arg16[%swap3A_605, %swap3A_606] {strides = array<i32>} : memref<16x768xf32, #tpu.memory_space<vmem>>, vector<16xf32>,
        tpu.vector_store %arg16[%swap3A_605, %swap3A_606], %add3A_604 {strides = array<i32>} : memref<16x768xf32, #tpu.memory_space<vmem>>, vector<16xf32>,
        %add3A_608 = arith.addf %add3A_582, %add3A_604 : vector<16xf32>
        %mul3A_609 = arith.mulf %add3A_604, %add3A_604 : vector<16xf32>
        %add3A_610 = arith.addf %add3A_584, %mul3A_609 : vector<16xf32>
        %get3A_611 = arith.index_cast %scan3A_149 : i32 to index
        %get3A_612 = arith.constant 656 : index
        %get3A_613 = tpu.vector_load %arg14[%get3A_611, %get3A_612] {strides = array<i32>} : memref<16x768xf32, #tpu.memory_space<vmem>>, vector<16xf32>,
        %get3A_614 = arith.index_cast %scan3A_149 : i32 to index
        %get3A_615 = arith.constant 656 : index
        %get3A_616 = tpu.vector_load %arg10[%get3A_614, %get3A_615] {strides = array<i32>} : memref<16x768xf32, #tpu.memory_space<vmem>>, vector<16xf32>,
        %add3A_617 = arith.addf %get3A_613, %get3A_616 : vector<16xf32>
        %swap3A_618 = arith.index_cast %scan3A_149 : i32 to index
        %swap3A_619 = arith.constant 656 : index
        %swap3A_620 = tpu.vector_load %arg16[%swap3A_618, %swap3A_619] {strides = array<i32>} : memref<16x768xf32, #tpu.memory_space<vmem>>, vector<16xf32>,
        tpu.vector_store %arg16[%swap3A_618, %swap3A_619], %add3A_617 {strides = array<i32>} : memref<16x768xf32, #tpu.memory_space<vmem>>, vector<16xf32>,
        %add3A_621 = arith.addf %add3A_595, %add3A_617 : vector<16xf32>
        %mul3A_622 = arith.mulf %add3A_617, %add3A_617 : vector<16xf32>
        %add3A_623 = arith.addf %add3A_597, %mul3A_622 : vector<16xf32>
        %get3A_624 = arith.index_cast %scan3A_149 : i32 to index
        %get3A_625 = arith.constant 672 : index
        %get3A_626 = tpu.vector_load %arg14[%get3A_624, %get3A_625] {strides = array<i32>} : memref<16x768xf32, #tpu.memory_space<vmem>>, vector<16xf32>,
        %get3A_627 = arith.index_cast %scan3A_149 : i32 to index
        %get3A_628 = arith.constant 672 : index
        %get3A_629 = tpu.vector_load %arg10[%get3A_627, %get3A_628] {strides = array<i32>} : memref<16x768xf32, #tpu.memory_space<vmem>>, vector<16xf32>,
        %add3A_630 = arith.addf %get3A_626, %get3A_629 : vector<16xf32>
        %swap3A_631 = arith.index_cast %scan3A_149 : i32 to index
        %swap3A_632 = arith.constant 672 : index
        %swap3A_633 = tpu.vector_load %arg16[%swap3A_631, %swap3A_632] {strides = array<i32>} : memref<16x768xf32, #tpu.memory_space<vmem>>, vector<16xf32>,
        tpu.vector_store %arg16[%swap3A_631, %swap3A_632], %add3A_630 {strides = array<i32>} : memref<16x768xf32, #tpu.memory_space<vmem>>, vector<16xf32>,
        %add3A_634 = arith.addf %add3A_608, %add3A_630 : vector<16xf32>
        %mul3A_635 = arith.mulf %add3A_630, %add3A_630 : vector<16xf32>
        %add3A_636 = arith.addf %add3A_610, %mul3A_635 : vector<16xf32>
        %get3A_637 = arith.index_cast %scan3A_149 : i32 to index
        %get3A_638 = arith.constant 688 : index
        %get3A_639 = tpu.vector_load %arg14[%get3A_637, %get3A_638] {strides = array<i32>} : memref<16x768xf32, #tpu.memory_space<vmem>>, vector<16xf32>,
        %get3A_640 = arith.index_cast %scan3A_149 : i32 to index
        %get3A_641 = arith.constant 688 : index
        %get3A_642 = tpu.vector_load %arg10[%get3A_640, %get3A_641] {strides = array<i32>} : memref<16x768xf32, #tpu.memory_space<vmem>>, vector<16xf32>,
        %add3A_643 = arith.addf %get3A_639, %get3A_642 : vector<16xf32>
        %swap3A_644 = arith.index_cast %scan3A_149 : i32 to index
        %swap3A_645 = arith.constant 688 : index
        %swap3A_646 = tpu.vector_load %arg16[%swap3A_644, %swap3A_645] {strides = array<i32>} : memref<16x768xf32, #tpu.memory_space<vmem>>, vector<16xf32>,
        tpu.vector_store %arg16[%swap3A_644, %swap3A_645], %add3A_643 {strides = array<i32>} : memref<16x768xf32, #tpu.memory_space<vmem>>, vector<16xf32>,
        %add3A_647 = arith.addf %add3A_621, %add3A_643 : vector<16xf32>
        %mul3A_648 = arith.mulf %add3A_643, %add3A_643 : vector<16xf32>
        %add3A_649 = arith.addf %add3A_623, %mul3A_648 : vector<16xf32>
        %get3A_650 = arith.index_cast %scan3A_149 : i32 to index
        %get3A_651 = arith.constant 704 : index
        %get3A_652 = tpu.vector_load %arg14[%get3A_650, %get3A_651] {strides = array<i32>} : memref<16x768xf32, #tpu.memory_space<vmem>>, vector<16xf32>,
        %get3A_653 = arith.index_cast %scan3A_149 : i32 to index
        %get3A_654 = arith.constant 704 : index
        %get3A_655 = tpu.vector_load %arg10[%get3A_653, %get3A_654] {strides = array<i32>} : memref<16x768xf32, #tpu.memory_space<vmem>>, vector<16xf32>,
        %add3A_656 = arith.addf %get3A_652, %get3A_655 : vector<16xf32>
        %swap3A_657 = arith.index_cast %scan3A_149 : i32 to index
        %swap3A_658 = arith.constant 704 : index
        %swap3A_659 = tpu.vector_load %arg16[%swap3A_657, %swap3A_658] {strides = array<i32>} : memref<16x768xf32, #tpu.memory_space<vmem>>, vector<16xf32>,
        tpu.vector_store %arg16[%swap3A_657, %swap3A_658], %add3A_656 {strides = array<i32>} : memref<16x768xf32, #tpu.memory_space<vmem>>, vector<16xf32>,
        %add3A_660 = arith.addf %add3A_634, %add3A_656 : vector<16xf32>
        %mul3A_661 = arith.mulf %add3A_656, %add3A_656 : vector<16xf32>
        %add3A_662 = arith.addf %add3A_636, %mul3A_661 : vector<16xf32>
        %get3A_663 = arith.index_cast %scan3A_149 : i32 to index
        %get3A_664 = arith.constant 720 : index
        %get3A_665 = tpu.vector_load %arg14[%get3A_663, %get3A_664] {strides = array<i32>} : memref<16x768xf32, #tpu.memory_space<vmem>>, vector<16xf32>,
        %get3A_666 = arith.index_cast %scan3A_149 : i32 to index
        %get3A_667 = arith.constant 720 : index
        %get3A_668 = tpu.vector_load %arg10[%get3A_666, %get3A_667] {strides = array<i32>} : memref<16x768xf32, #tpu.memory_space<vmem>>, vector<16xf32>,
        %add3A_669 = arith.addf %get3A_665, %get3A_668 : vector<16xf32>
        %swap3A_670 = arith.index_cast %scan3A_149 : i32 to index
        %swap3A_671 = arith.constant 720 : index
        %swap3A_672 = tpu.vector_load %arg16[%swap3A_670, %swap3A_671] {strides = array<i32>} : memref<16x768xf32, #tpu.memory_space<vmem>>, vector<16xf32>,
        tpu.vector_store %arg16[%swap3A_670, %swap3A_671], %add3A_669 {strides = array<i32>} : memref<16x768xf32, #tpu.memory_space<vmem>>, vector<16xf32>,
        %add3A_673 = arith.addf %add3A_647, %add3A_669 : vector<16xf32>
        %mul3A_674 = arith.mulf %add3A_669, %add3A_669 : vector<16xf32>
        %add3A_675 = arith.addf %add3A_649, %mul3A_674 : vector<16xf32>
        %get3A_676 = arith.index_cast %scan3A_149 : i32 to index
        %get3A_677 = arith.constant 736 : index
        %get3A_678 = tpu.vector_load %arg14[%get3A_676, %get3A_677] {strides = array<i32>} : memref<16x768xf32, #tpu.memory_space<vmem>>, vector<16xf32>,
        %get3A_679 = arith.index_cast %scan3A_149 : i32 to index
        %get3A_680 = arith.constant 736 : index
        %get3A_681 = tpu.vector_load %arg10[%get3A_679, %get3A_680] {strides = array<i32>} : memref<16x768xf32, #tpu.memory_space<vmem>>, vector<16xf32>,
        %add3A_682 = arith.addf %get3A_678, %get3A_681 : vector<16xf32>
        %swap3A_683 = arith.index_cast %scan3A_149 : i32 to index
        %swap3A_684 = arith.constant 736 : index
        %swap3A_685 = tpu.vector_load %arg16[%swap3A_683, %swap3A_684] {strides = array<i32>} : memref<16x768xf32, #tpu.memory_space<vmem>>, vector<16xf32>,
        tpu.vector_store %arg16[%swap3A_683, %swap3A_684], %add3A_682 {strides = array<i32>} : memref<16x768xf32, #tpu.memory_space<vmem>>, vector<16xf32>,
        %add3A_686 = arith.addf %add3A_660, %add3A_682 : vector<16xf32>
        %mul3A_687 = arith.mulf %add3A_682, %add3A_682 : vector<16xf32>
        %add3A_688 = arith.addf %add3A_662, %mul3A_687 : vector<16xf32>
        %get3A_689 = arith.index_cast %scan3A_149 : i32 to index
        %get3A_690 = arith.constant 752 : index
        %get3A_691 = tpu.vector_load %arg14[%get3A_689, %get3A_690] {strides = array<i32>} : memref<16x768xf32, #tpu.memory_space<vmem>>, vector<16xf32>,
        %get3A_692 = arith.index_cast %scan3A_149 : i32 to index
        %get3A_693 = arith.constant 752 : index
        %get3A_694 = tpu.vector_load %arg10[%get3A_692, %get3A_693] {strides = array<i32>} : memref<16x768xf32, #tpu.memory_space<vmem>>, vector<16xf32>,
        %add3A_695 = arith.addf %get3A_691, %get3A_694 : vector<16xf32>
        %swap3A_696 = arith.index_cast %scan3A_149 : i32 to index
        %swap3A_697 = arith.constant 752 : index
        %swap3A_698 = tpu.vector_load %arg16[%swap3A_696, %swap3A_697] {strides = array<i32>} : memref<16x768xf32, #tpu.memory_space<vmem>>, vector<16xf32>,
        tpu.vector_store %arg16[%swap3A_696, %swap3A_697], %add3A_695 {strides = array<i32>} : memref<16x768xf32, #tpu.memory_space<vmem>>, vector<16xf32>,
        %add3A_699 = arith.addf %add3A_673, %add3A_695 : vector<16xf32>
        %mul3A_700 = arith.mulf %add3A_695, %add3A_695 : vector<16xf32>
        %add3A_701 = arith.addf %add3A_675, %mul3A_700 : vector<16xf32>
        %add3A_702 = arith.addf %add3A_686, %add3A_699 : vector<16xf32>
        %iota3A = tpu.iota {dimensions = array<i32: 0>} : vector<16xi32>
        %add3A_703 = arith.constant 8 : i32
        %add3A_704 = vector.broadcast %add3A_703 : i32 to vector<16xi32>
        %add3A_705 = arith.addi %iota3A, %add3A_704 : vector<16xi32>
        %and3A = arith.constant 15 : i32
        %and3A_706 = vector.broadcast %and3A : i32 to vector<16xi32>
        %and3A_707 = arith.andi %add3A_705, %and3A_706 : vector<16xi32>
        %broadcast_in_dim3A_708 = vector.shape_cast %and3A_707 : vector<16xi32> to vector<16x1xi32>
        %gather3A = vector.shape_cast %broadcast_in_dim3A_708 : vector<16x1xi32> to vector<16xi32>
        %gather3A_709 = tpu.dynamic_gather %add3A_702[%gather3A] in [0] : vector<16xf32>, vector<16xi32> -> vector<16xf32>
        %add3A_710 = arith.addf %add3A_702, %gather3A_709 : vector<16xf32>
        %add3A_711 = arith.constant 4 : i32
        %add3A_712 = vector.broadcast %add3A_711 : i32 to vector<16xi32>
        %add3A_713 = arith.addi %iota3A, %add3A_712 : vector<16xi32>
        %and3A_714 = arith.constant 15 : i32
        %and3A_715 = vector.broadcast %and3A_714 : i32 to vector<16xi32>
        %and3A_716 = arith.andi %add3A_713, %and3A_715 : vector<16xi32>
        %broadcast_in_dim3A_717 = vector.shape_cast %and3A_716 : vector<16xi32> to vector<16x1xi32>
        %gather3A_718 = vector.shape_cast %broadcast_in_dim3A_717 : vector<16x1xi32> to vector<16xi32>
        %gather3A_719 = tpu.dynamic_gather %add3A_710[%gather3A_718] in [0] : vector<16xf32>, vector<16xi32> -> vector<16xf32>
        %add3A_720 = arith.addf %add3A_710, %gather3A_719 : vector<16xf32>
        %add3A_721 = arith.constant 2 : i32
        %add3A_722 = vector.broadcast %add3A_721 : i32 to vector<16xi32>
        %add3A_723 = arith.addi %iota3A, %add3A_722 : vector<16xi32>
        %and3A_724 = arith.constant 15 : i32
        %and3A_725 = vector.broadcast %and3A_724 : i32 to vector<16xi32>
        %and3A_726 = arith.andi %add3A_723, %and3A_725 : vector<16xi32>
        %broadcast_in_dim3A_727 = vector.shape_cast %and3A_726 : vector<16xi32> to vector<16x1xi32>
        %gather3A_728 = vector.shape_cast %broadcast_in_dim3A_727 : vector<16x1xi32> to vector<16xi32>
        %gather3A_729 = tpu.dynamic_gather %add3A_720[%gather3A_728] in [0] : vector<16xf32>, vector<16xi32> -> vector<16xf32>
        %add3A_730 = arith.addf %add3A_720, %gather3A_729 : vector<16xf32>
        %add3A_731 = arith.constant 1 : i32
        %add3A_732 = vector.broadcast %add3A_731 : i32 to vector<16xi32>
        %add3A_733 = arith.addi %iota3A, %add3A_732 : vector<16xi32>
        %and3A_734 = arith.constant 15 : i32
        %and3A_735 = vector.broadcast %and3A_734 : i32 to vector<16xi32>
        %and3A_736 = arith.andi %add3A_733, %and3A_735 : vector<16xi32>
        %broadcast_in_dim3A_737 = vector.shape_cast %and3A_736 : vector<16xi32> to vector<16x1xi32>
        %gather3A_738 = vector.shape_cast %broadcast_in_dim3A_737 : vector<16x1xi32> to vector<16xi32>
        %gather3A_739 = tpu.dynamic_gather %add3A_730[%gather3A_738] in [0] : vector<16xf32>, vector<16xi32> -> vector<16xf32>
        %add3A_740 = arith.addf %add3A_730, %gather3A_739 : vector<16xf32>
        %mul3A_741 = arith.mulf %add3A_740, %broadcast_in_dim3A_8 : vector<16xf32>
        %add3A_742 = arith.addf %add3A_688, %add3A_701 : vector<16xf32>
        %iota3A_743 = tpu.iota {dimensions = array<i32: 0>} : vector<16xi32>
        %add3A_744 = arith.constant 8 : i32
        %add3A_745 = vector.broadcast %add3A_744 : i32 to vector<16xi32>
        %add3A_746 = arith.addi %iota3A_743, %add3A_745 : vector<16xi32>
        %and3A_747 = arith.constant 15 : i32
        %and3A_748 = vector.broadcast %and3A_747 : i32 to vector<16xi32>
        %and3A_749 = arith.andi %add3A_746, %and3A_748 : vector<16xi32>
        %broadcast_in_dim3A_750 = vector.shape_cast %and3A_749 : vector<16xi32> to vector<16x1xi32>
        %gather3A_751 = vector.shape_cast %broadcast_in_dim3A_750 : vector<16x1xi32> to vector<16xi32>
        %gather3A_752 = tpu.dynamic_gather %add3A_742[%gather3A_751] in [0] : vector<16xf32>, vector<16xi32> -> vector<16xf32>
        %add3A_753 = arith.addf %add3A_742, %gather3A_752 : vector<16xf32>
        %add3A_754 = arith.constant 4 : i32
        %add3A_755 = vector.broadcast %add3A_754 : i32 to vector<16xi32>
        %add3A_756 = arith.addi %iota3A_743, %add3A_755 : vector<16xi32>
        %and3A_757 = arith.constant 15 : i32
        %and3A_758 = vector.broadcast %and3A_757 : i32 to vector<16xi32>
        %and3A_759 = arith.andi %add3A_756, %and3A_758 : vector<16xi32>
        %broadcast_in_dim3A_760 = vector.shape_cast %and3A_759 : vector<16xi32> to vector<16x1xi32>
        %gather3A_761 = vector.shape_cast %broadcast_in_dim3A_760 : vector<16x1xi32> to vector<16xi32>
        %gather3A_762 = tpu.dynamic_gather %add3A_753[%gather3A_761] in [0] : vector<16xf32>, vector<16xi32> -> vector<16xf32>
        %add3A_763 = arith.addf %add3A_753, %gather3A_762 : vector<16xf32>
        %add3A_764 = arith.constant 2 : i32
        %add3A_765 = vector.broadcast %add3A_764 : i32 to vector<16xi32>
        %add3A_766 = arith.addi %iota3A_743, %add3A_765 : vector<16xi32>
        %and3A_767 = arith.constant 15 : i32
        %and3A_768 = vector.broadcast %and3A_767 : i32 to vector<16xi32>
        %and3A_769 = arith.andi %add3A_766, %and3A_768 : vector<16xi32>
        %broadcast_in_dim3A_770 = vector.shape_cast %and3A_769 : vector<16xi32> to vector<16x1xi32>
        %gather3A_771 = vector.shape_cast %broadcast_in_dim3A_770 : vector<16x1xi32> to vector<16xi32>
        %gather3A_772 = tpu.dynamic_gather %add3A_763[%gather3A_771] in [0] : vector<16xf32>, vector<16xi32> -> vector<16xf32>
        %add3A_773 = arith.addf %add3A_763, %gather3A_772 : vector<16xf32>
        %add3A_774 = arith.constant 1 : i32
        %add3A_775 = vector.broadcast %add3A_774 : i32 to vector<16xi32>
        %add3A_776 = arith.addi %iota3A_743, %add3A_775 : vector<16xi32>
        %and3A_777 = arith.constant 15 : i32
        %and3A_778 = vector.broadcast %and3A_777 : i32 to vector<16xi32>
        %and3A_779 = arith.andi %add3A_776, %and3A_778 : vector<16xi32>
        %broadcast_in_dim3A_780 = vector.shape_cast %and3A_779 : vector<16xi32> to vector<16x1xi32>
        %gather3A_781 = vector.shape_cast %broadcast_in_dim3A_780 : vector<16x1xi32> to vector<16xi32>
        %gather3A_782 = tpu.dynamic_gather %add3A_773[%gather3A_781] in [0] : vector<16xf32>, vector<16xi32> -> vector<16xf32>
        %add3A_783 = arith.addf %add3A_773, %gather3A_782 : vector<16xf32>
        %mul3A_784 = arith.mulf %add3A_783, %broadcast_in_dim3A_8 : vector<16xf32>
        %mul3A_785 = arith.mulf %mul3A_741, %mul3A_741 : vector<16xf32>
        %sub3A = arith.subf %mul3A_784, %mul3A_785 : vector<16xf32>
        %add3A_786 = arith.addf %sub3A, %broadcast_in_dim3A_10 : vector<16xf32>
        %broadcast_in_dim3A_787 = arith.constant 5.000000e-01 : f32
        %broadcast_in_dim3A_788 = vector.broadcast %broadcast_in_dim3A_787 : f32 to vector<16xf32>
        %broadcast_in_dim3A_789 = arith.constant 1.500000e+00 : f32
        %broadcast_in_dim3A_790 = vector.broadcast %broadcast_in_dim3A_789 : f32 to vector<16xf32>
        %bitcast3A = vector.bitcast %add3A_786 : vector<16xf32> to vector<16xi32>
        %broadcast_in_dim3A_791 = arith.constant 1597463007 : i32
        %broadcast_in_dim3A_792 = vector.broadcast %broadcast_in_dim3A_791 : i32 to vector<16xi32>
        %shift_right_arithmetic3A = arith.constant 1 : i32
        %shift_right_arithmetic3A_793 = vector.broadcast %shift_right_arithmetic3A : i32 to vector<16xi32>
        %shift_right_arithmetic3A_794 = arith.shrsi %bitcast3A, %shift_right_arithmetic3A_793 : vector<16xi32>
        %sub3A_795 = arith.subi %broadcast_in_dim3A_792, %shift_right_arithmetic3A_794 : vector<16xi32>
        %bitcast3A_796 = vector.bitcast %sub3A_795 : vector<16xi32> to vector<16xf32>
        %mul3A_797 = arith.mulf %broadcast_in_dim3A_788, %add3A_786 : vector<16xf32>
        %mul3A_798 = arith.mulf %mul3A_797, %bitcast3A_796 : vector<16xf32>
        %mul3A_799 = arith.mulf %mul3A_798, %bitcast3A_796 : vector<16xf32>
        %sub3A_800 = arith.subf %broadcast_in_dim3A_790, %mul3A_799 : vector<16xf32>
        %mul3A_801 = arith.mulf %bitcast3A_796, %sub3A_800 : vector<16xf32>
        %mul3A_802 = arith.mulf %mul3A_797, %mul3A_801 : vector<16xf32>
        %mul3A_803 = arith.mulf %mul3A_802, %mul3A_801 : vector<16xf32>
        %sub3A_804 = arith.subf %broadcast_in_dim3A_790, %mul3A_803 : vector<16xf32>
        %mul3A_805 = arith.mulf %mul3A_801, %sub3A_804 : vector<16xf32>
        %sub3A_806 = arith.subf %add3A_157, %mul3A_741 : vector<16xf32>
        %mul3A_807 = arith.mulf %sub3A_806, %mul3A_805 : vector<16xf32>
        %get3A_808 = arith.constant 0 : index
        %get3A_809 = tpu.vector_load %arg12[%get3A_808] {strides = array<i32>} : memref<768xf32, #tpu.memory_space<vmem>>, vector<16xf32>,
        %mul3A_810 = arith.mulf %mul3A_807, %get3A_809 : vector<16xf32>
        %get3A_811 = arith.constant 0 : index
        %get3A_812 = tpu.vector_load %arg13[%get3A_811] {strides = array<i32>} : memref<768xf32, #tpu.memory_space<vmem>>, vector<16xf32>,
        %add3A_813 = arith.addf %mul3A_810, %get3A_812 : vector<16xf32>
        %swap3A_814 = arith.index_cast %scan3A_149 : i32 to index
        %swap3A_815 = arith.constant 0 : index
        %swap3A_816 = tpu.vector_load %arg16[%swap3A_814, %swap3A_815] {strides = array<i32>} : memref<16x768xf32, #tpu.memory_space<vmem>>, vector<16xf32>,
        tpu.vector_store %arg16[%swap3A_814, %swap3A_815], %add3A_813 {strides = array<i32>} : memref<16x768xf32, #tpu.memory_space<vmem>>, vector<16xf32>,
        %sub3A_817 = arith.subf %add3A_167, %mul3A_741 : vector<16xf32>
        %mul3A_818 = arith.mulf %sub3A_817, %mul3A_805 : vector<16xf32>
        %get3A_819 = arith.constant 16 : index
        %get3A_820 = tpu.vector_load %arg12[%get3A_819] {strides = array<i32>} : memref<768xf32, #tpu.memory_space<vmem>>, vector<16xf32>,
        %mul3A_821 = arith.mulf %mul3A_818, %get3A_820 : vector<16xf32>
        %get3A_822 = arith.constant 16 : index
        %get3A_823 = tpu.vector_load %arg13[%get3A_822] {strides = array<i32>} : memref<768xf32, #tpu.memory_space<vmem>>, vector<16xf32>,
        %add3A_824 = arith.addf %mul3A_821, %get3A_823 : vector<16xf32>
        %swap3A_825 = arith.index_cast %scan3A_149 : i32 to index
        %swap3A_826 = arith.constant 16 : index
        %swap3A_827 = tpu.vector_load %arg16[%swap3A_825, %swap3A_826] {strides = array<i32>} : memref<16x768xf32, #tpu.memory_space<vmem>>, vector<16xf32>,
        tpu.vector_store %arg16[%swap3A_825, %swap3A_826], %add3A_824 {strides = array<i32>} : memref<16x768xf32, #tpu.memory_space<vmem>>, vector<16xf32>,
        %sub3A_828 = arith.subf %add3A_177, %mul3A_741 : vector<16xf32>
        %mul3A_829 = arith.mulf %sub3A_828, %mul3A_805 : vector<16xf32>
        %get3A_830 = arith.constant 32 : index
        %get3A_831 = tpu.vector_load %arg12[%get3A_830] {strides = array<i32>} : memref<768xf32, #tpu.memory_space<vmem>>, vector<16xf32>,
        %mul3A_832 = arith.mulf %mul3A_829, %get3A_831 : vector<16xf32>
        %get3A_833 = arith.constant 32 : index
        %get3A_834 = tpu.vector_load %arg13[%get3A_833] {strides = array<i32>} : memref<768xf32, #tpu.memory_space<vmem>>, vector<16xf32>,
        %add3A_835 = arith.addf %mul3A_832, %get3A_834 : vector<16xf32>
        %swap3A_836 = arith.index_cast %scan3A_149 : i32 to index
        %swap3A_837 = arith.constant 32 : index
        %swap3A_838 = tpu.vector_load %arg16[%swap3A_836, %swap3A_837] {strides = array<i32>} : memref<16x768xf32, #tpu.memory_space<vmem>>, vector<16xf32>,
        tpu.vector_store %arg16[%swap3A_836, %swap3A_837], %add3A_835 {strides = array<i32>} : memref<16x768xf32, #tpu.memory_space<vmem>>, vector<16xf32>,
        %sub3A_839 = arith.subf %add3A_187, %mul3A_741 : vector<16xf32>
        %mul3A_840 = arith.mulf %sub3A_839, %mul3A_805 : vector<16xf32>
        %get3A_841 = arith.constant 48 : index
        %get3A_842 = tpu.vector_load %arg12[%get3A_841] {strides = array<i32>} : memref<768xf32, #tpu.memory_space<vmem>>, vector<16xf32>,
        %mul3A_843 = arith.mulf %mul3A_840, %get3A_842 : vector<16xf32>
        %get3A_844 = arith.constant 48 : index
        %get3A_845 = tpu.vector_load %arg13[%get3A_844] {strides = array<i32>} : memref<768xf32, #tpu.memory_space<vmem>>, vector<16xf32>,
        %add3A_846 = arith.addf %mul3A_843, %get3A_845 : vector<16xf32>
        %swap3A_847 = arith.index_cast %scan3A_149 : i32 to index
        %swap3A_848 = arith.constant 48 : index
        %swap3A_849 = tpu.vector_load %arg16[%swap3A_847, %swap3A_848] {strides = array<i32>} : memref<16x768xf32, #tpu.memory_space<vmem>>, vector<16xf32>,
        tpu.vector_store %arg16[%swap3A_847, %swap3A_848], %add3A_846 {strides = array<i32>} : memref<16x768xf32, #tpu.memory_space<vmem>>, vector<16xf32>,
        %sub3A_850 = arith.subf %add3A_197, %mul3A_741 : vector<16xf32>
        %mul3A_851 = arith.mulf %sub3A_850, %mul3A_805 : vector<16xf32>
        %get3A_852 = arith.constant 64 : index
        %get3A_853 = tpu.vector_load %arg12[%get3A_852] {strides = array<i32>} : memref<768xf32, #tpu.memory_space<vmem>>, vector<16xf32>,
        %mul3A_854 = arith.mulf %mul3A_851, %get3A_853 : vector<16xf32>
        %get3A_855 = arith.constant 64 : index
        %get3A_856 = tpu.vector_load %arg13[%get3A_855] {strides = array<i32>} : memref<768xf32, #tpu.memory_space<vmem>>, vector<16xf32>,
        %add3A_857 = arith.addf %mul3A_854, %get3A_856 : vector<16xf32>
        %swap3A_858 = arith.index_cast %scan3A_149 : i32 to index
        %swap3A_859 = arith.constant 64 : index
        %swap3A_860 = tpu.vector_load %arg16[%swap3A_858, %swap3A_859] {strides = array<i32>} : memref<16x768xf32, #tpu.memory_space<vmem>>, vector<16xf32>,
        tpu.vector_store %arg16[%swap3A_858, %swap3A_859], %add3A_857 {strides = array<i32>} : memref<16x768xf32, #tpu.memory_space<vmem>>, vector<16xf32>,
        %sub3A_861 = arith.subf %add3A_207, %mul3A_741 : vector<16xf32>
        %mul3A_862 = arith.mulf %sub3A_861, %mul3A_805 : vector<16xf32>
        %get3A_863 = arith.constant 80 : index
        %get3A_864 = tpu.vector_load %arg12[%get3A_863] {strides = array<i32>} : memref<768xf32, #tpu.memory_space<vmem>>, vector<16xf32>,
        %mul3A_865 = arith.mulf %mul3A_862, %get3A_864 : vector<16xf32>
        %get3A_866 = arith.constant 80 : index
        %get3A_867 = tpu.vector_load %arg13[%get3A_866] {strides = array<i32>} : memref<768xf32, #tpu.memory_space<vmem>>, vector<16xf32>,
        %add3A_868 = arith.addf %mul3A_865, %get3A_867 : vector<16xf32>
        %swap3A_869 = arith.index_cast %scan3A_149 : i32 to index
        %swap3A_870 = arith.constant 80 : index
        %swap3A_871 = tpu.vector_load %arg16[%swap3A_869, %swap3A_870] {strides = array<i32>} : memref<16x768xf32, #tpu.memory_space<vmem>>, vector<16xf32>,
        tpu.vector_store %arg16[%swap3A_869, %swap3A_870], %add3A_868 {strides = array<i32>} : memref<16x768xf32, #tpu.memory_space<vmem>>, vector<16xf32>,
        %sub3A_872 = arith.subf %add3A_217, %mul3A_741 : vector<16xf32>
        %mul3A_873 = arith.mulf %sub3A_872, %mul3A_805 : vector<16xf32>
        %get3A_874 = arith.constant 96 : index
        %get3A_875 = tpu.vector_load %arg12[%get3A_874] {strides = array<i32>} : memref<768xf32, #tpu.memory_space<vmem>>, vector<16xf32>,
        %mul3A_876 = arith.mulf %mul3A_873, %get3A_875 : vector<16xf32>
        %get3A_877 = arith.constant 96 : index
        %get3A_878 = tpu.vector_load %arg13[%get3A_877] {strides = array<i32>} : memref<768xf32, #tpu.memory_space<vmem>>, vector<16xf32>,
        %add3A_879 = arith.addf %mul3A_876, %get3A_878 : vector<16xf32>
        %swap3A_880 = arith.index_cast %scan3A_149 : i32 to index
        %swap3A_881 = arith.constant 96 : index
        %swap3A_882 = tpu.vector_load %arg16[%swap3A_880, %swap3A_881] {strides = array<i32>} : memref<16x768xf32, #tpu.memory_space<vmem>>, vector<16xf32>,
        tpu.vector_store %arg16[%swap3A_880, %swap3A_881], %add3A_879 {strides = array<i32>} : memref<16x768xf32, #tpu.memory_space<vmem>>, vector<16xf32>,
        %sub3A_883 = arith.subf %add3A_227, %mul3A_741 : vector<16xf32>
        %mul3A_884 = arith.mulf %sub3A_883, %mul3A_805 : vector<16xf32>
        %get3A_885 = arith.constant 112 : index
        %get3A_886 = tpu.vector_load %arg12[%get3A_885] {strides = array<i32>} : memref<768xf32, #tpu.memory_space<vmem>>, vector<16xf32>,
        %mul3A_887 = arith.mulf %mul3A_884, %get3A_886 : vector<16xf32>
        %get3A_888 = arith.constant 112 : index
        %get3A_889 = tpu.vector_load %arg13[%get3A_888] {strides = array<i32>} : memref<768xf32, #tpu.memory_space<vmem>>, vector<16xf32>,
        %add3A_890 = arith.addf %mul3A_887, %get3A_889 : vector<16xf32>
        %swap3A_891 = arith.index_cast %scan3A_149 : i32 to index
        %swap3A_892 = arith.constant 112 : index
        %swap3A_893 = tpu.vector_load %arg16[%swap3A_891, %swap3A_892] {strides = array<i32>} : memref<16x768xf32, #tpu.memory_space<vmem>>, vector<16xf32>,
        tpu.vector_store %arg16[%swap3A_891, %swap3A_892], %add3A_890 {strides = array<i32>} : memref<16x768xf32, #tpu.memory_space<vmem>>, vector<16xf32>,
        %sub3A_894 = arith.subf %add3A_237, %mul3A_741 : vector<16xf32>
        %mul3A_895 = arith.mulf %sub3A_894, %mul3A_805 : vector<16xf32>
        %get3A_896 = arith.constant 128 : index
        %get3A_897 = tpu.vector_load %arg12[%get3A_896] {strides = array<i32>} : memref<768xf32, #tpu.memory_space<vmem>>, vector<16xf32>,
        %mul3A_898 = arith.mulf %mul3A_895, %get3A_897 : vector<16xf32>
        %get3A_899 = arith.constant 128 : index
        %get3A_900 = tpu.vector_load %arg13[%get3A_899] {strides = array<i32>} : memref<768xf32, #tpu.memory_space<vmem>>, vector<16xf32>,
        %add3A_901 = arith.addf %mul3A_898, %get3A_900 : vector<16xf32>
        %swap3A_902 = arith.index_cast %scan3A_149 : i32 to index
        %swap3A_903 = arith.constant 128 : index
        %swap3A_904 = tpu.vector_load %arg16[%swap3A_902, %swap3A_903] {strides = array<i32>} : memref<16x768xf32, #tpu.memory_space<vmem>>, vector<16xf32>,
        tpu.vector_store %arg16[%swap3A_902, %swap3A_903], %add3A_901 {strides = array<i32>} : memref<16x768xf32, #tpu.memory_space<vmem>>, vector<16xf32>,
        %sub3A_905 = arith.subf %add3A_247, %mul3A_741 : vector<16xf32>
        %mul3A_906 = arith.mulf %sub3A_905, %mul3A_805 : vector<16xf32>
        %get3A_907 = arith.constant 144 : index
        %get3A_908 = tpu.vector_load %arg12[%get3A_907] {strides = array<i32>} : memref<768xf32, #tpu.memory_space<vmem>>, vector<16xf32>,
        %mul3A_909 = arith.mulf %mul3A_906, %get3A_908 : vector<16xf32>
        %get3A_910 = arith.constant 144 : index
        %get3A_911 = tpu.vector_load %arg13[%get3A_910] {strides = array<i32>} : memref<768xf32, #tpu.memory_space<vmem>>, vector<16xf32>,
        %add3A_912 = arith.addf %mul3A_909, %get3A_911 : vector<16xf32>
        %swap3A_913 = arith.index_cast %scan3A_149 : i32 to index
        %swap3A_914 = arith.constant 144 : index
        %swap3A_915 = tpu.vector_load %arg16[%swap3A_913, %swap3A_914] {strides = array<i32>} : memref<16x768xf32, #tpu.memory_space<vmem>>, vector<16xf32>,
        tpu.vector_store %arg16[%swap3A_913, %swap3A_914], %add3A_912 {strides = array<i32>} : memref<16x768xf32, #tpu.memory_space<vmem>>, vector<16xf32>,
        %sub3A_916 = arith.subf %add3A_257, %mul3A_741 : vector<16xf32>
        %mul3A_917 = arith.mulf %sub3A_916, %mul3A_805 : vector<16xf32>
        %get3A_918 = arith.constant 160 : index
        %get3A_919 = tpu.vector_load %arg12[%get3A_918] {strides = array<i32>} : memref<768xf32, #tpu.memory_space<vmem>>, vector<16xf32>,
        %mul3A_920 = arith.mulf %mul3A_917, %get3A_919 : vector<16xf32>
        %get3A_921 = arith.constant 160 : index
        %get3A_922 = tpu.vector_load %arg13[%get3A_921] {strides = array<i32>} : memref<768xf32, #tpu.memory_space<vmem>>, vector<16xf32>,
        %add3A_923 = arith.addf %mul3A_920, %get3A_922 : vector<16xf32>
        %swap3A_924 = arith.index_cast %scan3A_149 : i32 to index
        %swap3A_925 = arith.constant 160 : index
        %swap3A_926 = tpu.vector_load %arg16[%swap3A_924, %swap3A_925] {strides = array<i32>} : memref<16x768xf32, #tpu.memory_space<vmem>>, vector<16xf32>,
        tpu.vector_store %arg16[%swap3A_924, %swap3A_925], %add3A_923 {strides = array<i32>} : memref<16x768xf32, #tpu.memory_space<vmem>>, vector<16xf32>,
        %sub3A_927 = arith.subf %add3A_267, %mul3A_741 : vector<16xf32>
        %mul3A_928 = arith.mulf %sub3A_927, %mul3A_805 : vector<16xf32>
        %get3A_929 = arith.constant 176 : index
        %get3A_930 = tpu.vector_load %arg12[%get3A_929] {strides = array<i32>} : memref<768xf32, #tpu.memory_space<vmem>>, vector<16xf32>,
        %mul3A_931 = arith.mulf %mul3A_928, %get3A_930 : vector<16xf32>
        %get3A_932 = arith.constant 176 : index
        %get3A_933 = tpu.vector_load %arg13[%get3A_932] {strides = array<i32>} : memref<768xf32, #tpu.memory_space<vmem>>, vector<16xf32>,
        %add3A_934 = arith.addf %mul3A_931, %get3A_933 : vector<16xf32>
        %swap3A_935 = arith.index_cast %scan3A_149 : i32 to index
        %swap3A_936 = arith.constant 176 : index
        %swap3A_937 = tpu.vector_load %arg16[%swap3A_935, %swap3A_936] {strides = array<i32>} : memref<16x768xf32, #tpu.memory_space<vmem>>, vector<16xf32>,
        tpu.vector_store %arg16[%swap3A_935, %swap3A_936], %add3A_934 {strides = array<i32>} : memref<16x768xf32, #tpu.memory_space<vmem>>, vector<16xf32>,
        %sub3A_938 = arith.subf %add3A_277, %mul3A_741 : vector<16xf32>
        %mul3A_939 = arith.mulf %sub3A_938, %mul3A_805 : vector<16xf32>
        %get3A_940 = arith.constant 192 : index
        %get3A_941 = tpu.vector_load %arg12[%get3A_940] {strides = array<i32>} : memref<768xf32, #tpu.memory_space<vmem>>, vector<16xf32>,
        %mul3A_942 = arith.mulf %mul3A_939, %get3A_941 : vector<16xf32>
        %get3A_943 = arith.constant 192 : index
        %get3A_944 = tpu.vector_load %arg13[%get3A_943] {strides = array<i32>} : memref<768xf32, #tpu.memory_space<vmem>>, vector<16xf32>,
        %add3A_945 = arith.addf %mul3A_942, %get3A_944 : vector<16xf32>
        %swap3A_946 = arith.index_cast %scan3A_149 : i32 to index
        %swap3A_947 = arith.constant 192 : index
        %swap3A_948 = tpu.vector_load %arg16[%swap3A_946, %swap3A_947] {strides = array<i32>} : memref<16x768xf32, #tpu.memory_space<vmem>>, vector<16xf32>,
        tpu.vector_store %arg16[%swap3A_946, %swap3A_947], %add3A_945 {strides = array<i32>} : memref<16x768xf32, #tpu.memory_space<vmem>>, vector<16xf32>,
        %sub3A_949 = arith.subf %add3A_287, %mul3A_741 : vector<16xf32>
        %mul3A_950 = arith.mulf %sub3A_949, %mul3A_805 : vector<16xf32>
        %get3A_951 = arith.constant 208 : index
        %get3A_952 = tpu.vector_load %arg12[%get3A_951] {strides = array<i32>} : memref<768xf32, #tpu.memory_space<vmem>>, vector<16xf32>,
        %mul3A_953 = arith.mulf %mul3A_950, %get3A_952 : vector<16xf32>
        %get3A_954 = arith.constant 208 : index
        %get3A_955 = tpu.vector_load %arg13[%get3A_954] {strides = array<i32>} : memref<768xf32, #tpu.memory_space<vmem>>, vector<16xf32>,
        %add3A_956 = arith.addf %mul3A_953, %get3A_955 : vector<16xf32>
        %swap3A_957 = arith.index_cast %scan3A_149 : i32 to index
        %swap3A_958 = arith.constant 208 : index
        %swap3A_959 = tpu.vector_load %arg16[%swap3A_957, %swap3A_958] {strides = array<i32>} : memref<16x768xf32, #tpu.memory_space<vmem>>, vector<16xf32>,
        tpu.vector_store %arg16[%swap3A_957, %swap3A_958], %add3A_956 {strides = array<i32>} : memref<16x768xf32, #tpu.memory_space<vmem>>, vector<16xf32>,
        %sub3A_960 = arith.subf %add3A_297, %mul3A_741 : vector<16xf32>
        %mul3A_961 = arith.mulf %sub3A_960, %mul3A_805 : vector<16xf32>
        %get3A_962 = arith.constant 224 : index
        %get3A_963 = tpu.vector_load %arg12[%get3A_962] {strides = array<i32>} : memref<768xf32, #tpu.memory_space<vmem>>, vector<16xf32>,
        %mul3A_964 = arith.mulf %mul3A_961, %get3A_963 : vector<16xf32>
        %get3A_965 = arith.constant 224 : index
        %get3A_966 = tpu.vector_load %arg13[%get3A_965] {strides = array<i32>} : memref<768xf32, #tpu.memory_space<vmem>>, vector<16xf32>,
        %add3A_967 = arith.addf %mul3A_964, %get3A_966 : vector<16xf32>
        %swap3A_968 = arith.index_cast %scan3A_149 : i32 to index
        %swap3A_969 = arith.constant 224 : index
        %swap3A_970 = tpu.vector_load %arg16[%swap3A_968, %swap3A_969] {strides = array<i32>} : memref<16x768xf32, #tpu.memory_space<vmem>>, vector<16xf32>,
        tpu.vector_store %arg16[%swap3A_968, %swap3A_969], %add3A_967 {strides = array<i32>} : memref<16x768xf32, #tpu.memory_space<vmem>>, vector<16xf32>,
        %sub3A_971 = arith.subf %add3A_307, %mul3A_741 : vector<16xf32>
        %mul3A_972 = arith.mulf %sub3A_971, %mul3A_805 : vector<16xf32>
        %get3A_973 = arith.constant 240 : index
        %get3A_974 = tpu.vector_load %arg12[%get3A_973] {strides = array<i32>} : memref<768xf32, #tpu.memory_space<vmem>>, vector<16xf32>,
        %mul3A_975 = arith.mulf %mul3A_972, %get3A_974 : vector<16xf32>
        %get3A_976 = arith.constant 240 : index
        %get3A_977 = tpu.vector_load %arg13[%get3A_976] {strides = array<i32>} : memref<768xf32, #tpu.memory_space<vmem>>, vector<16xf32>,
        %add3A_978 = arith.addf %mul3A_975, %get3A_977 : vector<16xf32>
        %swap3A_979 = arith.index_cast %scan3A_149 : i32 to index
        %swap3A_980 = arith.constant 240 : index
        %swap3A_981 = tpu.vector_load %arg16[%swap3A_979, %swap3A_980] {strides = array<i32>} : memref<16x768xf32, #tpu.memory_space<vmem>>, vector<16xf32>,
        tpu.vector_store %arg16[%swap3A_979, %swap3A_980], %add3A_978 {strides = array<i32>} : memref<16x768xf32, #tpu.memory_space<vmem>>, vector<16xf32>,
        %sub3A_982 = arith.subf %add3A_317, %mul3A_741 : vector<16xf32>
        %mul3A_983 = arith.mulf %sub3A_982, %mul3A_805 : vector<16xf32>
        %get3A_984 = arith.constant 256 : index
        %get3A_985 = tpu.vector_load %arg12[%get3A_984] {strides = array<i32>} : memref<768xf32, #tpu.memory_space<vmem>>, vector<16xf32>,
        %mul3A_986 = arith.mulf %mul3A_983, %get3A_985 : vector<16xf32>
        %get3A_987 = arith.constant 256 : index
        %get3A_988 = tpu.vector_load %arg13[%get3A_987] {strides = array<i32>} : memref<768xf32, #tpu.memory_space<vmem>>, vector<16xf32>,
        %add3A_989 = arith.addf %mul3A_986, %get3A_988 : vector<16xf32>
        %swap3A_990 = arith.index_cast %scan3A_149 : i32 to index
        %swap3A_991 = arith.constant 256 : index
        %swap3A_992 = tpu.vector_load %arg16[%swap3A_990, %swap3A_991] {strides = array<i32>} : memref<16x768xf32, #tpu.memory_space<vmem>>, vector<16xf32>,
        tpu.vector_store %arg16[%swap3A_990, %swap3A_991], %add3A_989 {strides = array<i32>} : memref<16x768xf32, #tpu.memory_space<vmem>>, vector<16xf32>,
        %sub3A_993 = arith.subf %add3A_327, %mul3A_741 : vector<16xf32>
        %mul3A_994 = arith.mulf %sub3A_993, %mul3A_805 : vector<16xf32>
        %get3A_995 = arith.constant 272 : index
        %get3A_996 = tpu.vector_load %arg12[%get3A_995] {strides = array<i32>} : memref<768xf32, #tpu.memory_space<vmem>>, vector<16xf32>,
        %mul3A_997 = arith.mulf %mul3A_994, %get3A_996 : vector<16xf32>
        %get3A_998 = arith.constant 272 : index
        %get3A_999 = tpu.vector_load %arg13[%get3A_998] {strides = array<i32>} : memref<768xf32, #tpu.memory_space<vmem>>, vector<16xf32>,
        %add3A_1000 = arith.addf %mul3A_997, %get3A_999 : vector<16xf32>
        %swap3A_1001 = arith.index_cast %scan3A_149 : i32 to index
        %swap3A_1002 = arith.constant 272 : index
        %swap3A_1003 = tpu.vector_load %arg16[%swap3A_1001, %swap3A_1002] {strides = array<i32>} : memref<16x768xf32, #tpu.memory_space<vmem>>, vector<16xf32>,
        tpu.vector_store %arg16[%swap3A_1001, %swap3A_1002], %add3A_1000 {strides = array<i32>} : memref<16x768xf32, #tpu.memory_space<vmem>>, vector<16xf32>,
        %sub3A_1004 = arith.subf %add3A_337, %mul3A_741 : vector<16xf32>
        %mul3A_1005 = arith.mulf %sub3A_1004, %mul3A_805 : vector<16xf32>
        %get3A_1006 = arith.constant 288 : index
        %get3A_1007 = tpu.vector_load %arg12[%get3A_1006] {strides = array<i32>} : memref<768xf32, #tpu.memory_space<vmem>>, vector<16xf32>,
        %mul3A_1008 = arith.mulf %mul3A_1005, %get3A_1007 : vector<16xf32>
        %get3A_1009 = arith.constant 288 : index
        %get3A_1010 = tpu.vector_load %arg13[%get3A_1009] {strides = array<i32>} : memref<768xf32, #tpu.memory_space<vmem>>, vector<16xf32>,
        %add3A_1011 = arith.addf %mul3A_1008, %get3A_1010 : vector<16xf32>
        %swap3A_1012 = arith.index_cast %scan3A_149 : i32 to index
        %swap3A_1013 = arith.constant 288 : index
        %swap3A_1014 = tpu.vector_load %arg16[%swap3A_1012, %swap3A_1013] {strides = array<i32>} : memref<16x768xf32, #tpu.memory_space<vmem>>, vector<16xf32>,
        tpu.vector_store %arg16[%swap3A_1012, %swap3A_1013], %add3A_1011 {strides = array<i32>} : memref<16x768xf32, #tpu.memory_space<vmem>>, vector<16xf32>,
        %sub3A_1015 = arith.subf %add3A_347, %mul3A_741 : vector<16xf32>
        %mul3A_1016 = arith.mulf %sub3A_1015, %mul3A_805 : vector<16xf32>
        %get3A_1017 = arith.constant 304 : index
        %get3A_1018 = tpu.vector_load %arg12[%get3A_1017] {strides = array<i32>} : memref<768xf32, #tpu.memory_space<vmem>>, vector<16xf32>,
        %mul3A_1019 = arith.mulf %mul3A_1016, %get3A_1018 : vector<16xf32>
        %get3A_1020 = arith.constant 304 : index
        %get3A_1021 = tpu.vector_load %arg13[%get3A_1020] {strides = array<i32>} : memref<768xf32, #tpu.memory_space<vmem>>, vector<16xf32>,
        %add3A_1022 = arith.addf %mul3A_1019, %get3A_1021 : vector<16xf32>
        %swap3A_1023 = arith.index_cast %scan3A_149 : i32 to index
        %swap3A_1024 = arith.constant 304 : index
        %swap3A_1025 = tpu.vector_load %arg16[%swap3A_1023, %swap3A_1024] {strides = array<i32>} : memref<16x768xf32, #tpu.memory_space<vmem>>, vector<16xf32>,
        tpu.vector_store %arg16[%swap3A_1023, %swap3A_1024], %add3A_1022 {strides = array<i32>} : memref<16x768xf32, #tpu.memory_space<vmem>>, vector<16xf32>,
        %sub3A_1026 = arith.subf %add3A_357, %mul3A_741 : vector<16xf32>
        %mul3A_1027 = arith.mulf %sub3A_1026, %mul3A_805 : vector<16xf32>
        %get3A_1028 = arith.constant 320 : index
        %get3A_1029 = tpu.vector_load %arg12[%get3A_1028] {strides = array<i32>} : memref<768xf32, #tpu.memory_space<vmem>>, vector<16xf32>,
        %mul3A_1030 = arith.mulf %mul3A_1027, %get3A_1029 : vector<16xf32>
        %get3A_1031 = arith.constant 320 : index
        %get3A_1032 = tpu.vector_load %arg13[%get3A_1031] {strides = array<i32>} : memref<768xf32, #tpu.memory_space<vmem>>, vector<16xf32>,
        %add3A_1033 = arith.addf %mul3A_1030, %get3A_1032 : vector<16xf32>
        %swap3A_1034 = arith.index_cast %scan3A_149 : i32 to index
        %swap3A_1035 = arith.constant 320 : index
        %swap3A_1036 = tpu.vector_load %arg16[%swap3A_1034, %swap3A_1035] {strides = array<i32>} : memref<16x768xf32, #tpu.memory_space<vmem>>, vector<16xf32>,
        tpu.vector_store %arg16[%swap3A_1034, %swap3A_1035], %add3A_1033 {strides = array<i32>} : memref<16x768xf32, #tpu.memory_space<vmem>>, vector<16xf32>,
        %sub3A_1037 = arith.subf %add3A_367, %mul3A_741 : vector<16xf32>
        %mul3A_1038 = arith.mulf %sub3A_1037, %mul3A_805 : vector<16xf32>
        %get3A_1039 = arith.constant 336 : index
        %get3A_1040 = tpu.vector_load %arg12[%get3A_1039] {strides = array<i32>} : memref<768xf32, #tpu.memory_space<vmem>>, vector<16xf32>,
        %mul3A_1041 = arith.mulf %mul3A_1038, %get3A_1040 : vector<16xf32>
        %get3A_1042 = arith.constant 336 : index
        %get3A_1043 = tpu.vector_load %arg13[%get3A_1042] {strides = array<i32>} : memref<768xf32, #tpu.memory_space<vmem>>, vector<16xf32>,
        %add3A_1044 = arith.addf %mul3A_1041, %get3A_1043 : vector<16xf32>
        %swap3A_1045 = arith.index_cast %scan3A_149 : i32 to index
        %swap3A_1046 = arith.constant 336 : index
        %swap3A_1047 = tpu.vector_load %arg16[%swap3A_1045, %swap3A_1046] {strides = array<i32>} : memref<16x768xf32, #tpu.memory_space<vmem>>, vector<16xf32>,
        tpu.vector_store %arg16[%swap3A_1045, %swap3A_1046], %add3A_1044 {strides = array<i32>} : memref<16x768xf32, #tpu.memory_space<vmem>>, vector<16xf32>,
        %sub3A_1048 = arith.subf %add3A_377, %mul3A_741 : vector<16xf32>
        %mul3A_1049 = arith.mulf %sub3A_1048, %mul3A_805 : vector<16xf32>
        %get3A_1050 = arith.constant 352 : index
        %get3A_1051 = tpu.vector_load %arg12[%get3A_1050] {strides = array<i32>} : memref<768xf32, #tpu.memory_space<vmem>>, vector<16xf32>,
        %mul3A_1052 = arith.mulf %mul3A_1049, %get3A_1051 : vector<16xf32>
        %get3A_1053 = arith.constant 352 : index
        %get3A_1054 = tpu.vector_load %arg13[%get3A_1053] {strides = array<i32>} : memref<768xf32, #tpu.memory_space<vmem>>, vector<16xf32>,
        %add3A_1055 = arith.addf %mul3A_1052, %get3A_1054 : vector<16xf32>
        %swap3A_1056 = arith.index_cast %scan3A_149 : i32 to index
        %swap3A_1057 = arith.constant 352 : index
        %swap3A_1058 = tpu.vector_load %arg16[%swap3A_1056, %swap3A_1057] {strides = array<i32>} : memref<16x768xf32, #tpu.memory_space<vmem>>, vector<16xf32>,
        tpu.vector_store %arg16[%swap3A_1056, %swap3A_1057], %add3A_1055 {strides = array<i32>} : memref<16x768xf32, #tpu.memory_space<vmem>>, vector<16xf32>,
        %sub3A_1059 = arith.subf %add3A_387, %mul3A_741 : vector<16xf32>
        %mul3A_1060 = arith.mulf %sub3A_1059, %mul3A_805 : vector<16xf32>
        %get3A_1061 = arith.constant 368 : index
        %get3A_1062 = tpu.vector_load %arg12[%get3A_1061] {strides = array<i32>} : memref<768xf32, #tpu.memory_space<vmem>>, vector<16xf32>,
        %mul3A_1063 = arith.mulf %mul3A_1060, %get3A_1062 : vector<16xf32>
        %get3A_1064 = arith.constant 368 : index
        %get3A_1065 = tpu.vector_load %arg13[%get3A_1064] {strides = array<i32>} : memref<768xf32, #tpu.memory_space<vmem>>, vector<16xf32>,
        %add3A_1066 = arith.addf %mul3A_1063, %get3A_1065 : vector<16xf32>
        %swap3A_1067 = arith.index_cast %scan3A_149 : i32 to index
        %swap3A_1068 = arith.constant 368 : index
        %swap3A_1069 = tpu.vector_load %arg16[%swap3A_1067, %swap3A_1068] {strides = array<i32>} : memref<16x768xf32, #tpu.memory_space<vmem>>, vector<16xf32>,
        tpu.vector_store %arg16[%swap3A_1067, %swap3A_1068], %add3A_1066 {strides = array<i32>} : memref<16x768xf32, #tpu.memory_space<vmem>>, vector<16xf32>,
        %get3A_1070 = arith.index_cast %scan3A_149 : i32 to index
        %get3A_1071 = arith.constant 384 : index
        %get3A_1072 = tpu.vector_load %arg16[%get3A_1070, %get3A_1071] {strides = array<i32>} : memref<16x768xf32, #tpu.memory_space<vmem>>, vector<16xf32>,
        %sub3A_1073 = arith.subf %get3A_1072, %mul3A_741 : vector<16xf32>
        %mul3A_1074 = arith.mulf %sub3A_1073, %mul3A_805 : vector<16xf32>
        %get3A_1075 = arith.constant 384 : index
        %get3A_1076 = tpu.vector_load %arg12[%get3A_1075] {strides = array<i32>} : memref<768xf32, #tpu.memory_space<vmem>>, vector<16xf32>,
        %mul3A_1077 = arith.mulf %mul3A_1074, %get3A_1076 : vector<16xf32>
        %get3A_1078 = arith.constant 384 : index
        %get3A_1079 = tpu.vector_load %arg13[%get3A_1078] {strides = array<i32>} : memref<768xf32, #tpu.memory_space<vmem>>, vector<16xf32>,
        %add3A_1080 = arith.addf %mul3A_1077, %get3A_1079 : vector<16xf32>
        %swap3A_1081 = arith.index_cast %scan3A_149 : i32 to index
        %swap3A_1082 = arith.constant 384 : index
        %swap3A_1083 = tpu.vector_load %arg16[%swap3A_1081, %swap3A_1082] {strides = array<i32>} : memref<16x768xf32, #tpu.memory_space<vmem>>, vector<16xf32>,
        tpu.vector_store %arg16[%swap3A_1081, %swap3A_1082], %add3A_1080 {strides = array<i32>} : memref<16x768xf32, #tpu.memory_space<vmem>>, vector<16xf32>,
        %get3A_1084 = arith.index_cast %scan3A_149 : i32 to index
        %get3A_1085 = arith.constant 400 : index
        %get3A_1086 = tpu.vector_load %arg16[%get3A_1084, %get3A_1085] {strides = array<i32>} : memref<16x768xf32, #tpu.memory_space<vmem>>, vector<16xf32>,
        %sub3A_1087 = arith.subf %get3A_1086, %mul3A_741 : vector<16xf32>
        %mul3A_1088 = arith.mulf %sub3A_1087, %mul3A_805 : vector<16xf32>
        %get3A_1089 = arith.constant 400 : index
        %get3A_1090 = tpu.vector_load %arg12[%get3A_1089] {strides = array<i32>} : memref<768xf32, #tpu.memory_space<vmem>>, vector<16xf32>,
        %mul3A_1091 = arith.mulf %mul3A_1088, %get3A_1090 : vector<16xf32>
        %get3A_1092 = arith.constant 400 : index
        %get3A_1093 = tpu.vector_load %arg13[%get3A_1092] {strides = array<i32>} : memref<768xf32, #tpu.memory_space<vmem>>, vector<16xf32>,
        %add3A_1094 = arith.addf %mul3A_1091, %get3A_1093 : vector<16xf32>
        %swap3A_1095 = arith.index_cast %scan3A_149 : i32 to index
        %swap3A_1096 = arith.constant 400 : index
        %swap3A_1097 = tpu.vector_load %arg16[%swap3A_1095, %swap3A_1096] {strides = array<i32>} : memref<16x768xf32, #tpu.memory_space<vmem>>, vector<16xf32>,
        tpu.vector_store %arg16[%swap3A_1095, %swap3A_1096], %add3A_1094 {strides = array<i32>} : memref<16x768xf32, #tpu.memory_space<vmem>>, vector<16xf32>,
        %get3A_1098 = arith.index_cast %scan3A_149 : i32 to index
        %get3A_1099 = arith.constant 416 : index
        %get3A_1100 = tpu.vector_load %arg16[%get3A_1098, %get3A_1099] {strides = array<i32>} : memref<16x768xf32, #tpu.memory_space<vmem>>, vector<16xf32>,
        %sub3A_1101 = arith.subf %get3A_1100, %mul3A_741 : vector<16xf32>
        %mul3A_1102 = arith.mulf %sub3A_1101, %mul3A_805 : vector<16xf32>
        %get3A_1103 = arith.constant 416 : index
        %get3A_1104 = tpu.vector_load %arg12[%get3A_1103] {strides = array<i32>} : memref<768xf32, #tpu.memory_space<vmem>>, vector<16xf32>,
        %mul3A_1105 = arith.mulf %mul3A_1102, %get3A_1104 : vector<16xf32>
        %get3A_1106 = arith.constant 416 : index
        %get3A_1107 = tpu.vector_load %arg13[%get3A_1106] {strides = array<i32>} : memref<768xf32, #tpu.memory_space<vmem>>, vector<16xf32>,
        %add3A_1108 = arith.addf %mul3A_1105, %get3A_1107 : vector<16xf32>
        %swap3A_1109 = arith.index_cast %scan3A_149 : i32 to index
        %swap3A_1110 = arith.constant 416 : index
        %swap3A_1111 = tpu.vector_load %arg16[%swap3A_1109, %swap3A_1110] {strides = array<i32>} : memref<16x768xf32, #tpu.memory_space<vmem>>, vector<16xf32>,
        tpu.vector_store %arg16[%swap3A_1109, %swap3A_1110], %add3A_1108 {strides = array<i32>} : memref<16x768xf32, #tpu.memory_space<vmem>>, vector<16xf32>,
        %get3A_1112 = arith.index_cast %scan3A_149 : i32 to index
        %get3A_1113 = arith.constant 432 : index
        %get3A_1114 = tpu.vector_load %arg16[%get3A_1112, %get3A_1113] {strides = array<i32>} : memref<16x768xf32, #tpu.memory_space<vmem>>, vector<16xf32>,
        %sub3A_1115 = arith.subf %get3A_1114, %mul3A_741 : vector<16xf32>
        %mul3A_1116 = arith.mulf %sub3A_1115, %mul3A_805 : vector<16xf32>
        %get3A_1117 = arith.constant 432 : index
        %get3A_1118 = tpu.vector_load %arg12[%get3A_1117] {strides = array<i32>} : memref<768xf32, #tpu.memory_space<vmem>>, vector<16xf32>,
        %mul3A_1119 = arith.mulf %mul3A_1116, %get3A_1118 : vector<16xf32>
        %get3A_1120 = arith.constant 432 : index
        %get3A_1121 = tpu.vector_load %arg13[%get3A_1120] {strides = array<i32>} : memref<768xf32, #tpu.memory_space<vmem>>, vector<16xf32>,
        %add3A_1122 = arith.addf %mul3A_1119, %get3A_1121 : vector<16xf32>
        %swap3A_1123 = arith.index_cast %scan3A_149 : i32 to index
        %swap3A_1124 = arith.constant 432 : index
        %swap3A_1125 = tpu.vector_load %arg16[%swap3A_1123, %swap3A_1124] {strides = array<i32>} : memref<16x768xf32, #tpu.memory_space<vmem>>, vector<16xf32>,
        tpu.vector_store %arg16[%swap3A_1123, %swap3A_1124], %add3A_1122 {strides = array<i32>} : memref<16x768xf32, #tpu.memory_space<vmem>>, vector<16xf32>,
        %get3A_1126 = arith.index_cast %scan3A_149 : i32 to index
        %get3A_1127 = arith.constant 448 : index
        %get3A_1128 = tpu.vector_load %arg16[%get3A_1126, %get3A_1127] {strides = array<i32>} : memref<16x768xf32, #tpu.memory_space<vmem>>, vector<16xf32>,
        %sub3A_1129 = arith.subf %get3A_1128, %mul3A_741 : vector<16xf32>
        %mul3A_1130 = arith.mulf %sub3A_1129, %mul3A_805 : vector<16xf32>
        %get3A_1131 = arith.constant 448 : index
        %get3A_1132 = tpu.vector_load %arg12[%get3A_1131] {strides = array<i32>} : memref<768xf32, #tpu.memory_space<vmem>>, vector<16xf32>,
        %mul3A_1133 = arith.mulf %mul3A_1130, %get3A_1132 : vector<16xf32>
        %get3A_1134 = arith.constant 448 : index
        %get3A_1135 = tpu.vector_load %arg13[%get3A_1134] {strides = array<i32>} : memref<768xf32, #tpu.memory_space<vmem>>, vector<16xf32>,
        %add3A_1136 = arith.addf %mul3A_1133, %get3A_1135 : vector<16xf32>
        %swap3A_1137 = arith.index_cast %scan3A_149 : i32 to index
        %swap3A_1138 = arith.constant 448 : index
        %swap3A_1139 = tpu.vector_load %arg16[%swap3A_1137, %swap3A_1138] {strides = array<i32>} : memref<16x768xf32, #tpu.memory_space<vmem>>, vector<16xf32>,
        tpu.vector_store %arg16[%swap3A_1137, %swap3A_1138], %add3A_1136 {strides = array<i32>} : memref<16x768xf32, #tpu.memory_space<vmem>>, vector<16xf32>,
        %get3A_1140 = arith.index_cast %scan3A_149 : i32 to index
        %get3A_1141 = arith.constant 464 : index
        %get3A_1142 = tpu.vector_load %arg16[%get3A_1140, %get3A_1141] {strides = array<i32>} : memref<16x768xf32, #tpu.memory_space<vmem>>, vector<16xf32>,
        %sub3A_1143 = arith.subf %get3A_1142, %mul3A_741 : vector<16xf32>
        %mul3A_1144 = arith.mulf %sub3A_1143, %mul3A_805 : vector<16xf32>
        %get3A_1145 = arith.constant 464 : index
        %get3A_1146 = tpu.vector_load %arg12[%get3A_1145] {strides = array<i32>} : memref<768xf32, #tpu.memory_space<vmem>>, vector<16xf32>,
        %mul3A_1147 = arith.mulf %mul3A_1144, %get3A_1146 : vector<16xf32>
        %get3A_1148 = arith.constant 464 : index
        %get3A_1149 = tpu.vector_load %arg13[%get3A_1148] {strides = array<i32>} : memref<768xf32, #tpu.memory_space<vmem>>, vector<16xf32>,
        %add3A_1150 = arith.addf %mul3A_1147, %get3A_1149 : vector<16xf32>
        %swap3A_1151 = arith.index_cast %scan3A_149 : i32 to index
        %swap3A_1152 = arith.constant 464 : index
        %swap3A_1153 = tpu.vector_load %arg16[%swap3A_1151, %swap3A_1152] {strides = array<i32>} : memref<16x768xf32, #tpu.memory_space<vmem>>, vector<16xf32>,
        tpu.vector_store %arg16[%swap3A_1151, %swap3A_1152], %add3A_1150 {strides = array<i32>} : memref<16x768xf32, #tpu.memory_space<vmem>>, vector<16xf32>,
        %get3A_1154 = arith.index_cast %scan3A_149 : i32 to index
        %get3A_1155 = arith.constant 480 : index
        %get3A_1156 = tpu.vector_load %arg16[%get3A_1154, %get3A_1155] {strides = array<i32>} : memref<16x768xf32, #tpu.memory_space<vmem>>, vector<16xf32>,
        %sub3A_1157 = arith.subf %get3A_1156, %mul3A_741 : vector<16xf32>
        %mul3A_1158 = arith.mulf %sub3A_1157, %mul3A_805 : vector<16xf32>
        %get3A_1159 = arith.constant 480 : index
        %get3A_1160 = tpu.vector_load %arg12[%get3A_1159] {strides = array<i32>} : memref<768xf32, #tpu.memory_space<vmem>>, vector<16xf32>,
        %mul3A_1161 = arith.mulf %mul3A_1158, %get3A_1160 : vector<16xf32>
        %get3A_1162 = arith.constant 480 : index
        %get3A_1163 = tpu.vector_load %arg13[%get3A_1162] {strides = array<i32>} : memref<768xf32, #tpu.memory_space<vmem>>, vector<16xf32>,
        %add3A_1164 = arith.addf %mul3A_1161, %get3A_1163 : vector<16xf32>
        %swap3A_1165 = arith.index_cast %scan3A_149 : i32 to index
        %swap3A_1166 = arith.constant 480 : index
        %swap3A_1167 = tpu.vector_load %arg16[%swap3A_1165, %swap3A_1166] {strides = array<i32>} : memref<16x768xf32, #tpu.memory_space<vmem>>, vector<16xf32>,
        tpu.vector_store %arg16[%swap3A_1165, %swap3A_1166], %add3A_1164 {strides = array<i32>} : memref<16x768xf32, #tpu.memory_space<vmem>>, vector<16xf32>,
        %get3A_1168 = arith.index_cast %scan3A_149 : i32 to index
        %get3A_1169 = arith.constant 496 : index
        %get3A_1170 = tpu.vector_load %arg16[%get3A_1168, %get3A_1169] {strides = array<i32>} : memref<16x768xf32, #tpu.memory_space<vmem>>, vector<16xf32>,
        %sub3A_1171 = arith.subf %get3A_1170, %mul3A_741 : vector<16xf32>
        %mul3A_1172 = arith.mulf %sub3A_1171, %mul3A_805 : vector<16xf32>
        %get3A_1173 = arith.constant 496 : index
        %get3A_1174 = tpu.vector_load %arg12[%get3A_1173] {strides = array<i32>} : memref<768xf32, #tpu.memory_space<vmem>>, vector<16xf32>,
        %mul3A_1175 = arith.mulf %mul3A_1172, %get3A_1174 : vector<16xf32>
        %get3A_1176 = arith.constant 496 : index
        %get3A_1177 = tpu.vector_load %arg13[%get3A_1176] {strides = array<i32>} : memref<768xf32, #tpu.memory_space<vmem>>, vector<16xf32>,
        %add3A_1178 = arith.addf %mul3A_1175, %get3A_1177 : vector<16xf32>
        %swap3A_1179 = arith.index_cast %scan3A_149 : i32 to index
        %swap3A_1180 = arith.constant 496 : index
        %swap3A_1181 = tpu.vector_load %arg16[%swap3A_1179, %swap3A_1180] {strides = array<i32>} : memref<16x768xf32, #tpu.memory_space<vmem>>, vector<16xf32>,
        tpu.vector_store %arg16[%swap3A_1179, %swap3A_1180], %add3A_1178 {strides = array<i32>} : memref<16x768xf32, #tpu.memory_space<vmem>>, vector<16xf32>,
        %get3A_1182 = arith.index_cast %scan3A_149 : i32 to index
        %get3A_1183 = arith.constant 512 : index
        %get3A_1184 = tpu.vector_load %arg16[%get3A_1182, %get3A_1183] {strides = array<i32>} : memref<16x768xf32, #tpu.memory_space<vmem>>, vector<16xf32>,
        %sub3A_1185 = arith.subf %get3A_1184, %mul3A_741 : vector<16xf32>
        %mul3A_1186 = arith.mulf %sub3A_1185, %mul3A_805 : vector<16xf32>
        %get3A_1187 = arith.constant 512 : index
        %get3A_1188 = tpu.vector_load %arg12[%get3A_1187] {strides = array<i32>} : memref<768xf32, #tpu.memory_space<vmem>>, vector<16xf32>,
        %mul3A_1189 = arith.mulf %mul3A_1186, %get3A_1188 : vector<16xf32>
        %get3A_1190 = arith.constant 512 : index
        %get3A_1191 = tpu.vector_load %arg13[%get3A_1190] {strides = array<i32>} : memref<768xf32, #tpu.memory_space<vmem>>, vector<16xf32>,
        %add3A_1192 = arith.addf %mul3A_1189, %get3A_1191 : vector<16xf32>
        %swap3A_1193 = arith.index_cast %scan3A_149 : i32 to index
        %swap3A_1194 = arith.constant 512 : index
        %swap3A_1195 = tpu.vector_load %arg16[%swap3A_1193, %swap3A_1194] {strides = array<i32>} : memref<16x768xf32, #tpu.memory_space<vmem>>, vector<16xf32>,
        tpu.vector_store %arg16[%swap3A_1193, %swap3A_1194], %add3A_1192 {strides = array<i32>} : memref<16x768xf32, #tpu.memory_space<vmem>>, vector<16xf32>,
        %get3A_1196 = arith.index_cast %scan3A_149 : i32 to index
        %get3A_1197 = arith.constant 528 : index
        %get3A_1198 = tpu.vector_load %arg16[%get3A_1196, %get3A_1197] {strides = array<i32>} : memref<16x768xf32, #tpu.memory_space<vmem>>, vector<16xf32>,
        %sub3A_1199 = arith.subf %get3A_1198, %mul3A_741 : vector<16xf32>
        %mul3A_1200 = arith.mulf %sub3A_1199, %mul3A_805 : vector<16xf32>
        %get3A_1201 = arith.constant 528 : index
        %get3A_1202 = tpu.vector_load %arg12[%get3A_1201] {strides = array<i32>} : memref<768xf32, #tpu.memory_space<vmem>>, vector<16xf32>,
        %mul3A_1203 = arith.mulf %mul3A_1200, %get3A_1202 : vector<16xf32>
        %get3A_1204 = arith.constant 528 : index
        %get3A_1205 = tpu.vector_load %arg13[%get3A_1204] {strides = array<i32>} : memref<768xf32, #tpu.memory_space<vmem>>, vector<16xf32>,
        %add3A_1206 = arith.addf %mul3A_1203, %get3A_1205 : vector<16xf32>
        %swap3A_1207 = arith.index_cast %scan3A_149 : i32 to index
        %swap3A_1208 = arith.constant 528 : index
        %swap3A_1209 = tpu.vector_load %arg16[%swap3A_1207, %swap3A_1208] {strides = array<i32>} : memref<16x768xf32, #tpu.memory_space<vmem>>, vector<16xf32>,
        tpu.vector_store %arg16[%swap3A_1207, %swap3A_1208], %add3A_1206 {strides = array<i32>} : memref<16x768xf32, #tpu.memory_space<vmem>>, vector<16xf32>,
        %get3A_1210 = arith.index_cast %scan3A_149 : i32 to index
        %get3A_1211 = arith.constant 544 : index
        %get3A_1212 = tpu.vector_load %arg16[%get3A_1210, %get3A_1211] {strides = array<i32>} : memref<16x768xf32, #tpu.memory_space<vmem>>, vector<16xf32>,
        %sub3A_1213 = arith.subf %get3A_1212, %mul3A_741 : vector<16xf32>
        %mul3A_1214 = arith.mulf %sub3A_1213, %mul3A_805 : vector<16xf32>
        %get3A_1215 = arith.constant 544 : index
        %get3A_1216 = tpu.vector_load %arg12[%get3A_1215] {strides = array<i32>} : memref<768xf32, #tpu.memory_space<vmem>>, vector<16xf32>,
        %mul3A_1217 = arith.mulf %mul3A_1214, %get3A_1216 : vector<16xf32>
        %get3A_1218 = arith.constant 544 : index
        %get3A_1219 = tpu.vector_load %arg13[%get3A_1218] {strides = array<i32>} : memref<768xf32, #tpu.memory_space<vmem>>, vector<16xf32>,
        %add3A_1220 = arith.addf %mul3A_1217, %get3A_1219 : vector<16xf32>
        %swap3A_1221 = arith.index_cast %scan3A_149 : i32 to index
        %swap3A_1222 = arith.constant 544 : index
        %swap3A_1223 = tpu.vector_load %arg16[%swap3A_1221, %swap3A_1222] {strides = array<i32>} : memref<16x768xf32, #tpu.memory_space<vmem>>, vector<16xf32>,
        tpu.vector_store %arg16[%swap3A_1221, %swap3A_1222], %add3A_1220 {strides = array<i32>} : memref<16x768xf32, #tpu.memory_space<vmem>>, vector<16xf32>,
        %get3A_1224 = arith.index_cast %scan3A_149 : i32 to index
        %get3A_1225 = arith.constant 560 : index
        %get3A_1226 = tpu.vector_load %arg16[%get3A_1224, %get3A_1225] {strides = array<i32>} : memref<16x768xf32, #tpu.memory_space<vmem>>, vector<16xf32>,
        %sub3A_1227 = arith.subf %get3A_1226, %mul3A_741 : vector<16xf32>
        %mul3A_1228 = arith.mulf %sub3A_1227, %mul3A_805 : vector<16xf32>
        %get3A_1229 = arith.constant 560 : index
        %get3A_1230 = tpu.vector_load %arg12[%get3A_1229] {strides = array<i32>} : memref<768xf32, #tpu.memory_space<vmem>>, vector<16xf32>,
        %mul3A_1231 = arith.mulf %mul3A_1228, %get3A_1230 : vector<16xf32>
        %get3A_1232 = arith.constant 560 : index
        %get3A_1233 = tpu.vector_load %arg13[%get3A_1232] {strides = array<i32>} : memref<768xf32, #tpu.memory_space<vmem>>, vector<16xf32>,
        %add3A_1234 = arith.addf %mul3A_1231, %get3A_1233 : vector<16xf32>
        %swap3A_1235 = arith.index_cast %scan3A_149 : i32 to index
        %swap3A_1236 = arith.constant 560 : index
        %swap3A_1237 = tpu.vector_load %arg16[%swap3A_1235, %swap3A_1236] {strides = array<i32>} : memref<16x768xf32, #tpu.memory_space<vmem>>, vector<16xf32>,
        tpu.vector_store %arg16[%swap3A_1235, %swap3A_1236], %add3A_1234 {strides = array<i32>} : memref<16x768xf32, #tpu.memory_space<vmem>>, vector<16xf32>,
        %get3A_1238 = arith.index_cast %scan3A_149 : i32 to index
        %get3A_1239 = arith.constant 576 : index
        %get3A_1240 = tpu.vector_load %arg16[%get3A_1238, %get3A_1239] {strides = array<i32>} : memref<16x768xf32, #tpu.memory_space<vmem>>, vector<16xf32>,
        %sub3A_1241 = arith.subf %get3A_1240, %mul3A_741 : vector<16xf32>
        %mul3A_1242 = arith.mulf %sub3A_1241, %mul3A_805 : vector<16xf32>
        %get3A_1243 = arith.constant 576 : index
        %get3A_1244 = tpu.vector_load %arg12[%get3A_1243] {strides = array<i32>} : memref<768xf32, #tpu.memory_space<vmem>>, vector<16xf32>,
        %mul3A_1245 = arith.mulf %mul3A_1242, %get3A_1244 : vector<16xf32>
        %get3A_1246 = arith.constant 576 : index
        %get3A_1247 = tpu.vector_load %arg13[%get3A_1246] {strides = array<i32>} : memref<768xf32, #tpu.memory_space<vmem>>, vector<16xf32>,
        %add3A_1248 = arith.addf %mul3A_1245, %get3A_1247 : vector<16xf32>
        %swap3A_1249 = arith.index_cast %scan3A_149 : i32 to index
        %swap3A_1250 = arith.constant 576 : index
        %swap3A_1251 = tpu.vector_load %arg16[%swap3A_1249, %swap3A_1250] {strides = array<i32>} : memref<16x768xf32, #tpu.memory_space<vmem>>, vector<16xf32>,
        tpu.vector_store %arg16[%swap3A_1249, %swap3A_1250], %add3A_1248 {strides = array<i32>} : memref<16x768xf32, #tpu.memory_space<vmem>>, vector<16xf32>,
        %get3A_1252 = arith.index_cast %scan3A_149 : i32 to index
        %get3A_1253 = arith.constant 592 : index
        %get3A_1254 = tpu.vector_load %arg16[%get3A_1252, %get3A_1253] {strides = array<i32>} : memref<16x768xf32, #tpu.memory_space<vmem>>, vector<16xf32>,
        %sub3A_1255 = arith.subf %get3A_1254, %mul3A_741 : vector<16xf32>
        %mul3A_1256 = arith.mulf %sub3A_1255, %mul3A_805 : vector<16xf32>
        %get3A_1257 = arith.constant 592 : index
        %get3A_1258 = tpu.vector_load %arg12[%get3A_1257] {strides = array<i32>} : memref<768xf32, #tpu.memory_space<vmem>>, vector<16xf32>,
        %mul3A_1259 = arith.mulf %mul3A_1256, %get3A_1258 : vector<16xf32>
        %get3A_1260 = arith.constant 592 : index
        %get3A_1261 = tpu.vector_load %arg13[%get3A_1260] {strides = array<i32>} : memref<768xf32, #tpu.memory_space<vmem>>, vector<16xf32>,
        %add3A_1262 = arith.addf %mul3A_1259, %get3A_1261 : vector<16xf32>
        %swap3A_1263 = arith.index_cast %scan3A_149 : i32 to index
        %swap3A_1264 = arith.constant 592 : index
        %swap3A_1265 = tpu.vector_load %arg16[%swap3A_1263, %swap3A_1264] {strides = array<i32>} : memref<16x768xf32, #tpu.memory_space<vmem>>, vector<16xf32>,
        tpu.vector_store %arg16[%swap3A_1263, %swap3A_1264], %add3A_1262 {strides = array<i32>} : memref<16x768xf32, #tpu.memory_space<vmem>>, vector<16xf32>,
        %get3A_1266 = arith.index_cast %scan3A_149 : i32 to index
        %get3A_1267 = arith.constant 608 : index
        %get3A_1268 = tpu.vector_load %arg16[%get3A_1266, %get3A_1267] {strides = array<i32>} : memref<16x768xf32, #tpu.memory_space<vmem>>, vector<16xf32>,
        %sub3A_1269 = arith.subf %get3A_1268, %mul3A_741 : vector<16xf32>
        %mul3A_1270 = arith.mulf %sub3A_1269, %mul3A_805 : vector<16xf32>
        %get3A_1271 = arith.constant 608 : index
        %get3A_1272 = tpu.vector_load %arg12[%get3A_1271] {strides = array<i32>} : memref<768xf32, #tpu.memory_space<vmem>>, vector<16xf32>,
        %mul3A_1273 = arith.mulf %mul3A_1270, %get3A_1272 : vector<16xf32>
        %get3A_1274 = arith.constant 608 : index
        %get3A_1275 = tpu.vector_load %arg13[%get3A_1274] {strides = array<i32>} : memref<768xf32, #tpu.memory_space<vmem>>, vector<16xf32>,
        %add3A_1276 = arith.addf %mul3A_1273, %get3A_1275 : vector<16xf32>
        %swap3A_1277 = arith.index_cast %scan3A_149 : i32 to index
        %swap3A_1278 = arith.constant 608 : index
        %swap3A_1279 = tpu.vector_load %arg16[%swap3A_1277, %swap3A_1278] {strides = array<i32>} : memref<16x768xf32, #tpu.memory_space<vmem>>, vector<16xf32>,
        tpu.vector_store %arg16[%swap3A_1277, %swap3A_1278], %add3A_1276 {strides = array<i32>} : memref<16x768xf32, #tpu.memory_space<vmem>>, vector<16xf32>,
        %get3A_1280 = arith.index_cast %scan3A_149 : i32 to index
        %get3A_1281 = arith.constant 624 : index
        %get3A_1282 = tpu.vector_load %arg16[%get3A_1280, %get3A_1281] {strides = array<i32>} : memref<16x768xf32, #tpu.memory_space<vmem>>, vector<16xf32>,
        %sub3A_1283 = arith.subf %get3A_1282, %mul3A_741 : vector<16xf32>
        %mul3A_1284 = arith.mulf %sub3A_1283, %mul3A_805 : vector<16xf32>
        %get3A_1285 = arith.constant 624 : index
        %get3A_1286 = tpu.vector_load %arg12[%get3A_1285] {strides = array<i32>} : memref<768xf32, #tpu.memory_space<vmem>>, vector<16xf32>,
        %mul3A_1287 = arith.mulf %mul3A_1284, %get3A_1286 : vector<16xf32>
        %get3A_1288 = arith.constant 624 : index
        %get3A_1289 = tpu.vector_load %arg13[%get3A_1288] {strides = array<i32>} : memref<768xf32, #tpu.memory_space<vmem>>, vector<16xf32>,
        %add3A_1290 = arith.addf %mul3A_1287, %get3A_1289 : vector<16xf32>
        %swap3A_1291 = arith.index_cast %scan3A_149 : i32 to index
        %swap3A_1292 = arith.constant 624 : index
        %swap3A_1293 = tpu.vector_load %arg16[%swap3A_1291, %swap3A_1292] {strides = array<i32>} : memref<16x768xf32, #tpu.memory_space<vmem>>, vector<16xf32>,
        tpu.vector_store %arg16[%swap3A_1291, %swap3A_1292], %add3A_1290 {strides = array<i32>} : memref<16x768xf32, #tpu.memory_space<vmem>>, vector<16xf32>,
        %get3A_1294 = arith.index_cast %scan3A_149 : i32 to index
        %get3A_1295 = arith.constant 640 : index
        %get3A_1296 = tpu.vector_load %arg16[%get3A_1294, %get3A_1295] {strides = array<i32>} : memref<16x768xf32, #tpu.memory_space<vmem>>, vector<16xf32>,
        %sub3A_1297 = arith.subf %get3A_1296, %mul3A_741 : vector<16xf32>
        %mul3A_1298 = arith.mulf %sub3A_1297, %mul3A_805 : vector<16xf32>
        %get3A_1299 = arith.constant 640 : index
        %get3A_1300 = tpu.vector_load %arg12[%get3A_1299] {strides = array<i32>} : memref<768xf32, #tpu.memory_space<vmem>>, vector<16xf32>,
        %mul3A_1301 = arith.mulf %mul3A_1298, %get3A_1300 : vector<16xf32>
        %get3A_1302 = arith.constant 640 : index
        %get3A_1303 = tpu.vector_load %arg13[%get3A_1302] {strides = array<i32>} : memref<768xf32, #tpu.memory_space<vmem>>, vector<16xf32>,
        %add3A_1304 = arith.addf %mul3A_1301, %get3A_1303 : vector<16xf32>
        %swap3A_1305 = arith.index_cast %scan3A_149 : i32 to index
        %swap3A_1306 = arith.constant 640 : index
        %swap3A_1307 = tpu.vector_load %arg16[%swap3A_1305, %swap3A_1306] {strides = array<i32>} : memref<16x768xf32, #tpu.memory_space<vmem>>, vector<16xf32>,
        tpu.vector_store %arg16[%swap3A_1305, %swap3A_1306], %add3A_1304 {strides = array<i32>} : memref<16x768xf32, #tpu.memory_space<vmem>>, vector<16xf32>,
        %get3A_1308 = arith.index_cast %scan3A_149 : i32 to index
        %get3A_1309 = arith.constant 656 : index
        %get3A_1310 = tpu.vector_load %arg16[%get3A_1308, %get3A_1309] {strides = array<i32>} : memref<16x768xf32, #tpu.memory_space<vmem>>, vector<16xf32>,
        %sub3A_1311 = arith.subf %get3A_1310, %mul3A_741 : vector<16xf32>
        %mul3A_1312 = arith.mulf %sub3A_1311, %mul3A_805 : vector<16xf32>
        %get3A_1313 = arith.constant 656 : index
        %get3A_1314 = tpu.vector_load %arg12[%get3A_1313] {strides = array<i32>} : memref<768xf32, #tpu.memory_space<vmem>>, vector<16xf32>,
        %mul3A_1315 = arith.mulf %mul3A_1312, %get3A_1314 : vector<16xf32>
        %get3A_1316 = arith.constant 656 : index
        %get3A_1317 = tpu.vector_load %arg13[%get3A_1316] {strides = array<i32>} : memref<768xf32, #tpu.memory_space<vmem>>, vector<16xf32>,
        %add3A_1318 = arith.addf %mul3A_1315, %get3A_1317 : vector<16xf32>
        %swap3A_1319 = arith.index_cast %scan3A_149 : i32 to index
        %swap3A_1320 = arith.constant 656 : index
        %swap3A_1321 = tpu.vector_load %arg16[%swap3A_1319, %swap3A_1320] {strides = array<i32>} : memref<16x768xf32, #tpu.memory_space<vmem>>, vector<16xf32>,
        tpu.vector_store %arg16[%swap3A_1319, %swap3A_1320], %add3A_1318 {strides = array<i32>} : memref<16x768xf32, #tpu.memory_space<vmem>>, vector<16xf32>,
        %get3A_1322 = arith.index_cast %scan3A_149 : i32 to index
        %get3A_1323 = arith.constant 672 : index
        %get3A_1324 = tpu.vector_load %arg16[%get3A_1322, %get3A_1323] {strides = array<i32>} : memref<16x768xf32, #tpu.memory_space<vmem>>, vector<16xf32>,
        %sub3A_1325 = arith.subf %get3A_1324, %mul3A_741 : vector<16xf32>
        %mul3A_1326 = arith.mulf %sub3A_1325, %mul3A_805 : vector<16xf32>
        %get3A_1327 = arith.constant 672 : index
        %get3A_1328 = tpu.vector_load %arg12[%get3A_1327] {strides = array<i32>} : memref<768xf32, #tpu.memory_space<vmem>>, vector<16xf32>,
        %mul3A_1329 = arith.mulf %mul3A_1326, %get3A_1328 : vector<16xf32>
        %get3A_1330 = arith.constant 672 : index
        %get3A_1331 = tpu.vector_load %arg13[%get3A_1330] {strides = array<i32>} : memref<768xf32, #tpu.memory_space<vmem>>, vector<16xf32>,
        %add3A_1332 = arith.addf %mul3A_1329, %get3A_1331 : vector<16xf32>
        %swap3A_1333 = arith.index_cast %scan3A_149 : i32 to index
        %swap3A_1334 = arith.constant 672 : index
        %swap3A_1335 = tpu.vector_load %arg16[%swap3A_1333, %swap3A_1334] {strides = array<i32>} : memref<16x768xf32, #tpu.memory_space<vmem>>, vector<16xf32>,
        tpu.vector_store %arg16[%swap3A_1333, %swap3A_1334], %add3A_1332 {strides = array<i32>} : memref<16x768xf32, #tpu.memory_space<vmem>>, vector<16xf32>,
        %get3A_1336 = arith.index_cast %scan3A_149 : i32 to index
        %get3A_1337 = arith.constant 688 : index
        %get3A_1338 = tpu.vector_load %arg16[%get3A_1336, %get3A_1337] {strides = array<i32>} : memref<16x768xf32, #tpu.memory_space<vmem>>, vector<16xf32>,
        %sub3A_1339 = arith.subf %get3A_1338, %mul3A_741 : vector<16xf32>
        %mul3A_1340 = arith.mulf %sub3A_1339, %mul3A_805 : vector<16xf32>
        %get3A_1341 = arith.constant 688 : index
        %get3A_1342 = tpu.vector_load %arg12[%get3A_1341] {strides = array<i32>} : memref<768xf32, #tpu.memory_space<vmem>>, vector<16xf32>,
        %mul3A_1343 = arith.mulf %mul3A_1340, %get3A_1342 : vector<16xf32>
        %get3A_1344 = arith.constant 688 : index
        %get3A_1345 = tpu.vector_load %arg13[%get3A_1344] {strides = array<i32>} : memref<768xf32, #tpu.memory_space<vmem>>, vector<16xf32>,
        %add3A_1346 = arith.addf %mul3A_1343, %get3A_1345 : vector<16xf32>
        %swap3A_1347 = arith.index_cast %scan3A_149 : i32 to index
        %swap3A_1348 = arith.constant 688 : index
        %swap3A_1349 = tpu.vector_load %arg16[%swap3A_1347, %swap3A_1348] {strides = array<i32>} : memref<16x768xf32, #tpu.memory_space<vmem>>, vector<16xf32>,
        tpu.vector_store %arg16[%swap3A_1347, %swap3A_1348], %add3A_1346 {strides = array<i32>} : memref<16x768xf32, #tpu.memory_space<vmem>>, vector<16xf32>,
        %get3A_1350 = arith.index_cast %scan3A_149 : i32 to index
        %get3A_1351 = arith.constant 704 : index
        %get3A_1352 = tpu.vector_load %arg16[%get3A_1350, %get3A_1351] {strides = array<i32>} : memref<16x768xf32, #tpu.memory_space<vmem>>, vector<16xf32>,
        %sub3A_1353 = arith.subf %get3A_1352, %mul3A_741 : vector<16xf32>
        %mul3A_1354 = arith.mulf %sub3A_1353, %mul3A_805 : vector<16xf32>
        %get3A_1355 = arith.constant 704 : index
        %get3A_1356 = tpu.vector_load %arg12[%get3A_1355] {strides = array<i32>} : memref<768xf32, #tpu.memory_space<vmem>>, vector<16xf32>,
        %mul3A_1357 = arith.mulf %mul3A_1354, %get3A_1356 : vector<16xf32>
        %get3A_1358 = arith.constant 704 : index
        %get3A_1359 = tpu.vector_load %arg13[%get3A_1358] {strides = array<i32>} : memref<768xf32, #tpu.memory_space<vmem>>, vector<16xf32>,
        %add3A_1360 = arith.addf %mul3A_1357, %get3A_1359 : vector<16xf32>
        %swap3A_1361 = arith.index_cast %scan3A_149 : i32 to index
        %swap3A_1362 = arith.constant 704 : index
        %swap3A_1363 = tpu.vector_load %arg16[%swap3A_1361, %swap3A_1362] {strides = array<i32>} : memref<16x768xf32, #tpu.memory_space<vmem>>, vector<16xf32>,
        tpu.vector_store %arg16[%swap3A_1361, %swap3A_1362], %add3A_1360 {strides = array<i32>} : memref<16x768xf32, #tpu.memory_space<vmem>>, vector<16xf32>,
        %get3A_1364 = arith.index_cast %scan3A_149 : i32 to index
        %get3A_1365 = arith.constant 720 : index
        %get3A_1366 = tpu.vector_load %arg16[%get3A_1364, %get3A_1365] {strides = array<i32>} : memref<16x768xf32, #tpu.memory_space<vmem>>, vector<16xf32>,
        %sub3A_1367 = arith.subf %get3A_1366, %mul3A_741 : vector<16xf32>
        %mul3A_1368 = arith.mulf %sub3A_1367, %mul3A_805 : vector<16xf32>
        %get3A_1369 = arith.constant 720 : index
        %get3A_1370 = tpu.vector_load %arg12[%get3A_1369] {strides = array<i32>} : memref<768xf32, #tpu.memory_space<vmem>>, vector<16xf32>,
        %mul3A_1371 = arith.mulf %mul3A_1368, %get3A_1370 : vector<16xf32>
        %get3A_1372 = arith.constant 720 : index
        %get3A_1373 = tpu.vector_load %arg13[%get3A_1372] {strides = array<i32>} : memref<768xf32, #tpu.memory_space<vmem>>, vector<16xf32>,
        %add3A_1374 = arith.addf %mul3A_1371, %get3A_1373 : vector<16xf32>
        %swap3A_1375 = arith.index_cast %scan3A_149 : i32 to index
        %swap3A_1376 = arith.constant 720 : index
        %swap3A_1377 = tpu.vector_load %arg16[%swap3A_1375, %swap3A_1376] {strides = array<i32>} : memref<16x768xf32, #tpu.memory_space<vmem>>, vector<16xf32>,
        tpu.vector_store %arg16[%swap3A_1375, %swap3A_1376], %add3A_1374 {strides = array<i32>} : memref<16x768xf32, #tpu.memory_space<vmem>>, vector<16xf32>,
        %get3A_1378 = arith.index_cast %scan3A_149 : i32 to index
        %get3A_1379 = arith.constant 736 : index
        %get3A_1380 = tpu.vector_load %arg16[%get3A_1378, %get3A_1379] {strides = array<i32>} : memref<16x768xf32, #tpu.memory_space<vmem>>, vector<16xf32>,
        %sub3A_1381 = arith.subf %get3A_1380, %mul3A_741 : vector<16xf32>
        %mul3A_1382 = arith.mulf %sub3A_1381, %mul3A_805 : vector<16xf32>
        %get3A_1383 = arith.constant 736 : index
        %get3A_1384 = tpu.vector_load %arg12[%get3A_1383] {strides = array<i32>} : memref<768xf32, #tpu.memory_space<vmem>>, vector<16xf32>,
        %mul3A_1385 = arith.mulf %mul3A_1382, %get3A_1384 : vector<16xf32>
        %get3A_1386 = arith.constant 736 : index
        %get3A_1387 = tpu.vector_load %arg13[%get3A_1386] {strides = array<i32>} : memref<768xf32, #tpu.memory_space<vmem>>, vector<16xf32>,
        %add3A_1388 = arith.addf %mul3A_1385, %get3A_1387 : vector<16xf32>
        %swap3A_1389 = arith.index_cast %scan3A_149 : i32 to index
        %swap3A_1390 = arith.constant 736 : index
        %swap3A_1391 = tpu.vector_load %arg16[%swap3A_1389, %swap3A_1390] {strides = array<i32>} : memref<16x768xf32, #tpu.memory_space<vmem>>, vector<16xf32>,
        tpu.vector_store %arg16[%swap3A_1389, %swap3A_1390], %add3A_1388 {strides = array<i32>} : memref<16x768xf32, #tpu.memory_space<vmem>>, vector<16xf32>,
        %get3A_1392 = arith.index_cast %scan3A_149 : i32 to index
        %get3A_1393 = arith.constant 752 : index
        %get3A_1394 = tpu.vector_load %arg16[%get3A_1392, %get3A_1393] {strides = array<i32>} : memref<16x768xf32, #tpu.memory_space<vmem>>, vector<16xf32>,
        %sub3A_1395 = arith.subf %get3A_1394, %mul3A_741 : vector<16xf32>
        %mul3A_1396 = arith.mulf %sub3A_1395, %mul3A_805 : vector<16xf32>
        %get3A_1397 = arith.constant 752 : index
        %get3A_1398 = tpu.vector_load %arg12[%get3A_1397] {strides = array<i32>} : memref<768xf32, #tpu.memory_space<vmem>>, vector<16xf32>,
        %mul3A_1399 = arith.mulf %mul3A_1396, %get3A_1398 : vector<16xf32>
        %get3A_1400 = arith.constant 752 : index
        %get3A_1401 = tpu.vector_load %arg13[%get3A_1400] {strides = array<i32>} : memref<768xf32, #tpu.memory_space<vmem>>, vector<16xf32>,
        %add3A_1402 = arith.addf %mul3A_1399, %get3A_1401 : vector<16xf32>
        %swap3A_1403 = arith.index_cast %scan3A_149 : i32 to index
        %swap3A_1404 = arith.constant 752 : index
        %swap3A_1405 = tpu.vector_load %arg16[%swap3A_1403, %swap3A_1404] {strides = array<i32>} : memref<16x768xf32, #tpu.memory_space<vmem>>, vector<16xf32>,
        tpu.vector_store %arg16[%swap3A_1403, %swap3A_1404], %add3A_1402 {strides = array<i32>} : memref<16x768xf32, #tpu.memory_space<vmem>>, vector<16xf32>,
      }
      %scan3A_87 = arith.constant 16 : i32
      %mul3A_88 = arith.constant 512 : i32
      %mul3A_89 = arith.muli %add3A_67, %mul3A_88 : i32
      %mul3A_90 = arith.constant 16 : i32
      %mul3A_91 = arith.muli %add3A, %mul3A_90 : i32
      %add3A_92 = arith.addi %mul3A_89, %mul3A_91 : i32
      %dma_start3A_93 = arith.constant 0 : i32
      %dma_start3A_94 = tpu.memref_slice %arg8[%add3A_92, %dma_start3A_93] : memref<32768x768xf32, #tpu.memory_space<hbm>> -> memref<16x768xf32, #tpu.memory_space<hbm>>
      %dma_start3A_95 = arith.constant 0 : i32
      %dma_start3A_96 = tpu.memref_slice %arg8[%add3A_92, %dma_start3A_95] : memref<32768x768xf32, #tpu.memory_space<hbm>> -> memref<16x768xf32, #tpu.memory_space<hbm>>
      tpu.enqueue_dma source(%arg16 : memref<16x768xf32, #tpu.memory_space<vmem>>) target(%dma_start3A_96 : memref<16x768xf32, #tpu.memory_space<hbm>>) target_semaphore(%arg20 : memref<!tpu.dma_semaphore, #tpu.memory_space<semaphore_mem>>)
      %add3A_97 = arith.constant 2 : i32
      %add3A_98 = arith.addi %add3A_67, %add3A_97 : i32
      %min3A = arith.constant 62 : i32
      %min3A_99 = arith.minsi %add3A_98, %min3A : i32
      %mul3A_100 = arith.constant 16 : i32
      %mul3A_101 = arith.muli %min3A_99, %mul3A_100 : i32
      %dma_start3A_102 = tpu.memref_slice %arg9[%mul3A_101] : memref<1024xi32, #tpu.memory_space<vmem>> -> memref<16xi32, #tpu.memory_space<vmem>>
      %dma_start3A_103 = arith.constant 0 : i32
      %dma_start3A_104 = arith.constant 0 : i32
      %dma_start3A_105 = tpu.memref_slice %arg3[%dma_start3A_103, %dma_start3A_104] : memref<30522x768xf32, #tpu.memory_space<hbm>> -> memref<30522x768xf32, #tpu.memory_space<hbm>>
      tpu.enqueue_indirect_dma source(%dma_start3A_105 : memref<30522x768xf32, #tpu.memory_space<hbm>>) target(%arg14 : memref<16x768xf32, #tpu.memory_space<vmem>>) offsets(%dma_start3A_102 : memref<16xi32, #tpu.memory_space<vmem>>) semaphore(%arg18 : memref<!tpu.dma_semaphore, #tpu.memory_space<semaphore_mem>>)
      %mul3A_106 = arith.constant 2 : i32
      %mul3A_107 = arith.muli %scan3A_63, %mul3A_106 : i32
      %add3A_108 = arith.constant 1 : i32
      %add3A_109 = arith.addi %mul3A_107, %add3A_108 : i32
      %mul3A_110 = arith.constant 16 : i32
      %mul3A_111 = arith.muli %add3A_109, %mul3A_110 : i32
      %dma_wait3A_112 = tpu.memref_slice %arg9[%mul3A_111] : memref<1024xi32, #tpu.memory_space<vmem>> -> memref<16xi32, #tpu.memory_space<vmem>>
      %dma_wait3A_113 = arith.constant 0 : i32
      %dma_wait3A_114 = arith.constant 0 : i32
      %dma_wait3A_115 = tpu.memref_slice %arg3[%dma_wait3A_113, %dma_wait3A_114] : memref<30522x768xf32, #tpu.memory_space<hbm>> -> memref<30522x768xf32, #tpu.memory_space<hbm>>
      tpu.wait_indirect_dma semaphore(%arg19 : memref<!tpu.dma_semaphore, #tpu.memory_space<semaphore_mem>>) src(%dma_wait3A_115 : memref<30522x768xf32, #tpu.memory_space<hbm>>) dst(%arg15 : memref<16x768xf32, #tpu.memory_space<vmem>>)
      %mul3A_116 = arith.constant 16 : i32
      %mul3A_117 = arith.muli %add3A, %mul3A_116 : i32
      %add3A_118 = arith.constant 0 : i32
      %add3A_119 = arith.addi %add3A_118, %mul3A_117 : i32
      %dma_wait3A_120 = arith.constant 0 : i32
      %dma_wait3A_121 = tpu.memref_slice %arg8[%add3A_119, %dma_wait3A_120] : memref<32768x768xf32, #tpu.memory_space<hbm>> -> memref<16x768xf32, #tpu.memory_space<hbm>>
      %dma_wait3A_122 = arith.constant 0 : i32
      %dma_wait3A_123 = tpu.memref_slice %arg8[%add3A_119, %dma_wait3A_122] : memref<32768x768xf32, #tpu.memory_space<hbm>> -> memref<16x768xf32, #tpu.memory_space<hbm>>
      tpu.wait_dma2 semaphore(%arg21 : memref<!tpu.dma_semaphore, #tpu.memory_space<semaphore_mem>>) src(%arg17 : memref<16x768xf32, #tpu.memory_space<vmem>>) dst(%dma_wait3A_123 : memref<16x768xf32, #tpu.memory_space<hbm>>)
      %scan3A_124 = arith.constant 0 : i32
      %scan3A_125 = arith.constant 0 : i32
      %scan3A_126 = arith.constant 16 : i32
      %scan3A_127 = arith.addi %scan3A_125, %scan3A_126 : i32
      %scan3A_128 = arith.constant 1 : i32
      scf.for %scan3A_149 = %scan3A_125 to %scan3A_127 step %scan3A_128  : i32 {
        %broadcast_in_dim3A_150 = arith.constant 0.000000e+00 : f32
        %broadcast_in_dim3A_151 = vector.broadcast %broadcast_in_dim3A_150 : f32 to vector<16xf32>
        %get3A = arith.index_cast %scan3A_149 : i32 to index
        %get3A_152 = arith.constant 0 : index
        %get3A_153 = tpu.vector_load %arg15[%get3A, %get3A_152] {strides = array<i32>} : memref<16x768xf32, #tpu.memory_space<vmem>>, vector<16xf32>,
        %get3A_154 = arith.index_cast %scan3A_149 : i32 to index
        %get3A_155 = arith.constant 0 : index
        %get3A_156 = tpu.vector_load %arg10[%get3A_154, %get3A_155] {strides = array<i32>} : memref<16x768xf32, #tpu.memory_space<vmem>>, vector<16xf32>,
        %add3A_157 = arith.addf %get3A_153, %get3A_156 : vector<16xf32>
        %add3A_158 = arith.addf %broadcast_in_dim3A_151, %add3A_157 : vector<16xf32>
        %mul3A_159 = arith.mulf %add3A_157, %add3A_157 : vector<16xf32>
        %add3A_160 = arith.addf %broadcast_in_dim3A_151, %mul3A_159 : vector<16xf32>
        %get3A_161 = arith.index_cast %scan3A_149 : i32 to index
        %get3A_162 = arith.constant 16 : index
        %get3A_163 = tpu.vector_load %arg15[%get3A_161, %get3A_162] {strides = array<i32>} : memref<16x768xf32, #tpu.memory_space<vmem>>, vector<16xf32>,
        %get3A_164 = arith.index_cast %scan3A_149 : i32 to index
        %get3A_165 = arith.constant 16 : index
        %get3A_166 = tpu.vector_load %arg10[%get3A_164, %get3A_165] {strides = array<i32>} : memref<16x768xf32, #tpu.memory_space<vmem>>, vector<16xf32>,
        %add3A_167 = arith.addf %get3A_163, %get3A_166 : vector<16xf32>
        %add3A_168 = arith.addf %broadcast_in_dim3A_151, %add3A_167 : vector<16xf32>
        %mul3A_169 = arith.mulf %add3A_167, %add3A_167 : vector<16xf32>
        %add3A_170 = arith.addf %broadcast_in_dim3A_151, %mul3A_169 : vector<16xf32>
        %get3A_171 = arith.index_cast %scan3A_149 : i32 to index
        %get3A_172 = arith.constant 32 : index
        %get3A_173 = tpu.vector_load %arg15[%get3A_171, %get3A_172] {strides = array<i32>} : memref<16x768xf32, #tpu.memory_space<vmem>>, vector<16xf32>,
        %get3A_174 = arith.index_cast %scan3A_149 : i32 to index
        %get3A_175 = arith.constant 32 : index
        %get3A_176 = tpu.vector_load %arg10[%get3A_174, %get3A_175] {strides = array<i32>} : memref<16x768xf32, #tpu.memory_space<vmem>>, vector<16xf32>,
        %add3A_177 = arith.addf %get3A_173, %get3A_176 : vector<16xf32>
        %add3A_178 = arith.addf %add3A_158, %add3A_177 : vector<16xf32>
        %mul3A_179 = arith.mulf %add3A_177, %add3A_177 : vector<16xf32>
        %add3A_180 = arith.addf %add3A_160, %mul3A_179 : vector<16xf32>
        %get3A_181 = arith.index_cast %scan3A_149 : i32 to index
        %get3A_182 = arith.constant 48 : index
        %get3A_183 = tpu.vector_load %arg15[%get3A_181, %get3A_182] {strides = array<i32>} : memref<16x768xf32, #tpu.memory_space<vmem>>, vector<16xf32>,
        %get3A_184 = arith.index_cast %scan3A_149 : i32 to index
        %get3A_185 = arith.constant 48 : index
        %get3A_186 = tpu.vector_load %arg10[%get3A_184, %get3A_185] {strides = array<i32>} : memref<16x768xf32, #tpu.memory_space<vmem>>, vector<16xf32>,
        %add3A_187 = arith.addf %get3A_183, %get3A_186 : vector<16xf32>
        %add3A_188 = arith.addf %add3A_168, %add3A_187 : vector<16xf32>
        %mul3A_189 = arith.mulf %add3A_187, %add3A_187 : vector<16xf32>
        %add3A_190 = arith.addf %add3A_170, %mul3A_189 : vector<16xf32>
        %get3A_191 = arith.index_cast %scan3A_149 : i32 to index
        %get3A_192 = arith.constant 64 : index
        %get3A_193 = tpu.vector_load %arg15[%get3A_191, %get3A_192] {strides = array<i32>} : memref<16x768xf32, #tpu.memory_space<vmem>>, vector<16xf32>,
        %get3A_194 = arith.index_cast %scan3A_149 : i32 to index
        %get3A_195 = arith.constant 64 : index
        %get3A_196 = tpu.vector_load %arg10[%get3A_194, %get3A_195] {strides = array<i32>} : memref<16x768xf32, #tpu.memory_space<vmem>>, vector<16xf32>,
        %add3A_197 = arith.addf %get3A_193, %get3A_196 : vector<16xf32>
        %add3A_198 = arith.addf %add3A_178, %add3A_197 : vector<16xf32>
        %mul3A_199 = arith.mulf %add3A_197, %add3A_197 : vector<16xf32>
        %add3A_200 = arith.addf %add3A_180, %mul3A_199 : vector<16xf32>
        %get3A_201 = arith.index_cast %scan3A_149 : i32 to index
        %get3A_202 = arith.constant 80 : index
        %get3A_203 = tpu.vector_load %arg15[%get3A_201, %get3A_202] {strides = array<i32>} : memref<16x768xf32, #tpu.memory_space<vmem>>, vector<16xf32>,
        %get3A_204 = arith.index_cast %scan3A_149 : i32 to index
        %get3A_205 = arith.constant 80 : index
        %get3A_206 = tpu.vector_load %arg10[%get3A_204, %get3A_205] {strides = array<i32>} : memref<16x768xf32, #tpu.memory_space<vmem>>, vector<16xf32>,
        %add3A_207 = arith.addf %get3A_203, %get3A_206 : vector<16xf32>
        %add3A_208 = arith.addf %add3A_188, %add3A_207 : vector<16xf32>
        %mul3A_209 = arith.mulf %add3A_207, %add3A_207 : vector<16xf32>
        %add3A_210 = arith.addf %add3A_190, %mul3A_209 : vector<16xf32>
        %get3A_211 = arith.index_cast %scan3A_149 : i32 to index
        %get3A_212 = arith.constant 96 : index
        %get3A_213 = tpu.vector_load %arg15[%get3A_211, %get3A_212] {strides = array<i32>} : memref<16x768xf32, #tpu.memory_space<vmem>>, vector<16xf32>,
        %get3A_214 = arith.index_cast %scan3A_149 : i32 to index
        %get3A_215 = arith.constant 96 : index
        %get3A_216 = tpu.vector_load %arg10[%get3A_214, %get3A_215] {strides = array<i32>} : memref<16x768xf32, #tpu.memory_space<vmem>>, vector<16xf32>,
        %add3A_217 = arith.addf %get3A_213, %get3A_216 : vector<16xf32>
        %add3A_218 = arith.addf %add3A_198, %add3A_217 : vector<16xf32>
        %mul3A_219 = arith.mulf %add3A_217, %add3A_217 : vector<16xf32>
        %add3A_220 = arith.addf %add3A_200, %mul3A_219 : vector<16xf32>
        %get3A_221 = arith.index_cast %scan3A_149 : i32 to index
        %get3A_222 = arith.constant 112 : index
        %get3A_223 = tpu.vector_load %arg15[%get3A_221, %get3A_222] {strides = array<i32>} : memref<16x768xf32, #tpu.memory_space<vmem>>, vector<16xf32>,
        %get3A_224 = arith.index_cast %scan3A_149 : i32 to index
        %get3A_225 = arith.constant 112 : index
        %get3A_226 = tpu.vector_load %arg10[%get3A_224, %get3A_225] {strides = array<i32>} : memref<16x768xf32, #tpu.memory_space<vmem>>, vector<16xf32>,
        %add3A_227 = arith.addf %get3A_223, %get3A_226 : vector<16xf32>
        %add3A_228 = arith.addf %add3A_208, %add3A_227 : vector<16xf32>
        %mul3A_229 = arith.mulf %add3A_227, %add3A_227 : vector<16xf32>
        %add3A_230 = arith.addf %add3A_210, %mul3A_229 : vector<16xf32>
        %get3A_231 = arith.index_cast %scan3A_149 : i32 to index
        %get3A_232 = arith.constant 128 : index
        %get3A_233 = tpu.vector_load %arg15[%get3A_231, %get3A_232] {strides = array<i32>} : memref<16x768xf32, #tpu.memory_space<vmem>>, vector<16xf32>,
        %get3A_234 = arith.index_cast %scan3A_149 : i32 to index
        %get3A_235 = arith.constant 128 : index
        %get3A_236 = tpu.vector_load %arg10[%get3A_234, %get3A_235] {strides = array<i32>} : memref<16x768xf32, #tpu.memory_space<vmem>>, vector<16xf32>,
        %add3A_237 = arith.addf %get3A_233, %get3A_236 : vector<16xf32>
        %add3A_238 = arith.addf %add3A_218, %add3A_237 : vector<16xf32>
        %mul3A_239 = arith.mulf %add3A_237, %add3A_237 : vector<16xf32>
        %add3A_240 = arith.addf %add3A_220, %mul3A_239 : vector<16xf32>
        %get3A_241 = arith.index_cast %scan3A_149 : i32 to index
        %get3A_242 = arith.constant 144 : index
        %get3A_243 = tpu.vector_load %arg15[%get3A_241, %get3A_242] {strides = array<i32>} : memref<16x768xf32, #tpu.memory_space<vmem>>, vector<16xf32>,
        %get3A_244 = arith.index_cast %scan3A_149 : i32 to index
        %get3A_245 = arith.constant 144 : index
        %get3A_246 = tpu.vector_load %arg10[%get3A_244, %get3A_245] {strides = array<i32>} : memref<16x768xf32, #tpu.memory_space<vmem>>, vector<16xf32>,
        %add3A_247 = arith.addf %get3A_243, %get3A_246 : vector<16xf32>
        %add3A_248 = arith.addf %add3A_228, %add3A_247 : vector<16xf32>
        %mul3A_249 = arith.mulf %add3A_247, %add3A_247 : vector<16xf32>
        %add3A_250 = arith.addf %add3A_230, %mul3A_249 : vector<16xf32>
        %get3A_251 = arith.index_cast %scan3A_149 : i32 to index
        %get3A_252 = arith.constant 160 : index
        %get3A_253 = tpu.vector_load %arg15[%get3A_251, %get3A_252] {strides = array<i32>} : memref<16x768xf32, #tpu.memory_space<vmem>>, vector<16xf32>,
        %get3A_254 = arith.index_cast %scan3A_149 : i32 to index
        %get3A_255 = arith.constant 160 : index
        %get3A_256 = tpu.vector_load %arg10[%get3A_254, %get3A_255] {strides = array<i32>} : memref<16x768xf32, #tpu.memory_space<vmem>>, vector<16xf32>,
        %add3A_257 = arith.addf %get3A_253, %get3A_256 : vector<16xf32>
        %add3A_258 = arith.addf %add3A_238, %add3A_257 : vector<16xf32>
        %mul3A_259 = arith.mulf %add3A_257, %add3A_257 : vector<16xf32>
        %add3A_260 = arith.addf %add3A_240, %mul3A_259 : vector<16xf32>
        %get3A_261 = arith.index_cast %scan3A_149 : i32 to index
        %get3A_262 = arith.constant 176 : index
        %get3A_263 = tpu.vector_load %arg15[%get3A_261, %get3A_262] {strides = array<i32>} : memref<16x768xf32, #tpu.memory_space<vmem>>, vector<16xf32>,
        %get3A_264 = arith.index_cast %scan3A_149 : i32 to index
        %get3A_265 = arith.constant 176 : index
        %get3A_266 = tpu.vector_load %arg10[%get3A_264, %get3A_265] {strides = array<i32>} : memref<16x768xf32, #tpu.memory_space<vmem>>, vector<16xf32>,
        %add3A_267 = arith.addf %get3A_263, %get3A_266 : vector<16xf32>
        %add3A_268 = arith.addf %add3A_248, %add3A_267 : vector<16xf32>
        %mul3A_269 = arith.mulf %add3A_267, %add3A_267 : vector<16xf32>
        %add3A_270 = arith.addf %add3A_250, %mul3A_269 : vector<16xf32>
        %get3A_271 = arith.index_cast %scan3A_149 : i32 to index
        %get3A_272 = arith.constant 192 : index
        %get3A_273 = tpu.vector_load %arg15[%get3A_271, %get3A_272] {strides = array<i32>} : memref<16x768xf32, #tpu.memory_space<vmem>>, vector<16xf32>,
        %get3A_274 = arith.index_cast %scan3A_149 : i32 to index
        %get3A_275 = arith.constant 192 : index
        %get3A_276 = tpu.vector_load %arg10[%get3A_274, %get3A_275] {strides = array<i32>} : memref<16x768xf32, #tpu.memory_space<vmem>>, vector<16xf32>,
        %add3A_277 = arith.addf %get3A_273, %get3A_276 : vector<16xf32>
        %add3A_278 = arith.addf %add3A_258, %add3A_277 : vector<16xf32>
        %mul3A_279 = arith.mulf %add3A_277, %add3A_277 : vector<16xf32>
        %add3A_280 = arith.addf %add3A_260, %mul3A_279 : vector<16xf32>
        %get3A_281 = arith.index_cast %scan3A_149 : i32 to index
        %get3A_282 = arith.constant 208 : index
        %get3A_283 = tpu.vector_load %arg15[%get3A_281, %get3A_282] {strides = array<i32>} : memref<16x768xf32, #tpu.memory_space<vmem>>, vector<16xf32>,
        %get3A_284 = arith.index_cast %scan3A_149 : i32 to index
        %get3A_285 = arith.constant 208 : index
        %get3A_286 = tpu.vector_load %arg10[%get3A_284, %get3A_285] {strides = array<i32>} : memref<16x768xf32, #tpu.memory_space<vmem>>, vector<16xf32>,
        %add3A_287 = arith.addf %get3A_283, %get3A_286 : vector<16xf32>
        %add3A_288 = arith.addf %add3A_268, %add3A_287 : vector<16xf32>
        %mul3A_289 = arith.mulf %add3A_287, %add3A_287 : vector<16xf32>
        %add3A_290 = arith.addf %add3A_270, %mul3A_289 : vector<16xf32>
        %get3A_291 = arith.index_cast %scan3A_149 : i32 to index
        %get3A_292 = arith.constant 224 : index
        %get3A_293 = tpu.vector_load %arg15[%get3A_291, %get3A_292] {strides = array<i32>} : memref<16x768xf32, #tpu.memory_space<vmem>>, vector<16xf32>,
        %get3A_294 = arith.index_cast %scan3A_149 : i32 to index
        %get3A_295 = arith.constant 224 : index
        %get3A_296 = tpu.vector_load %arg10[%get3A_294, %get3A_295] {strides = array<i32>} : memref<16x768xf32, #tpu.memory_space<vmem>>, vector<16xf32>,
        %add3A_297 = arith.addf %get3A_293, %get3A_296 : vector<16xf32>
        %add3A_298 = arith.addf %add3A_278, %add3A_297 : vector<16xf32>
        %mul3A_299 = arith.mulf %add3A_297, %add3A_297 : vector<16xf32>
        %add3A_300 = arith.addf %add3A_280, %mul3A_299 : vector<16xf32>
        %get3A_301 = arith.index_cast %scan3A_149 : i32 to index
        %get3A_302 = arith.constant 240 : index
        %get3A_303 = tpu.vector_load %arg15[%get3A_301, %get3A_302] {strides = array<i32>} : memref<16x768xf32, #tpu.memory_space<vmem>>, vector<16xf32>,
        %get3A_304 = arith.index_cast %scan3A_149 : i32 to index
        %get3A_305 = arith.constant 240 : index
        %get3A_306 = tpu.vector_load %arg10[%get3A_304, %get3A_305] {strides = array<i32>} : memref<16x768xf32, #tpu.memory_space<vmem>>, vector<16xf32>,
        %add3A_307 = arith.addf %get3A_303, %get3A_306 : vector<16xf32>
        %add3A_308 = arith.addf %add3A_288, %add3A_307 : vector<16xf32>
        %mul3A_309 = arith.mulf %add3A_307, %add3A_307 : vector<16xf32>
        %add3A_310 = arith.addf %add3A_290, %mul3A_309 : vector<16xf32>
        %get3A_311 = arith.index_cast %scan3A_149 : i32 to index
        %get3A_312 = arith.constant 256 : index
        %get3A_313 = tpu.vector_load %arg15[%get3A_311, %get3A_312] {strides = array<i32>} : memref<16x768xf32, #tpu.memory_space<vmem>>, vector<16xf32>,
        %get3A_314 = arith.index_cast %scan3A_149 : i32 to index
        %get3A_315 = arith.constant 256 : index
        %get3A_316 = tpu.vector_load %arg10[%get3A_314, %get3A_315] {strides = array<i32>} : memref<16x768xf32, #tpu.memory_space<vmem>>, vector<16xf32>,
        %add3A_317 = arith.addf %get3A_313, %get3A_316 : vector<16xf32>
        %add3A_318 = arith.addf %add3A_298, %add3A_317 : vector<16xf32>
        %mul3A_319 = arith.mulf %add3A_317, %add3A_317 : vector<16xf32>
        %add3A_320 = arith.addf %add3A_300, %mul3A_319 : vector<16xf32>
        %get3A_321 = arith.index_cast %scan3A_149 : i32 to index
        %get3A_322 = arith.constant 272 : index
        %get3A_323 = tpu.vector_load %arg15[%get3A_321, %get3A_322] {strides = array<i32>} : memref<16x768xf32, #tpu.memory_space<vmem>>, vector<16xf32>,
        %get3A_324 = arith.index_cast %scan3A_149 : i32 to index
        %get3A_325 = arith.constant 272 : index
        %get3A_326 = tpu.vector_load %arg10[%get3A_324, %get3A_325] {strides = array<i32>} : memref<16x768xf32, #tpu.memory_space<vmem>>, vector<16xf32>,
        %add3A_327 = arith.addf %get3A_323, %get3A_326 : vector<16xf32>
        %add3A_328 = arith.addf %add3A_308, %add3A_327 : vector<16xf32>
        %mul3A_329 = arith.mulf %add3A_327, %add3A_327 : vector<16xf32>
        %add3A_330 = arith.addf %add3A_310, %mul3A_329 : vector<16xf32>
        %get3A_331 = arith.index_cast %scan3A_149 : i32 to index
        %get3A_332 = arith.constant 288 : index
        %get3A_333 = tpu.vector_load %arg15[%get3A_331, %get3A_332] {strides = array<i32>} : memref<16x768xf32, #tpu.memory_space<vmem>>, vector<16xf32>,
        %get3A_334 = arith.index_cast %scan3A_149 : i32 to index
        %get3A_335 = arith.constant 288 : index
        %get3A_336 = tpu.vector_load %arg10[%get3A_334, %get3A_335] {strides = array<i32>} : memref<16x768xf32, #tpu.memory_space<vmem>>, vector<16xf32>,
        %add3A_337 = arith.addf %get3A_333, %get3A_336 : vector<16xf32>
        %add3A_338 = arith.addf %add3A_318, %add3A_337 : vector<16xf32>
        %mul3A_339 = arith.mulf %add3A_337, %add3A_337 : vector<16xf32>
        %add3A_340 = arith.addf %add3A_320, %mul3A_339 : vector<16xf32>
        %get3A_341 = arith.index_cast %scan3A_149 : i32 to index
        %get3A_342 = arith.constant 304 : index
        %get3A_343 = tpu.vector_load %arg15[%get3A_341, %get3A_342] {strides = array<i32>} : memref<16x768xf32, #tpu.memory_space<vmem>>, vector<16xf32>,
        %get3A_344 = arith.index_cast %scan3A_149 : i32 to index
        %get3A_345 = arith.constant 304 : index
        %get3A_346 = tpu.vector_load %arg10[%get3A_344, %get3A_345] {strides = array<i32>} : memref<16x768xf32, #tpu.memory_space<vmem>>, vector<16xf32>,
        %add3A_347 = arith.addf %get3A_343, %get3A_346 : vector<16xf32>
        %add3A_348 = arith.addf %add3A_328, %add3A_347 : vector<16xf32>
        %mul3A_349 = arith.mulf %add3A_347, %add3A_347 : vector<16xf32>
        %add3A_350 = arith.addf %add3A_330, %mul3A_349 : vector<16xf32>
        %get3A_351 = arith.index_cast %scan3A_149 : i32 to index
        %get3A_352 = arith.constant 320 : index
        %get3A_353 = tpu.vector_load %arg15[%get3A_351, %get3A_352] {strides = array<i32>} : memref<16x768xf32, #tpu.memory_space<vmem>>, vector<16xf32>,
        %get3A_354 = arith.index_cast %scan3A_149 : i32 to index
        %get3A_355 = arith.constant 320 : index
        %get3A_356 = tpu.vector_load %arg10[%get3A_354, %get3A_355] {strides = array<i32>} : memref<16x768xf32, #tpu.memory_space<vmem>>, vector<16xf32>,
        %add3A_357 = arith.addf %get3A_353, %get3A_356 : vector<16xf32>
        %add3A_358 = arith.addf %add3A_338, %add3A_357 : vector<16xf32>
        %mul3A_359 = arith.mulf %add3A_357, %add3A_357 : vector<16xf32>
        %add3A_360 = arith.addf %add3A_340, %mul3A_359 : vector<16xf32>
        %get3A_361 = arith.index_cast %scan3A_149 : i32 to index
        %get3A_362 = arith.constant 336 : index
        %get3A_363 = tpu.vector_load %arg15[%get3A_361, %get3A_362] {strides = array<i32>} : memref<16x768xf32, #tpu.memory_space<vmem>>, vector<16xf32>,
        %get3A_364 = arith.index_cast %scan3A_149 : i32 to index
        %get3A_365 = arith.constant 336 : index
        %get3A_366 = tpu.vector_load %arg10[%get3A_364, %get3A_365] {strides = array<i32>} : memref<16x768xf32, #tpu.memory_space<vmem>>, vector<16xf32>,
        %add3A_367 = arith.addf %get3A_363, %get3A_366 : vector<16xf32>
        %add3A_368 = arith.addf %add3A_348, %add3A_367 : vector<16xf32>
        %mul3A_369 = arith.mulf %add3A_367, %add3A_367 : vector<16xf32>
        %add3A_370 = arith.addf %add3A_350, %mul3A_369 : vector<16xf32>
        %get3A_371 = arith.index_cast %scan3A_149 : i32 to index
        %get3A_372 = arith.constant 352 : index
        %get3A_373 = tpu.vector_load %arg15[%get3A_371, %get3A_372] {strides = array<i32>} : memref<16x768xf32, #tpu.memory_space<vmem>>, vector<16xf32>,
        %get3A_374 = arith.index_cast %scan3A_149 : i32 to index
        %get3A_375 = arith.constant 352 : index
        %get3A_376 = tpu.vector_load %arg10[%get3A_374, %get3A_375] {strides = array<i32>} : memref<16x768xf32, #tpu.memory_space<vmem>>, vector<16xf32>,
        %add3A_377 = arith.addf %get3A_373, %get3A_376 : vector<16xf32>
        %add3A_378 = arith.addf %add3A_358, %add3A_377 : vector<16xf32>
        %mul3A_379 = arith.mulf %add3A_377, %add3A_377 : vector<16xf32>
        %add3A_380 = arith.addf %add3A_360, %mul3A_379 : vector<16xf32>
        %get3A_381 = arith.index_cast %scan3A_149 : i32 to index
        %get3A_382 = arith.constant 368 : index
        %get3A_383 = tpu.vector_load %arg15[%get3A_381, %get3A_382] {strides = array<i32>} : memref<16x768xf32, #tpu.memory_space<vmem>>, vector<16xf32>,
        %get3A_384 = arith.index_cast %scan3A_149 : i32 to index
        %get3A_385 = arith.constant 368 : index
        %get3A_386 = tpu.vector_load %arg10[%get3A_384, %get3A_385] {strides = array<i32>} : memref<16x768xf32, #tpu.memory_space<vmem>>, vector<16xf32>,
        %add3A_387 = arith.addf %get3A_383, %get3A_386 : vector<16xf32>
        %add3A_388 = arith.addf %add3A_368, %add3A_387 : vector<16xf32>
        %mul3A_389 = arith.mulf %add3A_387, %add3A_387 : vector<16xf32>
        %add3A_390 = arith.addf %add3A_370, %mul3A_389 : vector<16xf32>
        %get3A_391 = arith.index_cast %scan3A_149 : i32 to index
        %get3A_392 = arith.constant 384 : index
        %get3A_393 = tpu.vector_load %arg15[%get3A_391, %get3A_392] {strides = array<i32>} : memref<16x768xf32, #tpu.memory_space<vmem>>, vector<16xf32>,
        %get3A_394 = arith.index_cast %scan3A_149 : i32 to index
        %get3A_395 = arith.constant 384 : index
        %get3A_396 = tpu.vector_load %arg10[%get3A_394, %get3A_395] {strides = array<i32>} : memref<16x768xf32, #tpu.memory_space<vmem>>, vector<16xf32>,
        %add3A_397 = arith.addf %get3A_393, %get3A_396 : vector<16xf32>
        %swap3A = arith.index_cast %scan3A_149 : i32 to index
        %swap3A_398 = arith.constant 384 : index
        %swap3A_399 = tpu.vector_load %arg17[%swap3A, %swap3A_398] {strides = array<i32>} : memref<16x768xf32, #tpu.memory_space<vmem>>, vector<16xf32>,
        tpu.vector_store %arg17[%swap3A, %swap3A_398], %add3A_397 {strides = array<i32>} : memref<16x768xf32, #tpu.memory_space<vmem>>, vector<16xf32>,
        %add3A_400 = arith.addf %add3A_378, %add3A_397 : vector<16xf32>
        %mul3A_401 = arith.mulf %add3A_397, %add3A_397 : vector<16xf32>
        %add3A_402 = arith.addf %add3A_380, %mul3A_401 : vector<16xf32>
        %get3A_403 = arith.index_cast %scan3A_149 : i32 to index
        %get3A_404 = arith.constant 400 : index
        %get3A_405 = tpu.vector_load %arg15[%get3A_403, %get3A_404] {strides = array<i32>} : memref<16x768xf32, #tpu.memory_space<vmem>>, vector<16xf32>,
        %get3A_406 = arith.index_cast %scan3A_149 : i32 to index
        %get3A_407 = arith.constant 400 : index
        %get3A_408 = tpu.vector_load %arg10[%get3A_406, %get3A_407] {strides = array<i32>} : memref<16x768xf32, #tpu.memory_space<vmem>>, vector<16xf32>,
        %add3A_409 = arith.addf %get3A_405, %get3A_408 : vector<16xf32>
        %swap3A_410 = arith.index_cast %scan3A_149 : i32 to index
        %swap3A_411 = arith.constant 400 : index
        %swap3A_412 = tpu.vector_load %arg17[%swap3A_410, %swap3A_411] {strides = array<i32>} : memref<16x768xf32, #tpu.memory_space<vmem>>, vector<16xf32>,
        tpu.vector_store %arg17[%swap3A_410, %swap3A_411], %add3A_409 {strides = array<i32>} : memref<16x768xf32, #tpu.memory_space<vmem>>, vector<16xf32>,
        %add3A_413 = arith.addf %add3A_388, %add3A_409 : vector<16xf32>
        %mul3A_414 = arith.mulf %add3A_409, %add3A_409 : vector<16xf32>
        %add3A_415 = arith.addf %add3A_390, %mul3A_414 : vector<16xf32>
        %get3A_416 = arith.index_cast %scan3A_149 : i32 to index
        %get3A_417 = arith.constant 416 : index
        %get3A_418 = tpu.vector_load %arg15[%get3A_416, %get3A_417] {strides = array<i32>} : memref<16x768xf32, #tpu.memory_space<vmem>>, vector<16xf32>,
        %get3A_419 = arith.index_cast %scan3A_149 : i32 to index
        %get3A_420 = arith.constant 416 : index
        %get3A_421 = tpu.vector_load %arg10[%get3A_419, %get3A_420] {strides = array<i32>} : memref<16x768xf32, #tpu.memory_space<vmem>>, vector<16xf32>,
        %add3A_422 = arith.addf %get3A_418, %get3A_421 : vector<16xf32>
        %swap3A_423 = arith.index_cast %scan3A_149 : i32 to index
        %swap3A_424 = arith.constant 416 : index
        %swap3A_425 = tpu.vector_load %arg17[%swap3A_423, %swap3A_424] {strides = array<i32>} : memref<16x768xf32, #tpu.memory_space<vmem>>, vector<16xf32>,
        tpu.vector_store %arg17[%swap3A_423, %swap3A_424], %add3A_422 {strides = array<i32>} : memref<16x768xf32, #tpu.memory_space<vmem>>, vector<16xf32>,
        %add3A_426 = arith.addf %add3A_400, %add3A_422 : vector<16xf32>
        %mul3A_427 = arith.mulf %add3A_422, %add3A_422 : vector<16xf32>
        %add3A_428 = arith.addf %add3A_402, %mul3A_427 : vector<16xf32>
        %get3A_429 = arith.index_cast %scan3A_149 : i32 to index
        %get3A_430 = arith.constant 432 : index
        %get3A_431 = tpu.vector_load %arg15[%get3A_429, %get3A_430] {strides = array<i32>} : memref<16x768xf32, #tpu.memory_space<vmem>>, vector<16xf32>,
        %get3A_432 = arith.index_cast %scan3A_149 : i32 to index
        %get3A_433 = arith.constant 432 : index
        %get3A_434 = tpu.vector_load %arg10[%get3A_432, %get3A_433] {strides = array<i32>} : memref<16x768xf32, #tpu.memory_space<vmem>>, vector<16xf32>,
        %add3A_435 = arith.addf %get3A_431, %get3A_434 : vector<16xf32>
        %swap3A_436 = arith.index_cast %scan3A_149 : i32 to index
        %swap3A_437 = arith.constant 432 : index
        %swap3A_438 = tpu.vector_load %arg17[%swap3A_436, %swap3A_437] {strides = array<i32>} : memref<16x768xf32, #tpu.memory_space<vmem>>, vector<16xf32>,
        tpu.vector_store %arg17[%swap3A_436, %swap3A_437], %add3A_435 {strides = array<i32>} : memref<16x768xf32, #tpu.memory_space<vmem>>, vector<16xf32>,
        %add3A_439 = arith.addf %add3A_413, %add3A_435 : vector<16xf32>
        %mul3A_440 = arith.mulf %add3A_435, %add3A_435 : vector<16xf32>
        %add3A_441 = arith.addf %add3A_415, %mul3A_440 : vector<16xf32>
        %get3A_442 = arith.index_cast %scan3A_149 : i32 to index
        %get3A_443 = arith.constant 448 : index
        %get3A_444 = tpu.vector_load %arg15[%get3A_442, %get3A_443] {strides = array<i32>} : memref<16x768xf32, #tpu.memory_space<vmem>>, vector<16xf32>,
        %get3A_445 = arith.index_cast %scan3A_149 : i32 to index
        %get3A_446 = arith.constant 448 : index
        %get3A_447 = tpu.vector_load %arg10[%get3A_445, %get3A_446] {strides = array<i32>} : memref<16x768xf32, #tpu.memory_space<vmem>>, vector<16xf32>,
        %add3A_448 = arith.addf %get3A_444, %get3A_447 : vector<16xf32>
        %swap3A_449 = arith.index_cast %scan3A_149 : i32 to index
        %swap3A_450 = arith.constant 448 : index
        %swap3A_451 = tpu.vector_load %arg17[%swap3A_449, %swap3A_450] {strides = array<i32>} : memref<16x768xf32, #tpu.memory_space<vmem>>, vector<16xf32>,
        tpu.vector_store %arg17[%swap3A_449, %swap3A_450], %add3A_448 {strides = array<i32>} : memref<16x768xf32, #tpu.memory_space<vmem>>, vector<16xf32>,
        %add3A_452 = arith.addf %add3A_426, %add3A_448 : vector<16xf32>
        %mul3A_453 = arith.mulf %add3A_448, %add3A_448 : vector<16xf32>
        %add3A_454 = arith.addf %add3A_428, %mul3A_453 : vector<16xf32>
        %get3A_455 = arith.index_cast %scan3A_149 : i32 to index
        %get3A_456 = arith.constant 464 : index
        %get3A_457 = tpu.vector_load %arg15[%get3A_455, %get3A_456] {strides = array<i32>} : memref<16x768xf32, #tpu.memory_space<vmem>>, vector<16xf32>,
        %get3A_458 = arith.index_cast %scan3A_149 : i32 to index
        %get3A_459 = arith.constant 464 : index
        %get3A_460 = tpu.vector_load %arg10[%get3A_458, %get3A_459] {strides = array<i32>} : memref<16x768xf32, #tpu.memory_space<vmem>>, vector<16xf32>,
        %add3A_461 = arith.addf %get3A_457, %get3A_460 : vector<16xf32>
        %swap3A_462 = arith.index_cast %scan3A_149 : i32 to index
        %swap3A_463 = arith.constant 464 : index
        %swap3A_464 = tpu.vector_load %arg17[%swap3A_462, %swap3A_463] {strides = array<i32>} : memref<16x768xf32, #tpu.memory_space<vmem>>, vector<16xf32>,
        tpu.vector_store %arg17[%swap3A_462, %swap3A_463], %add3A_461 {strides = array<i32>} : memref<16x768xf32, #tpu.memory_space<vmem>>, vector<16xf32>,
        %add3A_465 = arith.addf %add3A_439, %add3A_461 : vector<16xf32>
        %mul3A_466 = arith.mulf %add3A_461, %add3A_461 : vector<16xf32>
        %add3A_467 = arith.addf %add3A_441, %mul3A_466 : vector<16xf32>
        %get3A_468 = arith.index_cast %scan3A_149 : i32 to index
        %get3A_469 = arith.constant 480 : index
        %get3A_470 = tpu.vector_load %arg15[%get3A_468, %get3A_469] {strides = array<i32>} : memref<16x768xf32, #tpu.memory_space<vmem>>, vector<16xf32>,
        %get3A_471 = arith.index_cast %scan3A_149 : i32 to index
        %get3A_472 = arith.constant 480 : index
        %get3A_473 = tpu.vector_load %arg10[%get3A_471, %get3A_472] {strides = array<i32>} : memref<16x768xf32, #tpu.memory_space<vmem>>, vector<16xf32>,
        %add3A_474 = arith.addf %get3A_470, %get3A_473 : vector<16xf32>
        %swap3A_475 = arith.index_cast %scan3A_149 : i32 to index
        %swap3A_476 = arith.constant 480 : index
        %swap3A_477 = tpu.vector_load %arg17[%swap3A_475, %swap3A_476] {strides = array<i32>} : memref<16x768xf32, #tpu.memory_space<vmem>>, vector<16xf32>,
        tpu.vector_store %arg17[%swap3A_475, %swap3A_476], %add3A_474 {strides = array<i32>} : memref<16x768xf32, #tpu.memory_space<vmem>>, vector<16xf32>,
        %add3A_478 = arith.addf %add3A_452, %add3A_474 : vector<16xf32>
        %mul3A_479 = arith.mulf %add3A_474, %add3A_474 : vector<16xf32>
        %add3A_480 = arith.addf %add3A_454, %mul3A_479 : vector<16xf32>
        %get3A_481 = arith.index_cast %scan3A_149 : i32 to index
        %get3A_482 = arith.constant 496 : index
        %get3A_483 = tpu.vector_load %arg15[%get3A_481, %get3A_482] {strides = array<i32>} : memref<16x768xf32, #tpu.memory_space<vmem>>, vector<16xf32>,
        %get3A_484 = arith.index_cast %scan3A_149 : i32 to index
        %get3A_485 = arith.constant 496 : index
        %get3A_486 = tpu.vector_load %arg10[%get3A_484, %get3A_485] {strides = array<i32>} : memref<16x768xf32, #tpu.memory_space<vmem>>, vector<16xf32>,
        %add3A_487 = arith.addf %get3A_483, %get3A_486 : vector<16xf32>
        %swap3A_488 = arith.index_cast %scan3A_149 : i32 to index
        %swap3A_489 = arith.constant 496 : index
        %swap3A_490 = tpu.vector_load %arg17[%swap3A_488, %swap3A_489] {strides = array<i32>} : memref<16x768xf32, #tpu.memory_space<vmem>>, vector<16xf32>,
        tpu.vector_store %arg17[%swap3A_488, %swap3A_489], %add3A_487 {strides = array<i32>} : memref<16x768xf32, #tpu.memory_space<vmem>>, vector<16xf32>,
        %add3A_491 = arith.addf %add3A_465, %add3A_487 : vector<16xf32>
        %mul3A_492 = arith.mulf %add3A_487, %add3A_487 : vector<16xf32>
        %add3A_493 = arith.addf %add3A_467, %mul3A_492 : vector<16xf32>
        %get3A_494 = arith.index_cast %scan3A_149 : i32 to index
        %get3A_495 = arith.constant 512 : index
        %get3A_496 = tpu.vector_load %arg15[%get3A_494, %get3A_495] {strides = array<i32>} : memref<16x768xf32, #tpu.memory_space<vmem>>, vector<16xf32>,
        %get3A_497 = arith.index_cast %scan3A_149 : i32 to index
        %get3A_498 = arith.constant 512 : index
        %get3A_499 = tpu.vector_load %arg10[%get3A_497, %get3A_498] {strides = array<i32>} : memref<16x768xf32, #tpu.memory_space<vmem>>, vector<16xf32>,
        %add3A_500 = arith.addf %get3A_496, %get3A_499 : vector<16xf32>
        %swap3A_501 = arith.index_cast %scan3A_149 : i32 to index
        %swap3A_502 = arith.constant 512 : index
        %swap3A_503 = tpu.vector_load %arg17[%swap3A_501, %swap3A_502] {strides = array<i32>} : memref<16x768xf32, #tpu.memory_space<vmem>>, vector<16xf32>,
        tpu.vector_store %arg17[%swap3A_501, %swap3A_502], %add3A_500 {strides = array<i32>} : memref<16x768xf32, #tpu.memory_space<vmem>>, vector<16xf32>,
        %add3A_504 = arith.addf %add3A_478, %add3A_500 : vector<16xf32>
        %mul3A_505 = arith.mulf %add3A_500, %add3A_500 : vector<16xf32>
        %add3A_506 = arith.addf %add3A_480, %mul3A_505 : vector<16xf32>
        %get3A_507 = arith.index_cast %scan3A_149 : i32 to index
        %get3A_508 = arith.constant 528 : index
        %get3A_509 = tpu.vector_load %arg15[%get3A_507, %get3A_508] {strides = array<i32>} : memref<16x768xf32, #tpu.memory_space<vmem>>, vector<16xf32>,
        %get3A_510 = arith.index_cast %scan3A_149 : i32 to index
        %get3A_511 = arith.constant 528 : index
        %get3A_512 = tpu.vector_load %arg10[%get3A_510, %get3A_511] {strides = array<i32>} : memref<16x768xf32, #tpu.memory_space<vmem>>, vector<16xf32>,
        %add3A_513 = arith.addf %get3A_509, %get3A_512 : vector<16xf32>
        %swap3A_514 = arith.index_cast %scan3A_149 : i32 to index
        %swap3A_515 = arith.constant 528 : index
        %swap3A_516 = tpu.vector_load %arg17[%swap3A_514, %swap3A_515] {strides = array<i32>} : memref<16x768xf32, #tpu.memory_space<vmem>>, vector<16xf32>,
        tpu.vector_store %arg17[%swap3A_514, %swap3A_515], %add3A_513 {strides = array<i32>} : memref<16x768xf32, #tpu.memory_space<vmem>>, vector<16xf32>,
        %add3A_517 = arith.addf %add3A_491, %add3A_513 : vector<16xf32>
        %mul3A_518 = arith.mulf %add3A_513, %add3A_513 : vector<16xf32>
        %add3A_519 = arith.addf %add3A_493, %mul3A_518 : vector<16xf32>
        %get3A_520 = arith.index_cast %scan3A_149 : i32 to index
        %get3A_521 = arith.constant 544 : index
        %get3A_522 = tpu.vector_load %arg15[%get3A_520, %get3A_521] {strides = array<i32>} : memref<16x768xf32, #tpu.memory_space<vmem>>, vector<16xf32>,
        %get3A_523 = arith.index_cast %scan3A_149 : i32 to index
        %get3A_524 = arith.constant 544 : index
        %get3A_525 = tpu.vector_load %arg10[%get3A_523, %get3A_524] {strides = array<i32>} : memref<16x768xf32, #tpu.memory_space<vmem>>, vector<16xf32>,
        %add3A_526 = arith.addf %get3A_522, %get3A_525 : vector<16xf32>
        %swap3A_527 = arith.index_cast %scan3A_149 : i32 to index
        %swap3A_528 = arith.constant 544 : index
        %swap3A_529 = tpu.vector_load %arg17[%swap3A_527, %swap3A_528] {strides = array<i32>} : memref<16x768xf32, #tpu.memory_space<vmem>>, vector<16xf32>,
        tpu.vector_store %arg17[%swap3A_527, %swap3A_528], %add3A_526 {strides = array<i32>} : memref<16x768xf32, #tpu.memory_space<vmem>>, vector<16xf32>,
        %add3A_530 = arith.addf %add3A_504, %add3A_526 : vector<16xf32>
        %mul3A_531 = arith.mulf %add3A_526, %add3A_526 : vector<16xf32>
        %add3A_532 = arith.addf %add3A_506, %mul3A_531 : vector<16xf32>
        %get3A_533 = arith.index_cast %scan3A_149 : i32 to index
        %get3A_534 = arith.constant 560 : index
        %get3A_535 = tpu.vector_load %arg15[%get3A_533, %get3A_534] {strides = array<i32>} : memref<16x768xf32, #tpu.memory_space<vmem>>, vector<16xf32>,
        %get3A_536 = arith.index_cast %scan3A_149 : i32 to index
        %get3A_537 = arith.constant 560 : index
        %get3A_538 = tpu.vector_load %arg10[%get3A_536, %get3A_537] {strides = array<i32>} : memref<16x768xf32, #tpu.memory_space<vmem>>, vector<16xf32>,
        %add3A_539 = arith.addf %get3A_535, %get3A_538 : vector<16xf32>
        %swap3A_540 = arith.index_cast %scan3A_149 : i32 to index
        %swap3A_541 = arith.constant 560 : index
        %swap3A_542 = tpu.vector_load %arg17[%swap3A_540, %swap3A_541] {strides = array<i32>} : memref<16x768xf32, #tpu.memory_space<vmem>>, vector<16xf32>,
        tpu.vector_store %arg17[%swap3A_540, %swap3A_541], %add3A_539 {strides = array<i32>} : memref<16x768xf32, #tpu.memory_space<vmem>>, vector<16xf32>,
        %add3A_543 = arith.addf %add3A_517, %add3A_539 : vector<16xf32>
        %mul3A_544 = arith.mulf %add3A_539, %add3A_539 : vector<16xf32>
        %add3A_545 = arith.addf %add3A_519, %mul3A_544 : vector<16xf32>
        %get3A_546 = arith.index_cast %scan3A_149 : i32 to index
        %get3A_547 = arith.constant 576 : index
        %get3A_548 = tpu.vector_load %arg15[%get3A_546, %get3A_547] {strides = array<i32>} : memref<16x768xf32, #tpu.memory_space<vmem>>, vector<16xf32>,
        %get3A_549 = arith.index_cast %scan3A_149 : i32 to index
        %get3A_550 = arith.constant 576 : index
        %get3A_551 = tpu.vector_load %arg10[%get3A_549, %get3A_550] {strides = array<i32>} : memref<16x768xf32, #tpu.memory_space<vmem>>, vector<16xf32>,
        %add3A_552 = arith.addf %get3A_548, %get3A_551 : vector<16xf32>
        %swap3A_553 = arith.index_cast %scan3A_149 : i32 to index
        %swap3A_554 = arith.constant 576 : index
        %swap3A_555 = tpu.vector_load %arg17[%swap3A_553, %swap3A_554] {strides = array<i32>} : memref<16x768xf32, #tpu.memory_space<vmem>>, vector<16xf32>,
        tpu.vector_store %arg17[%swap3A_553, %swap3A_554], %add3A_552 {strides = array<i32>} : memref<16x768xf32, #tpu.memory_space<vmem>>, vector<16xf32>,
        %add3A_556 = arith.addf %add3A_530, %add3A_552 : vector<16xf32>
        %mul3A_557 = arith.mulf %add3A_552, %add3A_552 : vector<16xf32>
        %add3A_558 = arith.addf %add3A_532, %mul3A_557 : vector<16xf32>
        %get3A_559 = arith.index_cast %scan3A_149 : i32 to index
        %get3A_560 = arith.constant 592 : index
        %get3A_561 = tpu.vector_load %arg15[%get3A_559, %get3A_560] {strides = array<i32>} : memref<16x768xf32, #tpu.memory_space<vmem>>, vector<16xf32>,
        %get3A_562 = arith.index_cast %scan3A_149 : i32 to index
        %get3A_563 = arith.constant 592 : index
        %get3A_564 = tpu.vector_load %arg10[%get3A_562, %get3A_563] {strides = array<i32>} : memref<16x768xf32, #tpu.memory_space<vmem>>, vector<16xf32>,
        %add3A_565 = arith.addf %get3A_561, %get3A_564 : vector<16xf32>
        %swap3A_566 = arith.index_cast %scan3A_149 : i32 to index
        %swap3A_567 = arith.constant 592 : index
        %swap3A_568 = tpu.vector_load %arg17[%swap3A_566, %swap3A_567] {strides = array<i32>} : memref<16x768xf32, #tpu.memory_space<vmem>>, vector<16xf32>,
        tpu.vector_store %arg17[%swap3A_566, %swap3A_567], %add3A_565 {strides = array<i32>} : memref<16x768xf32, #tpu.memory_space<vmem>>, vector<16xf32>,
        %add3A_569 = arith.addf %add3A_543, %add3A_565 : vector<16xf32>
        %mul3A_570 = arith.mulf %add3A_565, %add3A_565 : vector<16xf32>
        %add3A_571 = arith.addf %add3A_545, %mul3A_570 : vector<16xf32>
        %get3A_572 = arith.index_cast %scan3A_149 : i32 to index
        %get3A_573 = arith.constant 608 : index
        %get3A_574 = tpu.vector_load %arg15[%get3A_572, %get3A_573] {strides = array<i32>} : memref<16x768xf32, #tpu.memory_space<vmem>>, vector<16xf32>,
        %get3A_575 = arith.index_cast %scan3A_149 : i32 to index
        %get3A_576 = arith.constant 608 : index
        %get3A_577 = tpu.vector_load %arg10[%get3A_575, %get3A_576] {strides = array<i32>} : memref<16x768xf32, #tpu.memory_space<vmem>>, vector<16xf32>,
        %add3A_578 = arith.addf %get3A_574, %get3A_577 : vector<16xf32>
        %swap3A_579 = arith.index_cast %scan3A_149 : i32 to index
        %swap3A_580 = arith.constant 608 : index
        %swap3A_581 = tpu.vector_load %arg17[%swap3A_579, %swap3A_580] {strides = array<i32>} : memref<16x768xf32, #tpu.memory_space<vmem>>, vector<16xf32>,
        tpu.vector_store %arg17[%swap3A_579, %swap3A_580], %add3A_578 {strides = array<i32>} : memref<16x768xf32, #tpu.memory_space<vmem>>, vector<16xf32>,
        %add3A_582 = arith.addf %add3A_556, %add3A_578 : vector<16xf32>
        %mul3A_583 = arith.mulf %add3A_578, %add3A_578 : vector<16xf32>
        %add3A_584 = arith.addf %add3A_558, %mul3A_583 : vector<16xf32>
        %get3A_585 = arith.index_cast %scan3A_149 : i32 to index
        %get3A_586 = arith.constant 624 : index
        %get3A_587 = tpu.vector_load %arg15[%get3A_585, %get3A_586] {strides = array<i32>} : memref<16x768xf32, #tpu.memory_space<vmem>>, vector<16xf32>,
        %get3A_588 = arith.index_cast %scan3A_149 : i32 to index
        %get3A_589 = arith.constant 624 : index
        %get3A_590 = tpu.vector_load %arg10[%get3A_588, %get3A_589] {strides = array<i32>} : memref<16x768xf32, #tpu.memory_space<vmem>>, vector<16xf32>,
        %add3A_591 = arith.addf %get3A_587, %get3A_590 : vector<16xf32>
        %swap3A_592 = arith.index_cast %scan3A_149 : i32 to index
        %swap3A_593 = arith.constant 624 : index
        %swap3A_594 = tpu.vector_load %arg17[%swap3A_592, %swap3A_593] {strides = array<i32>} : memref<16x768xf32, #tpu.memory_space<vmem>>, vector<16xf32>,
        tpu.vector_store %arg17[%swap3A_592, %swap3A_593], %add3A_591 {strides = array<i32>} : memref<16x768xf32, #tpu.memory_space<vmem>>, vector<16xf32>,
        %add3A_595 = arith.addf %add3A_569, %add3A_591 : vector<16xf32>
        %mul3A_596 = arith.mulf %add3A_591, %add3A_591 : vector<16xf32>
        %add3A_597 = arith.addf %add3A_571, %mul3A_596 : vector<16xf32>
        %get3A_598 = arith.index_cast %scan3A_149 : i32 to index
        %get3A_599 = arith.constant 640 : index
        %get3A_600 = tpu.vector_load %arg15[%get3A_598, %get3A_599] {strides = array<i32>} : memref<16x768xf32, #tpu.memory_space<vmem>>, vector<16xf32>,
        %get3A_601 = arith.index_cast %scan3A_149 : i32 to index
        %get3A_602 = arith.constant 640 : index
        %get3A_603 = tpu.vector_load %arg10[%get3A_601, %get3A_602] {strides = array<i32>} : memref<16x768xf32, #tpu.memory_space<vmem>>, vector<16xf32>,
        %add3A_604 = arith.addf %get3A_600, %get3A_603 : vector<16xf32>
        %swap3A_605 = arith.index_cast %scan3A_149 : i32 to index
        %swap3A_606 = arith.constant 640 : index
        %swap3A_607 = tpu.vector_load %arg17[%swap3A_605, %swap3A_606] {strides = array<i32>} : memref<16x768xf32, #tpu.memory_space<vmem>>, vector<16xf32>,
        tpu.vector_store %arg17[%swap3A_605, %swap3A_606], %add3A_604 {strides = array<i32>} : memref<16x768xf32, #tpu.memory_space<vmem>>, vector<16xf32>,
        %add3A_608 = arith.addf %add3A_582, %add3A_604 : vector<16xf32>
        %mul3A_609 = arith.mulf %add3A_604, %add3A_604 : vector<16xf32>
        %add3A_610 = arith.addf %add3A_584, %mul3A_609 : vector<16xf32>
        %get3A_611 = arith.index_cast %scan3A_149 : i32 to index
        %get3A_612 = arith.constant 656 : index
        %get3A_613 = tpu.vector_load %arg15[%get3A_611, %get3A_612] {strides = array<i32>} : memref<16x768xf32, #tpu.memory_space<vmem>>, vector<16xf32>,
        %get3A_614 = arith.index_cast %scan3A_149 : i32 to index
        %get3A_615 = arith.constant 656 : index
        %get3A_616 = tpu.vector_load %arg10[%get3A_614, %get3A_615] {strides = array<i32>} : memref<16x768xf32, #tpu.memory_space<vmem>>, vector<16xf32>,
        %add3A_617 = arith.addf %get3A_613, %get3A_616 : vector<16xf32>
        %swap3A_618 = arith.index_cast %scan3A_149 : i32 to index
        %swap3A_619 = arith.constant 656 : index
        %swap3A_620 = tpu.vector_load %arg17[%swap3A_618, %swap3A_619] {strides = array<i32>} : memref<16x768xf32, #tpu.memory_space<vmem>>, vector<16xf32>,
        tpu.vector_store %arg17[%swap3A_618, %swap3A_619], %add3A_617 {strides = array<i32>} : memref<16x768xf32, #tpu.memory_space<vmem>>, vector<16xf32>,
        %add3A_621 = arith.addf %add3A_595, %add3A_617 : vector<16xf32>
        %mul3A_622 = arith.mulf %add3A_617, %add3A_617 : vector<16xf32>
        %add3A_623 = arith.addf %add3A_597, %mul3A_622 : vector<16xf32>
        %get3A_624 = arith.index_cast %scan3A_149 : i32 to index
        %get3A_625 = arith.constant 672 : index
        %get3A_626 = tpu.vector_load %arg15[%get3A_624, %get3A_625] {strides = array<i32>} : memref<16x768xf32, #tpu.memory_space<vmem>>, vector<16xf32>,
        %get3A_627 = arith.index_cast %scan3A_149 : i32 to index
        %get3A_628 = arith.constant 672 : index
        %get3A_629 = tpu.vector_load %arg10[%get3A_627, %get3A_628] {strides = array<i32>} : memref<16x768xf32, #tpu.memory_space<vmem>>, vector<16xf32>,
        %add3A_630 = arith.addf %get3A_626, %get3A_629 : vector<16xf32>
        %swap3A_631 = arith.index_cast %scan3A_149 : i32 to index
        %swap3A_632 = arith.constant 672 : index
        %swap3A_633 = tpu.vector_load %arg17[%swap3A_631, %swap3A_632] {strides = array<i32>} : memref<16x768xf32, #tpu.memory_space<vmem>>, vector<16xf32>,
        tpu.vector_store %arg17[%swap3A_631, %swap3A_632], %add3A_630 {strides = array<i32>} : memref<16x768xf32, #tpu.memory_space<vmem>>, vector<16xf32>,
        %add3A_634 = arith.addf %add3A_608, %add3A_630 : vector<16xf32>
        %mul3A_635 = arith.mulf %add3A_630, %add3A_630 : vector<16xf32>
        %add3A_636 = arith.addf %add3A_610, %mul3A_635 : vector<16xf32>
        %get3A_637 = arith.index_cast %scan3A_149 : i32 to index
        %get3A_638 = arith.constant 688 : index
        %get3A_639 = tpu.vector_load %arg15[%get3A_637, %get3A_638] {strides = array<i32>} : memref<16x768xf32, #tpu.memory_space<vmem>>, vector<16xf32>,
        %get3A_640 = arith.index_cast %scan3A_149 : i32 to index
        %get3A_641 = arith.constant 688 : index
        %get3A_642 = tpu.vector_load %arg10[%get3A_640, %get3A_641] {strides = array<i32>} : memref<16x768xf32, #tpu.memory_space<vmem>>, vector<16xf32>,
        %add3A_643 = arith.addf %get3A_639, %get3A_642 : vector<16xf32>
        %swap3A_644 = arith.index_cast %scan3A_149 : i32 to index
        %swap3A_645 = arith.constant 688 : index
        %swap3A_646 = tpu.vector_load %arg17[%swap3A_644, %swap3A_645] {strides = array<i32>} : memref<16x768xf32, #tpu.memory_space<vmem>>, vector<16xf32>,
        tpu.vector_store %arg17[%swap3A_644, %swap3A_645], %add3A_643 {strides = array<i32>} : memref<16x768xf32, #tpu.memory_space<vmem>>, vector<16xf32>,
        %add3A_647 = arith.addf %add3A_621, %add3A_643 : vector<16xf32>
        %mul3A_648 = arith.mulf %add3A_643, %add3A_643 : vector<16xf32>
        %add3A_649 = arith.addf %add3A_623, %mul3A_648 : vector<16xf32>
        %get3A_650 = arith.index_cast %scan3A_149 : i32 to index
        %get3A_651 = arith.constant 704 : index
        %get3A_652 = tpu.vector_load %arg15[%get3A_650, %get3A_651] {strides = array<i32>} : memref<16x768xf32, #tpu.memory_space<vmem>>, vector<16xf32>,
        %get3A_653 = arith.index_cast %scan3A_149 : i32 to index
        %get3A_654 = arith.constant 704 : index
        %get3A_655 = tpu.vector_load %arg10[%get3A_653, %get3A_654] {strides = array<i32>} : memref<16x768xf32, #tpu.memory_space<vmem>>, vector<16xf32>,
        %add3A_656 = arith.addf %get3A_652, %get3A_655 : vector<16xf32>
        %swap3A_657 = arith.index_cast %scan3A_149 : i32 to index
        %swap3A_658 = arith.constant 704 : index
        %swap3A_659 = tpu.vector_load %arg17[%swap3A_657, %swap3A_658] {strides = array<i32>} : memref<16x768xf32, #tpu.memory_space<vmem>>, vector<16xf32>,
        tpu.vector_store %arg17[%swap3A_657, %swap3A_658], %add3A_656 {strides = array<i32>} : memref<16x768xf32, #tpu.memory_space<vmem>>, vector<16xf32>,
        %add3A_660 = arith.addf %add3A_634, %add3A_656 : vector<16xf32>
        %mul3A_661 = arith.mulf %add3A_656, %add3A_656 : vector<16xf32>
        %add3A_662 = arith.addf %add3A_636, %mul3A_661 : vector<16xf32>
        %get3A_663 = arith.index_cast %scan3A_149 : i32 to index
        %get3A_664 = arith.constant 720 : index
        %get3A_665 = tpu.vector_load %arg15[%get3A_663, %get3A_664] {strides = array<i32>} : memref<16x768xf32, #tpu.memory_space<vmem>>, vector<16xf32>,
        %get3A_666 = arith.index_cast %scan3A_149 : i32 to index
        %get3A_667 = arith.constant 720 : index
        %get3A_668 = tpu.vector_load %arg10[%get3A_666, %get3A_667] {strides = array<i32>} : memref<16x768xf32, #tpu.memory_space<vmem>>, vector<16xf32>,
        %add3A_669 = arith.addf %get3A_665, %get3A_668 : vector<16xf32>
        %swap3A_670 = arith.index_cast %scan3A_149 : i32 to index
        %swap3A_671 = arith.constant 720 : index
        %swap3A_672 = tpu.vector_load %arg17[%swap3A_670, %swap3A_671] {strides = array<i32>} : memref<16x768xf32, #tpu.memory_space<vmem>>, vector<16xf32>,
        tpu.vector_store %arg17[%swap3A_670, %swap3A_671], %add3A_669 {strides = array<i32>} : memref<16x768xf32, #tpu.memory_space<vmem>>, vector<16xf32>,
        %add3A_673 = arith.addf %add3A_647, %add3A_669 : vector<16xf32>
        %mul3A_674 = arith.mulf %add3A_669, %add3A_669 : vector<16xf32>
        %add3A_675 = arith.addf %add3A_649, %mul3A_674 : vector<16xf32>
        %get3A_676 = arith.index_cast %scan3A_149 : i32 to index
        %get3A_677 = arith.constant 736 : index
        %get3A_678 = tpu.vector_load %arg15[%get3A_676, %get3A_677] {strides = array<i32>} : memref<16x768xf32, #tpu.memory_space<vmem>>, vector<16xf32>,
        %get3A_679 = arith.index_cast %scan3A_149 : i32 to index
        %get3A_680 = arith.constant 736 : index
        %get3A_681 = tpu.vector_load %arg10[%get3A_679, %get3A_680] {strides = array<i32>} : memref<16x768xf32, #tpu.memory_space<vmem>>, vector<16xf32>,
        %add3A_682 = arith.addf %get3A_678, %get3A_681 : vector<16xf32>
        %swap3A_683 = arith.index_cast %scan3A_149 : i32 to index
        %swap3A_684 = arith.constant 736 : index
        %swap3A_685 = tpu.vector_load %arg17[%swap3A_683, %swap3A_684] {strides = array<i32>} : memref<16x768xf32, #tpu.memory_space<vmem>>, vector<16xf32>,
        tpu.vector_store %arg17[%swap3A_683, %swap3A_684], %add3A_682 {strides = array<i32>} : memref<16x768xf32, #tpu.memory_space<vmem>>, vector<16xf32>,
        %add3A_686 = arith.addf %add3A_660, %add3A_682 : vector<16xf32>
        %mul3A_687 = arith.mulf %add3A_682, %add3A_682 : vector<16xf32>
        %add3A_688 = arith.addf %add3A_662, %mul3A_687 : vector<16xf32>
        %get3A_689 = arith.index_cast %scan3A_149 : i32 to index
        %get3A_690 = arith.constant 752 : index
        %get3A_691 = tpu.vector_load %arg15[%get3A_689, %get3A_690] {strides = array<i32>} : memref<16x768xf32, #tpu.memory_space<vmem>>, vector<16xf32>,
        %get3A_692 = arith.index_cast %scan3A_149 : i32 to index
        %get3A_693 = arith.constant 752 : index
        %get3A_694 = tpu.vector_load %arg10[%get3A_692, %get3A_693] {strides = array<i32>} : memref<16x768xf32, #tpu.memory_space<vmem>>, vector<16xf32>,
        %add3A_695 = arith.addf %get3A_691, %get3A_694 : vector<16xf32>
        %swap3A_696 = arith.index_cast %scan3A_149 : i32 to index
        %swap3A_697 = arith.constant 752 : index
        %swap3A_698 = tpu.vector_load %arg17[%swap3A_696, %swap3A_697] {strides = array<i32>} : memref<16x768xf32, #tpu.memory_space<vmem>>, vector<16xf32>,
        tpu.vector_store %arg17[%swap3A_696, %swap3A_697], %add3A_695 {strides = array<i32>} : memref<16x768xf32, #tpu.memory_space<vmem>>, vector<16xf32>,
        %add3A_699 = arith.addf %add3A_673, %add3A_695 : vector<16xf32>
        %mul3A_700 = arith.mulf %add3A_695, %add3A_695 : vector<16xf32>
        %add3A_701 = arith.addf %add3A_675, %mul3A_700 : vector<16xf32>
        %add3A_702 = arith.addf %add3A_686, %add3A_699 : vector<16xf32>
        %iota3A = tpu.iota {dimensions = array<i32: 0>} : vector<16xi32>
        %add3A_703 = arith.constant 8 : i32
        %add3A_704 = vector.broadcast %add3A_703 : i32 to vector<16xi32>
        %add3A_705 = arith.addi %iota3A, %add3A_704 : vector<16xi32>
        %and3A = arith.constant 15 : i32
        %and3A_706 = vector.broadcast %and3A : i32 to vector<16xi32>
        %and3A_707 = arith.andi %add3A_705, %and3A_706 : vector<16xi32>
        %broadcast_in_dim3A_708 = vector.shape_cast %and3A_707 : vector<16xi32> to vector<16x1xi32>
        %gather3A = vector.shape_cast %broadcast_in_dim3A_708 : vector<16x1xi32> to vector<16xi32>
        %gather3A_709 = tpu.dynamic_gather %add3A_702[%gather3A] in [0] : vector<16xf32>, vector<16xi32> -> vector<16xf32>
        %add3A_710 = arith.addf %add3A_702, %gather3A_709 : vector<16xf32>
        %add3A_711 = arith.constant 4 : i32
        %add3A_712 = vector.broadcast %add3A_711 : i32 to vector<16xi32>
        %add3A_713 = arith.addi %iota3A, %add3A_712 : vector<16xi32>
        %and3A_714 = arith.constant 15 : i32
        %and3A_715 = vector.broadcast %and3A_714 : i32 to vector<16xi32>
        %and3A_716 = arith.andi %add3A_713, %and3A_715 : vector<16xi32>
        %broadcast_in_dim3A_717 = vector.shape_cast %and3A_716 : vector<16xi32> to vector<16x1xi32>
        %gather3A_718 = vector.shape_cast %broadcast_in_dim3A_717 : vector<16x1xi32> to vector<16xi32>
        %gather3A_719 = tpu.dynamic_gather %add3A_710[%gather3A_718] in [0] : vector<16xf32>, vector<16xi32> -> vector<16xf32>
        %add3A_720 = arith.addf %add3A_710, %gather3A_719 : vector<16xf32>
        %add3A_721 = arith.constant 2 : i32
        %add3A_722 = vector.broadcast %add3A_721 : i32 to vector<16xi32>
        %add3A_723 = arith.addi %iota3A, %add3A_722 : vector<16xi32>
        %and3A_724 = arith.constant 15 : i32
        %and3A_725 = vector.broadcast %and3A_724 : i32 to vector<16xi32>
        %and3A_726 = arith.andi %add3A_723, %and3A_725 : vector<16xi32>
        %broadcast_in_dim3A_727 = vector.shape_cast %and3A_726 : vector<16xi32> to vector<16x1xi32>
        %gather3A_728 = vector.shape_cast %broadcast_in_dim3A_727 : vector<16x1xi32> to vector<16xi32>
        %gather3A_729 = tpu.dynamic_gather %add3A_720[%gather3A_728] in [0] : vector<16xf32>, vector<16xi32> -> vector<16xf32>
        %add3A_730 = arith.addf %add3A_720, %gather3A_729 : vector<16xf32>
        %add3A_731 = arith.constant 1 : i32
        %add3A_732 = vector.broadcast %add3A_731 : i32 to vector<16xi32>
        %add3A_733 = arith.addi %iota3A, %add3A_732 : vector<16xi32>
        %and3A_734 = arith.constant 15 : i32
        %and3A_735 = vector.broadcast %and3A_734 : i32 to vector<16xi32>
        %and3A_736 = arith.andi %add3A_733, %and3A_735 : vector<16xi32>
        %broadcast_in_dim3A_737 = vector.shape_cast %and3A_736 : vector<16xi32> to vector<16x1xi32>
        %gather3A_738 = vector.shape_cast %broadcast_in_dim3A_737 : vector<16x1xi32> to vector<16xi32>
        %gather3A_739 = tpu.dynamic_gather %add3A_730[%gather3A_738] in [0] : vector<16xf32>, vector<16xi32> -> vector<16xf32>
        %add3A_740 = arith.addf %add3A_730, %gather3A_739 : vector<16xf32>
        %mul3A_741 = arith.mulf %add3A_740, %broadcast_in_dim3A_8 : vector<16xf32>
        %add3A_742 = arith.addf %add3A_688, %add3A_701 : vector<16xf32>
        %iota3A_743 = tpu.iota {dimensions = array<i32: 0>} : vector<16xi32>
        %add3A_744 = arith.constant 8 : i32
        %add3A_745 = vector.broadcast %add3A_744 : i32 to vector<16xi32>
        %add3A_746 = arith.addi %iota3A_743, %add3A_745 : vector<16xi32>
        %and3A_747 = arith.constant 15 : i32
        %and3A_748 = vector.broadcast %and3A_747 : i32 to vector<16xi32>
        %and3A_749 = arith.andi %add3A_746, %and3A_748 : vector<16xi32>
        %broadcast_in_dim3A_750 = vector.shape_cast %and3A_749 : vector<16xi32> to vector<16x1xi32>
        %gather3A_751 = vector.shape_cast %broadcast_in_dim3A_750 : vector<16x1xi32> to vector<16xi32>
        %gather3A_752 = tpu.dynamic_gather %add3A_742[%gather3A_751] in [0] : vector<16xf32>, vector<16xi32> -> vector<16xf32>
        %add3A_753 = arith.addf %add3A_742, %gather3A_752 : vector<16xf32>
        %add3A_754 = arith.constant 4 : i32
        %add3A_755 = vector.broadcast %add3A_754 : i32 to vector<16xi32>
        %add3A_756 = arith.addi %iota3A_743, %add3A_755 : vector<16xi32>
        %and3A_757 = arith.constant 15 : i32
        %and3A_758 = vector.broadcast %and3A_757 : i32 to vector<16xi32>
        %and3A_759 = arith.andi %add3A_756, %and3A_758 : vector<16xi32>
        %broadcast_in_dim3A_760 = vector.shape_cast %and3A_759 : vector<16xi32> to vector<16x1xi32>
        %gather3A_761 = vector.shape_cast %broadcast_in_dim3A_760 : vector<16x1xi32> to vector<16xi32>
        %gather3A_762 = tpu.dynamic_gather %add3A_753[%gather3A_761] in [0] : vector<16xf32>, vector<16xi32> -> vector<16xf32>
        %add3A_763 = arith.addf %add3A_753, %gather3A_762 : vector<16xf32>
        %add3A_764 = arith.constant 2 : i32
        %add3A_765 = vector.broadcast %add3A_764 : i32 to vector<16xi32>
        %add3A_766 = arith.addi %iota3A_743, %add3A_765 : vector<16xi32>
        %and3A_767 = arith.constant 15 : i32
        %and3A_768 = vector.broadcast %and3A_767 : i32 to vector<16xi32>
        %and3A_769 = arith.andi %add3A_766, %and3A_768 : vector<16xi32>
        %broadcast_in_dim3A_770 = vector.shape_cast %and3A_769 : vector<16xi32> to vector<16x1xi32>
        %gather3A_771 = vector.shape_cast %broadcast_in_dim3A_770 : vector<16x1xi32> to vector<16xi32>
        %gather3A_772 = tpu.dynamic_gather %add3A_763[%gather3A_771] in [0] : vector<16xf32>, vector<16xi32> -> vector<16xf32>
        %add3A_773 = arith.addf %add3A_763, %gather3A_772 : vector<16xf32>
        %add3A_774 = arith.constant 1 : i32
        %add3A_775 = vector.broadcast %add3A_774 : i32 to vector<16xi32>
        %add3A_776 = arith.addi %iota3A_743, %add3A_775 : vector<16xi32>
        %and3A_777 = arith.constant 15 : i32
        %and3A_778 = vector.broadcast %and3A_777 : i32 to vector<16xi32>
        %and3A_779 = arith.andi %add3A_776, %and3A_778 : vector<16xi32>
        %broadcast_in_dim3A_780 = vector.shape_cast %and3A_779 : vector<16xi32> to vector<16x1xi32>
        %gather3A_781 = vector.shape_cast %broadcast_in_dim3A_780 : vector<16x1xi32> to vector<16xi32>
        %gather3A_782 = tpu.dynamic_gather %add3A_773[%gather3A_781] in [0] : vector<16xf32>, vector<16xi32> -> vector<16xf32>
        %add3A_783 = arith.addf %add3A_773, %gather3A_782 : vector<16xf32>
        %mul3A_784 = arith.mulf %add3A_783, %broadcast_in_dim3A_8 : vector<16xf32>
        %mul3A_785 = arith.mulf %mul3A_741, %mul3A_741 : vector<16xf32>
        %sub3A = arith.subf %mul3A_784, %mul3A_785 : vector<16xf32>
        %add3A_786 = arith.addf %sub3A, %broadcast_in_dim3A_10 : vector<16xf32>
        %broadcast_in_dim3A_787 = arith.constant 5.000000e-01 : f32
        %broadcast_in_dim3A_788 = vector.broadcast %broadcast_in_dim3A_787 : f32 to vector<16xf32>
        %broadcast_in_dim3A_789 = arith.constant 1.500000e+00 : f32
        %broadcast_in_dim3A_790 = vector.broadcast %broadcast_in_dim3A_789 : f32 to vector<16xf32>
        %bitcast3A = vector.bitcast %add3A_786 : vector<16xf32> to vector<16xi32>
        %broadcast_in_dim3A_791 = arith.constant 1597463007 : i32
        %broadcast_in_dim3A_792 = vector.broadcast %broadcast_in_dim3A_791 : i32 to vector<16xi32>
        %shift_right_arithmetic3A = arith.constant 1 : i32
        %shift_right_arithmetic3A_793 = vector.broadcast %shift_right_arithmetic3A : i32 to vector<16xi32>
        %shift_right_arithmetic3A_794 = arith.shrsi %bitcast3A, %shift_right_arithmetic3A_793 : vector<16xi32>
        %sub3A_795 = arith.subi %broadcast_in_dim3A_792, %shift_right_arithmetic3A_794 : vector<16xi32>
        %bitcast3A_796 = vector.bitcast %sub3A_795 : vector<16xi32> to vector<16xf32>
        %mul3A_797 = arith.mulf %broadcast_in_dim3A_788, %add3A_786 : vector<16xf32>
        %mul3A_798 = arith.mulf %mul3A_797, %bitcast3A_796 : vector<16xf32>
        %mul3A_799 = arith.mulf %mul3A_798, %bitcast3A_796 : vector<16xf32>
        %sub3A_800 = arith.subf %broadcast_in_dim3A_790, %mul3A_799 : vector<16xf32>
        %mul3A_801 = arith.mulf %bitcast3A_796, %sub3A_800 : vector<16xf32>
        %mul3A_802 = arith.mulf %mul3A_797, %mul3A_801 : vector<16xf32>
        %mul3A_803 = arith.mulf %mul3A_802, %mul3A_801 : vector<16xf32>
        %sub3A_804 = arith.subf %broadcast_in_dim3A_790, %mul3A_803 : vector<16xf32>
        %mul3A_805 = arith.mulf %mul3A_801, %sub3A_804 : vector<16xf32>
        %sub3A_806 = arith.subf %add3A_157, %mul3A_741 : vector<16xf32>
        %mul3A_807 = arith.mulf %sub3A_806, %mul3A_805 : vector<16xf32>
        %get3A_808 = arith.constant 0 : index
        %get3A_809 = tpu.vector_load %arg12[%get3A_808] {strides = array<i32>} : memref<768xf32, #tpu.memory_space<vmem>>, vector<16xf32>,
        %mul3A_810 = arith.mulf %mul3A_807, %get3A_809 : vector<16xf32>
        %get3A_811 = arith.constant 0 : index
        %get3A_812 = tpu.vector_load %arg13[%get3A_811] {strides = array<i32>} : memref<768xf32, #tpu.memory_space<vmem>>, vector<16xf32>,
        %add3A_813 = arith.addf %mul3A_810, %get3A_812 : vector<16xf32>
        %swap3A_814 = arith.index_cast %scan3A_149 : i32 to index
        %swap3A_815 = arith.constant 0 : index
        %swap3A_816 = tpu.vector_load %arg17[%swap3A_814, %swap3A_815] {strides = array<i32>} : memref<16x768xf32, #tpu.memory_space<vmem>>, vector<16xf32>,
        tpu.vector_store %arg17[%swap3A_814, %swap3A_815], %add3A_813 {strides = array<i32>} : memref<16x768xf32, #tpu.memory_space<vmem>>, vector<16xf32>,
        %sub3A_817 = arith.subf %add3A_167, %mul3A_741 : vector<16xf32>
        %mul3A_818 = arith.mulf %sub3A_817, %mul3A_805 : vector<16xf32>
        %get3A_819 = arith.constant 16 : index
        %get3A_820 = tpu.vector_load %arg12[%get3A_819] {strides = array<i32>} : memref<768xf32, #tpu.memory_space<vmem>>, vector<16xf32>,
        %mul3A_821 = arith.mulf %mul3A_818, %get3A_820 : vector<16xf32>
        %get3A_822 = arith.constant 16 : index
        %get3A_823 = tpu.vector_load %arg13[%get3A_822] {strides = array<i32>} : memref<768xf32, #tpu.memory_space<vmem>>, vector<16xf32>,
        %add3A_824 = arith.addf %mul3A_821, %get3A_823 : vector<16xf32>
        %swap3A_825 = arith.index_cast %scan3A_149 : i32 to index
        %swap3A_826 = arith.constant 16 : index
        %swap3A_827 = tpu.vector_load %arg17[%swap3A_825, %swap3A_826] {strides = array<i32>} : memref<16x768xf32, #tpu.memory_space<vmem>>, vector<16xf32>,
        tpu.vector_store %arg17[%swap3A_825, %swap3A_826], %add3A_824 {strides = array<i32>} : memref<16x768xf32, #tpu.memory_space<vmem>>, vector<16xf32>,
        %sub3A_828 = arith.subf %add3A_177, %mul3A_741 : vector<16xf32>
        %mul3A_829 = arith.mulf %sub3A_828, %mul3A_805 : vector<16xf32>
        %get3A_830 = arith.constant 32 : index
        %get3A_831 = tpu.vector_load %arg12[%get3A_830] {strides = array<i32>} : memref<768xf32, #tpu.memory_space<vmem>>, vector<16xf32>,
        %mul3A_832 = arith.mulf %mul3A_829, %get3A_831 : vector<16xf32>
        %get3A_833 = arith.constant 32 : index
        %get3A_834 = tpu.vector_load %arg13[%get3A_833] {strides = array<i32>} : memref<768xf32, #tpu.memory_space<vmem>>, vector<16xf32>,
        %add3A_835 = arith.addf %mul3A_832, %get3A_834 : vector<16xf32>
        %swap3A_836 = arith.index_cast %scan3A_149 : i32 to index
        %swap3A_837 = arith.constant 32 : index
        %swap3A_838 = tpu.vector_load %arg17[%swap3A_836, %swap3A_837] {strides = array<i32>} : memref<16x768xf32, #tpu.memory_space<vmem>>, vector<16xf32>,
        tpu.vector_store %arg17[%swap3A_836, %swap3A_837], %add3A_835 {strides = array<i32>} : memref<16x768xf32, #tpu.memory_space<vmem>>, vector<16xf32>,
        %sub3A_839 = arith.subf %add3A_187, %mul3A_741 : vector<16xf32>
        %mul3A_840 = arith.mulf %sub3A_839, %mul3A_805 : vector<16xf32>
        %get3A_841 = arith.constant 48 : index
        %get3A_842 = tpu.vector_load %arg12[%get3A_841] {strides = array<i32>} : memref<768xf32, #tpu.memory_space<vmem>>, vector<16xf32>,
        %mul3A_843 = arith.mulf %mul3A_840, %get3A_842 : vector<16xf32>
        %get3A_844 = arith.constant 48 : index
        %get3A_845 = tpu.vector_load %arg13[%get3A_844] {strides = array<i32>} : memref<768xf32, #tpu.memory_space<vmem>>, vector<16xf32>,
        %add3A_846 = arith.addf %mul3A_843, %get3A_845 : vector<16xf32>
        %swap3A_847 = arith.index_cast %scan3A_149 : i32 to index
        %swap3A_848 = arith.constant 48 : index
        %swap3A_849 = tpu.vector_load %arg17[%swap3A_847, %swap3A_848] {strides = array<i32>} : memref<16x768xf32, #tpu.memory_space<vmem>>, vector<16xf32>,
        tpu.vector_store %arg17[%swap3A_847, %swap3A_848], %add3A_846 {strides = array<i32>} : memref<16x768xf32, #tpu.memory_space<vmem>>, vector<16xf32>,
        %sub3A_850 = arith.subf %add3A_197, %mul3A_741 : vector<16xf32>
        %mul3A_851 = arith.mulf %sub3A_850, %mul3A_805 : vector<16xf32>
        %get3A_852 = arith.constant 64 : index
        %get3A_853 = tpu.vector_load %arg12[%get3A_852] {strides = array<i32>} : memref<768xf32, #tpu.memory_space<vmem>>, vector<16xf32>,
        %mul3A_854 = arith.mulf %mul3A_851, %get3A_853 : vector<16xf32>
        %get3A_855 = arith.constant 64 : index
        %get3A_856 = tpu.vector_load %arg13[%get3A_855] {strides = array<i32>} : memref<768xf32, #tpu.memory_space<vmem>>, vector<16xf32>,
        %add3A_857 = arith.addf %mul3A_854, %get3A_856 : vector<16xf32>
        %swap3A_858 = arith.index_cast %scan3A_149 : i32 to index
        %swap3A_859 = arith.constant 64 : index
        %swap3A_860 = tpu.vector_load %arg17[%swap3A_858, %swap3A_859] {strides = array<i32>} : memref<16x768xf32, #tpu.memory_space<vmem>>, vector<16xf32>,
        tpu.vector_store %arg17[%swap3A_858, %swap3A_859], %add3A_857 {strides = array<i32>} : memref<16x768xf32, #tpu.memory_space<vmem>>, vector<16xf32>,
        %sub3A_861 = arith.subf %add3A_207, %mul3A_741 : vector<16xf32>
        %mul3A_862 = arith.mulf %sub3A_861, %mul3A_805 : vector<16xf32>
        %get3A_863 = arith.constant 80 : index
        %get3A_864 = tpu.vector_load %arg12[%get3A_863] {strides = array<i32>} : memref<768xf32, #tpu.memory_space<vmem>>, vector<16xf32>,
        %mul3A_865 = arith.mulf %mul3A_862, %get3A_864 : vector<16xf32>
        %get3A_866 = arith.constant 80 : index
        %get3A_867 = tpu.vector_load %arg13[%get3A_866] {strides = array<i32>} : memref<768xf32, #tpu.memory_space<vmem>>, vector<16xf32>,
        %add3A_868 = arith.addf %mul3A_865, %get3A_867 : vector<16xf32>
        %swap3A_869 = arith.index_cast %scan3A_149 : i32 to index
        %swap3A_870 = arith.constant 80 : index
        %swap3A_871 = tpu.vector_load %arg17[%swap3A_869, %swap3A_870] {strides = array<i32>} : memref<16x768xf32, #tpu.memory_space<vmem>>, vector<16xf32>,
        tpu.vector_store %arg17[%swap3A_869, %swap3A_870], %add3A_868 {strides = array<i32>} : memref<16x768xf32, #tpu.memory_space<vmem>>, vector<16xf32>,
        %sub3A_872 = arith.subf %add3A_217, %mul3A_741 : vector<16xf32>
        %mul3A_873 = arith.mulf %sub3A_872, %mul3A_805 : vector<16xf32>
        %get3A_874 = arith.constant 96 : index
        %get3A_875 = tpu.vector_load %arg12[%get3A_874] {strides = array<i32>} : memref<768xf32, #tpu.memory_space<vmem>>, vector<16xf32>,
        %mul3A_876 = arith.mulf %mul3A_873, %get3A_875 : vector<16xf32>
        %get3A_877 = arith.constant 96 : index
        %get3A_878 = tpu.vector_load %arg13[%get3A_877] {strides = array<i32>} : memref<768xf32, #tpu.memory_space<vmem>>, vector<16xf32>,
        %add3A_879 = arith.addf %mul3A_876, %get3A_878 : vector<16xf32>
        %swap3A_880 = arith.index_cast %scan3A_149 : i32 to index
        %swap3A_881 = arith.constant 96 : index
        %swap3A_882 = tpu.vector_load %arg17[%swap3A_880, %swap3A_881] {strides = array<i32>} : memref<16x768xf32, #tpu.memory_space<vmem>>, vector<16xf32>,
        tpu.vector_store %arg17[%swap3A_880, %swap3A_881], %add3A_879 {strides = array<i32>} : memref<16x768xf32, #tpu.memory_space<vmem>>, vector<16xf32>,
        %sub3A_883 = arith.subf %add3A_227, %mul3A_741 : vector<16xf32>
        %mul3A_884 = arith.mulf %sub3A_883, %mul3A_805 : vector<16xf32>
        %get3A_885 = arith.constant 112 : index
        %get3A_886 = tpu.vector_load %arg12[%get3A_885] {strides = array<i32>} : memref<768xf32, #tpu.memory_space<vmem>>, vector<16xf32>,
        %mul3A_887 = arith.mulf %mul3A_884, %get3A_886 : vector<16xf32>
        %get3A_888 = arith.constant 112 : index
        %get3A_889 = tpu.vector_load %arg13[%get3A_888] {strides = array<i32>} : memref<768xf32, #tpu.memory_space<vmem>>, vector<16xf32>,
        %add3A_890 = arith.addf %mul3A_887, %get3A_889 : vector<16xf32>
        %swap3A_891 = arith.index_cast %scan3A_149 : i32 to index
        %swap3A_892 = arith.constant 112 : index
        %swap3A_893 = tpu.vector_load %arg17[%swap3A_891, %swap3A_892] {strides = array<i32>} : memref<16x768xf32, #tpu.memory_space<vmem>>, vector<16xf32>,
        tpu.vector_store %arg17[%swap3A_891, %swap3A_892], %add3A_890 {strides = array<i32>} : memref<16x768xf32, #tpu.memory_space<vmem>>, vector<16xf32>,
        %sub3A_894 = arith.subf %add3A_237, %mul3A_741 : vector<16xf32>
        %mul3A_895 = arith.mulf %sub3A_894, %mul3A_805 : vector<16xf32>
        %get3A_896 = arith.constant 128 : index
        %get3A_897 = tpu.vector_load %arg12[%get3A_896] {strides = array<i32>} : memref<768xf32, #tpu.memory_space<vmem>>, vector<16xf32>,
        %mul3A_898 = arith.mulf %mul3A_895, %get3A_897 : vector<16xf32>
        %get3A_899 = arith.constant 128 : index
        %get3A_900 = tpu.vector_load %arg13[%get3A_899] {strides = array<i32>} : memref<768xf32, #tpu.memory_space<vmem>>, vector<16xf32>,
        %add3A_901 = arith.addf %mul3A_898, %get3A_900 : vector<16xf32>
        %swap3A_902 = arith.index_cast %scan3A_149 : i32 to index
        %swap3A_903 = arith.constant 128 : index
        %swap3A_904 = tpu.vector_load %arg17[%swap3A_902, %swap3A_903] {strides = array<i32>} : memref<16x768xf32, #tpu.memory_space<vmem>>, vector<16xf32>,
        tpu.vector_store %arg17[%swap3A_902, %swap3A_903], %add3A_901 {strides = array<i32>} : memref<16x768xf32, #tpu.memory_space<vmem>>, vector<16xf32>,
        %sub3A_905 = arith.subf %add3A_247, %mul3A_741 : vector<16xf32>
        %mul3A_906 = arith.mulf %sub3A_905, %mul3A_805 : vector<16xf32>
        %get3A_907 = arith.constant 144 : index
        %get3A_908 = tpu.vector_load %arg12[%get3A_907] {strides = array<i32>} : memref<768xf32, #tpu.memory_space<vmem>>, vector<16xf32>,
        %mul3A_909 = arith.mulf %mul3A_906, %get3A_908 : vector<16xf32>
        %get3A_910 = arith.constant 144 : index
        %get3A_911 = tpu.vector_load %arg13[%get3A_910] {strides = array<i32>} : memref<768xf32, #tpu.memory_space<vmem>>, vector<16xf32>,
        %add3A_912 = arith.addf %mul3A_909, %get3A_911 : vector<16xf32>
        %swap3A_913 = arith.index_cast %scan3A_149 : i32 to index
        %swap3A_914 = arith.constant 144 : index
        %swap3A_915 = tpu.vector_load %arg17[%swap3A_913, %swap3A_914] {strides = array<i32>} : memref<16x768xf32, #tpu.memory_space<vmem>>, vector<16xf32>,
        tpu.vector_store %arg17[%swap3A_913, %swap3A_914], %add3A_912 {strides = array<i32>} : memref<16x768xf32, #tpu.memory_space<vmem>>, vector<16xf32>,
        %sub3A_916 = arith.subf %add3A_257, %mul3A_741 : vector<16xf32>
        %mul3A_917 = arith.mulf %sub3A_916, %mul3A_805 : vector<16xf32>
        %get3A_918 = arith.constant 160 : index
        %get3A_919 = tpu.vector_load %arg12[%get3A_918] {strides = array<i32>} : memref<768xf32, #tpu.memory_space<vmem>>, vector<16xf32>,
        %mul3A_920 = arith.mulf %mul3A_917, %get3A_919 : vector<16xf32>
        %get3A_921 = arith.constant 160 : index
        %get3A_922 = tpu.vector_load %arg13[%get3A_921] {strides = array<i32>} : memref<768xf32, #tpu.memory_space<vmem>>, vector<16xf32>,
        %add3A_923 = arith.addf %mul3A_920, %get3A_922 : vector<16xf32>
        %swap3A_924 = arith.index_cast %scan3A_149 : i32 to index
        %swap3A_925 = arith.constant 160 : index
        %swap3A_926 = tpu.vector_load %arg17[%swap3A_924, %swap3A_925] {strides = array<i32>} : memref<16x768xf32, #tpu.memory_space<vmem>>, vector<16xf32>,
        tpu.vector_store %arg17[%swap3A_924, %swap3A_925], %add3A_923 {strides = array<i32>} : memref<16x768xf32, #tpu.memory_space<vmem>>, vector<16xf32>,
        %sub3A_927 = arith.subf %add3A_267, %mul3A_741 : vector<16xf32>
        %mul3A_928 = arith.mulf %sub3A_927, %mul3A_805 : vector<16xf32>
        %get3A_929 = arith.constant 176 : index
        %get3A_930 = tpu.vector_load %arg12[%get3A_929] {strides = array<i32>} : memref<768xf32, #tpu.memory_space<vmem>>, vector<16xf32>,
        %mul3A_931 = arith.mulf %mul3A_928, %get3A_930 : vector<16xf32>
        %get3A_932 = arith.constant 176 : index
        %get3A_933 = tpu.vector_load %arg13[%get3A_932] {strides = array<i32>} : memref<768xf32, #tpu.memory_space<vmem>>, vector<16xf32>,
        %add3A_934 = arith.addf %mul3A_931, %get3A_933 : vector<16xf32>
        %swap3A_935 = arith.index_cast %scan3A_149 : i32 to index
        %swap3A_936 = arith.constant 176 : index
        %swap3A_937 = tpu.vector_load %arg17[%swap3A_935, %swap3A_936] {strides = array<i32>} : memref<16x768xf32, #tpu.memory_space<vmem>>, vector<16xf32>,
        tpu.vector_store %arg17[%swap3A_935, %swap3A_936], %add3A_934 {strides = array<i32>} : memref<16x768xf32, #tpu.memory_space<vmem>>, vector<16xf32>,
        %sub3A_938 = arith.subf %add3A_277, %mul3A_741 : vector<16xf32>
        %mul3A_939 = arith.mulf %sub3A_938, %mul3A_805 : vector<16xf32>
        %get3A_940 = arith.constant 192 : index
        %get3A_941 = tpu.vector_load %arg12[%get3A_940] {strides = array<i32>} : memref<768xf32, #tpu.memory_space<vmem>>, vector<16xf32>,
        %mul3A_942 = arith.mulf %mul3A_939, %get3A_941 : vector<16xf32>
        %get3A_943 = arith.constant 192 : index
        %get3A_944 = tpu.vector_load %arg13[%get3A_943] {strides = array<i32>} : memref<768xf32, #tpu.memory_space<vmem>>, vector<16xf32>,
        %add3A_945 = arith.addf %mul3A_942, %get3A_944 : vector<16xf32>
        %swap3A_946 = arith.index_cast %scan3A_149 : i32 to index
        %swap3A_947 = arith.constant 192 : index
        %swap3A_948 = tpu.vector_load %arg17[%swap3A_946, %swap3A_947] {strides = array<i32>} : memref<16x768xf32, #tpu.memory_space<vmem>>, vector<16xf32>,
        tpu.vector_store %arg17[%swap3A_946, %swap3A_947], %add3A_945 {strides = array<i32>} : memref<16x768xf32, #tpu.memory_space<vmem>>, vector<16xf32>,
        %sub3A_949 = arith.subf %add3A_287, %mul3A_741 : vector<16xf32>
        %mul3A_950 = arith.mulf %sub3A_949, %mul3A_805 : vector<16xf32>
        %get3A_951 = arith.constant 208 : index
        %get3A_952 = tpu.vector_load %arg12[%get3A_951] {strides = array<i32>} : memref<768xf32, #tpu.memory_space<vmem>>, vector<16xf32>,
        %mul3A_953 = arith.mulf %mul3A_950, %get3A_952 : vector<16xf32>
        %get3A_954 = arith.constant 208 : index
        %get3A_955 = tpu.vector_load %arg13[%get3A_954] {strides = array<i32>} : memref<768xf32, #tpu.memory_space<vmem>>, vector<16xf32>,
        %add3A_956 = arith.addf %mul3A_953, %get3A_955 : vector<16xf32>
        %swap3A_957 = arith.index_cast %scan3A_149 : i32 to index
        %swap3A_958 = arith.constant 208 : index
        %swap3A_959 = tpu.vector_load %arg17[%swap3A_957, %swap3A_958] {strides = array<i32>} : memref<16x768xf32, #tpu.memory_space<vmem>>, vector<16xf32>,
        tpu.vector_store %arg17[%swap3A_957, %swap3A_958], %add3A_956 {strides = array<i32>} : memref<16x768xf32, #tpu.memory_space<vmem>>, vector<16xf32>,
        %sub3A_960 = arith.subf %add3A_297, %mul3A_741 : vector<16xf32>
        %mul3A_961 = arith.mulf %sub3A_960, %mul3A_805 : vector<16xf32>
        %get3A_962 = arith.constant 224 : index
        %get3A_963 = tpu.vector_load %arg12[%get3A_962] {strides = array<i32>} : memref<768xf32, #tpu.memory_space<vmem>>, vector<16xf32>,
        %mul3A_964 = arith.mulf %mul3A_961, %get3A_963 : vector<16xf32>
        %get3A_965 = arith.constant 224 : index
        %get3A_966 = tpu.vector_load %arg13[%get3A_965] {strides = array<i32>} : memref<768xf32, #tpu.memory_space<vmem>>, vector<16xf32>,
        %add3A_967 = arith.addf %mul3A_964, %get3A_966 : vector<16xf32>
        %swap3A_968 = arith.index_cast %scan3A_149 : i32 to index
        %swap3A_969 = arith.constant 224 : index
        %swap3A_970 = tpu.vector_load %arg17[%swap3A_968, %swap3A_969] {strides = array<i32>} : memref<16x768xf32, #tpu.memory_space<vmem>>, vector<16xf32>,
        tpu.vector_store %arg17[%swap3A_968, %swap3A_969], %add3A_967 {strides = array<i32>} : memref<16x768xf32, #tpu.memory_space<vmem>>, vector<16xf32>,
        %sub3A_971 = arith.subf %add3A_307, %mul3A_741 : vector<16xf32>
        %mul3A_972 = arith.mulf %sub3A_971, %mul3A_805 : vector<16xf32>
        %get3A_973 = arith.constant 240 : index
        %get3A_974 = tpu.vector_load %arg12[%get3A_973] {strides = array<i32>} : memref<768xf32, #tpu.memory_space<vmem>>, vector<16xf32>,
        %mul3A_975 = arith.mulf %mul3A_972, %get3A_974 : vector<16xf32>
        %get3A_976 = arith.constant 240 : index
        %get3A_977 = tpu.vector_load %arg13[%get3A_976] {strides = array<i32>} : memref<768xf32, #tpu.memory_space<vmem>>, vector<16xf32>,
        %add3A_978 = arith.addf %mul3A_975, %get3A_977 : vector<16xf32>
        %swap3A_979 = arith.index_cast %scan3A_149 : i32 to index
        %swap3A_980 = arith.constant 240 : index
        %swap3A_981 = tpu.vector_load %arg17[%swap3A_979, %swap3A_980] {strides = array<i32>} : memref<16x768xf32, #tpu.memory_space<vmem>>, vector<16xf32>,
        tpu.vector_store %arg17[%swap3A_979, %swap3A_980], %add3A_978 {strides = array<i32>} : memref<16x768xf32, #tpu.memory_space<vmem>>, vector<16xf32>,
        %sub3A_982 = arith.subf %add3A_317, %mul3A_741 : vector<16xf32>
        %mul3A_983 = arith.mulf %sub3A_982, %mul3A_805 : vector<16xf32>
        %get3A_984 = arith.constant 256 : index
        %get3A_985 = tpu.vector_load %arg12[%get3A_984] {strides = array<i32>} : memref<768xf32, #tpu.memory_space<vmem>>, vector<16xf32>,
        %mul3A_986 = arith.mulf %mul3A_983, %get3A_985 : vector<16xf32>
        %get3A_987 = arith.constant 256 : index
        %get3A_988 = tpu.vector_load %arg13[%get3A_987] {strides = array<i32>} : memref<768xf32, #tpu.memory_space<vmem>>, vector<16xf32>,
        %add3A_989 = arith.addf %mul3A_986, %get3A_988 : vector<16xf32>
        %swap3A_990 = arith.index_cast %scan3A_149 : i32 to index
        %swap3A_991 = arith.constant 256 : index
        %swap3A_992 = tpu.vector_load %arg17[%swap3A_990, %swap3A_991] {strides = array<i32>} : memref<16x768xf32, #tpu.memory_space<vmem>>, vector<16xf32>,
        tpu.vector_store %arg17[%swap3A_990, %swap3A_991], %add3A_989 {strides = array<i32>} : memref<16x768xf32, #tpu.memory_space<vmem>>, vector<16xf32>,
        %sub3A_993 = arith.subf %add3A_327, %mul3A_741 : vector<16xf32>
        %mul3A_994 = arith.mulf %sub3A_993, %mul3A_805 : vector<16xf32>
        %get3A_995 = arith.constant 272 : index
        %get3A_996 = tpu.vector_load %arg12[%get3A_995] {strides = array<i32>} : memref<768xf32, #tpu.memory_space<vmem>>, vector<16xf32>,
        %mul3A_997 = arith.mulf %mul3A_994, %get3A_996 : vector<16xf32>
        %get3A_998 = arith.constant 272 : index
        %get3A_999 = tpu.vector_load %arg13[%get3A_998] {strides = array<i32>} : memref<768xf32, #tpu.memory_space<vmem>>, vector<16xf32>,
        %add3A_1000 = arith.addf %mul3A_997, %get3A_999 : vector<16xf32>
        %swap3A_1001 = arith.index_cast %scan3A_149 : i32 to index
        %swap3A_1002 = arith.constant 272 : index
        %swap3A_1003 = tpu.vector_load %arg17[%swap3A_1001, %swap3A_1002] {strides = array<i32>} : memref<16x768xf32, #tpu.memory_space<vmem>>, vector<16xf32>,
        tpu.vector_store %arg17[%swap3A_1001, %swap3A_1002], %add3A_1000 {strides = array<i32>} : memref<16x768xf32, #tpu.memory_space<vmem>>, vector<16xf32>,
        %sub3A_1004 = arith.subf %add3A_337, %mul3A_741 : vector<16xf32>
        %mul3A_1005 = arith.mulf %sub3A_1004, %mul3A_805 : vector<16xf32>
        %get3A_1006 = arith.constant 288 : index
        %get3A_1007 = tpu.vector_load %arg12[%get3A_1006] {strides = array<i32>} : memref<768xf32, #tpu.memory_space<vmem>>, vector<16xf32>,
        %mul3A_1008 = arith.mulf %mul3A_1005, %get3A_1007 : vector<16xf32>
        %get3A_1009 = arith.constant 288 : index
        %get3A_1010 = tpu.vector_load %arg13[%get3A_1009] {strides = array<i32>} : memref<768xf32, #tpu.memory_space<vmem>>, vector<16xf32>,
        %add3A_1011 = arith.addf %mul3A_1008, %get3A_1010 : vector<16xf32>
        %swap3A_1012 = arith.index_cast %scan3A_149 : i32 to index
        %swap3A_1013 = arith.constant 288 : index
        %swap3A_1014 = tpu.vector_load %arg17[%swap3A_1012, %swap3A_1013] {strides = array<i32>} : memref<16x768xf32, #tpu.memory_space<vmem>>, vector<16xf32>,
        tpu.vector_store %arg17[%swap3A_1012, %swap3A_1013], %add3A_1011 {strides = array<i32>} : memref<16x768xf32, #tpu.memory_space<vmem>>, vector<16xf32>,
        %sub3A_1015 = arith.subf %add3A_347, %mul3A_741 : vector<16xf32>
        %mul3A_1016 = arith.mulf %sub3A_1015, %mul3A_805 : vector<16xf32>
        %get3A_1017 = arith.constant 304 : index
        %get3A_1018 = tpu.vector_load %arg12[%get3A_1017] {strides = array<i32>} : memref<768xf32, #tpu.memory_space<vmem>>, vector<16xf32>,
        %mul3A_1019 = arith.mulf %mul3A_1016, %get3A_1018 : vector<16xf32>
        %get3A_1020 = arith.constant 304 : index
        %get3A_1021 = tpu.vector_load %arg13[%get3A_1020] {strides = array<i32>} : memref<768xf32, #tpu.memory_space<vmem>>, vector<16xf32>,
        %add3A_1022 = arith.addf %mul3A_1019, %get3A_1021 : vector<16xf32>
        %swap3A_1023 = arith.index_cast %scan3A_149 : i32 to index
        %swap3A_1024 = arith.constant 304 : index
        %swap3A_1025 = tpu.vector_load %arg17[%swap3A_1023, %swap3A_1024] {strides = array<i32>} : memref<16x768xf32, #tpu.memory_space<vmem>>, vector<16xf32>,
        tpu.vector_store %arg17[%swap3A_1023, %swap3A_1024], %add3A_1022 {strides = array<i32>} : memref<16x768xf32, #tpu.memory_space<vmem>>, vector<16xf32>,
        %sub3A_1026 = arith.subf %add3A_357, %mul3A_741 : vector<16xf32>
        %mul3A_1027 = arith.mulf %sub3A_1026, %mul3A_805 : vector<16xf32>
        %get3A_1028 = arith.constant 320 : index
        %get3A_1029 = tpu.vector_load %arg12[%get3A_1028] {strides = array<i32>} : memref<768xf32, #tpu.memory_space<vmem>>, vector<16xf32>,
        %mul3A_1030 = arith.mulf %mul3A_1027, %get3A_1029 : vector<16xf32>
        %get3A_1031 = arith.constant 320 : index
        %get3A_1032 = tpu.vector_load %arg13[%get3A_1031] {strides = array<i32>} : memref<768xf32, #tpu.memory_space<vmem>>, vector<16xf32>,
        %add3A_1033 = arith.addf %mul3A_1030, %get3A_1032 : vector<16xf32>
        %swap3A_1034 = arith.index_cast %scan3A_149 : i32 to index
        %swap3A_1035 = arith.constant 320 : index
        %swap3A_1036 = tpu.vector_load %arg17[%swap3A_1034, %swap3A_1035] {strides = array<i32>} : memref<16x768xf32, #tpu.memory_space<vmem>>, vector<16xf32>,
        tpu.vector_store %arg17[%swap3A_1034, %swap3A_1035], %add3A_1033 {strides = array<i32>} : memref<16x768xf32, #tpu.memory_space<vmem>>, vector<16xf32>,
        %sub3A_1037 = arith.subf %add3A_367, %mul3A_741 : vector<16xf32>
        %mul3A_1038 = arith.mulf %sub3A_1037, %mul3A_805 : vector<16xf32>
        %get3A_1039 = arith.constant 336 : index
        %get3A_1040 = tpu.vector_load %arg12[%get3A_1039] {strides = array<i32>} : memref<768xf32, #tpu.memory_space<vmem>>, vector<16xf32>,
        %mul3A_1041 = arith.mulf %mul3A_1038, %get3A_1040 : vector<16xf32>
        %get3A_1042 = arith.constant 336 : index
        %get3A_1043 = tpu.vector_load %arg13[%get3A_1042] {strides = array<i32>} : memref<768xf32, #tpu.memory_space<vmem>>, vector<16xf32>,
        %add3A_1044 = arith.addf %mul3A_1041, %get3A_1043 : vector<16xf32>
        %swap3A_1045 = arith.index_cast %scan3A_149 : i32 to index
        %swap3A_1046 = arith.constant 336 : index
        %swap3A_1047 = tpu.vector_load %arg17[%swap3A_1045, %swap3A_1046] {strides = array<i32>} : memref<16x768xf32, #tpu.memory_space<vmem>>, vector<16xf32>,
        tpu.vector_store %arg17[%swap3A_1045, %swap3A_1046], %add3A_1044 {strides = array<i32>} : memref<16x768xf32, #tpu.memory_space<vmem>>, vector<16xf32>,
        %sub3A_1048 = arith.subf %add3A_377, %mul3A_741 : vector<16xf32>
        %mul3A_1049 = arith.mulf %sub3A_1048, %mul3A_805 : vector<16xf32>
        %get3A_1050 = arith.constant 352 : index
        %get3A_1051 = tpu.vector_load %arg12[%get3A_1050] {strides = array<i32>} : memref<768xf32, #tpu.memory_space<vmem>>, vector<16xf32>,
        %mul3A_1052 = arith.mulf %mul3A_1049, %get3A_1051 : vector<16xf32>
        %get3A_1053 = arith.constant 352 : index
        %get3A_1054 = tpu.vector_load %arg13[%get3A_1053] {strides = array<i32>} : memref<768xf32, #tpu.memory_space<vmem>>, vector<16xf32>,
        %add3A_1055 = arith.addf %mul3A_1052, %get3A_1054 : vector<16xf32>
        %swap3A_1056 = arith.index_cast %scan3A_149 : i32 to index
        %swap3A_1057 = arith.constant 352 : index
        %swap3A_1058 = tpu.vector_load %arg17[%swap3A_1056, %swap3A_1057] {strides = array<i32>} : memref<16x768xf32, #tpu.memory_space<vmem>>, vector<16xf32>,
        tpu.vector_store %arg17[%swap3A_1056, %swap3A_1057], %add3A_1055 {strides = array<i32>} : memref<16x768xf32, #tpu.memory_space<vmem>>, vector<16xf32>,
        %sub3A_1059 = arith.subf %add3A_387, %mul3A_741 : vector<16xf32>
        %mul3A_1060 = arith.mulf %sub3A_1059, %mul3A_805 : vector<16xf32>
        %get3A_1061 = arith.constant 368 : index
        %get3A_1062 = tpu.vector_load %arg12[%get3A_1061] {strides = array<i32>} : memref<768xf32, #tpu.memory_space<vmem>>, vector<16xf32>,
        %mul3A_1063 = arith.mulf %mul3A_1060, %get3A_1062 : vector<16xf32>
        %get3A_1064 = arith.constant 368 : index
        %get3A_1065 = tpu.vector_load %arg13[%get3A_1064] {strides = array<i32>} : memref<768xf32, #tpu.memory_space<vmem>>, vector<16xf32>,
        %add3A_1066 = arith.addf %mul3A_1063, %get3A_1065 : vector<16xf32>
        %swap3A_1067 = arith.index_cast %scan3A_149 : i32 to index
        %swap3A_1068 = arith.constant 368 : index
        %swap3A_1069 = tpu.vector_load %arg17[%swap3A_1067, %swap3A_1068] {strides = array<i32>} : memref<16x768xf32, #tpu.memory_space<vmem>>, vector<16xf32>,
        tpu.vector_store %arg17[%swap3A_1067, %swap3A_1068], %add3A_1066 {strides = array<i32>} : memref<16x768xf32, #tpu.memory_space<vmem>>, vector<16xf32>,
        %get3A_1070 = arith.index_cast %scan3A_149 : i32 to index
        %get3A_1071 = arith.constant 384 : index
        %get3A_1072 = tpu.vector_load %arg17[%get3A_1070, %get3A_1071] {strides = array<i32>} : memref<16x768xf32, #tpu.memory_space<vmem>>, vector<16xf32>,
        %sub3A_1073 = arith.subf %get3A_1072, %mul3A_741 : vector<16xf32>
        %mul3A_1074 = arith.mulf %sub3A_1073, %mul3A_805 : vector<16xf32>
        %get3A_1075 = arith.constant 384 : index
        %get3A_1076 = tpu.vector_load %arg12[%get3A_1075] {strides = array<i32>} : memref<768xf32, #tpu.memory_space<vmem>>, vector<16xf32>,
        %mul3A_1077 = arith.mulf %mul3A_1074, %get3A_1076 : vector<16xf32>
        %get3A_1078 = arith.constant 384 : index
        %get3A_1079 = tpu.vector_load %arg13[%get3A_1078] {strides = array<i32>} : memref<768xf32, #tpu.memory_space<vmem>>, vector<16xf32>,
        %add3A_1080 = arith.addf %mul3A_1077, %get3A_1079 : vector<16xf32>
        %swap3A_1081 = arith.index_cast %scan3A_149 : i32 to index
        %swap3A_1082 = arith.constant 384 : index
        %swap3A_1083 = tpu.vector_load %arg17[%swap3A_1081, %swap3A_1082] {strides = array<i32>} : memref<16x768xf32, #tpu.memory_space<vmem>>, vector<16xf32>,
        tpu.vector_store %arg17[%swap3A_1081, %swap3A_1082], %add3A_1080 {strides = array<i32>} : memref<16x768xf32, #tpu.memory_space<vmem>>, vector<16xf32>,
        %get3A_1084 = arith.index_cast %scan3A_149 : i32 to index
        %get3A_1085 = arith.constant 400 : index
        %get3A_1086 = tpu.vector_load %arg17[%get3A_1084, %get3A_1085] {strides = array<i32>} : memref<16x768xf32, #tpu.memory_space<vmem>>, vector<16xf32>,
        %sub3A_1087 = arith.subf %get3A_1086, %mul3A_741 : vector<16xf32>
        %mul3A_1088 = arith.mulf %sub3A_1087, %mul3A_805 : vector<16xf32>
        %get3A_1089 = arith.constant 400 : index
        %get3A_1090 = tpu.vector_load %arg12[%get3A_1089] {strides = array<i32>} : memref<768xf32, #tpu.memory_space<vmem>>, vector<16xf32>,
        %mul3A_1091 = arith.mulf %mul3A_1088, %get3A_1090 : vector<16xf32>
        %get3A_1092 = arith.constant 400 : index
        %get3A_1093 = tpu.vector_load %arg13[%get3A_1092] {strides = array<i32>} : memref<768xf32, #tpu.memory_space<vmem>>, vector<16xf32>,
        %add3A_1094 = arith.addf %mul3A_1091, %get3A_1093 : vector<16xf32>
        %swap3A_1095 = arith.index_cast %scan3A_149 : i32 to index
        %swap3A_1096 = arith.constant 400 : index
        %swap3A_1097 = tpu.vector_load %arg17[%swap3A_1095, %swap3A_1096] {strides = array<i32>} : memref<16x768xf32, #tpu.memory_space<vmem>>, vector<16xf32>,
        tpu.vector_store %arg17[%swap3A_1095, %swap3A_1096], %add3A_1094 {strides = array<i32>} : memref<16x768xf32, #tpu.memory_space<vmem>>, vector<16xf32>,
        %get3A_1098 = arith.index_cast %scan3A_149 : i32 to index
        %get3A_1099 = arith.constant 416 : index
        %get3A_1100 = tpu.vector_load %arg17[%get3A_1098, %get3A_1099] {strides = array<i32>} : memref<16x768xf32, #tpu.memory_space<vmem>>, vector<16xf32>,
        %sub3A_1101 = arith.subf %get3A_1100, %mul3A_741 : vector<16xf32>
        %mul3A_1102 = arith.mulf %sub3A_1101, %mul3A_805 : vector<16xf32>
        %get3A_1103 = arith.constant 416 : index
        %get3A_1104 = tpu.vector_load %arg12[%get3A_1103] {strides = array<i32>} : memref<768xf32, #tpu.memory_space<vmem>>, vector<16xf32>,
        %mul3A_1105 = arith.mulf %mul3A_1102, %get3A_1104 : vector<16xf32>
        %get3A_1106 = arith.constant 416 : index
        %get3A_1107 = tpu.vector_load %arg13[%get3A_1106] {strides = array<i32>} : memref<768xf32, #tpu.memory_space<vmem>>, vector<16xf32>,
        %add3A_1108 = arith.addf %mul3A_1105, %get3A_1107 : vector<16xf32>
        %swap3A_1109 = arith.index_cast %scan3A_149 : i32 to index
        %swap3A_1110 = arith.constant 416 : index
        %swap3A_1111 = tpu.vector_load %arg17[%swap3A_1109, %swap3A_1110] {strides = array<i32>} : memref<16x768xf32, #tpu.memory_space<vmem>>, vector<16xf32>,
        tpu.vector_store %arg17[%swap3A_1109, %swap3A_1110], %add3A_1108 {strides = array<i32>} : memref<16x768xf32, #tpu.memory_space<vmem>>, vector<16xf32>,
        %get3A_1112 = arith.index_cast %scan3A_149 : i32 to index
        %get3A_1113 = arith.constant 432 : index
        %get3A_1114 = tpu.vector_load %arg17[%get3A_1112, %get3A_1113] {strides = array<i32>} : memref<16x768xf32, #tpu.memory_space<vmem>>, vector<16xf32>,
        %sub3A_1115 = arith.subf %get3A_1114, %mul3A_741 : vector<16xf32>
        %mul3A_1116 = arith.mulf %sub3A_1115, %mul3A_805 : vector<16xf32>
        %get3A_1117 = arith.constant 432 : index
        %get3A_1118 = tpu.vector_load %arg12[%get3A_1117] {strides = array<i32>} : memref<768xf32, #tpu.memory_space<vmem>>, vector<16xf32>,
        %mul3A_1119 = arith.mulf %mul3A_1116, %get3A_1118 : vector<16xf32>
        %get3A_1120 = arith.constant 432 : index
        %get3A_1121 = tpu.vector_load %arg13[%get3A_1120] {strides = array<i32>} : memref<768xf32, #tpu.memory_space<vmem>>, vector<16xf32>,
        %add3A_1122 = arith.addf %mul3A_1119, %get3A_1121 : vector<16xf32>
        %swap3A_1123 = arith.index_cast %scan3A_149 : i32 to index
        %swap3A_1124 = arith.constant 432 : index
        %swap3A_1125 = tpu.vector_load %arg17[%swap3A_1123, %swap3A_1124] {strides = array<i32>} : memref<16x768xf32, #tpu.memory_space<vmem>>, vector<16xf32>,
        tpu.vector_store %arg17[%swap3A_1123, %swap3A_1124], %add3A_1122 {strides = array<i32>} : memref<16x768xf32, #tpu.memory_space<vmem>>, vector<16xf32>,
        %get3A_1126 = arith.index_cast %scan3A_149 : i32 to index
        %get3A_1127 = arith.constant 448 : index
        %get3A_1128 = tpu.vector_load %arg17[%get3A_1126, %get3A_1127] {strides = array<i32>} : memref<16x768xf32, #tpu.memory_space<vmem>>, vector<16xf32>,
        %sub3A_1129 = arith.subf %get3A_1128, %mul3A_741 : vector<16xf32>
        %mul3A_1130 = arith.mulf %sub3A_1129, %mul3A_805 : vector<16xf32>
        %get3A_1131 = arith.constant 448 : index
        %get3A_1132 = tpu.vector_load %arg12[%get3A_1131] {strides = array<i32>} : memref<768xf32, #tpu.memory_space<vmem>>, vector<16xf32>,
        %mul3A_1133 = arith.mulf %mul3A_1130, %get3A_1132 : vector<16xf32>
        %get3A_1134 = arith.constant 448 : index
        %get3A_1135 = tpu.vector_load %arg13[%get3A_1134] {strides = array<i32>} : memref<768xf32, #tpu.memory_space<vmem>>, vector<16xf32>,
        %add3A_1136 = arith.addf %mul3A_1133, %get3A_1135 : vector<16xf32>
        %swap3A_1137 = arith.index_cast %scan3A_149 : i32 to index
        %swap3A_1138 = arith.constant 448 : index
        %swap3A_1139 = tpu.vector_load %arg17[%swap3A_1137, %swap3A_1138] {strides = array<i32>} : memref<16x768xf32, #tpu.memory_space<vmem>>, vector<16xf32>,
        tpu.vector_store %arg17[%swap3A_1137, %swap3A_1138], %add3A_1136 {strides = array<i32>} : memref<16x768xf32, #tpu.memory_space<vmem>>, vector<16xf32>,
        %get3A_1140 = arith.index_cast %scan3A_149 : i32 to index
        %get3A_1141 = arith.constant 464 : index
        %get3A_1142 = tpu.vector_load %arg17[%get3A_1140, %get3A_1141] {strides = array<i32>} : memref<16x768xf32, #tpu.memory_space<vmem>>, vector<16xf32>,
        %sub3A_1143 = arith.subf %get3A_1142, %mul3A_741 : vector<16xf32>
        %mul3A_1144 = arith.mulf %sub3A_1143, %mul3A_805 : vector<16xf32>
        %get3A_1145 = arith.constant 464 : index
        %get3A_1146 = tpu.vector_load %arg12[%get3A_1145] {strides = array<i32>} : memref<768xf32, #tpu.memory_space<vmem>>, vector<16xf32>,
        %mul3A_1147 = arith.mulf %mul3A_1144, %get3A_1146 : vector<16xf32>
        %get3A_1148 = arith.constant 464 : index
        %get3A_1149 = tpu.vector_load %arg13[%get3A_1148] {strides = array<i32>} : memref<768xf32, #tpu.memory_space<vmem>>, vector<16xf32>,
        %add3A_1150 = arith.addf %mul3A_1147, %get3A_1149 : vector<16xf32>
        %swap3A_1151 = arith.index_cast %scan3A_149 : i32 to index
        %swap3A_1152 = arith.constant 464 : index
        %swap3A_1153 = tpu.vector_load %arg17[%swap3A_1151, %swap3A_1152] {strides = array<i32>} : memref<16x768xf32, #tpu.memory_space<vmem>>, vector<16xf32>,
        tpu.vector_store %arg17[%swap3A_1151, %swap3A_1152], %add3A_1150 {strides = array<i32>} : memref<16x768xf32, #tpu.memory_space<vmem>>, vector<16xf32>,
        %get3A_1154 = arith.index_cast %scan3A_149 : i32 to index
        %get3A_1155 = arith.constant 480 : index
        %get3A_1156 = tpu.vector_load %arg17[%get3A_1154, %get3A_1155] {strides = array<i32>} : memref<16x768xf32, #tpu.memory_space<vmem>>, vector<16xf32>,
        %sub3A_1157 = arith.subf %get3A_1156, %mul3A_741 : vector<16xf32>
        %mul3A_1158 = arith.mulf %sub3A_1157, %mul3A_805 : vector<16xf32>
        %get3A_1159 = arith.constant 480 : index
        %get3A_1160 = tpu.vector_load %arg12[%get3A_1159] {strides = array<i32>} : memref<768xf32, #tpu.memory_space<vmem>>, vector<16xf32>,
        %mul3A_1161 = arith.mulf %mul3A_1158, %get3A_1160 : vector<16xf32>
        %get3A_1162 = arith.constant 480 : index
        %get3A_1163 = tpu.vector_load %arg13[%get3A_1162] {strides = array<i32>} : memref<768xf32, #tpu.memory_space<vmem>>, vector<16xf32>,
        %add3A_1164 = arith.addf %mul3A_1161, %get3A_1163 : vector<16xf32>
        %swap3A_1165 = arith.index_cast %scan3A_149 : i32 to index
        %swap3A_1166 = arith.constant 480 : index
        %swap3A_1167 = tpu.vector_load %arg17[%swap3A_1165, %swap3A_1166] {strides = array<i32>} : memref<16x768xf32, #tpu.memory_space<vmem>>, vector<16xf32>,
        tpu.vector_store %arg17[%swap3A_1165, %swap3A_1166], %add3A_1164 {strides = array<i32>} : memref<16x768xf32, #tpu.memory_space<vmem>>, vector<16xf32>,
        %get3A_1168 = arith.index_cast %scan3A_149 : i32 to index
        %get3A_1169 = arith.constant 496 : index
        %get3A_1170 = tpu.vector_load %arg17[%get3A_1168, %get3A_1169] {strides = array<i32>} : memref<16x768xf32, #tpu.memory_space<vmem>>, vector<16xf32>,
        %sub3A_1171 = arith.subf %get3A_1170, %mul3A_741 : vector<16xf32>
        %mul3A_1172 = arith.mulf %sub3A_1171, %mul3A_805 : vector<16xf32>
        %get3A_1173 = arith.constant 496 : index
        %get3A_1174 = tpu.vector_load %arg12[%get3A_1173] {strides = array<i32>} : memref<768xf32, #tpu.memory_space<vmem>>, vector<16xf32>,
        %mul3A_1175 = arith.mulf %mul3A_1172, %get3A_1174 : vector<16xf32>
        %get3A_1176 = arith.constant 496 : index
        %get3A_1177 = tpu.vector_load %arg13[%get3A_1176] {strides = array<i32>} : memref<768xf32, #tpu.memory_space<vmem>>, vector<16xf32>,
        %add3A_1178 = arith.addf %mul3A_1175, %get3A_1177 : vector<16xf32>
        %swap3A_1179 = arith.index_cast %scan3A_149 : i32 to index
        %swap3A_1180 = arith.constant 496 : index
        %swap3A_1181 = tpu.vector_load %arg17[%swap3A_1179, %swap3A_1180] {strides = array<i32>} : memref<16x768xf32, #tpu.memory_space<vmem>>, vector<16xf32>,
        tpu.vector_store %arg17[%swap3A_1179, %swap3A_1180], %add3A_1178 {strides = array<i32>} : memref<16x768xf32, #tpu.memory_space<vmem>>, vector<16xf32>,
        %get3A_1182 = arith.index_cast %scan3A_149 : i32 to index
        %get3A_1183 = arith.constant 512 : index
        %get3A_1184 = tpu.vector_load %arg17[%get3A_1182, %get3A_1183] {strides = array<i32>} : memref<16x768xf32, #tpu.memory_space<vmem>>, vector<16xf32>,
        %sub3A_1185 = arith.subf %get3A_1184, %mul3A_741 : vector<16xf32>
        %mul3A_1186 = arith.mulf %sub3A_1185, %mul3A_805 : vector<16xf32>
        %get3A_1187 = arith.constant 512 : index
        %get3A_1188 = tpu.vector_load %arg12[%get3A_1187] {strides = array<i32>} : memref<768xf32, #tpu.memory_space<vmem>>, vector<16xf32>,
        %mul3A_1189 = arith.mulf %mul3A_1186, %get3A_1188 : vector<16xf32>
        %get3A_1190 = arith.constant 512 : index
        %get3A_1191 = tpu.vector_load %arg13[%get3A_1190] {strides = array<i32>} : memref<768xf32, #tpu.memory_space<vmem>>, vector<16xf32>,
        %add3A_1192 = arith.addf %mul3A_1189, %get3A_1191 : vector<16xf32>
        %swap3A_1193 = arith.index_cast %scan3A_149 : i32 to index
        %swap3A_1194 = arith.constant 512 : index
        %swap3A_1195 = tpu.vector_load %arg17[%swap3A_1193, %swap3A_1194] {strides = array<i32>} : memref<16x768xf32, #tpu.memory_space<vmem>>, vector<16xf32>,
        tpu.vector_store %arg17[%swap3A_1193, %swap3A_1194], %add3A_1192 {strides = array<i32>} : memref<16x768xf32, #tpu.memory_space<vmem>>, vector<16xf32>,
        %get3A_1196 = arith.index_cast %scan3A_149 : i32 to index
        %get3A_1197 = arith.constant 528 : index
        %get3A_1198 = tpu.vector_load %arg17[%get3A_1196, %get3A_1197] {strides = array<i32>} : memref<16x768xf32, #tpu.memory_space<vmem>>, vector<16xf32>,
        %sub3A_1199 = arith.subf %get3A_1198, %mul3A_741 : vector<16xf32>
        %mul3A_1200 = arith.mulf %sub3A_1199, %mul3A_805 : vector<16xf32>
        %get3A_1201 = arith.constant 528 : index
        %get3A_1202 = tpu.vector_load %arg12[%get3A_1201] {strides = array<i32>} : memref<768xf32, #tpu.memory_space<vmem>>, vector<16xf32>,
        %mul3A_1203 = arith.mulf %mul3A_1200, %get3A_1202 : vector<16xf32>
        %get3A_1204 = arith.constant 528 : index
        %get3A_1205 = tpu.vector_load %arg13[%get3A_1204] {strides = array<i32>} : memref<768xf32, #tpu.memory_space<vmem>>, vector<16xf32>,
        %add3A_1206 = arith.addf %mul3A_1203, %get3A_1205 : vector<16xf32>
        %swap3A_1207 = arith.index_cast %scan3A_149 : i32 to index
        %swap3A_1208 = arith.constant 528 : index
        %swap3A_1209 = tpu.vector_load %arg17[%swap3A_1207, %swap3A_1208] {strides = array<i32>} : memref<16x768xf32, #tpu.memory_space<vmem>>, vector<16xf32>,
        tpu.vector_store %arg17[%swap3A_1207, %swap3A_1208], %add3A_1206 {strides = array<i32>} : memref<16x768xf32, #tpu.memory_space<vmem>>, vector<16xf32>,
        %get3A_1210 = arith.index_cast %scan3A_149 : i32 to index
        %get3A_1211 = arith.constant 544 : index
        %get3A_1212 = tpu.vector_load %arg17[%get3A_1210, %get3A_1211] {strides = array<i32>} : memref<16x768xf32, #tpu.memory_space<vmem>>, vector<16xf32>,
        %sub3A_1213 = arith.subf %get3A_1212, %mul3A_741 : vector<16xf32>
        %mul3A_1214 = arith.mulf %sub3A_1213, %mul3A_805 : vector<16xf32>
        %get3A_1215 = arith.constant 544 : index
        %get3A_1216 = tpu.vector_load %arg12[%get3A_1215] {strides = array<i32>} : memref<768xf32, #tpu.memory_space<vmem>>, vector<16xf32>,
        %mul3A_1217 = arith.mulf %mul3A_1214, %get3A_1216 : vector<16xf32>
        %get3A_1218 = arith.constant 544 : index
        %get3A_1219 = tpu.vector_load %arg13[%get3A_1218] {strides = array<i32>} : memref<768xf32, #tpu.memory_space<vmem>>, vector<16xf32>,
        %add3A_1220 = arith.addf %mul3A_1217, %get3A_1219 : vector<16xf32>
        %swap3A_1221 = arith.index_cast %scan3A_149 : i32 to index
        %swap3A_1222 = arith.constant 544 : index
        %swap3A_1223 = tpu.vector_load %arg17[%swap3A_1221, %swap3A_1222] {strides = array<i32>} : memref<16x768xf32, #tpu.memory_space<vmem>>, vector<16xf32>,
        tpu.vector_store %arg17[%swap3A_1221, %swap3A_1222], %add3A_1220 {strides = array<i32>} : memref<16x768xf32, #tpu.memory_space<vmem>>, vector<16xf32>,
        %get3A_1224 = arith.index_cast %scan3A_149 : i32 to index
        %get3A_1225 = arith.constant 560 : index
        %get3A_1226 = tpu.vector_load %arg17[%get3A_1224, %get3A_1225] {strides = array<i32>} : memref<16x768xf32, #tpu.memory_space<vmem>>, vector<16xf32>,
        %sub3A_1227 = arith.subf %get3A_1226, %mul3A_741 : vector<16xf32>
        %mul3A_1228 = arith.mulf %sub3A_1227, %mul3A_805 : vector<16xf32>
        %get3A_1229 = arith.constant 560 : index
        %get3A_1230 = tpu.vector_load %arg12[%get3A_1229] {strides = array<i32>} : memref<768xf32, #tpu.memory_space<vmem>>, vector<16xf32>,
        %mul3A_1231 = arith.mulf %mul3A_1228, %get3A_1230 : vector<16xf32>
        %get3A_1232 = arith.constant 560 : index
        %get3A_1233 = tpu.vector_load %arg13[%get3A_1232] {strides = array<i32>} : memref<768xf32, #tpu.memory_space<vmem>>, vector<16xf32>,
        %add3A_1234 = arith.addf %mul3A_1231, %get3A_1233 : vector<16xf32>
        %swap3A_1235 = arith.index_cast %scan3A_149 : i32 to index
        %swap3A_1236 = arith.constant 560 : index
        %swap3A_1237 = tpu.vector_load %arg17[%swap3A_1235, %swap3A_1236] {strides = array<i32>} : memref<16x768xf32, #tpu.memory_space<vmem>>, vector<16xf32>,
        tpu.vector_store %arg17[%swap3A_1235, %swap3A_1236], %add3A_1234 {strides = array<i32>} : memref<16x768xf32, #tpu.memory_space<vmem>>, vector<16xf32>,
        %get3A_1238 = arith.index_cast %scan3A_149 : i32 to index
        %get3A_1239 = arith.constant 576 : index
        %get3A_1240 = tpu.vector_load %arg17[%get3A_1238, %get3A_1239] {strides = array<i32>} : memref<16x768xf32, #tpu.memory_space<vmem>>, vector<16xf32>,
        %sub3A_1241 = arith.subf %get3A_1240, %mul3A_741 : vector<16xf32>
        %mul3A_1242 = arith.mulf %sub3A_1241, %mul3A_805 : vector<16xf32>
        %get3A_1243 = arith.constant 576 : index
        %get3A_1244 = tpu.vector_load %arg12[%get3A_1243] {strides = array<i32>} : memref<768xf32, #tpu.memory_space<vmem>>, vector<16xf32>,
        %mul3A_1245 = arith.mulf %mul3A_1242, %get3A_1244 : vector<16xf32>
        %get3A_1246 = arith.constant 576 : index
        %get3A_1247 = tpu.vector_load %arg13[%get3A_1246] {strides = array<i32>} : memref<768xf32, #tpu.memory_space<vmem>>, vector<16xf32>,
        %add3A_1248 = arith.addf %mul3A_1245, %get3A_1247 : vector<16xf32>
        %swap3A_1249 = arith.index_cast %scan3A_149 : i32 to index
        %swap3A_1250 = arith.constant 576 : index
        %swap3A_1251 = tpu.vector_load %arg17[%swap3A_1249, %swap3A_1250] {strides = array<i32>} : memref<16x768xf32, #tpu.memory_space<vmem>>, vector<16xf32>,
        tpu.vector_store %arg17[%swap3A_1249, %swap3A_1250], %add3A_1248 {strides = array<i32>} : memref<16x768xf32, #tpu.memory_space<vmem>>, vector<16xf32>,
        %get3A_1252 = arith.index_cast %scan3A_149 : i32 to index
        %get3A_1253 = arith.constant 592 : index
        %get3A_1254 = tpu.vector_load %arg17[%get3A_1252, %get3A_1253] {strides = array<i32>} : memref<16x768xf32, #tpu.memory_space<vmem>>, vector<16xf32>,
        %sub3A_1255 = arith.subf %get3A_1254, %mul3A_741 : vector<16xf32>
        %mul3A_1256 = arith.mulf %sub3A_1255, %mul3A_805 : vector<16xf32>
        %get3A_1257 = arith.constant 592 : index
        %get3A_1258 = tpu.vector_load %arg12[%get3A_1257] {strides = array<i32>} : memref<768xf32, #tpu.memory_space<vmem>>, vector<16xf32>,
        %mul3A_1259 = arith.mulf %mul3A_1256, %get3A_1258 : vector<16xf32>
        %get3A_1260 = arith.constant 592 : index
        %get3A_1261 = tpu.vector_load %arg13[%get3A_1260] {strides = array<i32>} : memref<768xf32, #tpu.memory_space<vmem>>, vector<16xf32>,
        %add3A_1262 = arith.addf %mul3A_1259, %get3A_1261 : vector<16xf32>
        %swap3A_1263 = arith.index_cast %scan3A_149 : i32 to index
        %swap3A_1264 = arith.constant 592 : index
        %swap3A_1265 = tpu.vector_load %arg17[%swap3A_1263, %swap3A_1264] {strides = array<i32>} : memref<16x768xf32, #tpu.memory_space<vmem>>, vector<16xf32>,
        tpu.vector_store %arg17[%swap3A_1263, %swap3A_1264], %add3A_1262 {strides = array<i32>} : memref<16x768xf32, #tpu.memory_space<vmem>>, vector<16xf32>,
        %get3A_1266 = arith.index_cast %scan3A_149 : i32 to index
        %get3A_1267 = arith.constant 608 : index
        %get3A_1268 = tpu.vector_load %arg17[%get3A_1266, %get3A_1267] {strides = array<i32>} : memref<16x768xf32, #tpu.memory_space<vmem>>, vector<16xf32>,
        %sub3A_1269 = arith.subf %get3A_1268, %mul3A_741 : vector<16xf32>
        %mul3A_1270 = arith.mulf %sub3A_1269, %mul3A_805 : vector<16xf32>
        %get3A_1271 = arith.constant 608 : index
        %get3A_1272 = tpu.vector_load %arg12[%get3A_1271] {strides = array<i32>} : memref<768xf32, #tpu.memory_space<vmem>>, vector<16xf32>,
        %mul3A_1273 = arith.mulf %mul3A_1270, %get3A_1272 : vector<16xf32>
        %get3A_1274 = arith.constant 608 : index
        %get3A_1275 = tpu.vector_load %arg13[%get3A_1274] {strides = array<i32>} : memref<768xf32, #tpu.memory_space<vmem>>, vector<16xf32>,
        %add3A_1276 = arith.addf %mul3A_1273, %get3A_1275 : vector<16xf32>
        %swap3A_1277 = arith.index_cast %scan3A_149 : i32 to index
        %swap3A_1278 = arith.constant 608 : index
        %swap3A_1279 = tpu.vector_load %arg17[%swap3A_1277, %swap3A_1278] {strides = array<i32>} : memref<16x768xf32, #tpu.memory_space<vmem>>, vector<16xf32>,
        tpu.vector_store %arg17[%swap3A_1277, %swap3A_1278], %add3A_1276 {strides = array<i32>} : memref<16x768xf32, #tpu.memory_space<vmem>>, vector<16xf32>,
        %get3A_1280 = arith.index_cast %scan3A_149 : i32 to index
        %get3A_1281 = arith.constant 624 : index
        %get3A_1282 = tpu.vector_load %arg17[%get3A_1280, %get3A_1281] {strides = array<i32>} : memref<16x768xf32, #tpu.memory_space<vmem>>, vector<16xf32>,
        %sub3A_1283 = arith.subf %get3A_1282, %mul3A_741 : vector<16xf32>
        %mul3A_1284 = arith.mulf %sub3A_1283, %mul3A_805 : vector<16xf32>
        %get3A_1285 = arith.constant 624 : index
        %get3A_1286 = tpu.vector_load %arg12[%get3A_1285] {strides = array<i32>} : memref<768xf32, #tpu.memory_space<vmem>>, vector<16xf32>,
        %mul3A_1287 = arith.mulf %mul3A_1284, %get3A_1286 : vector<16xf32>
        %get3A_1288 = arith.constant 624 : index
        %get3A_1289 = tpu.vector_load %arg13[%get3A_1288] {strides = array<i32>} : memref<768xf32, #tpu.memory_space<vmem>>, vector<16xf32>,
        %add3A_1290 = arith.addf %mul3A_1287, %get3A_1289 : vector<16xf32>
        %swap3A_1291 = arith.index_cast %scan3A_149 : i32 to index
        %swap3A_1292 = arith.constant 624 : index
        %swap3A_1293 = tpu.vector_load %arg17[%swap3A_1291, %swap3A_1292] {strides = array<i32>} : memref<16x768xf32, #tpu.memory_space<vmem>>, vector<16xf32>,
        tpu.vector_store %arg17[%swap3A_1291, %swap3A_1292], %add3A_1290 {strides = array<i32>} : memref<16x768xf32, #tpu.memory_space<vmem>>, vector<16xf32>,
        %get3A_1294 = arith.index_cast %scan3A_149 : i32 to index
        %get3A_1295 = arith.constant 640 : index
        %get3A_1296 = tpu.vector_load %arg17[%get3A_1294, %get3A_1295] {strides = array<i32>} : memref<16x768xf32, #tpu.memory_space<vmem>>, vector<16xf32>,
        %sub3A_1297 = arith.subf %get3A_1296, %mul3A_741 : vector<16xf32>
        %mul3A_1298 = arith.mulf %sub3A_1297, %mul3A_805 : vector<16xf32>
        %get3A_1299 = arith.constant 640 : index
        %get3A_1300 = tpu.vector_load %arg12[%get3A_1299] {strides = array<i32>} : memref<768xf32, #tpu.memory_space<vmem>>, vector<16xf32>,
        %mul3A_1301 = arith.mulf %mul3A_1298, %get3A_1300 : vector<16xf32>
        %get3A_1302 = arith.constant 640 : index
        %get3A_1303 = tpu.vector_load %arg13[%get3A_1302] {strides = array<i32>} : memref<768xf32, #tpu.memory_space<vmem>>, vector<16xf32>,
        %add3A_1304 = arith.addf %mul3A_1301, %get3A_1303 : vector<16xf32>
        %swap3A_1305 = arith.index_cast %scan3A_149 : i32 to index
        %swap3A_1306 = arith.constant 640 : index
        %swap3A_1307 = tpu.vector_load %arg17[%swap3A_1305, %swap3A_1306] {strides = array<i32>} : memref<16x768xf32, #tpu.memory_space<vmem>>, vector<16xf32>,
        tpu.vector_store %arg17[%swap3A_1305, %swap3A_1306], %add3A_1304 {strides = array<i32>} : memref<16x768xf32, #tpu.memory_space<vmem>>, vector<16xf32>,
        %get3A_1308 = arith.index_cast %scan3A_149 : i32 to index
        %get3A_1309 = arith.constant 656 : index
        %get3A_1310 = tpu.vector_load %arg17[%get3A_1308, %get3A_1309] {strides = array<i32>} : memref<16x768xf32, #tpu.memory_space<vmem>>, vector<16xf32>,
        %sub3A_1311 = arith.subf %get3A_1310, %mul3A_741 : vector<16xf32>
        %mul3A_1312 = arith.mulf %sub3A_1311, %mul3A_805 : vector<16xf32>
        %get3A_1313 = arith.constant 656 : index
        %get3A_1314 = tpu.vector_load %arg12[%get3A_1313] {strides = array<i32>} : memref<768xf32, #tpu.memory_space<vmem>>, vector<16xf32>,
        %mul3A_1315 = arith.mulf %mul3A_1312, %get3A_1314 : vector<16xf32>
        %get3A_1316 = arith.constant 656 : index
        %get3A_1317 = tpu.vector_load %arg13[%get3A_1316] {strides = array<i32>} : memref<768xf32, #tpu.memory_space<vmem>>, vector<16xf32>,
        %add3A_1318 = arith.addf %mul3A_1315, %get3A_1317 : vector<16xf32>
        %swap3A_1319 = arith.index_cast %scan3A_149 : i32 to index
        %swap3A_1320 = arith.constant 656 : index
        %swap3A_1321 = tpu.vector_load %arg17[%swap3A_1319, %swap3A_1320] {strides = array<i32>} : memref<16x768xf32, #tpu.memory_space<vmem>>, vector<16xf32>,
        tpu.vector_store %arg17[%swap3A_1319, %swap3A_1320], %add3A_1318 {strides = array<i32>} : memref<16x768xf32, #tpu.memory_space<vmem>>, vector<16xf32>,
        %get3A_1322 = arith.index_cast %scan3A_149 : i32 to index
        %get3A_1323 = arith.constant 672 : index
        %get3A_1324 = tpu.vector_load %arg17[%get3A_1322, %get3A_1323] {strides = array<i32>} : memref<16x768xf32, #tpu.memory_space<vmem>>, vector<16xf32>,
        %sub3A_1325 = arith.subf %get3A_1324, %mul3A_741 : vector<16xf32>
        %mul3A_1326 = arith.mulf %sub3A_1325, %mul3A_805 : vector<16xf32>
        %get3A_1327 = arith.constant 672 : index
        %get3A_1328 = tpu.vector_load %arg12[%get3A_1327] {strides = array<i32>} : memref<768xf32, #tpu.memory_space<vmem>>, vector<16xf32>,
        %mul3A_1329 = arith.mulf %mul3A_1326, %get3A_1328 : vector<16xf32>
        %get3A_1330 = arith.constant 672 : index
        %get3A_1331 = tpu.vector_load %arg13[%get3A_1330] {strides = array<i32>} : memref<768xf32, #tpu.memory_space<vmem>>, vector<16xf32>,
        %add3A_1332 = arith.addf %mul3A_1329, %get3A_1331 : vector<16xf32>
        %swap3A_1333 = arith.index_cast %scan3A_149 : i32 to index
        %swap3A_1334 = arith.constant 672 : index
        %swap3A_1335 = tpu.vector_load %arg17[%swap3A_1333, %swap3A_1334] {strides = array<i32>} : memref<16x768xf32, #tpu.memory_space<vmem>>, vector<16xf32>,
        tpu.vector_store %arg17[%swap3A_1333, %swap3A_1334], %add3A_1332 {strides = array<i32>} : memref<16x768xf32, #tpu.memory_space<vmem>>, vector<16xf32>,
        %get3A_1336 = arith.index_cast %scan3A_149 : i32 to index
        %get3A_1337 = arith.constant 688 : index
        %get3A_1338 = tpu.vector_load %arg17[%get3A_1336, %get3A_1337] {strides = array<i32>} : memref<16x768xf32, #tpu.memory_space<vmem>>, vector<16xf32>,
        %sub3A_1339 = arith.subf %get3A_1338, %mul3A_741 : vector<16xf32>
        %mul3A_1340 = arith.mulf %sub3A_1339, %mul3A_805 : vector<16xf32>
        %get3A_1341 = arith.constant 688 : index
        %get3A_1342 = tpu.vector_load %arg12[%get3A_1341] {strides = array<i32>} : memref<768xf32, #tpu.memory_space<vmem>>, vector<16xf32>,
        %mul3A_1343 = arith.mulf %mul3A_1340, %get3A_1342 : vector<16xf32>
        %get3A_1344 = arith.constant 688 : index
        %get3A_1345 = tpu.vector_load %arg13[%get3A_1344] {strides = array<i32>} : memref<768xf32, #tpu.memory_space<vmem>>, vector<16xf32>,
        %add3A_1346 = arith.addf %mul3A_1343, %get3A_1345 : vector<16xf32>
        %swap3A_1347 = arith.index_cast %scan3A_149 : i32 to index
        %swap3A_1348 = arith.constant 688 : index
        %swap3A_1349 = tpu.vector_load %arg17[%swap3A_1347, %swap3A_1348] {strides = array<i32>} : memref<16x768xf32, #tpu.memory_space<vmem>>, vector<16xf32>,
        tpu.vector_store %arg17[%swap3A_1347, %swap3A_1348], %add3A_1346 {strides = array<i32>} : memref<16x768xf32, #tpu.memory_space<vmem>>, vector<16xf32>,
        %get3A_1350 = arith.index_cast %scan3A_149 : i32 to index
        %get3A_1351 = arith.constant 704 : index
        %get3A_1352 = tpu.vector_load %arg17[%get3A_1350, %get3A_1351] {strides = array<i32>} : memref<16x768xf32, #tpu.memory_space<vmem>>, vector<16xf32>,
        %sub3A_1353 = arith.subf %get3A_1352, %mul3A_741 : vector<16xf32>
        %mul3A_1354 = arith.mulf %sub3A_1353, %mul3A_805 : vector<16xf32>
        %get3A_1355 = arith.constant 704 : index
        %get3A_1356 = tpu.vector_load %arg12[%get3A_1355] {strides = array<i32>} : memref<768xf32, #tpu.memory_space<vmem>>, vector<16xf32>,
        %mul3A_1357 = arith.mulf %mul3A_1354, %get3A_1356 : vector<16xf32>
        %get3A_1358 = arith.constant 704 : index
        %get3A_1359 = tpu.vector_load %arg13[%get3A_1358] {strides = array<i32>} : memref<768xf32, #tpu.memory_space<vmem>>, vector<16xf32>,
        %add3A_1360 = arith.addf %mul3A_1357, %get3A_1359 : vector<16xf32>
        %swap3A_1361 = arith.index_cast %scan3A_149 : i32 to index
        %swap3A_1362 = arith.constant 704 : index
        %swap3A_1363 = tpu.vector_load %arg17[%swap3A_1361, %swap3A_1362] {strides = array<i32>} : memref<16x768xf32, #tpu.memory_space<vmem>>, vector<16xf32>,
        tpu.vector_store %arg17[%swap3A_1361, %swap3A_1362], %add3A_1360 {strides = array<i32>} : memref<16x768xf32, #tpu.memory_space<vmem>>, vector<16xf32>,
        %get3A_1364 = arith.index_cast %scan3A_149 : i32 to index
        %get3A_1365 = arith.constant 720 : index
        %get3A_1366 = tpu.vector_load %arg17[%get3A_1364, %get3A_1365] {strides = array<i32>} : memref<16x768xf32, #tpu.memory_space<vmem>>, vector<16xf32>,
        %sub3A_1367 = arith.subf %get3A_1366, %mul3A_741 : vector<16xf32>
        %mul3A_1368 = arith.mulf %sub3A_1367, %mul3A_805 : vector<16xf32>
        %get3A_1369 = arith.constant 720 : index
        %get3A_1370 = tpu.vector_load %arg12[%get3A_1369] {strides = array<i32>} : memref<768xf32, #tpu.memory_space<vmem>>, vector<16xf32>,
        %mul3A_1371 = arith.mulf %mul3A_1368, %get3A_1370 : vector<16xf32>
        %get3A_1372 = arith.constant 720 : index
        %get3A_1373 = tpu.vector_load %arg13[%get3A_1372] {strides = array<i32>} : memref<768xf32, #tpu.memory_space<vmem>>, vector<16xf32>,
        %add3A_1374 = arith.addf %mul3A_1371, %get3A_1373 : vector<16xf32>
        %swap3A_1375 = arith.index_cast %scan3A_149 : i32 to index
        %swap3A_1376 = arith.constant 720 : index
        %swap3A_1377 = tpu.vector_load %arg17[%swap3A_1375, %swap3A_1376] {strides = array<i32>} : memref<16x768xf32, #tpu.memory_space<vmem>>, vector<16xf32>,
        tpu.vector_store %arg17[%swap3A_1375, %swap3A_1376], %add3A_1374 {strides = array<i32>} : memref<16x768xf32, #tpu.memory_space<vmem>>, vector<16xf32>,
        %get3A_1378 = arith.index_cast %scan3A_149 : i32 to index
        %get3A_1379 = arith.constant 736 : index
        %get3A_1380 = tpu.vector_load %arg17[%get3A_1378, %get3A_1379] {strides = array<i32>} : memref<16x768xf32, #tpu.memory_space<vmem>>, vector<16xf32>,
        %sub3A_1381 = arith.subf %get3A_1380, %mul3A_741 : vector<16xf32>
        %mul3A_1382 = arith.mulf %sub3A_1381, %mul3A_805 : vector<16xf32>
        %get3A_1383 = arith.constant 736 : index
        %get3A_1384 = tpu.vector_load %arg12[%get3A_1383] {strides = array<i32>} : memref<768xf32, #tpu.memory_space<vmem>>, vector<16xf32>,
        %mul3A_1385 = arith.mulf %mul3A_1382, %get3A_1384 : vector<16xf32>
        %get3A_1386 = arith.constant 736 : index
        %get3A_1387 = tpu.vector_load %arg13[%get3A_1386] {strides = array<i32>} : memref<768xf32, #tpu.memory_space<vmem>>, vector<16xf32>,
        %add3A_1388 = arith.addf %mul3A_1385, %get3A_1387 : vector<16xf32>
        %swap3A_1389 = arith.index_cast %scan3A_149 : i32 to index
        %swap3A_1390 = arith.constant 736 : index
        %swap3A_1391 = tpu.vector_load %arg17[%swap3A_1389, %swap3A_1390] {strides = array<i32>} : memref<16x768xf32, #tpu.memory_space<vmem>>, vector<16xf32>,
        tpu.vector_store %arg17[%swap3A_1389, %swap3A_1390], %add3A_1388 {strides = array<i32>} : memref<16x768xf32, #tpu.memory_space<vmem>>, vector<16xf32>,
        %get3A_1392 = arith.index_cast %scan3A_149 : i32 to index
        %get3A_1393 = arith.constant 752 : index
        %get3A_1394 = tpu.vector_load %arg17[%get3A_1392, %get3A_1393] {strides = array<i32>} : memref<16x768xf32, #tpu.memory_space<vmem>>, vector<16xf32>,
        %sub3A_1395 = arith.subf %get3A_1394, %mul3A_741 : vector<16xf32>
        %mul3A_1396 = arith.mulf %sub3A_1395, %mul3A_805 : vector<16xf32>
        %get3A_1397 = arith.constant 752 : index
        %get3A_1398 = tpu.vector_load %arg12[%get3A_1397] {strides = array<i32>} : memref<768xf32, #tpu.memory_space<vmem>>, vector<16xf32>,
        %mul3A_1399 = arith.mulf %mul3A_1396, %get3A_1398 : vector<16xf32>
        %get3A_1400 = arith.constant 752 : index
        %get3A_1401 = tpu.vector_load %arg13[%get3A_1400] {strides = array<i32>} : memref<768xf32, #tpu.memory_space<vmem>>, vector<16xf32>,
        %add3A_1402 = arith.addf %mul3A_1399, %get3A_1401 : vector<16xf32>
        %swap3A_1403 = arith.index_cast %scan3A_149 : i32 to index
        %swap3A_1404 = arith.constant 752 : index
        %swap3A_1405 = tpu.vector_load %arg17[%swap3A_1403, %swap3A_1404] {strides = array<i32>} : memref<16x768xf32, #tpu.memory_space<vmem>>, vector<16xf32>,
        tpu.vector_store %arg17[%swap3A_1403, %swap3A_1404], %add3A_1402 {strides = array<i32>} : memref<16x768xf32, #tpu.memory_space<vmem>>, vector<16xf32>,
      }
      %scan3A_129 = arith.constant 16 : i32
      %mul3A_130 = arith.constant 512 : i32
      %mul3A_131 = arith.muli %add3A_109, %mul3A_130 : i32
      %mul3A_132 = arith.constant 16 : i32
      %mul3A_133 = arith.muli %add3A, %mul3A_132 : i32
      %add3A_134 = arith.addi %mul3A_131, %mul3A_133 : i32
      %dma_start3A_135 = arith.constant 0 : i32
      %dma_start3A_136 = tpu.memref_slice %arg8[%add3A_134, %dma_start3A_135] : memref<32768x768xf32, #tpu.memory_space<hbm>> -> memref<16x768xf32, #tpu.memory_space<hbm>>
      %dma_start3A_137 = arith.constant 0 : i32
      %dma_start3A_138 = tpu.memref_slice %arg8[%add3A_134, %dma_start3A_137] : memref<32768x768xf32, #tpu.memory_space<hbm>> -> memref<16x768xf32, #tpu.memory_space<hbm>>
      tpu.enqueue_dma source(%arg17 : memref<16x768xf32, #tpu.memory_space<vmem>>) target(%dma_start3A_138 : memref<16x768xf32, #tpu.memory_space<hbm>>) target_semaphore(%arg21 : memref<!tpu.dma_semaphore, #tpu.memory_space<semaphore_mem>>)
      %add3A_139 = arith.constant 2 : i32
      %add3A_140 = arith.addi %add3A_109, %add3A_139 : i32
      %min3A_141 = arith.constant 63 : i32
      %min3A_142 = arith.minsi %add3A_140, %min3A_141 : i32
      %mul3A_143 = arith.constant 16 : i32
      %mul3A_144 = arith.muli %min3A_142, %mul3A_143 : i32
      %dma_start3A_145 = tpu.memref_slice %arg9[%mul3A_144] : memref<1024xi32, #tpu.memory_space<vmem>> -> memref<16xi32, #tpu.memory_space<vmem>>
      %dma_start3A_146 = arith.constant 0 : i32
      %dma_start3A_147 = arith.constant 0 : i32
      %dma_start3A_148 = tpu.memref_slice %arg3[%dma_start3A_146, %dma_start3A_147] : memref<30522x768xf32, #tpu.memory_space<hbm>> -> memref<30522x768xf32, #tpu.memory_space<hbm>>
      tpu.enqueue_indirect_dma source(%dma_start3A_148 : memref<30522x768xf32, #tpu.memory_space<hbm>>) target(%arg15 : memref<16x768xf32, #tpu.memory_space<vmem>>) offsets(%dma_start3A_145 : memref<16xi32, #tpu.memory_space<vmem>>) semaphore(%arg19 : memref<!tpu.dma_semaphore, #tpu.memory_space<semaphore_mem>>)
    }
    %scan3A_37 = arith.constant 32 : i32
    %dma_wait3A = arith.constant 0 : i32
    %dma_wait3A_38 = tpu.memref_slice %arg9[%dma_wait3A] : memref<1024xi32, #tpu.memory_space<vmem>> -> memref<16xi32, #tpu.memory_space<vmem>>
    %dma_wait3A_39 = arith.constant 0 : i32
    %dma_wait3A_40 = arith.constant 0 : i32
    %dma_wait3A_41 = tpu.memref_slice %arg3[%dma_wait3A_39, %dma_wait3A_40] : memref<30522x768xf32, #tpu.memory_space<hbm>> -> memref<30522x768xf32, #tpu.memory_space<hbm>>
    tpu.wait_indirect_dma semaphore(%arg18 : memref<!tpu.dma_semaphore, #tpu.memory_space<semaphore_mem>>) src(%dma_wait3A_41 : memref<30522x768xf32, #tpu.memory_space<hbm>>) dst(%arg14 : memref<16x768xf32, #tpu.memory_space<vmem>>)
    %dma_wait3A_42 = arith.constant 16 : i32
    %dma_wait3A_43 = tpu.memref_slice %arg9[%dma_wait3A_42] : memref<1024xi32, #tpu.memory_space<vmem>> -> memref<16xi32, #tpu.memory_space<vmem>>
    %dma_wait3A_44 = arith.constant 0 : i32
    %dma_wait3A_45 = arith.constant 0 : i32
    %dma_wait3A_46 = tpu.memref_slice %arg3[%dma_wait3A_44, %dma_wait3A_45] : memref<30522x768xf32, #tpu.memory_space<hbm>> -> memref<30522x768xf32, #tpu.memory_space<hbm>>
    tpu.wait_indirect_dma semaphore(%arg19 : memref<!tpu.dma_semaphore, #tpu.memory_space<semaphore_mem>>) src(%dma_wait3A_46 : memref<30522x768xf32, #tpu.memory_space<hbm>>) dst(%arg15 : memref<16x768xf32, #tpu.memory_space<vmem>>)
    %mul3A_47 = arith.constant 16 : i32
    %mul3A_48 = arith.muli %add3A, %mul3A_47 : i32
    %add3A_49 = arith.constant 31744 : i32
    %add3A_50 = arith.addi %add3A_49, %mul3A_48 : i32
    %dma_wait3A_51 = arith.constant 0 : i32
    %dma_wait3A_52 = tpu.memref_slice %arg8[%add3A_50, %dma_wait3A_51] : memref<32768x768xf32, #tpu.memory_space<hbm>> -> memref<16x768xf32, #tpu.memory_space<hbm>>
    %dma_wait3A_53 = arith.constant 0 : i32
    %dma_wait3A_54 = tpu.memref_slice %arg8[%add3A_50, %dma_wait3A_53] : memref<32768x768xf32, #tpu.memory_space<hbm>> -> memref<16x768xf32, #tpu.memory_space<hbm>>
    tpu.wait_dma2 semaphore(%arg20 : memref<!tpu.dma_semaphore, #tpu.memory_space<semaphore_mem>>) src(%arg16 : memref<16x768xf32, #tpu.memory_space<vmem>>) dst(%dma_wait3A_54 : memref<16x768xf32, #tpu.memory_space<hbm>>)
    %mul3A_55 = arith.constant 16 : i32
    %mul3A_56 = arith.muli %add3A, %mul3A_55 : i32
    %add3A_57 = arith.constant 32256 : i32
    %add3A_58 = arith.addi %add3A_57, %mul3A_56 : i32
    %dma_wait3A_59 = arith.constant 0 : i32
    %dma_wait3A_60 = tpu.memref_slice %arg8[%add3A_58, %dma_wait3A_59] : memref<32768x768xf32, #tpu.memory_space<hbm>> -> memref<16x768xf32, #tpu.memory_space<hbm>>
    %dma_wait3A_61 = arith.constant 0 : i32
    %dma_wait3A_62 = tpu.memref_slice %arg8[%add3A_58, %dma_wait3A_61] : memref<32768x768xf32, #tpu.memory_space<hbm>> -> memref<16x768xf32, #tpu.memory_space<hbm>>
    tpu.wait_dma2 semaphore(%arg21 : memref<!tpu.dma_semaphore, #tpu.memory_space<semaphore_mem>>) src(%arg17 : memref<16x768xf32, #tpu.memory_space<vmem>>) dst(%dma_wait3A_62 : memref<16x768xf32, #tpu.memory_space<hbm>>)
    return
  }
}

</mosaic_0001>

<sc_bundles>
// kernel: kernel.3.cloned.1.call-start
scs
__scs_entry_jumppad:
0x0: {  	(pc) =	sbr.rel $0x88, $3  }
0x1: {  	(tag) =	ssettag $0x0;
	lr =	simm.s32 $0x1  }
0x2: {  	[smem:$0x3F9B] =	sst lr;
	_ =	strace $0xD0000000  }
0x3: {  	_ = 	snop  }
0x4: {  	_ = 	snop  }
0x5: {  	_ = 	snop  }
0x6: {  	_ = 	snop  }
0x7: {  	_ = 	snop  }
__scs_overlays_trampoline_lowered:
0x8: {  	[smem:$0x3FAA] =	sst s0  }
0x9: {  	[smem:$0x3FAB] =	sst s1  }
0xa: {  	[smem:$0x3FAC] =	sst s2  }
0xb: {  	[smem:$0x3FAD] =	sst s3  }
0xc: {  	[smem:$0x3FAE] =	sst s4  }
0xd: {  	[smem:$0x3FAF] =	sst s5  }
0xe: {  	[smem:$0x3FB0] =	sst s6  }
0xf: {  	[smem:$0x3FB1] =	sst s7  }
0x10: {  	[smem:$0x3FB2] =	sst s8  }
0x11: {  	[smem:$0x3FB3] =	sst s9;
	s0 =	simm.s32 @!p0 $0x0  }
0x12: {  	s1 =	sld [smem:$0x3F99];
	s0 =	simm.s32 @p0 $0x1  }
0x13: {  	[smem:$0x3FB4] =	sst s0;
	s0 =	simm.s32 @!p1 $0x0  }
0x14: {  	s2 =	sld [smem:$0x3F98];
	s0 =	simm.s32 @p1 $0x1  }
0x15: {  	[smem:$0x3FB5] =	sst s0;
	s0 =	simm.s32 @!p2 $0x0  }
0x16: {  	s3 =	sld [smem:$0x3FDB];
	s0 =	simm.s32 @p2 $0x1  }
0x17: {  	s4 =	simm.s32 $0x1BF5;
	[smem:$0x3FB7] =	sst s0  }
0x18: {  	s0 =	sld [smem:$0x3F9A];
	_ =	swait.ge [sflag:s4], $0x0  }
0x19: {  	s7 =	sld [smem:$0x3F9B]  }
0x1a: {  	s8 =	sadd.s32 $0xFFFFE003, lr  }
0x1b: {  	s9 =	sadd.s32 $0xFFFFFEF7, lr;
	s5 =	simm.s32 $0xFFFFFFFF;
	p2 =	slt.u32 s8, $0xFFFFF086  }
0x1c: {  	p1 =	slt.u32 s9, $0xF7A;
	s5 =	simm.s32 @!p2 $0x0  }
0x1d: {  	s5 =	simm.s32 @p1 $0x1;
	p0 =	seq.s32 s7, s2  }
0x1e: {  	s7 =	smul.u32 @!p0 $0xF7A, s2;
	p2 =	seq.s32 @!p0 s5, $0x0  }
0x1f: {  	s9 =	smul.u32 $0xF7A, s1;
	s8 =	simm.s32 @!p0 $0x1BF5;
	p2 =	por !p2, p0  }
0x20: {  	[sflag:s8] =	ssyncset.s32 @!p0 $0xFFFFF086;
	s6 =	sadd.s32 @!p0 s3, s7;
	s7 =	simm.s32 @!p0 $0x108  }
0x21: {  	s3 =	sadd.s32 s3, s9;
	s6 =	sadd.s32 @!p0 $0x88, s6;
	s7 =	simm.s32 @p2 $0x1082  }
0x22: {  	[simem:s7], [sflag:s8] =	dma.local @!p0 [hbm:s6], $0xF7A  }
0x23: {  	s9 =	sor.u32 $0xD0000000, s2;
	s6 =	simm.s32 $0x108;
	_ =	swait.ge @!p0 [sflag:s8], $0x0  }
0x24: {  	s3 =	sadd.s32 $0x88, s3;
	s6 =	simm.s32 @!p1 $0x1082;
	[sflag:s4] =	ssyncset.s32 $0xFFFFF086  }
0x25: {  	[simem:s6], [sflag:s4] =	dma.local [hbm:s3], $0xF7A  }
0x26: {  	[smem:$0x3F9B] =	sst s1;
	(tag) =	ssettag s2;
	_ =	strace s9  }
0x27: {  	s1 =	sld [smem:$0x3FAB]  }
0x28: {  	s2 =	sld [smem:$0x3FAC]  }
0x29: {  	s4 =	sld [smem:$0x3FAE]  }
0x2a: {  	p0 =	seq.s32 s5, $0x0;
	s5 =	sld [smem:$0x3FAF]  }
0x2b: {  	s6 =	sld [smem:$0x3FB0]  }
0x2c: {  	s7 =	sld [smem:$0x3FB1]  }
0x2d: {  	s3 =	simm.s32 $0x108;
	s8 =	sld [smem:$0x3FB2]  }
0x2e: {  	s3 =	simm.s32 @!p0 $0x1082;
	s9 =	sld [smem:$0x3FB3]  }
0x2f: {  	lr =	sadd.s32 s0, s3;
	s0 =	sld [smem:$0x3FAA]  }
0x30: {  	s3 =	sld [smem:$0x3FAD]  }
0x31: {  	[smem:$0x3FB6] =	sst s10  }
0x32: {  	s10 =	sld [smem:$0x3FB4];
	_ =	sdelay $0x3  }
0x33: {  	p0 =	seq.s32 s10, $0x1;
	s10 =	sld [smem:$0x3FB6];
	_ =	sdelay $0x3  }
0x34: {  	[smem:$0x3FB6] =	sst s10  }
0x35: {  	s10 =	sld [smem:$0x3FB5];
	_ =	sdelay $0x3  }
0x36: {  	p1 =	seq.s32 s10, $0x1;
	s10 =	sld [smem:$0x3FB6];
	_ =	sdelay $0x3  }
0x37: {  	[smem:$0x3FB6] =	sst s10  }
0x38: {  	s10 =	sld [smem:$0x3FB7]  }
0x39: {  	_ = 	snop;
	(pc) =	sbr.ind lr, $3  }
0x3a: {  	_ = 	snop  }
0x3b: {  	_ = 	snop  }
0x3c: {  	p2 =	seq.s32 s10, $0x1;
	s10 =	sld [smem:$0x3FB6]  }
0x3d: {  	_ =	shalt  }
0x3e: {  	_ =	shalt  }
0x3f: {  	_ =	shalt  }
0x40: {  	_ =	shalt  }
0x41: {  	_ =	shalt  }
0x42: {  	_ =	shalt  }
0x43: {  	_ =	shalt  }
0x44: {  	_ =	shalt  }
0x45: {  	_ =	shalt  }
0x46: {  	_ =	shalt  }
0x47: {  	_ =	shalt  }
0x48: {  	_ =	shalt  }
0x49: {  	_ =	shalt  }
0x4a: {  	_ =	shalt  }
0x4b: {  	_ =	shalt  }
0x4c: {  	_ =	shalt  }
0x4d: {  	_ =	shalt  }
0x4e: {  	_ =	shalt  }
0x4f: {  	_ =	shalt  }
0x50: {  	_ =	shalt  }
0x51: {  	_ =	shalt  }
0x52: {  	_ =	shalt  }
0x53: {  	_ =	shalt  }
0x54: {  	_ =	shalt  }
0x55: {  	_ =	shalt  }
0x56: {  	_ =	shalt  }
0x57: {  	_ =	shalt  }
0x58: {  	_ =	shalt  }
0x59: {  	_ =	shalt  }
0x5a: {  	_ =	shalt  }
0x5b: {  	_ =	shalt  }
0x5c: {  	_ =	shalt  }
0x5d: {  	_ =	shalt  }
0x5e: {  	_ =	shalt  }
0x5f: {  	_ =	shalt  }
0x60: {  	_ =	shalt  }
0x61: {  	_ =	shalt  }
0x62: {  	_ =	shalt  }
0x63: {  	_ =	shalt  }
0x64: {  	_ =	shalt  }
0x65: {  	_ =	shalt  }
0x66: {  	_ =	shalt  }
0x67: {  	_ =	shalt  }
0x68: {  	_ =	shalt  }
0x69: {  	_ =	shalt  }
0x6a: {  	_ =	shalt  }
0x6b: {  	_ =	shalt  }
0x6c: {  	_ =	shalt  }
0x6d: {  	_ =	shalt  }
0x6e: {  	_ =	shalt  }
0x6f: {  	_ =	shalt  }
0x70: {  	_ =	shalt  }
0x71: {  	_ =	shalt  }
0x72: {  	_ =	shalt  }
0x73: {  	_ =	shalt  }
0x74: {  	_ =	shalt  }
0x75: {  	_ =	shalt  }
0x76: {  	_ =	shalt  }
0x77: {  	_ =	shalt  }
0x78: {  	_ =	shalt  }
0x79: {  	_ =	shalt  }
0x7a: {  	_ =	shalt  }
0x7b: {  	_ =	shalt  }
0x7c: {  	_ =	shalt  }
0x7d: {  	_ =	shalt  }
0x7e: {  	_ =	shalt  }
0x7f: {  	_ =	shalt  }
0x80: {  	_ =	shalt  }
0x81: {  	_ =	shalt  }
0x82: {  	_ =	shalt  }
0x83: {  	_ =	shalt  }
0x84: {  	_ =	shalt  }
0x85: {  	_ =	shalt  }
0x86: {  	_ =	shalt  }
0x87: {  	_ =	shalt  }
.Lfunc_end0:
.L_simem_size_0:
called_computation_lowered:
.L_overlay_start_0:
0x88: {  	s2 =	sld [smem:$0x3FD9]  }
0x89: {  	s3 =	sld [smem:$0x3FFE];
	_ =	sdelay $0x1  }
0x8a: {  	s1 =	srdreg.scid  }
0x8b: {  	s0 =	sand.u32 $0x1, s1  }
0x8c: {  	s17 =	sshll.u32 s0, $0xA;
	s2 =	sadd.s32 s3, s2  }
0x8d: {  	s2 =	sadd.s32 s2, s17  }
0x8e: {  	[smem:$0x3FC2] =	sst s2  }
0x8f: {  	_ = 	snop  }
0x90: {  	s2 =	sld [smem:$0x3FC8]  }
0x91: {  	s18 =	sld [smem:$0x3FC7]  }
0x92: {  	s4 =	sld [smem:$0x3FC6]  }
0x93: {  	s5 =	sld [smem:$0x3FC5]  }
0x94: {  	s6 =	sld [smem:$0x3FC4]  }
0x95: {  	s7 =	sld [smem:$0x3FD0];
	(tm) =	ssettm $0x1  }
0x96: {  	s8 =	sld [smem:$0x3FFB];
	_ =	sdelay $0x3  }
0x97: {  	_ =	strace s8  }
0x98: {  	s8 =	sld [smem:$0x3FFC];
	_ =	sdelay $0x3  }
0x99: {  	_ =	strace s8  }
0x9a: {  	s8 =	sld [smem:$0x3FFD];
	_ =	sdelay $0x3  }
0x9b: {  	_ =	strace s8  }
0x9c: {  	_ =	strace $0x8FFFFFFF  }
0x9d: {  	s19 =	sld [smem:$0x3FDB];
	_ =	sdelay $0x1  }
0x9e: {  	s9 =	simm.s32 $_scs_section_size  }
0x9f: {  	s10 =	simm.s32 $_size__tile_overlayer_lowered;
	s11 =	simm.s32 $_tile_overlayer_lowered  }
0xa0: {  	s22 =	simm.s32 $0x1BFF;
	s21 =	sshll.u32 s11, $0x1;
	s8 =	sadd.s32 s9, s19  }
0xa1: {  	s12 =	simm.s32 $0x0;
	s20 =	sshll.u32 s10, $0x1;
	s10 =	sadd.s32 s21, s8  }
0xa2: {  	[timem:s12], [sflag:s22] =	dma.local [hbm:s10], s20  }
0xa3: {  	_ =	swait.ge [sflag:s22], s20  }
0xa4: {  	s9 =	ssub.s32 $0x0, s20;
	[sflag:s22] =	ssyncset.done $0x0  }
0xa5: {  	[sflag:s22] =	ssyncadd.s32 s9;
	_ =	sdelay $0x1  }
0xa6: {  	s23 =	simm.s32 $0x1B8B  }
0xa7: {  	_ =	swait.ge [sflag:s23], $0x1  }
0xa8: {  	[sflag:s23] =	ssyncset.done $0x0  }
0xa9: {  	s25 =	simm.s32 $0x1B8E;
	s24 =	sld [smem:$0x3FFE];
	[sflag:s23] =	ssyncadd.s32 $0xFFFFFFFF  }
0xaa: {  	s26 =	simm.s32 $execute0_lowered;
	[smem:$0x3FD2] =	sst s25  }
0xab: {  	s10 =	sshll.u32 s26, $0x1;
	_ =	strace $0x80000046;
	[dreg:$0x1] =	wrdreg $0xFFFFFFFF  }
0xac: {  	s28 =	simm.s32 $_size_execute0_lowered;
	s8 =	sadd.s32 s8, s10;
	[dreg:$0x0] =	wrdreg $0x0  }
0xad: {  	s10 =	sshll.u32 s28, $0x1;
	[dreg:$0x2] =	wrdreg s8  }
0xae: {  	[dreg:$0x3] =	wrdreg s10  }
0xaf: {  	[dreg:$0x4] =	wrdreg $0xC0  }
0xb0: {  	_ =	task [dreg:s12], $0x5FFFF  }
0xb1: {  	[dreg:$0x1] =	wrdreg $0xFFFFFFFF  }
0xb2: {  	[dreg:$0x0] =	wrdreg $0x60  }
0xb3: {  	[dreg:$0x2] =	wrdreg s24  }
0xb4: {  	[dreg:$0x3] =	wrdreg s2  }
0xb5: {  	[dreg:$0x4] =	wrdreg s18  }
0xb6: {  	[dreg:$0x5] =	wrdreg s4  }
0xb7: {  	[dreg:$0x6] =	wrdreg s5  }
0xb8: {  	[dreg:$0x7] =	wrdreg s6  }
0xb9: {  	[dreg:$0x8] =	wrdreg s7  }
0xba: {  	[dreg:$0x9] =	wrdreg $0x9  }
0xbb: {  	_ =	task.clear_ibuf [dreg:s12], $0xAFFFF;
	_ =	strace $0x90000046  }
0xbc: {  	s29 =	simm.s32 $0x9;
	_ =	strace $0x80000048  }
0xbd: {  	_ =	swait.ge [sflag:s29], $0x1  }
0xbe: {  	[sflag:s29] =	ssyncadd.s32 $0xFFFFFFFF  }
0xbf: {  	_ =	strace $0x90000048  }
0xc0: {  	_ =	sfence  }
0xc1: {  	s30 =	sld [smem:$0x0];
	_ =	sdelay $0x2  }
0xc2: {  	s31 =	sshll.u32 s1, $0xD;
	s1 =	sshrl.u32 s1, $0x2  }
0xc3: {  	s3 =	sand.u32 $0x4000, s31;
	s1 =	sadd.s32 s1, s30  }
0xc4: {  	s0 =	sor.u32 s3, s0;
	s1 =	sshll.u32 s1, $0x11  }
0xc5: {  	s0 =	sor.u32 s1, s0  }
0xc6: {  	s0 =	sadd.s32 $0x8F2B, s0  }
0xc7: {  	[sflag:s0] =	ssyncadd.remote.s32 $0x1  }
0xc8: {  	_ =	sfence.sel $0xFFFF  }
0xc9: {  	[dreg:$0x0] =	wrdreg $0xFFFFFFFF;
	(pc) =	sbr.abs _section_cstart, $3  }
0xca: {  	[dreg:$0x1] =	wrdreg $0xFFFFFFFF  }
0xcb: {  	_ =	task.clear_ibuf [dreg:s12], $0x2FFFF;
	_ =	strace $0x9FFFFFFF  }
0xcc: {  	(tm) =	ssettm $0x7FFFFFFF  }
0xcd: {  	_ =	shalt  }
tec
execute0_lowered:
.L_overlay_start_1:
0x0: {  	(tag) =	ssettag $0x1  }
0x1: {  	s0 =	rddreg [dreg:$0x0]  }
0x2: {  	s1 =	rddreg [dreg:$0x1]  }
0x3: {  	s2 =	rddreg [dreg:$0x2]  }
0x4: {  	s6 =	rddreg [dreg:$0x6];
	s7 =	simm.s32 $0x0;
	s5 =	stileid.u32  }
0x5: {  	s3 =	srdreg.scid;
	s22 =	simm.s32 $0x3D00;
	s23 =	simm.s32 $0x4500  }
0x6: {  	s24 =	simm.s32 $0x4D00;
	s28 =	simm.s32 $0x6500;
	s29 =	simm.s32 $0x6D00  }
0x7: {  	v0 =	vimm.s32 $0x3210FEDC;
	v1 =	vimm.s32 $0x76543210;
	s30 =	simm.s32 $0x7500;
	s31 =	simm.s32 $0x7D00;
	s18 =	simm.s32 $0x1  }
0x8: {  	v2 =	vimm.s32 $0xFEDCBA98;
	v3 =	vimm.s32 $0xBA987654;
	v4 =	vimm.s32 $0x10FEDCBA;
	s19 =	simm.s32 $0x3;
	s20 =	simm.s32 $0x2;
	s21 =	simm.s32 $0x4  }
0x9: {  	v5 =	vimm.s32 $0x98765432;
	v6 =	vimm.s32 $0xFEDCBA9;
	v7 =	vimm.s32 $0x87654321;
	s4 =	sshll.u32 s5, $0x8;
	s3 =	sand.u32 $0x1, s3;
	s5 =	sshll.u32 s5, $0x1  }
0xa: {  	vm0 =	vmmov $0xffff;
	[smem:$0x7FF] =	sst s7;
	v0 =	vunpack.c.l.s4.s8 v0;
	s11 =	sadd.s32 $0x100, s1;
	s12 =	sadd.s32 $0x200, s1;
	v3 =	vunpack.c.l.s4.s8 v3  }
0xb: {  	v1 =	vunpack.c.l.s4.s8 v1;
	s13 =	sadd.s32 $0xC000, s6;
	v4 =	vunpack.c.l.s4.s8 v4;
	v5 =	vunpack.c.l.s4.s8 v5;
	s4 =	sand.u32 $0xC00, s4;
	s5 =	sor.u32 s3, s5  }
0xc: {  	v2 =	vunpack.c.l.s4.s8 v2;
	s3 =	ssub.s32 $0x2, s3;
	_ =	strace $0x80000047;
	s0 =	sadd.s32 s4, s0;
	v0 =	vunpack.c.0.s8.s32 v0;
	v3 =	vunpack.c.0.s8.s32 v3  }
0xd: {  	v6 =	vunpack.c.l.s4.s8 v6;
	v7 =	vunpack.c.l.s4.s8 v7;
	s25 =	sshll.u32 s5, $0x4;
	s8 =	sshrl.u32 s3, $0x1;
	s10 =	smul.u32 $0x600, s5;
	v4 =	vunpack.c.0.s8.s32 v4  }
0xe: {  	s9 =	sshll.u32 s5, $0x1;
	v5 =	vunpack.c.0.s8.s32 v5;
	v2 =	vunpack.c.0.s8.s32 v2;
	s5 =	simm.s32 $0xCD00;
	s4 =	sand.u32 $0x70, s25;
	v8 =	vcombine.low v3, v0  }
0xf: {  	s3 =	ssub.s32 s3, s8;
	s25 =	simm.s32 $0x5500;
	s8 =	simm.s32 $0x0;
	v0 =	vunpack.c.0.s8.s32 v6;
	v3 =	vunpack.c.0.s8.s32 v7;
	v6 =	vlaneseq.u32  }
0x10: {  	s0 =	sadd.s32 s4, s0;
	s17 =	sadd.s32 s2, s10;
	s26 =	smax.u32 s3, $0x1;
	v5 =	vcombine.low v5, v4;
	v7 =	vunpack.c.0.s8.s32 v1;
	v4 =	vshrl.u32 v6, $0x3  }
0x11: {  	s4 =	simm.s32 $0x8D00;
	s2 =	simm.s32 $0x9500;
	[dreg:$0xa] =	wrdreg s26;
	v9 =	vcombine.low v3, v0;
	v0 =	vand.u32 $0x7, v6;
	v1 =	vmul.u32 $0x8, v4  }
0x12: {  	s3 =	simm.s32 $0x9D00;
	s0 =	sadd.s32 $0x400, s0;
	[dreg:$0x9] =	wrdreg s17;
	v3 =	vand.u32 $0xF, v2;
	v2 =	vor.u32 $0x8, v6;
	v4 =	vand.u32 $0xF, v8  }
0x13: {  	s26 =	simm.s32 $0x5D00;
	[dreg:$0x8] =	wrdreg s0;
	s0 =	simm.s32 $0x8500;
	v5 =	vand.u32 $0xF, v5;
	v3 =	vcombine.low v3, v7;
	v6 =	vand.u32 $0xF, v9  }
.LBB2_1:
0x14: {  	[dreg:$0xb] =	wrdreg s8  }
0x15: {  	s6 =	rddreg [dreg:$0x8]  }
0x16: {  	s8 =	simm.s32 $0x80;
	s10 =	simm.s32 $0x400;
	s14 =	simm.s32 $0x5  }
0x17: {  	[tilespmem:s7], [sflag:$0x5] =	stream.strided.gather [hbm4b:s6+s8], $0x400, s10, s8, $0x38;
	[tilespmem:$0xFD00] =	vst v63  }
0x18: {  	_ =	swait.ge [sflag:s14], $0x400  }
0x19: {  	[sflag:s14] =	ssyncset.done $0x0  }
0x1a: {  	[sflag:s14] =	ssyncadd.s32 $0xFFFFFC00  }
0x1b: {  	[tilespmem:s10], [sflag:$0x5] =	stream.linear.gather [hbm4b:s17+s7], $0x3000, $0x38;
	[tilespmem:$0xFD00] =	vst v63  }
0x1c: {  	_ =	swait.ge [sflag:s14], $0x3000  }
0x1d: {  	[sflag:s14] =	ssyncset.done $0x0  }
0x1e: {  	[sflag:s14] =	ssyncadd.s32 $0xFFFFD000  }
0x1f: {  	s16 =	simm.s32 $0x100;
	s15 =	simm.s32 $0x3400;
	s10 =	rddreg [dreg:$0x3]  }
0x20: {  	[tilespmem:s15], [sflag:$0x5] =	stream.strided.gather [hbm4b:s10+s8], $0x300, s16, s8, $0x38;
	[tilespmem:$0xFD00] =	vst v63  }
0x21: {  	_ =	swait.ge [sflag:s14], $0x300  }
0x22: {  	[sflag:s14] =	ssyncset.done $0x0  }
0x23: {  	[sflag:s14] =	ssyncadd.s32 $0xFFFFFD00  }
0x24: {  	s16 =	simm.s32 $0x3700;
	s15 =	rddreg [dreg:$0x4]  }
0x25: {  	[tilespmem:s16], [sflag:$0x5] =	stream.linear.gather [hbm4b:s15+s7], $0x300, $0x38;
	[tilespmem:$0xFD00] =	vst v63  }
0x26: {  	_ =	swait.ge [sflag:s14], $0x300  }
0x27: {  	[sflag:s14] =	ssyncset.done $0x0  }
0x28: {  	s16 =	simm.s32 $0x0;
	[sflag:s14] =	ssyncadd.s32 $0xFFFFFD00  }
0x29: {  	s15 =	simm.s32 $0x3A00;
	s8 =	smul.u32 $0x6000, s16;
	s10 =	rddreg [dreg:$0x5]  }
0x2a: {  	[tilespmem:s15], [sflag:$0x5] =	stream.linear.gather [hbm4b:s10+s7], $0x300, $0x38;
	[tilespmem:$0xFD00] =	vst v63  }
0x2b: {  	_ =	swait.ge [sflag:s14], $0x300  }
0x2c: {  	s6 =	sand.u32 $0x380, s7;
	s8 =	sshra.s32 s8, $0x2;
	[sflag:s14] =	ssyncset.done $0x0  }
0x2d: {  	s16 =	sor.u32 s6, s8;
	[sflag:s14] =	ssyncadd.s32 $0xFFFFFD00  }
0x2e: {  	v7 =	vld [tilespmem:s16+$0x400]  }
0x2f: {  	v8 =	vld [tilespmem:$0x3400];
	_ =	sdelay $0x4  }
0x30: {  	v7 =	vadd.f32 v8, v7;
	_ =	sdelay $0x1  }
0x31: {  	[tilespmem:s16+$0x400] =	vst v7;
	v7 =	vld [tilespmem:s16+$0x410]  }
0x32: {  	v8 =	vld [tilespmem:$0x3410];
	_ =	sdelay $0x4  }
0x33: {  	v7 =	vadd.f32 v8, v7;
	_ =	sdelay $0x1  }
0x34: {  	[tilespmem:s16+$0x410] =	vst v7;
	v7 =	vld [tilespmem:s16+$0x420]  }
0x35: {  	v8 =	vld [tilespmem:$0x3420];
	_ =	sdelay $0x4  }
0x36: {  	v7 =	vadd.f32 v8, v7;
	_ =	sdelay $0x1  }
0x37: {  	[tilespmem:s16+$0x420] =	vst v7;
	v7 =	vld [tilespmem:s16+$0x430]  }
0x38: {  	v8 =	vld [tilespmem:$0x3430];
	_ =	sdelay $0x4  }
0x39: {  	v7 =	vadd.f32 v8, v7;
	_ =	sdelay $0x1  }
0x3a: {  	[tilespmem:s16+$0x430] =	vst v7;
	v7 =	vld [tilespmem:s16+$0x440]  }
0x3b: {  	v8 =	vld [tilespmem:$0x3440];
	_ =	sdelay $0x4  }
0x3c: {  	v7 =	vadd.f32 v8, v7;
	_ =	sdelay $0x1  }
0x3d: {  	[tilespmem:s16+$0x440] =	vst v7;
	v7 =	vld [tilespmem:s16+$0x450]  }
0x3e: {  	v8 =	vld [tilespmem:$0x3450];
	_ =	sdelay $0x4  }
0x3f: {  	v7 =	vadd.f32 v8, v7;
	_ =	sdelay $0x1  }
0x40: {  	[tilespmem:s16+$0x450] =	vst v7;
	v7 =	vld [tilespmem:s16+$0x460]  }
0x41: {  	v8 =	vld [tilespmem:$0x3460];
	_ =	sdelay $0x4  }
0x42: {  	v7 =	vadd.f32 v8, v7;
	_ =	sdelay $0x1  }
0x43: {  	[tilespmem:s16+$0x460] =	vst v7;
	v7 =	vld [tilespmem:s16+$0x470]  }
0x44: {  	v8 =	vld [tilespmem:$0x3470];
	_ =	sdelay $0x4  }
0x45: {  	v7 =	vadd.f32 v8, v7;
	_ =	sdelay $0x1  }
0x46: {  	[tilespmem:s16+$0x470] =	vst v7;
	v7 =	vld [tilespmem:s16+$0x800]  }
0x47: {  	v8 =	vld [tilespmem:$0x3480];
	_ =	sdelay $0x4  }
0x48: {  	v7 =	vadd.f32 v8, v7;
	_ =	sdelay $0x1  }
0x49: {  	[tilespmem:s16+$0x800] =	vst v7;
	v7 =	vld [tilespmem:s16+$0x810]  }
0x4a: {  	v8 =	vld [tilespmem:$0x3490];
	_ =	sdelay $0x4  }
0x4b: {  	v7 =	vadd.f32 v8, v7;
	_ =	sdelay $0x1  }
0x4c: {  	[tilespmem:s16+$0x810] =	vst v7;
	v7 =	vld [tilespmem:s16+$0x820]  }
0x4d: {  	v8 =	vld [tilespmem:$0x34A0];
	_ =	sdelay $0x4  }
0x4e: {  	v7 =	vadd.f32 v8, v7;
	_ =	sdelay $0x1  }
0x4f: {  	[tilespmem:s16+$0x820] =	vst v7;
	v7 =	vld [tilespmem:s16+$0x830]  }
0x50: {  	v8 =	vld [tilespmem:$0x34B0];
	_ =	sdelay $0x4  }
0x51: {  	v7 =	vadd.f32 v8, v7;
	_ =	sdelay $0x1  }
0x52: {  	[tilespmem:s16+$0x830] =	vst v7;
	v7 =	vld [tilespmem:s16+$0x840]  }
0x53: {  	v8 =	vld [tilespmem:$0x34C0];
	_ =	sdelay $0x4  }
0x54: {  	v7 =	vadd.f32 v8, v7;
	_ =	sdelay $0x1  }
0x55: {  	[tilespmem:s16+$0x840] =	vst v7;
	v7 =	vld [tilespmem:s16+$0x850]  }
0x56: {  	v8 =	vld [tilespmem:$0x34D0];
	_ =	sdelay $0x4  }
0x57: {  	v7 =	vadd.f32 v8, v7;
	_ =	sdelay $0x1  }
0x58: {  	[tilespmem:s16+$0x850] =	vst v7;
	v7 =	vld [tilespmem:s16+$0x860]  }
0x59: {  	v8 =	vld [tilespmem:$0x34E0];
	_ =	sdelay $0x4  }
0x5a: {  	v7 =	vadd.f32 v8, v7;
	_ =	sdelay $0x1  }
0x5b: {  	[tilespmem:s16+$0x860] =	vst v7;
	v7 =	vld [tilespmem:s16+$0x870]  }
0x5c: {  	v8 =	vld [tilespmem:$0x34F0];
	_ =	sdelay $0x4  }
0x5d: {  	v7 =	vadd.f32 v8, v7;
	_ =	sdelay $0x1  }
0x5e: {  	[tilespmem:s16+$0x870] =	vst v7;
	v7 =	vld [tilespmem:s16+$0xC00]  }
0x5f: {  	v8 =	vld [tilespmem:$0x3500];
	_ =	sdelay $0x4  }
0x60: {  	v7 =	vadd.f32 v8, v7;
	_ =	sdelay $0x1  }
0x61: {  	[tilespmem:s16+$0xC00] =	vst v7;
	v7 =	vld [tilespmem:s16+$0xC10]  }
0x62: {  	v8 =	vld [tilespmem:$0x3510];
	_ =	sdelay $0x4  }
0x63: {  	v7 =	vadd.f32 v8, v7;
	_ =	sdelay $0x1  }
0x64: {  	[tilespmem:s16+$0xC10] =	vst v7;
	v7 =	vld [tilespmem:s16+$0xC20]  }
0x65: {  	v8 =	vld [tilespmem:$0x3520];
	_ =	sdelay $0x4  }
0x66: {  	v7 =	vadd.f32 v8, v7;
	_ =	sdelay $0x1  }
0x67: {  	[tilespmem:s16+$0xC20] =	vst v7;
	v7 =	vld [tilespmem:s16+$0xC30]  }
0x68: {  	v8 =	vld [tilespmem:$0x3530];
	_ =	sdelay $0x4  }
0x69: {  	v7 =	vadd.f32 v8, v7;
	_ =	sdelay $0x1  }
0x6a: {  	[tilespmem:s16+$0xC30] =	vst v7;
	v7 =	vld [tilespmem:s16+$0xC40]  }
0x6b: {  	v8 =	vld [tilespmem:$0x3540];
	_ =	sdelay $0x4  }
0x6c: {  	v7 =	vadd.f32 v8, v7;
	_ =	sdelay $0x1  }
0x6d: {  	[tilespmem:s16+$0xC40] =	vst v7;
	v7 =	vld [tilespmem:s16+$0xC50]  }
0x6e: {  	v8 =	vld [tilespmem:$0x3550];
	_ =	sdelay $0x4  }
0x6f: {  	v7 =	vadd.f32 v8, v7;
	_ =	sdelay $0x1  }
0x70: {  	[tilespmem:s16+$0xC50] =	vst v7;
	v7 =	vld [tilespmem:s16+$0xC60]  }
0x71: {  	v8 =	vld [tilespmem:$0x3560];
	_ =	sdelay $0x4  }
0x72: {  	v7 =	vadd.f32 v8, v7;
	_ =	sdelay $0x1  }
0x73: {  	[tilespmem:s16+$0xC60] =	vst v7;
	v7 =	vld [tilespmem:s16+$0xC70]  }
0x74: {  	v8 =	vld [tilespmem:$0x3570];
	_ =	sdelay $0x4  }
0x75: {  	v7 =	vadd.f32 v8, v7;
	_ =	sdelay $0x1  }
0x76: {  	[tilespmem:s16+$0xC70] =	vst v7;
	v7 =	vld [tilespmem:s16+$0x1000]  }
0x77: {  	v8 =	vld [tilespmem:$0x3580];
	_ =	sdelay $0x4  }
0x78: {  	v7 =	vadd.f32 v8, v7;
	_ =	sdelay $0x1  }
0x79: {  	[tilespmem:s16+$0x1000] =	vst v7;
	v7 =	vld [tilespmem:s16+$0x1010]  }
0x7a: {  	v8 =	vld [tilespmem:$0x3590];
	_ =	sdelay $0x4  }
0x7b: {  	v7 =	vadd.f32 v8, v7;
	_ =	sdelay $0x1  }
0x7c: {  	[tilespmem:s16+$0x1010] =	vst v7;
	v7 =	vld [tilespmem:s16+$0x1020]  }
0x7d: {  	v8 =	vld [tilespmem:$0x35A0];
	_ =	sdelay $0x4  }
0x7e: {  	v7 =	vadd.f32 v8, v7;
	_ =	sdelay $0x1  }
0x7f: {  	[tilespmem:s16+$0x1020] =	vst v7;
	v7 =	vld [tilespmem:s16+$0x1030]  }
0x80: {  	v8 =	vld [tilespmem:$0x35B0];
	_ =	sdelay $0x4  }
0x81: {  	v7 =	vadd.f32 v8, v7;
	_ =	sdelay $0x1  }
0x82: {  	[tilespmem:s16+$0x1030] =	vst v7;
	v7 =	vld [tilespmem:s16+$0x1040]  }
0x83: {  	v8 =	vld [tilespmem:$0x35C0];
	_ =	sdelay $0x4  }
0x84: {  	v7 =	vadd.f32 v8, v7;
	_ =	sdelay $0x1  }
0x85: {  	[tilespmem:s16+$0x1040] =	vst v7;
	v7 =	vld [tilespmem:s16+$0x1050]  }
0x86: {  	v8 =	vld [tilespmem:$0x35D0];
	_ =	sdelay $0x4  }
0x87: {  	v7 =	vadd.f32 v8, v7;
	_ =	sdelay $0x1  }
0x88: {  	[tilespmem:s16+$0x1050] =	vst v7;
	v7 =	vld [tilespmem:s16+$0x1060]  }
0x89: {  	v8 =	vld [tilespmem:$0x35E0];
	_ =	sdelay $0x4  }
0x8a: {  	v7 =	vadd.f32 v8, v7;
	_ =	sdelay $0x1  }
0x8b: {  	[tilespmem:s16+$0x1060] =	vst v7;
	v7 =	vld [tilespmem:s16+$0x1070]  }
0x8c: {  	v8 =	vld [tilespmem:$0x35F0];
	_ =	sdelay $0x4  }
0x8d: {  	v7 =	vadd.f32 v8, v7;
	_ =	sdelay $0x1  }
0x8e: {  	[tilespmem:s16+$0x1070] =	vst v7;
	v7 =	vld [tilespmem:s16+$0x1400]  }
0x8f: {  	v8 =	vld [tilespmem:$0x3600];
	_ =	sdelay $0x4  }
0x90: {  	v7 =	vadd.f32 v8, v7;
	_ =	sdelay $0x1  }
0x91: {  	[tilespmem:s16+$0x1400] =	vst v7;
	v7 =	vld [tilespmem:s16+$0x1410]  }
0x92: {  	v8 =	vld [tilespmem:$0x3610];
	_ =	sdelay $0x4  }
0x93: {  	v7 =	vadd.f32 v8, v7;
	_ =	sdelay $0x1  }
0x94: {  	[tilespmem:s16+$0x1410] =	vst v7;
	v7 =	vld [tilespmem:s16+$0x1420]  }
0x95: {  	v8 =	vld [tilespmem:$0x3620];
	_ =	sdelay $0x4  }
0x96: {  	v7 =	vadd.f32 v8, v7;
	_ =	sdelay $0x1  }
0x97: {  	[tilespmem:s16+$0x1420] =	vst v7;
	v7 =	vld [tilespmem:s16+$0x1430]  }
0x98: {  	v8 =	vld [tilespmem:$0x3630];
	_ =	sdelay $0x4  }
0x99: {  	v7 =	vadd.f32 v8, v7;
	_ =	sdelay $0x1  }
0x9a: {  	[tilespmem:s16+$0x1430] =	vst v7;
	v7 =	vld [tilespmem:s16+$0x1440]  }
0x9b: {  	v8 =	vld [tilespmem:$0x3640];
	_ =	sdelay $0x4  }
0x9c: {  	v7 =	vadd.f32 v8, v7;
	_ =	sdelay $0x1  }
0x9d: {  	[tilespmem:s16+$0x1440] =	vst v7;
	v7 =	vld [tilespmem:s16+$0x1450]  }
0x9e: {  	v8 =	vld [tilespmem:$0x3650];
	_ =	sdelay $0x4  }
0x9f: {  	v7 =	vadd.f32 v8, v7;
	_ =	sdelay $0x1  }
0xa0: {  	[tilespmem:s16+$0x1450] =	vst v7;
	v7 =	vld [tilespmem:s16+$0x1460]  }
0xa1: {  	v8 =	vld [tilespmem:$0x3660];
	_ =	sdelay $0x4  }
0xa2: {  	v7 =	vadd.f32 v8, v7;
	_ =	sdelay $0x1  }
0xa3: {  	[tilespmem:s16+$0x1460] =	vst v7;
	v7 =	vld [tilespmem:s16+$0x1470]  }
0xa4: {  	v8 =	vld [tilespmem:$0x3670];
	_ =	sdelay $0x4  }
0xa5: {  	v7 =	vadd.f32 v8, v7;
	_ =	sdelay $0x1  }
0xa6: {  	[tilespmem:s16+$0x1470] =	vst v7;
	v7 =	vld [tilespmem:s16+$0x1800]  }
0xa7: {  	v8 =	vld [tilespmem:$0x3680];
	_ =	sdelay $0x4  }
0xa8: {  	v7 =	vadd.f32 v8, v7;
	_ =	sdelay $0x1  }
0xa9: {  	[tilespmem:s16+$0x1800] =	vst v7;
	v7 =	vld [tilespmem:s16+$0x1810]  }
0xaa: {  	v8 =	vld [tilespmem:$0x3690];
	_ =	sdelay $0x4  }
0xab: {  	v7 =	vadd.f32 v8, v7;
	_ =	sdelay $0x1  }
0xac: {  	[tilespmem:s16+$0x1810] =	vst v7;
	v7 =	vld [tilespmem:s16+$0x1820]  }
0xad: {  	v8 =	vld [tilespmem:$0x36A0];
	_ =	sdelay $0x4  }
0xae: {  	v7 =	vadd.f32 v8, v7;
	_ =	sdelay $0x1  }
0xaf: {  	[tilespmem:s16+$0x1820] =	vst v7;
	v7 =	vld [tilespmem:s16+$0x1830]  }
0xb0: {  	v8 =	vld [tilespmem:$0x36B0];
	_ =	sdelay $0x4  }
0xb1: {  	v7 =	vadd.f32 v8, v7;
	_ =	sdelay $0x1  }
0xb2: {  	[tilespmem:s16+$0x1830] =	vst v7;
	v7 =	vld [tilespmem:s16+$0x1840]  }
0xb3: {  	v8 =	vld [tilespmem:$0x36C0];
	_ =	sdelay $0x4  }
0xb4: {  	v7 =	vadd.f32 v8, v7;
	_ =	sdelay $0x1  }
0xb5: {  	[tilespmem:s16+$0x1840] =	vst v7;
	v7 =	vld [tilespmem:s16+$0x1850]  }
0xb6: {  	v8 =	vld [tilespmem:$0x36D0];
	_ =	sdelay $0x4  }
0xb7: {  	v7 =	vadd.f32 v8, v7;
	_ =	sdelay $0x1  }
0xb8: {  	[tilespmem:s16+$0x1850] =	vst v7;
	v7 =	vld [tilespmem:s16+$0x1860]  }
0xb9: {  	v8 =	vld [tilespmem:$0x36E0];
	_ =	sdelay $0x4  }
0xba: {  	v7 =	vadd.f32 v8, v7;
	_ =	sdelay $0x1  }
0xbb: {  	[tilespmem:s16+$0x1860] =	vst v7;
	v7 =	vld [tilespmem:s16+$0x1870]  }
0xbc: {  	v8 =	vld [tilespmem:$0x36F0];
	_ =	sdelay $0x1  }
0xbd: {  	s15 =	simm.s32 $0x0  }
0xbe: {  	s8 =	simm.s32 $0x0;
	s10 =	simm.s32 $0x2;
	s14 =	smul.u32 $0x6000, s15  }
.LBB2_2:
0xbf: {  	p0 =	sne.s32 s10, $0xF;
	s8 =	sadd.s32 $0x80, s8  }
0xc0: {  	s15 =	sand.u32 $0x380, s8;
	s14 =	sshra.s32 s14, $0x2;
	v7 =	vadd.f32 v8, v7  }
0xc1: {  	s14 =	sor.u32 s15, s14  }
0xc2: {  	v8 =	vld [tilespmem:s14+$0x400];
	[tilespmem:s16+$0x1870] =	vst v7;
	s16 =	smov.u32 s14  }
0xc3: {  	v7 =	vld [tilespmem:$0x3400];
	_ =	sdelay $0x4  }
0xc4: {  	v7 =	vadd.f32 v7, v8;
	_ =	sdelay $0x1  }
0xc5: {  	[tilespmem:s16+$0x400] =	vst v7;
	v7 =	vld [tilespmem:s16+$0x410]  }
0xc6: {  	v8 =	vld [tilespmem:$0x3410];
	_ =	sdelay $0x4  }
0xc7: {  	v7 =	vadd.f32 v8, v7;
	_ =	sdelay $0x1  }
0xc8: {  	[tilespmem:s16+$0x410] =	vst v7;
	v7 =	vld [tilespmem:s16+$0x420]  }
0xc9: {  	v8 =	vld [tilespmem:$0x3420];
	_ =	sdelay $0x4  }
0xca: {  	v7 =	vadd.f32 v8, v7;
	_ =	sdelay $0x1  }
0xcb: {  	[tilespmem:s16+$0x420] =	vst v7;
	v7 =	vld [tilespmem:s16+$0x430]  }
0xcc: {  	v8 =	vld [tilespmem:$0x3430];
	_ =	sdelay $0x4  }
0xcd: {  	v7 =	vadd.f32 v8, v7;
	_ =	sdelay $0x1  }
0xce: {  	[tilespmem:s16+$0x430] =	vst v7;
	v7 =	vld [tilespmem:s16+$0x440]  }
0xcf: {  	v8 =	vld [tilespmem:$0x3440];
	_ =	sdelay $0x4  }
0xd0: {  	v7 =	vadd.f32 v8, v7;
	_ =	sdelay $0x1  }
0xd1: {  	[tilespmem:s16+$0x440] =	vst v7;
	v7 =	vld [tilespmem:s16+$0x450]  }
0xd2: {  	v8 =	vld [tilespmem:$0x3450];
	_ =	sdelay $0x4  }
0xd3: {  	v7 =	vadd.f32 v8, v7;
	_ =	sdelay $0x1  }
0xd4: {  	[tilespmem:s16+$0x450] =	vst v7;
	v7 =	vld [tilespmem:s16+$0x460]  }
0xd5: {  	v8 =	vld [tilespmem:$0x3460];
	_ =	sdelay $0x4  }
0xd6: {  	v7 =	vadd.f32 v8, v7;
	_ =	sdelay $0x1  }
0xd7: {  	[tilespmem:s16+$0x460] =	vst v7;
	v7 =	vld [tilespmem:s16+$0x470]  }
0xd8: {  	v8 =	vld [tilespmem:$0x3470];
	_ =	sdelay $0x4  }
0xd9: {  	v7 =	vadd.f32 v8, v7;
	_ =	sdelay $0x1  }
0xda: {  	[tilespmem:s16+$0x470] =	vst v7;
	v7 =	vld [tilespmem:s16+$0x800]  }
0xdb: {  	v8 =	vld [tilespmem:$0x3480];
	_ =	sdelay $0x4  }
0xdc: {  	v7 =	vadd.f32 v8, v7;
	_ =	sdelay $0x1  }
0xdd: {  	[tilespmem:s16+$0x800] =	vst v7;
	v7 =	vld [tilespmem:s16+$0x810]  }
0xde: {  	v8 =	vld [tilespmem:$0x3490];
	_ =	sdelay $0x4  }
0xdf: {  	v7 =	vadd.f32 v8, v7;
	_ =	sdelay $0x1  }
0xe0: {  	[tilespmem:s16+$0x810] =	vst v7;
	v7 =	vld [tilespmem:s16+$0x820]  }
0xe1: {  	v8 =	vld [tilespmem:$0x34A0];
	_ =	sdelay $0x4  }
0xe2: {  	v7 =	vadd.f32 v8, v7;
	_ =	sdelay $0x1  }
0xe3: {  	[tilespmem:s16+$0x820] =	vst v7;
	v7 =	vld [tilespmem:s16+$0x830]  }
0xe4: {  	v8 =	vld [tilespmem:$0x34B0];
	_ =	sdelay $0x4  }
0xe5: {  	v7 =	vadd.f32 v8, v7;
	_ =	sdelay $0x1  }
0xe6: {  	[tilespmem:s16+$0x830] =	vst v7;
	v7 =	vld [tilespmem:s16+$0x840]  }
0xe7: {  	v8 =	vld [tilespmem:$0x34C0];
	_ =	sdelay $0x4  }
0xe8: {  	v7 =	vadd.f32 v8, v7;
	_ =	sdelay $0x1  }
0xe9: {  	[tilespmem:s16+$0x840] =	vst v7;
	v7 =	vld [tilespmem:s16+$0x850]  }
0xea: {  	v8 =	vld [tilespmem:$0x34D0];
	_ =	sdelay $0x4  }
0xeb: {  	v7 =	vadd.f32 v8, v7;
	_ =	sdelay $0x1  }
0xec: {  	[tilespmem:s16+$0x850] =	vst v7;
	v7 =	vld [tilespmem:s16+$0x860]  }
0xed: {  	v8 =	vld [tilespmem:$0x34E0];
	_ =	sdelay $0x4  }
0xee: {  	v7 =	vadd.f32 v8, v7;
	_ =	sdelay $0x1  }
0xef: {  	[tilespmem:s16+$0x860] =	vst v7;
	v7 =	vld [tilespmem:s16+$0x870]  }
0xf0: {  	v8 =	vld [tilespmem:$0x34F0];
	_ =	sdelay $0x4  }
0xf1: {  	v7 =	vadd.f32 v8, v7;
	_ =	sdelay $0x1  }
0xf2: {  	[tilespmem:s16+$0x870] =	vst v7;
	v7 =	vld [tilespmem:s16+$0xC00]  }
0xf3: {  	v8 =	vld [tilespmem:$0x3500];
	_ =	sdelay $0x4  }
0xf4: {  	v7 =	vadd.f32 v8, v7;
	_ =	sdelay $0x1  }
0xf5: {  	[tilespmem:s16+$0xC00] =	vst v7;
	v7 =	vld [tilespmem:s16+$0xC10]  }
0xf6: {  	v8 =	vld [tilespmem:$0x3510];
	_ =	sdelay $0x4  }
0xf7: {  	v7 =	vadd.f32 v8, v7;
	_ =	sdelay $0x1  }
0xf8: {  	[tilespmem:s16+$0xC10] =	vst v7;
	v7 =	vld [tilespmem:s16+$0xC20]  }
0xf9: {  	v8 =	vld [tilespmem:$0x3520];
	_ =	sdelay $0x4  }
0xfa: {  	v7 =	vadd.f32 v8, v7;
	_ =	sdelay $0x1  }
0xfb: {  	[tilespmem:s16+$0xC20] =	vst v7;
	v7 =	vld [tilespmem:s16+$0xC30]  }
0xfc: {  	v8 =	vld [tilespmem:$0x3530];
	_ =	sdelay $0x4  }
0xfd: {  	v7 =	vadd.f32 v8, v7;
	_ =	sdelay $0x1  }
0xfe: {  	[tilespmem:s16+$0xC30] =	vst v7;
	v7 =	vld [tilespmem:s16+$0xC40]  }
0xff: {  	v8 =	vld [tilespmem:$0x3540];
	_ =	sdelay $0x4  }
0x100: {  	v7 =	vadd.f32 v8, v7;
	_ =	sdelay $0x1  }
0x101: {  	[tilespmem:s16+$0xC40] =	vst v7;
	v7 =	vld [tilespmem:s16+$0xC50]  }
0x102: {  	v8 =	vld [tilespmem:$0x3550];
	_ =	sdelay $0x4  }
0x103: {  	v7 =	vadd.f32 v8, v7;
	_ =	sdelay $0x1  }
0x104: {  	[tilespmem:s16+$0xC50] =	vst v7;
	v7 =	vld [tilespmem:s16+$0xC60]  }
0x105: {  	v8 =	vld [tilespmem:$0x3560];
	_ =	sdelay $0x4  }
0x106: {  	v7 =	vadd.f32 v8, v7;
	_ =	sdelay $0x1  }
0x107: {  	[tilespmem:s16+$0xC60] =	vst v7;
	v7 =	vld [tilespmem:s16+$0xC70]  }
0x108: {  	v8 =	vld [tilespmem:$0x3570];
	_ =	sdelay $0x4  }
0x109: {  	v7 =	vadd.f32 v8, v7;
	_ =	sdelay $0x1  }
0x10a: {  	[tilespmem:s16+$0xC70] =	vst v7;
	v7 =	vld [tilespmem:s16+$0x1000]  }
0x10b: {  	v8 =	vld [tilespmem:$0x3580];
	_ =	sdelay $0x4  }
0x10c: {  	v7 =	vadd.f32 v8, v7;
	_ =	sdelay $0x1  }
0x10d: {  	[tilespmem:s16+$0x1000] =	vst v7;
	v7 =	vld [tilespmem:s16+$0x1010]  }
0x10e: {  	v8 =	vld [tilespmem:$0x3590];
	_ =	sdelay $0x4  }
0x10f: {  	v7 =	vadd.f32 v8, v7;
	_ =	sdelay $0x1  }
0x110: {  	[tilespmem:s16+$0x1010] =	vst v7;
	v7 =	vld [tilespmem:s16+$0x1020]  }
0x111: {  	v8 =	vld [tilespmem:$0x35A0];
	_ =	sdelay $0x4  }
0x112: {  	v7 =	vadd.f32 v8, v7;
	_ =	sdelay $0x1  }
0x113: {  	[tilespmem:s16+$0x1020] =	vst v7;
	v7 =	vld [tilespmem:s16+$0x1030]  }
0x114: {  	v8 =	vld [tilespmem:$0x35B0];
	_ =	sdelay $0x4  }
0x115: {  	v7 =	vadd.f32 v8, v7;
	_ =	sdelay $0x1  }
0x116: {  	[tilespmem:s16+$0x1030] =	vst v7;
	v7 =	vld [tilespmem:s16+$0x1040]  }
0x117: {  	v8 =	vld [tilespmem:$0x35C0];
	_ =	sdelay $0x4  }
0x118: {  	v7 =	vadd.f32 v8, v7;
	_ =	sdelay $0x1  }
0x119: {  	[tilespmem:s16+$0x1040] =	vst v7;
	v7 =	vld [tilespmem:s16+$0x1050]  }
0x11a: {  	v8 =	vld [tilespmem:$0x35D0];
	_ =	sdelay $0x4  }
0x11b: {  	v7 =	vadd.f32 v8, v7;
	_ =	sdelay $0x1  }
0x11c: {  	[tilespmem:s16+$0x1050] =	vst v7;
	v7 =	vld [tilespmem:s16+$0x1060]  }
0x11d: {  	v8 =	vld [tilespmem:$0x35E0];
	_ =	sdelay $0x4  }
0x11e: {  	v7 =	vadd.f32 v8, v7;
	_ =	sdelay $0x1  }
0x11f: {  	[tilespmem:s16+$0x1060] =	vst v7;
	v7 =	vld [tilespmem:s16+$0x1070]  }
0x120: {  	v8 =	vld [tilespmem:$0x35F0];
	_ =	sdelay $0x4  }
0x121: {  	v7 =	vadd.f32 v8, v7;
	_ =	sdelay $0x1  }
0x122: {  	[tilespmem:s16+$0x1070] =	vst v7;
	v7 =	vld [tilespmem:s16+$0x1400]  }
0x123: {  	v8 =	vld [tilespmem:$0x3600];
	_ =	sdelay $0x4  }
0x124: {  	v7 =	vadd.f32 v8, v7;
	_ =	sdelay $0x1  }
0x125: {  	[tilespmem:s16+$0x1400] =	vst v7;
	v7 =	vld [tilespmem:s16+$0x1410]  }
0x126: {  	v8 =	vld [tilespmem:$0x3610];
	_ =	sdelay $0x4  }
0x127: {  	v7 =	vadd.f32 v8, v7;
	_ =	sdelay $0x1  }
0x128: {  	[tilespmem:s16+$0x1410] =	vst v7;
	v7 =	vld [tilespmem:s16+$0x1420]  }
0x129: {  	v8 =	vld [tilespmem:$0x3620];
	_ =	sdelay $0x4  }
0x12a: {  	v7 =	vadd.f32 v8, v7;
	_ =	sdelay $0x1  }
0x12b: {  	[tilespmem:s16+$0x1420] =	vst v7;
	v7 =	vld [tilespmem:s16+$0x1430]  }
0x12c: {  	v8 =	vld [tilespmem:$0x3630];
	_ =	sdelay $0x4  }
0x12d: {  	v7 =	vadd.f32 v8, v7;
	_ =	sdelay $0x1  }
0x12e: {  	[tilespmem:s16+$0x1430] =	vst v7;
	v7 =	vld [tilespmem:s16+$0x1440]  }
0x12f: {  	v8 =	vld [tilespmem:$0x3640];
	_ =	sdelay $0x4  }
0x130: {  	v7 =	vadd.f32 v8, v7;
	_ =	sdelay $0x1  }
0x131: {  	[tilespmem:s16+$0x1440] =	vst v7;
	v7 =	vld [tilespmem:s16+$0x1450]  }
0x132: {  	v8 =	vld [tilespmem:$0x3650];
	_ =	sdelay $0x4  }
0x133: {  	v7 =	vadd.f32 v8, v7;
	_ =	sdelay $0x1  }
0x134: {  	[tilespmem:s16+$0x1450] =	vst v7;
	v7 =	vld [tilespmem:s16+$0x1460]  }
0x135: {  	v8 =	vld [tilespmem:$0x3660];
	_ =	sdelay $0x4  }
0x136: {  	v7 =	vadd.f32 v8, v7;
	_ =	sdelay $0x1  }
0x137: {  	[tilespmem:s16+$0x1460] =	vst v7;
	v7 =	vld [tilespmem:s16+$0x1470]  }
0x138: {  	v8 =	vld [tilespmem:$0x3670];
	_ =	sdelay $0x4  }
0x139: {  	v7 =	vadd.f32 v8, v7;
	_ =	sdelay $0x1  }
0x13a: {  	[tilespmem:s16+$0x1470] =	vst v7;
	v7 =	vld [tilespmem:s16+$0x1800]  }
0x13b: {  	v8 =	vld [tilespmem:$0x3680];
	_ =	sdelay $0x4  }
0x13c: {  	v7 =	vadd.f32 v8, v7;
	_ =	sdelay $0x1  }
0x13d: {  	[tilespmem:s16+$0x1800] =	vst v7;
	v7 =	vld [tilespmem:s16+$0x1810]  }
0x13e: {  	v8 =	vld [tilespmem:$0x3690];
	_ =	sdelay $0x4  }
0x13f: {  	v7 =	vadd.f32 v8, v7;
	_ =	sdelay $0x1  }
0x140: {  	[tilespmem:s16+$0x1810] =	vst v7;
	v7 =	vld [tilespmem:s16+$0x1820]  }
0x141: {  	v8 =	vld [tilespmem:$0x36A0];
	_ =	sdelay $0x4  }
0x142: {  	v7 =	vadd.f32 v8, v7;
	_ =	sdelay $0x1  }
0x143: {  	[tilespmem:s16+$0x1820] =	vst v7;
	v7 =	vld [tilespmem:s16+$0x1830]  }
0x144: {  	v8 =	vld [tilespmem:$0x36B0];
	_ =	sdelay $0x4  }
0x145: {  	v7 =	vadd.f32 v8, v7;
	_ =	sdelay $0x1  }
0x146: {  	[tilespmem:s16+$0x1830] =	vst v7;
	v7 =	vld [tilespmem:s16+$0x1840]  }
0x147: {  	v8 =	vld [tilespmem:$0x36C0];
	_ =	sdelay $0x4  }
0x148: {  	v7 =	vadd.f32 v8, v7;
	_ =	sdelay $0x1  }
0x149: {  	[tilespmem:s16+$0x1840] =	vst v7;
	v7 =	vld [tilespmem:s16+$0x1850]  }
0x14a: {  	v8 =	vld [tilespmem:$0x36D0];
	_ =	sdelay $0x4  }
0x14b: {  	v7 =	vadd.f32 v8, v7;
	_ =	sdelay $0x1  }
0x14c: {  	[tilespmem:s16+$0x1850] =	vst v7;
	v7 =	vld [tilespmem:s16+$0x1860]  }
0x14d: {  	v8 =	vld [tilespmem:$0x36E0];
	_ =	sdelay $0x4  }
0x14e: {  	v7 =	vadd.f32 v8, v7;
	_ =	sdelay $0x1  }
.Ltmp0:
0x14f: {  	[tilespmem:s16+$0x1860] =	vst v7;
	v7 =	vld [tilespmem:s16+$0x1870];
	(pc) =	sbr.rel @p0 .LBB2_2-.Ltmp0, $3  }
0x150: {  	v8 =	vld [tilespmem:$0x36F0];
	_ =	sdelay $0x1  }
0x151: {  	s14 =	sshrl.u32 s10, $0x3  }
0x152: {  	s10 =	sadd.s32 $0x1, s10;
	s14 =	smul.u32 $0x6000, s14  }
0x153: {  	s8 =	sadd.s32 $0x80, s8  }
0x154: {  	s8 =	sand.u32 $0x380, s8;
	s10 =	sshra.s32 s14, $0x2;
	v7 =	vadd.f32 v8, v7  }
0x155: {  	s8 =	sor.u32 s8, s10  }
0x156: {  	v8 =	vld [tilespmem:s8+$0x400];
	[tilespmem:s16+$0x1870] =	vst v7  }
0x157: {  	v7 =	vld [tilespmem:$0x3400];
	_ =	sdelay $0x4  }
0x158: {  	v7 =	vadd.f32 v7, v8;
	_ =	sdelay $0x1  }
0x159: {  	[tilespmem:s8+$0x400] =	vst v7;
	v7 =	vld [tilespmem:s8+$0x410]  }
0x15a: {  	v8 =	vld [tilespmem:$0x3410];
	_ =	sdelay $0x4  }
0x15b: {  	v7 =	vadd.f32 v8, v7;
	_ =	sdelay $0x1  }
0x15c: {  	[tilespmem:s8+$0x410] =	vst v7;
	v7 =	vld [tilespmem:s8+$0x420]  }
0x15d: {  	v8 =	vld [tilespmem:$0x3420];
	_ =	sdelay $0x4  }
0x15e: {  	v7 =	vadd.f32 v8, v7;
	_ =	sdelay $0x1  }
0x15f: {  	[tilespmem:s8+$0x420] =	vst v7;
	v7 =	vld [tilespmem:s8+$0x430]  }
0x160: {  	v8 =	vld [tilespmem:$0x3430];
	_ =	sdelay $0x4  }
0x161: {  	v7 =	vadd.f32 v8, v7;
	_ =	sdelay $0x1  }
0x162: {  	[tilespmem:s8+$0x430] =	vst v7;
	v7 =	vld [tilespmem:s8+$0x440]  }
0x163: {  	v8 =	vld [tilespmem:$0x3440];
	_ =	sdelay $0x4  }
0x164: {  	v7 =	vadd.f32 v8, v7;
	_ =	sdelay $0x1  }
0x165: {  	[tilespmem:s8+$0x440] =	vst v7;
	v7 =	vld [tilespmem:s8+$0x450]  }
0x166: {  	v8 =	vld [tilespmem:$0x3450];
	_ =	sdelay $0x4  }
0x167: {  	v7 =	vadd.f32 v8, v7;
	_ =	sdelay $0x1  }
0x168: {  	[tilespmem:s8+$0x450] =	vst v7;
	v7 =	vld [tilespmem:s8+$0x460]  }
0x169: {  	v8 =	vld [tilespmem:$0x3460];
	_ =	sdelay $0x4  }
0x16a: {  	v7 =	vadd.f32 v8, v7;
	_ =	sdelay $0x1  }
0x16b: {  	[tilespmem:s8+$0x460] =	vst v7;
	v7 =	vld [tilespmem:s8+$0x470]  }
0x16c: {  	v8 =	vld [tilespmem:$0x3470];
	_ =	sdelay $0x4  }
0x16d: {  	v7 =	vadd.f32 v8, v7;
	_ =	sdelay $0x1  }
0x16e: {  	[tilespmem:s8+$0x470] =	vst v7;
	v7 =	vld [tilespmem:s8+$0x800]  }
0x16f: {  	v8 =	vld [tilespmem:$0x3480];
	_ =	sdelay $0x4  }
0x170: {  	v7 =	vadd.f32 v8, v7;
	_ =	sdelay $0x1  }
0x171: {  	[tilespmem:s8+$0x800] =	vst v7;
	v7 =	vld [tilespmem:s8+$0x810]  }
0x172: {  	v8 =	vld [tilespmem:$0x3490];
	_ =	sdelay $0x4  }
0x173: {  	v7 =	vadd.f32 v8, v7;
	_ =	sdelay $0x1  }
0x174: {  	[tilespmem:s8+$0x810] =	vst v7;
	v7 =	vld [tilespmem:s8+$0x820]  }
0x175: {  	v8 =	vld [tilespmem:$0x34A0];
	_ =	sdelay $0x4  }
0x176: {  	v7 =	vadd.f32 v8, v7;
	_ =	sdelay $0x1  }
0x177: {  	[tilespmem:s8+$0x820] =	vst v7;
	v7 =	vld [tilespmem:s8+$0x830]  }
0x178: {  	v8 =	vld [tilespmem:$0x34B0];
	_ =	sdelay $0x4  }
0x179: {  	v7 =	vadd.f32 v8, v7;
	_ =	sdelay $0x1  }
0x17a: {  	[tilespmem:s8+$0x830] =	vst v7;
	v7 =	vld [tilespmem:s8+$0x840]  }
0x17b: {  	v8 =	vld [tilespmem:$0x34C0];
	_ =	sdelay $0x4  }
0x17c: {  	v7 =	vadd.f32 v8, v7;
	_ =	sdelay $0x1  }
0x17d: {  	[tilespmem:s8+$0x840] =	vst v7;
	v7 =	vld [tilespmem:s8+$0x850]  }
0x17e: {  	v8 =	vld [tilespmem:$0x34D0];
	_ =	sdelay $0x4  }
0x17f: {  	v7 =	vadd.f32 v8, v7;
	_ =	sdelay $0x1  }
0x180: {  	[tilespmem:s8+$0x850] =	vst v7;
	v7 =	vld [tilespmem:s8+$0x860]  }
0x181: {  	v8 =	vld [tilespmem:$0x34E0];
	_ =	sdelay $0x4  }
0x182: {  	v7 =	vadd.f32 v8, v7;
	_ =	sdelay $0x1  }
0x183: {  	[tilespmem:s8+$0x860] =	vst v7;
	v7 =	vld [tilespmem:s8+$0x870]  }
0x184: {  	v8 =	vld [tilespmem:$0x34F0];
	_ =	sdelay $0x4  }
0x185: {  	v7 =	vadd.f32 v8, v7;
	_ =	sdelay $0x1  }
0x186: {  	[tilespmem:s8+$0x870] =	vst v7;
	v7 =	vld [tilespmem:s8+$0xC00]  }
0x187: {  	v8 =	vld [tilespmem:$0x3500];
	_ =	sdelay $0x4  }
0x188: {  	v7 =	vadd.f32 v8, v7;
	_ =	sdelay $0x1  }
0x189: {  	[tilespmem:s8+$0xC00] =	vst v7;
	v7 =	vld [tilespmem:s8+$0xC10]  }
0x18a: {  	v8 =	vld [tilespmem:$0x3510];
	_ =	sdelay $0x4  }
0x18b: {  	v7 =	vadd.f32 v8, v7;
	_ =	sdelay $0x1  }
0x18c: {  	[tilespmem:s8+$0xC10] =	vst v7;
	v7 =	vld [tilespmem:s8+$0xC20]  }
0x18d: {  	v8 =	vld [tilespmem:$0x3520];
	_ =	sdelay $0x4  }
0x18e: {  	v7 =	vadd.f32 v8, v7;
	_ =	sdelay $0x1  }
0x18f: {  	[tilespmem:s8+$0xC20] =	vst v7;
	v7 =	vld [tilespmem:s8+$0xC30]  }
0x190: {  	v8 =	vld [tilespmem:$0x3530];
	_ =	sdelay $0x4  }
0x191: {  	v7 =	vadd.f32 v8, v7;
	_ =	sdelay $0x1  }
0x192: {  	[tilespmem:s8+$0xC30] =	vst v7;
	v7 =	vld [tilespmem:s8+$0xC40]  }
0x193: {  	v8 =	vld [tilespmem:$0x3540];
	_ =	sdelay $0x4  }
0x194: {  	v7 =	vadd.f32 v8, v7;
	_ =	sdelay $0x1  }
0x195: {  	[tilespmem:s8+$0xC40] =	vst v7;
	v7 =	vld [tilespmem:s8+$0xC50]  }
0x196: {  	v8 =	vld [tilespmem:$0x3550];
	_ =	sdelay $0x4  }
0x197: {  	v7 =	vadd.f32 v8, v7;
	_ =	sdelay $0x1  }
0x198: {  	[tilespmem:s8+$0xC50] =	vst v7;
	v7 =	vld [tilespmem:s8+$0xC60]  }
0x199: {  	v8 =	vld [tilespmem:$0x3560];
	_ =	sdelay $0x4  }
0x19a: {  	v7 =	vadd.f32 v8, v7;
	_ =	sdelay $0x1  }
0x19b: {  	[tilespmem:s8+$0xC60] =	vst v7;
	v7 =	vld [tilespmem:s8+$0xC70]  }
0x19c: {  	v8 =	vld [tilespmem:$0x3570];
	_ =	sdelay $0x4  }
0x19d: {  	v7 =	vadd.f32 v8, v7;
	_ =	sdelay $0x1  }
0x19e: {  	[tilespmem:s8+$0xC70] =	vst v7;
	v7 =	vld [tilespmem:s8+$0x1000]  }
0x19f: {  	v8 =	vld [tilespmem:$0x3580];
	_ =	sdelay $0x4  }
0x1a0: {  	v7 =	vadd.f32 v8, v7;
	_ =	sdelay $0x1  }
0x1a1: {  	[tilespmem:s8+$0x1000] =	vst v7;
	v7 =	vld [tilespmem:s8+$0x1010]  }
0x1a2: {  	v8 =	vld [tilespmem:$0x3590];
	_ =	sdelay $0x4  }
0x1a3: {  	v7 =	vadd.f32 v8, v7;
	_ =	sdelay $0x1  }
0x1a4: {  	[tilespmem:s8+$0x1010] =	vst v7;
	v7 =	vld [tilespmem:s8+$0x1020]  }
0x1a5: {  	v8 =	vld [tilespmem:$0x35A0];
	_ =	sdelay $0x4  }
0x1a6: {  	v7 =	vadd.f32 v8, v7;
	_ =	sdelay $0x1  }
0x1a7: {  	[tilespmem:s8+$0x1020] =	vst v7;
	v7 =	vld [tilespmem:s8+$0x1030]  }
0x1a8: {  	v8 =	vld [tilespmem:$0x35B0];
	_ =	sdelay $0x4  }
0x1a9: {  	v7 =	vadd.f32 v8, v7;
	_ =	sdelay $0x1  }
0x1aa: {  	[tilespmem:s8+$0x1030] =	vst v7;
	v7 =	vld [tilespmem:s8+$0x1040]  }
0x1ab: {  	v8 =	vld [tilespmem:$0x35C0];
	_ =	sdelay $0x4  }
0x1ac: {  	v7 =	vadd.f32 v8, v7;
	_ =	sdelay $0x1  }
0x1ad: {  	[tilespmem:s8+$0x1040] =	vst v7;
	v7 =	vld [tilespmem:s8+$0x1050]  }
0x1ae: {  	v8 =	vld [tilespmem:$0x35D0];
	_ =	sdelay $0x4  }
0x1af: {  	v7 =	vadd.f32 v8, v7;
	_ =	sdelay $0x1  }
0x1b0: {  	[tilespmem:s8+$0x1050] =	vst v7;
	v7 =	vld [tilespmem:s8+$0x1060]  }
0x1b1: {  	v8 =	vld [tilespmem:$0x35E0];
	_ =	sdelay $0x4  }
0x1b2: {  	v7 =	vadd.f32 v8, v7;
	_ =	sdelay $0x1  }
0x1b3: {  	[tilespmem:s8+$0x1060] =	vst v7;
	v7 =	vld [tilespmem:s8+$0x1070]  }
0x1b4: {  	v8 =	vld [tilespmem:$0x35F0];
	_ =	sdelay $0x4  }
0x1b5: {  	v7 =	vadd.f32 v8, v7;
	_ =	sdelay $0x1  }
0x1b6: {  	[tilespmem:s8+$0x1070] =	vst v7;
	v7 =	vld [tilespmem:s8+$0x1400]  }
0x1b7: {  	v8 =	vld [tilespmem:$0x3600];
	_ =	sdelay $0x4  }
0x1b8: {  	v7 =	vadd.f32 v8, v7;
	_ =	sdelay $0x1  }
0x1b9: {  	[tilespmem:s8+$0x1400] =	vst v7;
	v7 =	vld [tilespmem:s8+$0x1410]  }
0x1ba: {  	v8 =	vld [tilespmem:$0x3610];
	_ =	sdelay $0x4  }
0x1bb: {  	v7 =	vadd.f32 v8, v7;
	_ =	sdelay $0x1  }
0x1bc: {  	[tilespmem:s8+$0x1410] =	vst v7;
	v7 =	vld [tilespmem:s8+$0x1420]  }
0x1bd: {  	v8 =	vld [tilespmem:$0x3620];
	_ =	sdelay $0x4  }
0x1be: {  	v7 =	vadd.f32 v8, v7;
	_ =	sdelay $0x1  }
0x1bf: {  	[tilespmem:s8+$0x1420] =	vst v7;
	v7 =	vld [tilespmem:s8+$0x1430]  }
0x1c0: {  	v8 =	vld [tilespmem:$0x3630];
	_ =	sdelay $0x4  }
0x1c1: {  	v7 =	vadd.f32 v8, v7;
	_ =	sdelay $0x1  }
0x1c2: {  	[tilespmem:s8+$0x1430] =	vst v7;
	v7 =	vld [tilespmem:s8+$0x1440]  }
0x1c3: {  	v8 =	vld [tilespmem:$0x3640];
	_ =	sdelay $0x4  }
0x1c4: {  	v7 =	vadd.f32 v8, v7;
	_ =	sdelay $0x1  }
0x1c5: {  	[tilespmem:s8+$0x1440] =	vst v7;
	v7 =	vld [tilespmem:s8+$0x1450]  }
0x1c6: {  	v8 =	vld [tilespmem:$0x3650];
	_ =	sdelay $0x4  }
0x1c7: {  	v7 =	vadd.f32 v8, v7;
	_ =	sdelay $0x1  }
0x1c8: {  	[tilespmem:s8+$0x1450] =	vst v7;
	v7 =	vld [tilespmem:s8+$0x1460]  }
0x1c9: {  	v8 =	vld [tilespmem:$0x3660];
	_ =	sdelay $0x4  }
0x1ca: {  	v7 =	vadd.f32 v8, v7;
	_ =	sdelay $0x1  }
0x1cb: {  	[tilespmem:s8+$0x1460] =	vst v7;
	v7 =	vld [tilespmem:s8+$0x1470]  }
0x1cc: {  	v8 =	vld [tilespmem:$0x3670];
	_ =	sdelay $0x4  }
0x1cd: {  	v7 =	vadd.f32 v8, v7;
	_ =	sdelay $0x1  }
0x1ce: {  	[tilespmem:s8+$0x1470] =	vst v7;
	v7 =	vld [tilespmem:s8+$0x1800]  }
0x1cf: {  	v8 =	vld [tilespmem:$0x3680];
	_ =	sdelay $0x4  }
0x1d0: {  	v7 =	vadd.f32 v8, v7;
	_ =	sdelay $0x1  }
0x1d1: {  	[tilespmem:s8+$0x1800] =	vst v7;
	v7 =	vld [tilespmem:s8+$0x1810]  }
0x1d2: {  	v8 =	vld [tilespmem:$0x3690];
	_ =	sdelay $0x4  }
0x1d3: {  	v7 =	vadd.f32 v8, v7;
	_ =	sdelay $0x1  }
0x1d4: {  	[tilespmem:s8+$0x1810] =	vst v7;
	v7 =	vld [tilespmem:s8+$0x1820]  }
0x1d5: {  	v8 =	vld [tilespmem:$0x36A0];
	_ =	sdelay $0x4  }
0x1d6: {  	v7 =	vadd.f32 v8, v7;
	_ =	sdelay $0x1  }
0x1d7: {  	[tilespmem:s8+$0x1820] =	vst v7;
	v7 =	vld [tilespmem:s8+$0x1830]  }
0x1d8: {  	v8 =	vld [tilespmem:$0x36B0];
	_ =	sdelay $0x4  }
0x1d9: {  	v7 =	vadd.f32 v8, v7;
	_ =	sdelay $0x1  }
0x1da: {  	[tilespmem:s8+$0x1830] =	vst v7;
	v7 =	vld [tilespmem:s8+$0x1840]  }
0x1db: {  	v8 =	vld [tilespmem:$0x36C0];
	_ =	sdelay $0x4  }
0x1dc: {  	v7 =	vadd.f32 v8, v7;
	_ =	sdelay $0x1  }
0x1dd: {  	[tilespmem:s8+$0x1840] =	vst v7;
	v7 =	vld [tilespmem:s8+$0x1850]  }
0x1de: {  	v8 =	vld [tilespmem:$0x36D0];
	_ =	sdelay $0x4  }
0x1df: {  	v7 =	vadd.f32 v8, v7;
	_ =	sdelay $0x1  }
0x1e0: {  	[tilespmem:s8+$0x1850] =	vst v7;
	v7 =	vld [tilespmem:s8+$0x1860]  }
0x1e1: {  	v8 =	vld [tilespmem:$0x36E0];
	_ =	sdelay $0x4  }
0x1e2: {  	v7 =	vadd.f32 v8, v7;
	_ =	sdelay $0x1  }
0x1e3: {  	[tilespmem:s8+$0x1860] =	vst v7;
	v7 =	vld [tilespmem:s8+$0x1870]  }
0x1e4: {  	v8 =	vld [tilespmem:$0x36F0];
	_ =	sdelay $0x4  }
0x1e5: {  	v7 =	vadd.f32 v8, v7;
	_ =	sdelay $0x1  }
0x1e6: {  	[tilespmem:s8+$0x1870] =	vst v7  }
0x1e7: {  	v7 =	vld [tilespmem:$0x0];
	_ =	sdelay $0x4  }
0x1e8: {  	v8 =	vshrl.u32 v7, $0x3  }
0x1e9: {  	v8 =	vmul.u32 $0x30, v8  }
0x1ea: {  	v7 =	vand.u32 $0x7, v7  }
0x1eb: {  	v7 =	vor.u32 v7, v8  }
0x1ec: {  	v8 =	vperm.xlane v7, v0;
	_ =	sdelay $0x1  }
0x1ed: {  	v8 =	vadd.s32 v1, v8;
	_ =	sdelay $0x3  }
0x1ee: {  	s16 =	simm.s32 $0x0;
	v7 =	vperm.xlane v7, v2  }
0x1ef: {  	[tilespmem:s22], [sflag:$0x1] =	stream.indirect_vreg.gather [hbm4b:s1+s16], $0x80, v8, vm0, $0xb8;
	[tilespmem:$0xFD00] =	vst v63  }
0x1f0: {  	v7 =	vadd.s32 v1, v7  }
0x1f1: {  	[tilespmem:s23], [sflag:$0x1] =	stream.indirect_vreg.gather [hbm4b:s11+s16], $0x80, v8, vm0, $0xb8;
	[tilespmem:$0xFD00] =	vst v63  }
0x1f2: {  	_ = 	snop  }
0x1f3: {  	[tilespmem:s24], [sflag:$0x1] =	stream.indirect_vreg.gather [hbm4b:s12+s16], $0x80, v8, vm0, $0xb8;
	[tilespmem:$0xFD00] =	vst v63  }
0x1f4: {  	_ = 	snop  }
0x1f5: {  	[tilespmem:s25], [sflag:$0x1] =	stream.indirect_vreg.gather [hbm4b:s1+s16], $0x80, v7, vm0, $0xb8;
	[tilespmem:$0xFD00] =	vst v63  }
0x1f6: {  	_ = 	snop  }
0x1f7: {  	[tilespmem:s26], [sflag:$0x1] =	stream.indirect_vreg.gather [hbm4b:s11+s16], $0x80, v7, vm0, $0xb8;
	[tilespmem:$0xFD00] =	vst v63  }
0x1f8: {  	_ = 	snop  }
0x1f9: {  	[tilespmem:s28], [sflag:$0x1] =	stream.indirect_vreg.gather [hbm4b:s12+s16], $0x80, v7, vm0, $0xb8;
	[tilespmem:$0xFD00] =	vst v63  }
0x1fa: {  	v7 =	vld [tilespmem:$0x10];
	_ =	sdelay $0x4  }
0x1fb: {  	v8 =	vshrl.u32 v7, $0x3  }
0x1fc: {  	v8 =	vmul.u32 $0x30, v8  }
0x1fd: {  	v7 =	vand.u32 $0x7, v7  }
0x1fe: {  	v7 =	vor.u32 v7, v8  }
0x1ff: {  	v8 =	vperm.xlane v7, v0;
	_ =	sdelay $0x1  }
0x200: {  	v8 =	vadd.s32 v1, v8;
	_ =	sdelay $0x3  }
0x201: {  	v7 =	vperm.xlane v7, v2  }
0x202: {  	[tilespmem:s29], [sflag:$0x2] =	stream.indirect_vreg.gather [hbm4b:s1+s16], $0x80, v8, vm0, $0xb8;
	[tilespmem:$0xFD00] =	vst v63  }
0x203: {  	v7 =	vadd.s32 v1, v7  }
0x204: {  	[tilespmem:s30], [sflag:$0x2] =	stream.indirect_vreg.gather [hbm4b:s11+s16], $0x80, v8, vm0, $0xb8;
	[tilespmem:$0xFD00] =	vst v63  }
0x205: {  	_ = 	snop  }
0x206: {  	[tilespmem:s31], [sflag:$0x2] =	stream.indirect_vreg.gather [hbm4b:s12+s16], $0x80, v8, vm0, $0xb8;
	[tilespmem:$0xFD00] =	vst v63  }
0x207: {  	_ = 	snop  }
0x208: {  	[tilespmem:s0], [sflag:$0x2] =	stream.indirect_vreg.gather [hbm4b:s1+s16], $0x80, v7, vm0, $0xb8;
	[tilespmem:$0xFD00] =	vst v63  }
0x209: {  	_ = 	snop  }
0x20a: {  	[tilespmem:s4], [sflag:$0x2] =	stream.indirect_vreg.gather [hbm4b:s11+s16], $0x80, v7, vm0, $0xb8;
	[tilespmem:$0xFD00] =	vst v63  }
0x20b: {  	_ = 	snop  }
0x20c: {  	[tilespmem:s2], [sflag:$0x2] =	stream.indirect_vreg.gather [hbm4b:s12+s16], $0x80, v7, vm0, $0xb8;
	[tilespmem:$0xFD00] =	vst v63  }
0x20d: {  	_ = 	snop  }
0x20e: {  	[tilespmem:s3], [sflag:$0x3] =	stream.linear.gather [hbm4b:s17+s16], $0x3000, $0x38;
	[tilespmem:$0xFD00] =	vst v63  }
0x20f: {  	_ = 	snop  }
0x210: {  	[tilespmem:s5], [sflag:$0x4] =	stream.linear.gather [hbm4b:s17+s16], $0x3000, $0x38;
	[tilespmem:$0xFD00] =	vst v63  }
.LBB2_4:
0x211: {  	_ =	swait.ge [sflag:s18], $0x3000  }
0x212: {  	[sflag:s18] =	ssyncset.done $0x0  }
0x213: {  	[sflag:s18] =	ssyncadd.s32 $0xFFFFD000  }
0x214: {  	_ =	swait.ge [sflag:s19], $0x3000  }
0x215: {  	[sflag:s19] =	ssyncset.done $0x0  }
0x216: {  	s8 =	simm.s32 $0x0;
	s10 =	simm.s32 $0x0;
	[sflag:s19] =	ssyncadd.s32 $0xFFFFD000  }
.LBB2_5:
0x217: {  	s14 =	sshrl.u32 s10, $0x3  }
0x218: {  	s14 =	smul.u32 $0x1800, s14  }
0x219: {  	s15 =	sand.u32 $0x380, s8  }
0x21a: {  	s14 =	sor.u32 s15, s14  }
0x21b: {  	v7 =	vld [tilespmem:s14+$0x3D00]  }
0x21c: {  	v8 =	vld [tilespmem:s14+$0x400]  }
0x21d: {  	v9 =	vld [tilespmem:s14+$0x3D10]  }
0x21e: {  	v10 =	vld [tilespmem:s14+$0x410]  }
0x21f: {  	v11 =	vld [tilespmem:s14+$0x3D20]  }
0x220: {  	v12 =	vld [tilespmem:s14+$0x420]  }
0x221: {  	v13 =	vld [tilespmem:s14+$0x3D30]  }
0x222: {  	v14 =	vld [tilespmem:s14+$0x430]  }
0x223: {  	v15 =	vld [tilespmem:s14+$0x3D40]  }
0x224: {  	v16 =	vld [tilespmem:s14+$0x440]  }
0x225: {  	v17 =	vld [tilespmem:s14+$0x3D50]  }
0x226: {  	v18 =	vld [tilespmem:s14+$0x450]  }
0x227: {  	v19 =	vld [tilespmem:s14+$0x3D60]  }
0x228: {  	v20 =	vld [tilespmem:s14+$0x460]  }
0x229: {  	v21 =	vld [tilespmem:s14+$0x3D70]  }
0x22a: {  	v22 =	vld [tilespmem:s14+$0x470]  }
0x22b: {  	v23 =	vld [tilespmem:s14+$0x4100]  }
0x22c: {  	v24 =	vld [tilespmem:s14+$0x800]  }
0x22d: {  	v33 =	vld [tilespmem:s14+$0x4110]  }
0x22e: {  	v34 =	vld [tilespmem:s14+$0x810]  }
0x22f: {  	v35 =	vld [tilespmem:s14+$0x4120]  }
0x230: {  	v36 =	vld [tilespmem:s14+$0x820]  }
0x231: {  	v37 =	vld [tilespmem:s14+$0x4130]  }
0x232: {  	v38 =	vld [tilespmem:s14+$0x830]  }
0x233: {  	v39 =	vld [tilespmem:s14+$0x4140]  }
0x234: {  	v40 =	vld [tilespmem:s14+$0x840]  }
0x235: {  	v41 =	vld [tilespmem:s14+$0x4150]  }
0x236: {  	v42 =	vld [tilespmem:s14+$0x850]  }
0x237: {  	v43 =	vld [tilespmem:s14+$0x4160]  }
0x238: {  	v44 =	vld [tilespmem:s14+$0x860]  }
0x239: {  	v45 =	vld [tilespmem:s14+$0x4170]  }
0x23a: {  	v46 =	vld [tilespmem:s14+$0x870]  }
0x23b: {  	v47 =	vld [tilespmem:s14+$0x4520];
	v32 =	vadd.f32 v8, v7  }
0x23c: {  	v48 =	vld [tilespmem:s14+$0xC20];
	v29 =	vadd.f32 v12, v11;
	v31 =	vadd.f32 v10, v9  }
0x23d: {  	v49 =	vld [tilespmem:s14+$0x4530];
	v30 =	vadd.f32 v14, v13;
	v27 =	vadd.f32 v16, v15  }
0x23e: {  	v50 =	vld [tilespmem:s14+$0xC30];
	v28 =	vadd.f32 v18, v17;
	v26 =	vadd.f32 v22, v21  }
0x23f: {  	v51 =	vld [tilespmem:s14+$0x4540];
	v23 =	vadd.f32 v24, v23;
	v24 =	vadd.f32 v34, v33  }
0x240: {  	v52 =	vld [tilespmem:s14+$0xC40];
	v21 =	vadd.f32 v36, v35;
	v22 =	vadd.f32 v38, v37  }
0x241: {  	v9 =	vld [tilespmem:s14+$0x4510];
	v17 =	vadd.f32 v44, v43;
	v18 =	vadd.f32 v46, v45  }
0x242: {  	v13 =	vld [tilespmem:s14+$0xC10];
	v60 =	vadd.f32 $0.0e+00, v32;
	v61 =	vmul.f32 v32, v32;
	v12 =	vmul.f32 v29, v29  }
0x243: {  	v53 =	vld [tilespmem:s14+$0x4550];
	v62 =	vadd.f32 $0.0e+00, v31;
	v25 =	vmul.f32 v31, v31;
	v63 =	vmul.f32 v30, v30  }
0x244: {  	v7 =	vld [tilespmem:s14+$0x4500];
	v11 =	vadd.f32 v29, v60;
	v10 =	vadd.f32 v12, v61  }
0x245: {  	v8 =	vld [tilespmem:s14+$0xC00];
	v14 =	vadd.f32 v30, v62;
	v12 =	vadd.f32 v63, v25  }
0x246: {  	v54 =	vld [tilespmem:s14+$0xC50];
	v15 =	vmul.f32 v27, v27;
	v25 =	vadd.f32 v20, v19;
	v19 =	vadd.f32 v40, v39  }
0x247: {  	v33 =	vld [tilespmem:s14+$0x4560];
	v20 =	vmul.f32 v28, v28;
	v16 =	vadd.f32 v13, v9;
	v13 =	vadd.f32 v48, v47  }
0x248: {  	v34 =	vld [tilespmem:s14+$0xC60];
	v11 =	vadd.f32 v27, v11;
	v10 =	vadd.f32 v15, v10  }
0x249: {  	v35 =	vld [tilespmem:s14+$0x4570];
	v14 =	vadd.f32 v28, v14;
	v56 =	vmul.f32 v25, v25;
	v12 =	vadd.f32 v20, v12  }
0x24a: {  	v36 =	vld [tilespmem:s14+$0xC70];
	v57 =	vmul.f32 v26, v26;
	v20 =	vadd.f32 v42, v41;
	v15 =	vadd.f32 v8, v7  }
0x24b: {  	v37 =	vld [tilespmem:s14+$0x4900];
	v58 =	vmul.f32 v23, v23;
	v11 =	vadd.f32 v25, v11;
	v10 =	vadd.f32 v56, v10  }
0x24c: {  	v38 =	vld [tilespmem:s14+$0x1000];
	v59 =	vmul.f32 v24, v24;
	v14 =	vadd.f32 v26, v14;
	v12 =	vadd.f32 v57, v12  }
0x24d: {  	v43 =	vld [tilespmem:s14+$0x4930];
	v60 =	vmul.f32 v21, v21;
	v11 =	vadd.f32 v23, v11;
	v10 =	vadd.f32 v58, v10  }
0x24e: {  	v44 =	vld [tilespmem:s14+$0x1030];
	v61 =	vmul.f32 v22, v22;
	v14 =	vadd.f32 v24, v14;
	v12 =	vadd.f32 v59, v12  }
0x24f: {  	v45 =	vld [tilespmem:s14+$0x4940];
	v62 =	vmul.f32 v19, v19;
	v11 =	vadd.f32 v21, v11;
	v10 =	vadd.f32 v60, v10  }
0x250: {  	v46 =	vld [tilespmem:s14+$0x1040];
	v63 =	vmul.f32 v20, v20;
	v14 =	vadd.f32 v22, v14;
	v12 =	vadd.f32 v61, v12  }
0x251: {  	v55 =	vmul.f32 v17, v17;
	v39 =	vld [tilespmem:s14+$0x4910];
	v11 =	vadd.f32 v19, v11;
	v10 =	vadd.f32 v62, v10  }
0x252: {  	v40 =	vld [tilespmem:s14+$0x1010];
	v56 =	vmul.f32 v18, v18;
	v14 =	vadd.f32 v20, v14;
	v12 =	vadd.f32 v63, v12  }
0x253: {  	v47 =	vld [tilespmem:s14+$0x4950];
	v7 =	vadd.f32 v17, v11;
	v8 =	vadd.f32 v55, v10  }
0x254: {  	v41 =	vld [tilespmem:s14+$0x4920];
	v57 =	vadd.f32 v18, v14;
	v59 =	vadd.f32 v56, v12  }
0x255: {  	v58 =	vmul.f32 v15, v15;
	v14 =	vadd.f32 v50, v49;
	v49 =	vld [tilespmem:s14+$0x1050];
	v11 =	vadd.f32 v52, v51  }
0x256: {  	v60 =	vmul.f32 v16, v16;
	v12 =	vadd.f32 v54, v53;
	v53 =	vld [tilespmem:s14+$0x4970];
	v10 =	vadd.f32 v36, v35  }
0x257: {  	v48 =	vmul.f32 v13, v13;
	v55 =	vld [tilespmem:s14+$0x1070];
	v7 =	vadd.f32 v15, v7;
	v8 =	vadd.f32 v58, v8  }
0x258: {  	v42 =	vld [tilespmem:s14+$0x1020];
	v61 =	vadd.f32 v16, v57;
	v9 =	vadd.f32 v60, v59;
	v62 =	vmul.f32 v14, v14  }
0x259: {  	v50 =	vld [tilespmem:s14+$0x4960];
	v7 =	vadd.f32 v13, v7;
	v8 =	vadd.f32 v48, v8  }
0x25a: {  	v36 =	vld [tilespmem:s14+$0x1400];
	v63 =	vadd.f32 v14, v61;
	v57 =	vadd.f32 v62, v9  }
0x25b: {  	v54 =	vld [tilespmem:s14+$0x1410];
	v52 =	vmul.f32 v11, v11;
	v9 =	vadd.f32 v34, v33;
	v47 =	vadd.f32 v49, v47  }
0x25c: {  	v48 =	vld [tilespmem:s14+$0x1060];
	v53 =	vadd.f32 v55, v53;
	v58 =	vadd.f32 v11, v7;
	v7 =	vmul.f32 v12, v12  }
0x25d: {  	v49 =	vld [tilespmem:s14+$0x4D50];
	v8 =	vadd.f32 v52, v8;
	v59 =	vadd.f32 v12, v63;
	v62 =	vmul.f32 v9, v9  }
0x25e: {  	v52 =	vld [tilespmem:s14+$0x4D00];
	v63 =	vadd.f32 v7, v57;
	v7 =	vadd.f32 v38, v37  }
0x25f: {  	v61 =	vmul.f32 v10, v10;
	v55 =	vld [tilespmem:s14+$0x1460];
	v60 =	vadd.f32 v9, v58;
	v51 =	vadd.f32 v62, v8  }
0x260: {  	v37 =	vld [tilespmem:s14+$0x4D10];
	v34 =	vadd.f32 v10, v59;
	v8 =	vadd.f32 v40, v39  }
0x261: {  	v33 =	vadd.f32 v42, v41;
	v39 =	vld [tilespmem:s14+$0x4D20];
	v56 =	vmul.f32 v7, v7;
	v35 =	vadd.f32 v61, v63  }
0x262: {  	v40 =	vld [tilespmem:s14+$0x1420];
	v38 =	vadd.f32 v7, v60;
	v63 =	vmul.f32 v8, v8;
	v60 =	vadd.f32 v8, v34  }
0x263: {  	v34 =	vadd.f32 v44, v43;
	v43 =	vld [tilespmem:s14+$0x1430];
	v36 =	vadd.f32 v36, v52  }
0x264: {  	v44 =	vld [tilespmem:s14+$0x4D40];
	v62 =	vadd.f32 v56, v51;
	v42 =	vadd.f32 v63, v35  }
0x265: {  	v57 =	vmul.f32 v33, v33;
	v51 =	vld [tilespmem:s14+$0x4D30];
	v35 =	vadd.f32 v46, v45;
	v38 =	vadd.f32 v33, v38  }
0x266: {  	v61 =	vmul.f32 v34, v34;
	v46 =	vld [tilespmem:s14+$0x1440];
	v56 =	vadd.f32 v34, v60;
	v45 =	vadd.f32 v48, v50  }
0x267: {  	v48 =	vld [tilespmem:s14+$0x1450];
	v63 =	vmul.f32 v47, v47;
	v37 =	vadd.f32 v54, v37;
	v39 =	vadd.f32 v40, v39  }
0x268: {  	v50 =	vld [tilespmem:s14+$0x4D70];
	v41 =	vadd.f32 v57, v62;
	v62 =	vmul.f32 v35, v35;
	v42 =	vadd.f32 v61, v42  }
0x269: {  	v54 =	vld [tilespmem:s14+$0x5100];
	v38 =	vadd.f32 v35, v38;
	v56 =	vadd.f32 v47, v56  }
0x26a: {  	v40 =	vld [tilespmem:s14+$0x1800];
	v41 =	vadd.f32 v62, v41;
	v42 =	vadd.f32 v63, v42  }
0x26b: {  	v57 =	vld [tilespmem:s14+$0x4D60];
	v58 =	vmul.f32 v45, v45;
	v38 =	vadd.f32 v45, v38;
	v56 =	vadd.f32 v53, v56  }
0x26c: {  	v60 =	vmul.f32 v53, v53;
	v43 =	vadd.f32 v43, v51;
	v51 =	vld [tilespmem:s14+$0x1810];
	v44 =	vadd.f32 v46, v44  }
0x26d: {  	v59 =	vmul.f32 v36, v36;
	v46 =	vld [tilespmem:s14+$0x1820];
	v48 =	vadd.f32 v48, v49;
	v41 =	vadd.f32 v58, v41  }
0x26e: {  	v52 =	vmul.f32 v37, v37;
	v49 =	vld [tilespmem:s14+$0x5130];
	v42 =	vadd.f32 v60, v42;
	v38 =	vadd.f32 v36, v38  }
0x26f: {  	v58 =	vld [tilespmem:s14+$0x1470];
	v56 =	vadd.f32 v37, v56;
	v60 =	vmul.f32 v39, v39;
	v41 =	vadd.f32 v59, v41  }
0x270: {  	v55 =	vadd.f32 v55, v57;
	v57 =	vld [tilespmem:s14+$0x1830];
	v42 =	vadd.f32 v52, v42  }
0x271: {  	v59 =	vld [tilespmem:s14+$0x5110];
	v38 =	vadd.f32 v39, v38;
	v41 =	vadd.f32 v60, v41;
	v60 =	vmul.f32 v43, v43  }
0x272: {  	v40 =	vadd.f32 v40, v54;
	v52 =	vld [tilespmem:s14+$0x5120];
	v56 =	vadd.f32 v43, v56  }
0x273: {  	v38 =	vadd.f32 v44, v38;
	v42 =	vadd.f32 v60, v42;
	v60 =	vmul.f32 v44, v44  }
0x274: {  	v62 =	vld [tilespmem:s14+$0x1860];
	v56 =	vadd.f32 v48, v56;
	v50 =	vadd.f32 v58, v50  }
0x275: {  	v54 =	vld [tilespmem:s14+$0x1840];
	v49 =	vadd.f32 v57, v49;
	v41 =	vadd.f32 v60, v41;
	v60 =	vmul.f32 v55, v55  }
0x276: {  	v61 =	vmul.f32 v48, v48;
	v58 =	vld [tilespmem:s14+$0x5140];
	v38 =	vadd.f32 v55, v38;
	v51 =	vadd.f32 v51, v59  }
0x277: {  	v57 =	vld [tilespmem:s14+$0x5160];
	v46 =	vadd.f32 v46, v52;
	v41 =	vadd.f32 v60, v41;
	v60 =	vmul.f32 v40, v40  }
0x278: {  	v59 =	vld [tilespmem:s14+$0x5150];
	v56 =	vadd.f32 v50, v56;
	v42 =	vadd.f32 v61, v42  }
0x279: {  	v52 =	vld [tilespmem:s14+$0x1850];
	v61 =	vmul.f32 v50, v50;
	v41 =	vadd.f32 v60, v41;
	v60 =	vmul.f32 v46, v46  }
0x27a: {  	v63 =	vld [tilespmem:s14+$0x5170];
	v38 =	vadd.f32 v40, v38;
	v56 =	vadd.f32 v51, v56  }
0x27b: {  	v42 =	vadd.f32 v61, v42;
	v61 =	vmul.f32 v51, v51;
	v41 =	vadd.f32 v60, v41;
	v60 =	vld [tilespmem:s14+$0x1870]  }
0x27c: {  	v54 =	vadd.f32 v54, v58;
	v38 =	vadd.f32 v46, v38  }
0x27d: {  	v56 =	vadd.f32 v49, v56;
	v42 =	vadd.f32 v61, v42;
	v61 =	vmul.f32 v49, v49  }
0x27e: {  	v57 =	vadd.f32 v62, v57;
	v52 =	vadd.f32 v52, v59  }
0x27f: {  	v58 =	vmul.f32 v54, v54;
	v38 =	vadd.f32 v54, v38;
	v42 =	vadd.f32 v61, v42  }
0x280: {  	v56 =	vadd.f32 v52, v56;
	v59 =	vadd.f32 v60, v63;
	v60 =	vmul.f32 v52, v52  }
0x281: {  	v38 =	vadd.f32 v57, v38;
	v41 =	vadd.f32 v58, v41;
	v58 =	vmul.f32 v57, v57  }
0x282: {  	v42 =	vadd.f32 v60, v42;
	v56 =	vadd.f32 v59, v56;
	v60 =	vmul.f32 v59, v59  }
0x283: {  	v41 =	vadd.f32 v58, v41  }
0x284: {  	v42 =	vadd.f32 v60, v42;
	v38 =	vadd.f32 v56, v38;
	_ =	sdelay $0x1  }
0x285: {  	v41 =	vadd.f32 v42, v41;
	v61 =	vperm.xlane v38, v3;
	_ =	sdelay $0x1  }
0x286: {  	v38 =	vadd.f32 v38, v61;
	v62 =	vperm.xlane v41, v3;
	_ =	sdelay $0x1  }
0x287: {  	v41 =	vadd.f32 v62, v41;
	v63 =	vperm.xlane v38, v4;
	_ =	sdelay $0x1  }
0x288: {  	v38 =	vadd.f32 v38, v63;
	v56 =	vperm.xlane v41, v4;
	_ =	sdelay $0x1  }
0x289: {  	v41 =	vadd.f32 v56, v41;
	v58 =	vperm.xlane v38, v5;
	_ =	sdelay $0x1  }
0x28a: {  	v38 =	vadd.f32 v38, v58;
	v60 =	vperm.xlane v41, v5;
	_ =	sdelay $0x1  }
0x28b: {  	v41 =	vadd.f32 v60, v41;
	v61 =	vperm.xlane v38, v6;
	_ =	sdelay $0x1  }
0x28c: {  	v38 =	vadd.f32 v38, v61;
	v62 =	vperm.xlane v41, v6  }
0x28d: {  	[tilespmem:s14+$0xA900] =	vst v7  }
0x28e: {  	[tilespmem:s14+$0xA910] =	vst v8;
	v8 =	vadd.f32 v62, v41;
	v7 =	vmul.f32 $1.302083370e-03, v38  }
0x28f: {  	[tilespmem:s14+$0xA920] =	vst v33  }
0x290: {  	[tilespmem:s14+$0xA950] =	vst v47;
	v8 =	vmul.f32 $1.302083370e-03, v8;
	v63 =	vmul.f32 v7, v7  }
0x291: {  	[tilespmem:s14+$0xA970] =	vst v53  }
0x292: {  	[tilespmem:s14+$0xA930] =	vst v34;
	v8 =	vsub.f32 v8, v63  }
0x293: {  	[tilespmem:s14+$0xAD00] =	vst v36  }
0x294: {  	[tilespmem:s14+$0xA940] =	vst v35;
	v8 =	vadd.f32 $9.999999960e-13, v8  }
0x295: {  	[tilespmem:s14+$0xA960] =	vst v45  }
0x296: {  	[tilespmem:s14+$0xAD10] =	vst v37;
	v38 =	vshra.s32 v8, $0x1;
	v8 =	vmul.f32 $5.000000000e-01, v8  }
0x297: {  	[tilespmem:s14+$0xAD20] =	vst v39;
	v33 =	vsub.s32 $0x5F3759DF, v38  }
0x298: {  	[tilespmem:s14+$0xAD30] =	vst v43;
	v39 =	vmul.f32 v33, v8  }
0x299: {  	[tilespmem:s14+$0xAD40] =	vst v44  }
0x29a: {  	[tilespmem:s14+$0xAD50] =	vst v48;
	v34 =	vmul.f32 v33, v39  }
0x29b: {  	[tilespmem:s14+$0xB100] =	vst v40  }
0x29c: {  	[tilespmem:s14+$0xAD60] =	vst v55;
	v34 =	vsub.f32 $1.500000000e+00, v34  }
0x29d: {  	[tilespmem:s14+$0xAD70] =	vst v50  }
0x29e: {  	[tilespmem:s14+$0xB130] =	vst v49;
	v33 =	vmul.f32 v33, v34  }
0x29f: {  	[tilespmem:s14+$0xB110] =	vst v51  }
0x2a0: {  	[tilespmem:s14+$0xB120] =	vst v46;
	v8 =	vmul.f32 v33, v8  }
0x2a1: {  	[tilespmem:s14+$0xB140] =	vst v54  }
0x2a2: {  	[tilespmem:s14+$0xB160] =	vst v57;
	v8 =	vmul.f32 v8, v33  }
0x2a3: {  	[tilespmem:s14+$0xB150] =	vst v52  }
0x2a4: {  	[tilespmem:s14+$0xB170] =	vst v59;
	v8 =	vsub.f32 $1.500000000e+00, v8  }
0x2a5: {  	v40 =	vld [tilespmem:$0x3700]  }
0x2a6: {  	v32 =	vsub.f32 v32, v7;
	v8 =	vmul.f32 v8, v33  }
0x2a7: {  	v41 =	vld [tilespmem:$0x3A00]  }
0x2a8: {  	v32 =	vmul.f32 v8, v32;
	_ =	sdelay $0x1  }
0x2a9: {  	v32 =	vmul.f32 v32, v40;
	_ =	sdelay $0x1  }
0x2aa: {  	v32 =	vadd.f32 v32, v41;
	_ =	sdelay $0x1  }
0x2ab: {  	[tilespmem:s14+$0x9D00] =	vst v32  }
0x2ac: {  	v32 =	vld [tilespmem:$0x3710]  }
0x2ad: {  	v31 =	vsub.f32 v31, v7  }
0x2ae: {  	v42 =	vld [tilespmem:$0x3A10]  }
0x2af: {  	v31 =	vmul.f32 v8, v31;
	_ =	sdelay $0x1  }
0x2b0: {  	v31 =	vmul.f32 v31, v32;
	_ =	sdelay $0x1  }
0x2b1: {  	v31 =	vadd.f32 v31, v42;
	_ =	sdelay $0x1  }
0x2b2: {  	[tilespmem:s14+$0x9D10] =	vst v31  }
0x2b3: {  	v31 =	vld [tilespmem:$0x3720]  }
0x2b4: {  	v29 =	vsub.f32 v29, v7  }
0x2b5: {  	v43 =	vld [tilespmem:$0x3A20]  }
0x2b6: {  	v29 =	vmul.f32 v8, v29;
	_ =	sdelay $0x1  }
0x2b7: {  	v29 =	vmul.f32 v29, v31;
	_ =	sdelay $0x1  }
0x2b8: {  	v29 =	vadd.f32 v29, v43;
	_ =	sdelay $0x1  }
0x2b9: {  	[tilespmem:s14+$0x9D20] =	vst v29  }
0x2ba: {  	v29 =	vld [tilespmem:$0x3730]  }
0x2bb: {  	v30 =	vsub.f32 v30, v7  }
0x2bc: {  	v44 =	vld [tilespmem:$0x3A30]  }
0x2bd: {  	v30 =	vmul.f32 v8, v30;
	_ =	sdelay $0x1  }
0x2be: {  	v29 =	vmul.f32 v30, v29;
	_ =	sdelay $0x1  }
0x2bf: {  	v29 =	vadd.f32 v29, v44;
	_ =	sdelay $0x1  }
0x2c0: {  	[tilespmem:s14+$0x9D30] =	vst v29  }
0x2c1: {  	v29 =	vld [tilespmem:$0x3740]  }
0x2c2: {  	v27 =	vsub.f32 v27, v7  }
0x2c3: {  	v45 =	vld [tilespmem:$0x3A40]  }
0x2c4: {  	v27 =	vmul.f32 v8, v27;
	_ =	sdelay $0x1  }
0x2c5: {  	v27 =	vmul.f32 v27, v29;
	_ =	sdelay $0x1  }
0x2c6: {  	v27 =	vadd.f32 v27, v45;
	_ =	sdelay $0x1  }
0x2c7: {  	[tilespmem:s14+$0x9D40] =	vst v27  }
0x2c8: {  	v27 =	vld [tilespmem:$0x3750]  }
0x2c9: {  	v28 =	vsub.f32 v28, v7  }
0x2ca: {  	v46 =	vld [tilespmem:$0x3A50]  }
0x2cb: {  	v28 =	vmul.f32 v8, v28;
	_ =	sdelay $0x1  }
0x2cc: {  	v27 =	vmul.f32 v28, v27;
	_ =	sdelay $0x1  }
0x2cd: {  	v27 =	vadd.f32 v27, v46;
	_ =	sdelay $0x1  }
0x2ce: {  	[tilespmem:s14+$0x9D50] =	vst v27  }
0x2cf: {  	v27 =	vld [tilespmem:$0x3760]  }
0x2d0: {  	v25 =	vsub.f32 v25, v7  }
0x2d1: {  	v47 =	vld [tilespmem:$0x3A60]  }
0x2d2: {  	v25 =	vmul.f32 v8, v25;
	_ =	sdelay $0x1  }
0x2d3: {  	v25 =	vmul.f32 v27, v25;
	_ =	sdelay $0x1  }
0x2d4: {  	v25 =	vadd.f32 v47, v25;
	_ =	sdelay $0x1  }
0x2d5: {  	[tilespmem:s14+$0x9D60] =	vst v25  }
0x2d6: {  	v25 =	vld [tilespmem:$0x3770]  }
0x2d7: {  	v26 =	vsub.f32 v26, v7  }
0x2d8: {  	v48 =	vld [tilespmem:$0x3A70]  }
0x2d9: {  	v26 =	vmul.f32 v8, v26;
	_ =	sdelay $0x1  }
0x2da: {  	v25 =	vmul.f32 v25, v26;
	_ =	sdelay $0x1  }
0x2db: {  	v25 =	vadd.f32 v48, v25;
	_ =	sdelay $0x1  }
0x2dc: {  	[tilespmem:s14+$0x9D70] =	vst v25  }
0x2dd: {  	v25 =	vld [tilespmem:$0x3780]  }
0x2de: {  	v23 =	vsub.f32 v23, v7  }
0x2df: {  	v49 =	vld [tilespmem:$0x3A80]  }
0x2e0: {  	v23 =	vmul.f32 v8, v23;
	_ =	sdelay $0x1  }
0x2e1: {  	v23 =	vmul.f32 v25, v23;
	_ =	sdelay $0x1  }
0x2e2: {  	v23 =	vadd.f32 v49, v23;
	_ =	sdelay $0x1  }
0x2e3: {  	[tilespmem:s14+$0xA100] =	vst v23  }
0x2e4: {  	v23 =	vld [tilespmem:$0x3790]  }
0x2e5: {  	v24 =	vsub.f32 v24, v7  }
0x2e6: {  	v50 =	vld [tilespmem:$0x3A90]  }
0x2e7: {  	v24 =	vmul.f32 v8, v24;
	_ =	sdelay $0x1  }
0x2e8: {  	v23 =	vmul.f32 v23, v24;
	_ =	sdelay $0x1  }
0x2e9: {  	v23 =	vadd.f32 v50, v23;
	_ =	sdelay $0x1  }
0x2ea: {  	[tilespmem:s14+$0xA110] =	vst v23  }
0x2eb: {  	v23 =	vld [tilespmem:$0x37A0]  }
0x2ec: {  	v21 =	vsub.f32 v21, v7  }
0x2ed: {  	v51 =	vld [tilespmem:$0x3AA0]  }
0x2ee: {  	v21 =	vmul.f32 v8, v21;
	_ =	sdelay $0x1  }
0x2ef: {  	v21 =	vmul.f32 v23, v21;
	_ =	sdelay $0x1  }
0x2f0: {  	v21 =	vadd.f32 v51, v21;
	_ =	sdelay $0x1  }
0x2f1: {  	[tilespmem:s14+$0xA120] =	vst v21  }
0x2f2: {  	v21 =	vld [tilespmem:$0x37B0]  }
0x2f3: {  	v22 =	vsub.f32 v22, v7  }
0x2f4: {  	v52 =	vld [tilespmem:$0x3AB0]  }
0x2f5: {  	v22 =	vmul.f32 v8, v22;
	_ =	sdelay $0x1  }
0x2f6: {  	v21 =	vmul.f32 v21, v22;
	_ =	sdelay $0x1  }
0x2f7: {  	v21 =	vadd.f32 v52, v21;
	_ =	sdelay $0x1  }
0x2f8: {  	[tilespmem:s14+$0xA130] =	vst v21  }
0x2f9: {  	v21 =	vld [tilespmem:$0x37C0]  }
0x2fa: {  	v19 =	vsub.f32 v19, v7  }
0x2fb: {  	v53 =	vld [tilespmem:$0x3AC0]  }
0x2fc: {  	v19 =	vmul.f32 v8, v19;
	_ =	sdelay $0x1  }
0x2fd: {  	v19 =	vmul.f32 v21, v19;
	_ =	sdelay $0x1  }
0x2fe: {  	v19 =	vadd.f32 v53, v19;
	_ =	sdelay $0x1  }
0x2ff: {  	[tilespmem:s14+$0xA140] =	vst v19  }
0x300: {  	v19 =	vld [tilespmem:$0x37D0]  }
0x301: {  	v20 =	vsub.f32 v20, v7  }
0x302: {  	v54 =	vld [tilespmem:$0x3AD0]  }
0x303: {  	v20 =	vmul.f32 v8, v20;
	_ =	sdelay $0x1  }
0x304: {  	v19 =	vmul.f32 v19, v20;
	_ =	sdelay $0x1  }
0x305: {  	v19 =	vadd.f32 v54, v19;
	_ =	sdelay $0x1  }
0x306: {  	[tilespmem:s14+$0xA150] =	vst v19  }
0x307: {  	v19 =	vld [tilespmem:$0x37E0]  }
0x308: {  	v17 =	vsub.f32 v17, v7  }
0x309: {  	v55 =	vld [tilespmem:$0x3AE0]  }
0x30a: {  	v17 =	vmul.f32 v8, v17;
	_ =	sdelay $0x1  }
0x30b: {  	v17 =	vmul.f32 v19, v17;
	_ =	sdelay $0x1  }
0x30c: {  	v17 =	vadd.f32 v55, v17;
	_ =	sdelay $0x1  }
0x30d: {  	[tilespmem:s14+$0xA160] =	vst v17  }
0x30e: {  	v17 =	vld [tilespmem:$0x37F0]  }
0x30f: {  	v18 =	vsub.f32 v18, v7  }
0x310: {  	v56 =	vld [tilespmem:$0x3AF0]  }
0x311: {  	v18 =	vmul.f32 v8, v18;
	_ =	sdelay $0x1  }
0x312: {  	v17 =	vmul.f32 v17, v18;
	_ =	sdelay $0x1  }
0x313: {  	v17 =	vadd.f32 v56, v17;
	_ =	sdelay $0x1  }
0x314: {  	[tilespmem:s14+$0xA170] =	vst v17  }
0x315: {  	v17 =	vld [tilespmem:$0x3800]  }
0x316: {  	v15 =	vsub.f32 v15, v7  }
0x317: {  	v57 =	vld [tilespmem:$0x3B00]  }
0x318: {  	v15 =	vmul.f32 v8, v15;
	_ =	sdelay $0x1  }
0x319: {  	v15 =	vmul.f32 v17, v15;
	_ =	sdelay $0x1  }
0x31a: {  	v15 =	vadd.f32 v57, v15;
	_ =	sdelay $0x1  }
0x31b: {  	[tilespmem:s14+$0xA500] =	vst v15  }
0x31c: {  	v15 =	vld [tilespmem:$0x3810]  }
0x31d: {  	v16 =	vsub.f32 v16, v7  }
0x31e: {  	v58 =	vld [tilespmem:$0x3B10]  }
0x31f: {  	v16 =	vmul.f32 v8, v16;
	_ =	sdelay $0x1  }
0x320: {  	v15 =	vmul.f32 v15, v16;
	_ =	sdelay $0x1  }
0x321: {  	v15 =	vadd.f32 v58, v15;
	_ =	sdelay $0x1  }
0x322: {  	[tilespmem:s14+$0xA510] =	vst v15  }
0x323: {  	v15 =	vld [tilespmem:$0x3820]  }
0x324: {  	v13 =	vsub.f32 v13, v7  }
0x325: {  	v59 =	vld [tilespmem:$0x3B20]  }
0x326: {  	v13 =	vmul.f32 v8, v13;
	_ =	sdelay $0x1  }
0x327: {  	v13 =	vmul.f32 v15, v13;
	_ =	sdelay $0x1  }
0x328: {  	v13 =	vadd.f32 v59, v13;
	_ =	sdelay $0x1  }
0x329: {  	[tilespmem:s14+$0xA520] =	vst v13  }
0x32a: {  	v13 =	vld [tilespmem:$0x3830]  }
0x32b: {  	v14 =	vsub.f32 v14, v7  }
0x32c: {  	v60 =	vld [tilespmem:$0x3B30]  }
0x32d: {  	v14 =	vmul.f32 v8, v14;
	_ =	sdelay $0x1  }
0x32e: {  	v13 =	vmul.f32 v13, v14;
	_ =	sdelay $0x1  }
0x32f: {  	v13 =	vadd.f32 v60, v13;
	_ =	sdelay $0x1  }
0x330: {  	[tilespmem:s14+$0xA530] =	vst v13  }
0x331: {  	v13 =	vld [tilespmem:$0x3840]  }
0x332: {  	v11 =	vsub.f32 v11, v7  }
0x333: {  	v61 =	vld [tilespmem:$0x3B40]  }
0x334: {  	v11 =	vmul.f32 v8, v11;
	_ =	sdelay $0x1  }
0x335: {  	v11 =	vmul.f32 v13, v11;
	_ =	sdelay $0x1  }
0x336: {  	v11 =	vadd.f32 v61, v11;
	_ =	sdelay $0x1  }
0x337: {  	[tilespmem:s14+$0xA540] =	vst v11  }
0x338: {  	v11 =	vld [tilespmem:$0x3850]  }
0x339: {  	v12 =	vsub.f32 v12, v7  }
0x33a: {  	v62 =	vld [tilespmem:$0x3B50]  }
0x33b: {  	v12 =	vmul.f32 v8, v12;
	_ =	sdelay $0x1  }
0x33c: {  	v11 =	vmul.f32 v11, v12;
	_ =	sdelay $0x1  }
0x33d: {  	v11 =	vadd.f32 v62, v11;
	_ =	sdelay $0x1  }
0x33e: {  	[tilespmem:s14+$0xA550] =	vst v11  }
0x33f: {  	v11 =	vld [tilespmem:$0x3860]  }
0x340: {  	v9 =	vsub.f32 v9, v7  }
0x341: {  	v63 =	vld [tilespmem:$0x3B60]  }
0x342: {  	v9 =	vmul.f32 v8, v9;
	_ =	sdelay $0x1  }
0x343: {  	v9 =	vmul.f32 v11, v9;
	_ =	sdelay $0x1  }
0x344: {  	v9 =	vadd.f32 v63, v9;
	_ =	sdelay $0x1  }
0x345: {  	[tilespmem:s14+$0xA560] =	vst v9  }
0x346: {  	v9 =	vld [tilespmem:$0x3870]  }
0x347: {  	v10 =	vsub.f32 v10, v7  }
0x348: {  	v15 =	vld [tilespmem:$0x3B70]  }
0x349: {  	v10 =	vmul.f32 v8, v10;
	_ =	sdelay $0x1  }
0x34a: {  	v9 =	vmul.f32 v9, v10  }
0x34b: {  	v16 =	vld [tilespmem:s14+$0xA900]  }
0x34c: {  	v9 =	vadd.f32 v15, v9;
	_ =	sdelay $0x1  }
0x34d: {  	[tilespmem:s14+$0xA570] =	vst v9  }
0x34e: {  	v9 =	vld [tilespmem:$0x3880]  }
0x34f: {  	v10 =	vsub.f32 v16, v7  }
0x350: {  	v17 =	vld [tilespmem:$0x3B80]  }
0x351: {  	v10 =	vmul.f32 v10, v8;
	_ =	sdelay $0x1  }
0x352: {  	v9 =	vmul.f32 v10, v9  }
0x353: {  	v18 =	vld [tilespmem:s14+$0xA910]  }
0x354: {  	v9 =	vadd.f32 v9, v17;
	_ =	sdelay $0x1  }
0x355: {  	[tilespmem:s14+$0xA900] =	vst v9  }
0x356: {  	v9 =	vld [tilespmem:$0x3890]  }
0x357: {  	v10 =	vsub.f32 v18, v7  }
0x358: {  	v19 =	vld [tilespmem:$0x3B90]  }
0x359: {  	v10 =	vmul.f32 v10, v8;
	_ =	sdelay $0x1  }
0x35a: {  	v9 =	vmul.f32 v10, v9  }
0x35b: {  	v20 =	vld [tilespmem:s14+$0xA920]  }
0x35c: {  	v9 =	vadd.f32 v9, v19;
	_ =	sdelay $0x1  }
0x35d: {  	[tilespmem:s14+$0xA910] =	vst v9  }
0x35e: {  	v9 =	vld [tilespmem:$0x38A0]  }
0x35f: {  	v10 =	vsub.f32 v20, v7  }
0x360: {  	v21 =	vld [tilespmem:$0x3BA0]  }
0x361: {  	v10 =	vmul.f32 v10, v8;
	_ =	sdelay $0x1  }
0x362: {  	v9 =	vmul.f32 v10, v9  }
0x363: {  	v22 =	vld [tilespmem:s14+$0xA930]  }
0x364: {  	v9 =	vadd.f32 v9, v21;
	_ =	sdelay $0x1  }
0x365: {  	[tilespmem:s14+$0xA920] =	vst v9  }
0x366: {  	v9 =	vld [tilespmem:$0x38B0]  }
0x367: {  	v10 =	vsub.f32 v22, v7  }
0x368: {  	v23 =	vld [tilespmem:$0x3BB0]  }
0x369: {  	v10 =	vmul.f32 v10, v8;
	_ =	sdelay $0x1  }
0x36a: {  	v9 =	vmul.f32 v10, v9  }
0x36b: {  	v24 =	vld [tilespmem:s14+$0xA940]  }
0x36c: {  	v9 =	vadd.f32 v9, v23;
	_ =	sdelay $0x1  }
0x36d: {  	[tilespmem:s14+$0xA930] =	vst v9  }
0x36e: {  	v9 =	vld [tilespmem:$0x38C0]  }
0x36f: {  	v10 =	vsub.f32 v24, v7  }
0x370: {  	v25 =	vld [tilespmem:$0x3BC0]  }
0x371: {  	v10 =	vmul.f32 v10, v8;
	_ =	sdelay $0x1  }
0x372: {  	v9 =	vmul.f32 v10, v9  }
0x373: {  	v26 =	vld [tilespmem:s14+$0xA950]  }
0x374: {  	v9 =	vadd.f32 v9, v25;
	_ =	sdelay $0x1  }
0x375: {  	[tilespmem:s14+$0xA940] =	vst v9  }
0x376: {  	v9 =	vld [tilespmem:$0x38D0]  }
0x377: {  	v10 =	vsub.f32 v26, v7  }
0x378: {  	v27 =	vld [tilespmem:$0x3BD0]  }
0x379: {  	v10 =	vmul.f32 v10, v8;
	_ =	sdelay $0x1  }
0x37a: {  	v9 =	vmul.f32 v10, v9  }
0x37b: {  	v28 =	vld [tilespmem:s14+$0xA960]  }
0x37c: {  	v9 =	vadd.f32 v9, v27;
	_ =	sdelay $0x1  }
0x37d: {  	[tilespmem:s14+$0xA950] =	vst v9  }
0x37e: {  	v9 =	vld [tilespmem:$0x38E0]  }
0x37f: {  	v10 =	vsub.f32 v28, v7  }
0x380: {  	v29 =	vld [tilespmem:$0x3BE0]  }
0x381: {  	v10 =	vmul.f32 v10, v8;
	_ =	sdelay $0x1  }
0x382: {  	v9 =	vmul.f32 v10, v9  }
0x383: {  	v30 =	vld [tilespmem:s14+$0xA970]  }
0x384: {  	v9 =	vadd.f32 v9, v29;
	_ =	sdelay $0x1  }
0x385: {  	[tilespmem:s14+$0xA960] =	vst v9  }
0x386: {  	v9 =	vld [tilespmem:$0x38F0]  }
0x387: {  	v10 =	vsub.f32 v30, v7  }
0x388: {  	v31 =	vld [tilespmem:$0x3BF0]  }
0x389: {  	v10 =	vmul.f32 v10, v8;
	_ =	sdelay $0x1  }
0x38a: {  	v9 =	vmul.f32 v10, v9  }
0x38b: {  	v32 =	vld [tilespmem:s14+$0xAD00]  }
0x38c: {  	v9 =	vadd.f32 v9, v31;
	_ =	sdelay $0x1  }
0x38d: {  	[tilespmem:s14+$0xA970] =	vst v9  }
0x38e: {  	v9 =	vld [tilespmem:$0x3900]  }
0x38f: {  	v10 =	vsub.f32 v32, v7  }
0x390: {  	v33 =	vld [tilespmem:$0x3C00]  }
0x391: {  	v10 =	vmul.f32 v10, v8;
	_ =	sdelay $0x1  }
0x392: {  	v9 =	vmul.f32 v10, v9  }
0x393: {  	v34 =	vld [tilespmem:s14+$0xAD10]  }
0x394: {  	v9 =	vadd.f32 v9, v33;
	_ =	sdelay $0x1  }
0x395: {  	[tilespmem:s14+$0xAD00] =	vst v9  }
0x396: {  	v9 =	vld [tilespmem:$0x3910]  }
0x397: {  	v10 =	vsub.f32 v34, v7  }
0x398: {  	v35 =	vld [tilespmem:$0x3C10]  }
0x399: {  	v10 =	vmul.f32 v10, v8;
	_ =	sdelay $0x1  }
0x39a: {  	v9 =	vmul.f32 v10, v9  }
0x39b: {  	v36 =	vld [tilespmem:s14+$0xAD20]  }
0x39c: {  	v9 =	vadd.f32 v9, v35;
	_ =	sdelay $0x1  }
0x39d: {  	[tilespmem:s14+$0xAD10] =	vst v9  }
0x39e: {  	v9 =	vld [tilespmem:$0x3920]  }
0x39f: {  	v10 =	vsub.f32 v36, v7  }
0x3a0: {  	v37 =	vld [tilespmem:$0x3C20]  }
0x3a1: {  	v10 =	vmul.f32 v10, v8;
	_ =	sdelay $0x1  }
0x3a2: {  	v9 =	vmul.f32 v10, v9  }
0x3a3: {  	v38 =	vld [tilespmem:s14+$0xAD30]  }
0x3a4: {  	v9 =	vadd.f32 v9, v37;
	_ =	sdelay $0x1  }
0x3a5: {  	[tilespmem:s14+$0xAD20] =	vst v9  }
0x3a6: {  	v9 =	vld [tilespmem:$0x3930]  }
0x3a7: {  	v10 =	vsub.f32 v38, v7  }
0x3a8: {  	v39 =	vld [tilespmem:$0x3C30]  }
0x3a9: {  	v10 =	vmul.f32 v10, v8;
	_ =	sdelay $0x1  }
0x3aa: {  	v9 =	vmul.f32 v10, v9  }
0x3ab: {  	v40 =	vld [tilespmem:s14+$0xAD40]  }
0x3ac: {  	v9 =	vadd.f32 v9, v39;
	_ =	sdelay $0x1  }
0x3ad: {  	[tilespmem:s14+$0xAD30] =	vst v9  }
0x3ae: {  	v9 =	vld [tilespmem:$0x3940]  }
0x3af: {  	v10 =	vsub.f32 v40, v7  }
0x3b0: {  	v41 =	vld [tilespmem:$0x3C40]  }
0x3b1: {  	v10 =	vmul.f32 v10, v8;
	_ =	sdelay $0x1  }
0x3b2: {  	v9 =	vmul.f32 v10, v9  }
0x3b3: {  	v42 =	vld [tilespmem:s14+$0xAD50]  }
0x3b4: {  	v9 =	vadd.f32 v9, v41;
	_ =	sdelay $0x1  }
0x3b5: {  	[tilespmem:s14+$0xAD40] =	vst v9  }
0x3b6: {  	v9 =	vld [tilespmem:$0x3950]  }
0x3b7: {  	v10 =	vsub.f32 v42, v7  }
0x3b8: {  	v43 =	vld [tilespmem:$0x3C50]  }
0x3b9: {  	v10 =	vmul.f32 v10, v8;
	_ =	sdelay $0x1  }
0x3ba: {  	v9 =	vmul.f32 v10, v9  }
0x3bb: {  	v44 =	vld [tilespmem:s14+$0xAD60]  }
0x3bc: {  	v9 =	vadd.f32 v9, v43;
	_ =	sdelay $0x1  }
0x3bd: {  	[tilespmem:s14+$0xAD50] =	vst v9  }
0x3be: {  	v9 =	vld [tilespmem:$0x3960]  }
0x3bf: {  	v10 =	vsub.f32 v44, v7  }
0x3c0: {  	v45 =	vld [tilespmem:$0x3C60]  }
0x3c1: {  	v10 =	vmul.f32 v10, v8;
	_ =	sdelay $0x1  }
0x3c2: {  	v9 =	vmul.f32 v10, v9  }
0x3c3: {  	v46 =	vld [tilespmem:s14+$0xAD70]  }
0x3c4: {  	v9 =	vadd.f32 v9, v45;
	_ =	sdelay $0x1  }
0x3c5: {  	[tilespmem:s14+$0xAD60] =	vst v9  }
0x3c6: {  	v9 =	vld [tilespmem:$0x3970]  }
0x3c7: {  	v10 =	vsub.f32 v46, v7  }
0x3c8: {  	v47 =	vld [tilespmem:$0x3C70]  }
0x3c9: {  	v10 =	vmul.f32 v10, v8;
	_ =	sdelay $0x1  }
0x3ca: {  	v9 =	vmul.f32 v10, v9  }
0x3cb: {  	v48 =	vld [tilespmem:s14+$0xB100]  }
0x3cc: {  	v9 =	vadd.f32 v9, v47;
	_ =	sdelay $0x1  }
0x3cd: {  	[tilespmem:s14+$0xAD70] =	vst v9  }
0x3ce: {  	v9 =	vld [tilespmem:$0x3980]  }
0x3cf: {  	v10 =	vsub.f32 v48, v7  }
0x3d0: {  	v49 =	vld [tilespmem:$0x3C80]  }
0x3d1: {  	v10 =	vmul.f32 v10, v8;
	_ =	sdelay $0x1  }
0x3d2: {  	v9 =	vmul.f32 v10, v9  }
0x3d3: {  	v50 =	vld [tilespmem:s14+$0xB110]  }
0x3d4: {  	v9 =	vadd.f32 v9, v49;
	_ =	sdelay $0x1  }
0x3d5: {  	[tilespmem:s14+$0xB100] =	vst v9  }
0x3d6: {  	v9 =	vld [tilespmem:$0x3990]  }
0x3d7: {  	v10 =	vsub.f32 v50, v7  }
0x3d8: {  	v51 =	vld [tilespmem:$0x3C90]  }
0x3d9: {  	v10 =	vmul.f32 v10, v8;
	_ =	sdelay $0x1  }
0x3da: {  	v9 =	vmul.f32 v10, v9  }
0x3db: {  	v52 =	vld [tilespmem:s14+$0xB120]  }
0x3dc: {  	v9 =	vadd.f32 v9, v51;
	_ =	sdelay $0x1  }
0x3dd: {  	[tilespmem:s14+$0xB110] =	vst v9  }
0x3de: {  	v9 =	vld [tilespmem:$0x39A0]  }
0x3df: {  	v10 =	vsub.f32 v52, v7  }
0x3e0: {  	v53 =	vld [tilespmem:$0x3CA0]  }
0x3e1: {  	v10 =	vmul.f32 v10, v8;
	_ =	sdelay $0x1  }
0x3e2: {  	v9 =	vmul.f32 v10, v9  }
0x3e3: {  	v54 =	vld [tilespmem:s14+$0xB130]  }
0x3e4: {  	v9 =	vadd.f32 v9, v53;
	_ =	sdelay $0x1  }
0x3e5: {  	[tilespmem:s14+$0xB120] =	vst v9  }
0x3e6: {  	v9 =	vld [tilespmem:$0x39B0]  }
0x3e7: {  	v10 =	vsub.f32 v54, v7  }
0x3e8: {  	v55 =	vld [tilespmem:$0x3CB0]  }
0x3e9: {  	v10 =	vmul.f32 v10, v8;
	_ =	sdelay $0x1  }
0x3ea: {  	v9 =	vmul.f32 v10, v9  }
0x3eb: {  	v56 =	vld [tilespmem:s14+$0xB140]  }
0x3ec: {  	v9 =	vadd.f32 v9, v55;
	_ =	sdelay $0x1  }
0x3ed: {  	[tilespmem:s14+$0xB130] =	vst v9  }
0x3ee: {  	v9 =	vld [tilespmem:$0x39C0]  }
0x3ef: {  	v10 =	vsub.f32 v56, v7  }
0x3f0: {  	v57 =	vld [tilespmem:$0x3CC0]  }
0x3f1: {  	v10 =	vmul.f32 v10, v8;
	_ =	sdelay $0x1  }
0x3f2: {  	v9 =	vmul.f32 v10, v9  }
0x3f3: {  	v58 =	vld [tilespmem:s14+$0xB150]  }
0x3f4: {  	v9 =	vadd.f32 v9, v57;
	_ =	sdelay $0x1  }
0x3f5: {  	[tilespmem:s14+$0xB140] =	vst v9  }
0x3f6: {  	v9 =	vld [tilespmem:$0x39D0]  }
0x3f7: {  	v10 =	vsub.f32 v58, v7  }
0x3f8: {  	v59 =	vld [tilespmem:$0x3CD0]  }
0x3f9: {  	v10 =	vmul.f32 v10, v8;
	_ =	sdelay $0x1  }
0x3fa: {  	v9 =	vmul.f32 v10, v9  }
0x3fb: {  	v60 =	vld [tilespmem:s14+$0xB160]  }
0x3fc: {  	v9 =	vadd.f32 v9, v59;
	_ =	sdelay $0x1  }
0x3fd: {  	[tilespmem:s14+$0xB150] =	vst v9  }
0x3fe: {  	v9 =	vld [tilespmem:$0x39E0]  }
0x3ff: {  	v10 =	vsub.f32 v60, v7  }
0x400: {  	v61 =	vld [tilespmem:$0x3CE0]  }
0x401: {  	v10 =	vmul.f32 v10, v8;
	_ =	sdelay $0x1  }
0x402: {  	v9 =	vmul.f32 v10, v9  }
0x403: {  	v62 =	vld [tilespmem:s14+$0xB170]  }
0x404: {  	v9 =	vadd.f32 v9, v61;
	_ =	sdelay $0x1  }
0x405: {  	[tilespmem:s14+$0xB160] =	vst v9  }
0x406: {  	v9 =	vld [tilespmem:$0x39F0]  }
0x407: {  	v7 =	vsub.f32 v62, v7  }
0x408: {  	v63 =	vld [tilespmem:$0x3CF0]  }
0x409: {  	v7 =	vmul.f32 v7, v8  }
0x40a: {  	p0 =	sne.s32 s10, $0xF  }
.Ltmp1:
0x40b: {  	v7 =	vmul.f32 v7, v9;
	(pc) =	sbr.rel @p0 .LBB2_5-.Ltmp1, $3  }
0x40c: {  	_ = 	snop  }
0x40d: {  	v7 =	vadd.f32 v7, v63;
	_ =	sdelay $0x1  }
0x40e: {  	s8 =	sadd.s32 $0x80, s8;
	s10 =	sadd.s32 $0x1, s10;
	[tilespmem:s14+$0xB170] =	vst v7  }
0x40f: {  	s8 =	sshll.u32 s16, $0x7  }
0x410: {  	s8 =	sor.u32 s9, s8  }
0x411: {  	s14 =	sshll.u32 s16, $0x1;
	s8 =	smul.u32 $0x300, s8  }
0x412: {  	s6 =	rddreg [dreg:$0x6];
	s14 =	smin.u32 s14, $0x3C  }
0x413: {  	s10 =	simm.s32 $0x0;
	s14 =	sshll.u32 s14, $0x4;
	s15 =	sadd.s32 s6, s8  }
0x414: {  	[hbm4b:s15+s10] =	stream.linear.scatter [tilespmem:s3], [sflag:$0x3], $0x3000, $0x38;
	[tilespmem:$0xFD00] =	vst v63  }
0x415: {  	v7 =	vld [tilespmem:s14+$0x20];
	_ =	sdelay $0x4  }
0x416: {  	v8 =	vshrl.u32 v7, $0x3  }
0x417: {  	v8 =	vmul.u32 $0x30, v8  }
0x418: {  	v7 =	vand.u32 $0x7, v7  }
0x419: {  	v7 =	vor.u32 v7, v8  }
0x41a: {  	v8 =	vperm.xlane v7, v0;
	_ =	sdelay $0x1  }
0x41b: {  	v8 =	vadd.s32 v1, v8;
	_ =	sdelay $0x3  }
0x41c: {  	v7 =	vperm.xlane v7, v2  }
0x41d: {  	[tilespmem:s22], [sflag:$0x1] =	stream.indirect_vreg.gather [hbm4b:s1+s10], $0x80, v8, vm0, $0xb8;
	[tilespmem:$0xFD00] =	vst v63  }
0x41e: {  	v7 =	vadd.s32 v1, v7  }
0x41f: {  	[tilespmem:s23], [sflag:$0x1] =	stream.indirect_vreg.gather [hbm4b:s11+s10], $0x80, v8, vm0, $0xb8;
	[tilespmem:$0xFD00] =	vst v63  }
0x420: {  	_ = 	snop  }
0x421: {  	[tilespmem:s24], [sflag:$0x1] =	stream.indirect_vreg.gather [hbm4b:s12+s10], $0x80, v8, vm0, $0xb8;
	[tilespmem:$0xFD00] =	vst v63  }
0x422: {  	_ = 	snop  }
0x423: {  	[tilespmem:s25], [sflag:$0x1] =	stream.indirect_vreg.gather [hbm4b:s1+s10], $0x80, v7, vm0, $0xb8;
	[tilespmem:$0xFD00] =	vst v63  }
0x424: {  	_ = 	snop  }
0x425: {  	[tilespmem:s26], [sflag:$0x1] =	stream.indirect_vreg.gather [hbm4b:s11+s10], $0x80, v7, vm0, $0xb8;
	[tilespmem:$0xFD00] =	vst v63  }
0x426: {  	_ = 	snop  }
0x427: {  	[tilespmem:s28], [sflag:$0x1] =	stream.indirect_vreg.gather [hbm4b:s12+s10], $0x80, v7, vm0, $0xb8;
	[tilespmem:$0xFD00] =	vst v63  }
0x428: {  	_ =	swait.ge [sflag:s20], $0x3000  }
0x429: {  	[sflag:s20] =	ssyncset.done $0x0  }
0x42a: {  	[sflag:s20] =	ssyncadd.s32 $0xFFFFD000  }
0x42b: {  	_ =	swait.ge [sflag:s21], $0x3000  }
0x42c: {  	[sflag:s21] =	ssyncset.done $0x0  }
0x42d: {  	s15 =	simm.s32 $0x0;
	[sflag:s21] =	ssyncadd.s32 $0xFFFFD000  }
.LBB2_7:
0x42e: {  	s17 =	sshrl.u32 s15, $0x3  }
0x42f: {  	s17 =	smul.u32 $0x1800, s17  }
0x430: {  	s6 =	sand.u32 $0x380, s10  }
0x431: {  	s17 =	sor.u32 s6, s17  }
0x432: {  	v7 =	vld [tilespmem:s17+$0x6D00]  }
0x433: {  	v8 =	vld [tilespmem:s17+$0x400]  }
0x434: {  	v9 =	vld [tilespmem:s17+$0x6D10]  }
0x435: {  	v10 =	vld [tilespmem:s17+$0x410]  }
0x436: {  	v11 =	vld [tilespmem:s17+$0x6D20]  }
0x437: {  	v12 =	vld [tilespmem:s17+$0x420]  }
0x438: {  	v13 =	vld [tilespmem:s17+$0x6D30]  }
0x439: {  	v14 =	vld [tilespmem:s17+$0x430]  }
0x43a: {  	v15 =	vld [tilespmem:s17+$0x6D40]  }
0x43b: {  	v16 =	vld [tilespmem:s17+$0x440]  }
0x43c: {  	v17 =	vld [tilespmem:s17+$0x6D50]  }
0x43d: {  	v18 =	vld [tilespmem:s17+$0x450]  }
0x43e: {  	v19 =	vld [tilespmem:s17+$0x6D60]  }
0x43f: {  	v20 =	vld [tilespmem:s17+$0x460]  }
0x440: {  	v21 =	vld [tilespmem:s17+$0x6D70]  }
0x441: {  	v22 =	vld [tilespmem:s17+$0x470]  }
0x442: {  	v23 =	vld [tilespmem:s17+$0x7100]  }
0x443: {  	v24 =	vld [tilespmem:s17+$0x800]  }
0x444: {  	v33 =	vld [tilespmem:s17+$0x7110]  }
0x445: {  	v34 =	vld [tilespmem:s17+$0x810]  }
0x446: {  	v35 =	vld [tilespmem:s17+$0x7120]  }
0x447: {  	v36 =	vld [tilespmem:s17+$0x820]  }
0x448: {  	v37 =	vld [tilespmem:s17+$0x7130]  }
0x449: {  	v38 =	vld [tilespmem:s17+$0x830]  }
0x44a: {  	v39 =	vld [tilespmem:s17+$0x7140]  }
0x44b: {  	v40 =	vld [tilespmem:s17+$0x840]  }
0x44c: {  	v41 =	vld [tilespmem:s17+$0x7150]  }
0x44d: {  	v42 =	vld [tilespmem:s17+$0x850]  }
0x44e: {  	v43 =	vld [tilespmem:s17+$0x7160]  }
0x44f: {  	v44 =	vld [tilespmem:s17+$0x860]  }
0x450: {  	v45 =	vld [tilespmem:s17+$0x7170]  }
0x451: {  	v46 =	vld [tilespmem:s17+$0x870]  }
0x452: {  	v47 =	vld [tilespmem:s17+$0x7520];
	v32 =	vadd.f32 v8, v7  }
0x453: {  	v48 =	vld [tilespmem:s17+$0xC20];
	v29 =	vadd.f32 v12, v11;
	v31 =	vadd.f32 v10, v9  }
0x454: {  	v49 =	vld [tilespmem:s17+$0x7530];
	v30 =	vadd.f32 v14, v13;
	v27 =	vadd.f32 v16, v15  }
0x455: {  	v50 =	vld [tilespmem:s17+$0xC30];
	v28 =	vadd.f32 v18, v17;
	v26 =	vadd.f32 v22, v21  }
0x456: {  	v51 =	vld [tilespmem:s17+$0x7540];
	v23 =	vadd.f32 v24, v23;
	v24 =	vadd.f32 v34, v33  }
0x457: {  	v52 =	vld [tilespmem:s17+$0xC40];
	v21 =	vadd.f32 v36, v35;
	v22 =	vadd.f32 v38, v37  }
0x458: {  	v9 =	vld [tilespmem:s17+$0x7510];
	v17 =	vadd.f32 v44, v43;
	v18 =	vadd.f32 v46, v45  }
0x459: {  	v13 =	vld [tilespmem:s17+$0xC10];
	v60 =	vadd.f32 $0.0e+00, v32;
	v61 =	vmul.f32 v32, v32;
	v12 =	vmul.f32 v29, v29  }
0x45a: {  	v53 =	vld [tilespmem:s17+$0x7550];
	v62 =	vadd.f32 $0.0e+00, v31;
	v25 =	vmul.f32 v31, v31;
	v63 =	vmul.f32 v30, v30  }
0x45b: {  	v7 =	vld [tilespmem:s17+$0x7500];
	v11 =	vadd.f32 v29, v60;
	v10 =	vadd.f32 v12, v61  }
0x45c: {  	v8 =	vld [tilespmem:s17+$0xC00];
	v14 =	vadd.f32 v30, v62;
	v12 =	vadd.f32 v63, v25  }
0x45d: {  	v54 =	vld [tilespmem:s17+$0xC50];
	v15 =	vmul.f32 v27, v27;
	v25 =	vadd.f32 v20, v19;
	v19 =	vadd.f32 v40, v39  }
0x45e: {  	v33 =	vld [tilespmem:s17+$0x7560];
	v20 =	vmul.f32 v28, v28;
	v16 =	vadd.f32 v13, v9;
	v13 =	vadd.f32 v48, v47  }
0x45f: {  	v34 =	vld [tilespmem:s17+$0xC60];
	v11 =	vadd.f32 v27, v11;
	v10 =	vadd.f32 v15, v10  }
0x460: {  	v35 =	vld [tilespmem:s17+$0x7570];
	v14 =	vadd.f32 v28, v14;
	v56 =	vmul.f32 v25, v25;
	v12 =	vadd.f32 v20, v12  }
0x461: {  	v36 =	vld [tilespmem:s17+$0xC70];
	v57 =	vmul.f32 v26, v26;
	v20 =	vadd.f32 v42, v41;
	v15 =	vadd.f32 v8, v7  }
0x462: {  	v37 =	vld [tilespmem:s17+$0x7900];
	v58 =	vmul.f32 v23, v23;
	v11 =	vadd.f32 v25, v11;
	v10 =	vadd.f32 v56, v10  }
0x463: {  	v38 =	vld [tilespmem:s17+$0x1000];
	v59 =	vmul.f32 v24, v24;
	v14 =	vadd.f32 v26, v14;
	v12 =	vadd.f32 v57, v12  }
0x464: {  	v43 =	vld [tilespmem:s17+$0x7930];
	v60 =	vmul.f32 v21, v21;
	v11 =	vadd.f32 v23, v11;
	v10 =	vadd.f32 v58, v10  }
0x465: {  	v44 =	vld [tilespmem:s17+$0x1030];
	v61 =	vmul.f32 v22, v22;
	v14 =	vadd.f32 v24, v14;
	v12 =	vadd.f32 v59, v12  }
0x466: {  	v45 =	vld [tilespmem:s17+$0x7940];
	v62 =	vmul.f32 v19, v19;
	v11 =	vadd.f32 v21, v11;
	v10 =	vadd.f32 v60, v10  }
0x467: {  	v46 =	vld [tilespmem:s17+$0x1040];
	v63 =	vmul.f32 v20, v20;
	v14 =	vadd.f32 v22, v14;
	v12 =	vadd.f32 v61, v12  }
0x468: {  	v55 =	vmul.f32 v17, v17;
	v39 =	vld [tilespmem:s17+$0x7910];
	v11 =	vadd.f32 v19, v11;
	v10 =	vadd.f32 v62, v10  }
0x469: {  	v40 =	vld [tilespmem:s17+$0x1010];
	v56 =	vmul.f32 v18, v18;
	v14 =	vadd.f32 v20, v14;
	v12 =	vadd.f32 v63, v12  }
0x46a: {  	v47 =	vld [tilespmem:s17+$0x7950];
	v7 =	vadd.f32 v17, v11;
	v8 =	vadd.f32 v55, v10  }
0x46b: {  	v41 =	vld [tilespmem:s17+$0x7920];
	v57 =	vadd.f32 v18, v14;
	v59 =	vadd.f32 v56, v12  }
0x46c: {  	v58 =	vmul.f32 v15, v15;
	v14 =	vadd.f32 v50, v49;
	v49 =	vld [tilespmem:s17+$0x1050];
	v11 =	vadd.f32 v52, v51  }
0x46d: {  	v60 =	vmul.f32 v16, v16;
	v12 =	vadd.f32 v54, v53;
	v53 =	vld [tilespmem:s17+$0x7970];
	v10 =	vadd.f32 v36, v35  }
0x46e: {  	v48 =	vmul.f32 v13, v13;
	v55 =	vld [tilespmem:s17+$0x1070];
	v7 =	vadd.f32 v15, v7;
	v8 =	vadd.f32 v58, v8  }
0x46f: {  	v42 =	vld [tilespmem:s17+$0x1020];
	v61 =	vadd.f32 v16, v57;
	v9 =	vadd.f32 v60, v59;
	v62 =	vmul.f32 v14, v14  }
0x470: {  	v50 =	vld [tilespmem:s17+$0x7960];
	v7 =	vadd.f32 v13, v7;
	v8 =	vadd.f32 v48, v8  }
0x471: {  	v36 =	vld [tilespmem:s17+$0x1400];
	v63 =	vadd.f32 v14, v61;
	v57 =	vadd.f32 v62, v9  }
0x472: {  	v54 =	vld [tilespmem:s17+$0x1410];
	v52 =	vmul.f32 v11, v11;
	v9 =	vadd.f32 v34, v33;
	v47 =	vadd.f32 v49, v47  }
0x473: {  	v48 =	vld [tilespmem:s17+$0x1060];
	v53 =	vadd.f32 v55, v53;
	v58 =	vadd.f32 v11, v7;
	v7 =	vmul.f32 v12, v12  }
0x474: {  	v49 =	vld [tilespmem:s17+$0x7D50];
	v8 =	vadd.f32 v52, v8;
	v59 =	vadd.f32 v12, v63;
	v62 =	vmul.f32 v9, v9  }
0x475: {  	v52 =	vld [tilespmem:s17+$0x7D00];
	v63 =	vadd.f32 v7, v57;
	v7 =	vadd.f32 v38, v37  }
0x476: {  	v61 =	vmul.f32 v10, v10;
	v55 =	vld [tilespmem:s17+$0x1460];
	v60 =	vadd.f32 v9, v58;
	v51 =	vadd.f32 v62, v8  }
0x477: {  	v37 =	vld [tilespmem:s17+$0x7D10];
	v34 =	vadd.f32 v10, v59;
	v8 =	vadd.f32 v40, v39  }
0x478: {  	v33 =	vadd.f32 v42, v41;
	v39 =	vld [tilespmem:s17+$0x7D20];
	v56 =	vmul.f32 v7, v7;
	v35 =	vadd.f32 v61, v63  }
0x479: {  	v40 =	vld [tilespmem:s17+$0x1420];
	v38 =	vadd.f32 v7, v60;
	v63 =	vmul.f32 v8, v8;
	v60 =	vadd.f32 v8, v34  }
0x47a: {  	v34 =	vadd.f32 v44, v43;
	v43 =	vld [tilespmem:s17+$0x1430];
	v36 =	vadd.f32 v36, v52  }
0x47b: {  	v44 =	vld [tilespmem:s17+$0x7D40];
	v62 =	vadd.f32 v56, v51;
	v42 =	vadd.f32 v63, v35  }
0x47c: {  	v57 =	vmul.f32 v33, v33;
	v51 =	vld [tilespmem:s17+$0x7D30];
	v35 =	vadd.f32 v46, v45;
	v38 =	vadd.f32 v33, v38  }
0x47d: {  	v61 =	vmul.f32 v34, v34;
	v46 =	vld [tilespmem:s17+$0x1440];
	v56 =	vadd.f32 v34, v60;
	v45 =	vadd.f32 v48, v50  }
0x47e: {  	v48 =	vld [tilespmem:s17+$0x1450];
	v63 =	vmul.f32 v47, v47;
	v37 =	vadd.f32 v54, v37;
	v39 =	vadd.f32 v40, v39  }
0x47f: {  	v50 =	vld [tilespmem:s17+$0x7D70];
	v41 =	vadd.f32 v57, v62;
	v62 =	vmul.f32 v35, v35;
	v42 =	vadd.f32 v61, v42  }
0x480: {  	v54 =	vld [tilespmem:s17+$0x8100];
	v38 =	vadd.f32 v35, v38;
	v56 =	vadd.f32 v47, v56  }
0x481: {  	v40 =	vld [tilespmem:s17+$0x1800];
	v41 =	vadd.f32 v62, v41;
	v42 =	vadd.f32 v63, v42  }
0x482: {  	v57 =	vld [tilespmem:s17+$0x7D60];
	v58 =	vmul.f32 v45, v45;
	v38 =	vadd.f32 v45, v38;
	v56 =	vadd.f32 v53, v56  }
0x483: {  	v60 =	vmul.f32 v53, v53;
	v43 =	vadd.f32 v43, v51;
	v51 =	vld [tilespmem:s17+$0x1810];
	v44 =	vadd.f32 v46, v44  }
0x484: {  	v59 =	vmul.f32 v36, v36;
	v46 =	vld [tilespmem:s17+$0x1820];
	v48 =	vadd.f32 v48, v49;
	v41 =	vadd.f32 v58, v41  }
0x485: {  	v52 =	vmul.f32 v37, v37;
	v49 =	vld [tilespmem:s17+$0x8130];
	v42 =	vadd.f32 v60, v42;
	v38 =	vadd.f32 v36, v38  }
0x486: {  	v58 =	vld [tilespmem:s17+$0x1470];
	v56 =	vadd.f32 v37, v56;
	v60 =	vmul.f32 v39, v39;
	v41 =	vadd.f32 v59, v41  }
0x487: {  	v55 =	vadd.f32 v55, v57;
	v57 =	vld [tilespmem:s17+$0x1830];
	v42 =	vadd.f32 v52, v42  }
0x488: {  	v59 =	vld [tilespmem:s17+$0x8110];
	v38 =	vadd.f32 v39, v38;
	v41 =	vadd.f32 v60, v41;
	v60 =	vmul.f32 v43, v43  }
0x489: {  	v40 =	vadd.f32 v40, v54;
	v52 =	vld [tilespmem:s17+$0x8120];
	v56 =	vadd.f32 v43, v56  }
0x48a: {  	v38 =	vadd.f32 v44, v38;
	v42 =	vadd.f32 v60, v42;
	v60 =	vmul.f32 v44, v44  }
0x48b: {  	v62 =	vld [tilespmem:s17+$0x1860];
	v56 =	vadd.f32 v48, v56;
	v50 =	vadd.f32 v58, v50  }
0x48c: {  	v54 =	vld [tilespmem:s17+$0x1840];
	v49 =	vadd.f32 v57, v49;
	v41 =	vadd.f32 v60, v41;
	v60 =	vmul.f32 v55, v55  }
0x48d: {  	v61 =	vmul.f32 v48, v48;
	v58 =	vld [tilespmem:s17+$0x8140];
	v38 =	vadd.f32 v55, v38;
	v51 =	vadd.f32 v51, v59  }
0x48e: {  	v57 =	vld [tilespmem:s17+$0x8160];
	v46 =	vadd.f32 v46, v52;
	v41 =	vadd.f32 v60, v41;
	v60 =	vmul.f32 v40, v40  }
0x48f: {  	v59 =	vld [tilespmem:s17+$0x8150];
	v56 =	vadd.f32 v50, v56;
	v42 =	vadd.f32 v61, v42  }
0x490: {  	v52 =	vld [tilespmem:s17+$0x1850];
	v61 =	vmul.f32 v50, v50;
	v41 =	vadd.f32 v60, v41;
	v60 =	vmul.f32 v46, v46  }
0x491: {  	v63 =	vld [tilespmem:s17+$0x8170];
	v38 =	vadd.f32 v40, v38;
	v56 =	vadd.f32 v51, v56  }
0x492: {  	v42 =	vadd.f32 v61, v42;
	v61 =	vmul.f32 v51, v51;
	v41 =	vadd.f32 v60, v41;
	v60 =	vld [tilespmem:s17+$0x1870]  }
0x493: {  	v54 =	vadd.f32 v54, v58;
	v38 =	vadd.f32 v46, v38  }
0x494: {  	v56 =	vadd.f32 v49, v56;
	v42 =	vadd.f32 v61, v42;
	v61 =	vmul.f32 v49, v49  }
0x495: {  	v57 =	vadd.f32 v62, v57;
	v52 =	vadd.f32 v52, v59  }
0x496: {  	v58 =	vmul.f32 v54, v54;
	v38 =	vadd.f32 v54, v38;
	v42 =	vadd.f32 v61, v42  }
0x497: {  	v56 =	vadd.f32 v52, v56;
	v59 =	vadd.f32 v60, v63;
	v60 =	vmul.f32 v52, v52  }
0x498: {  	v38 =	vadd.f32 v57, v38;
	v41 =	vadd.f32 v58, v41;
	v58 =	vmul.f32 v57, v57  }
0x499: {  	v42 =	vadd.f32 v60, v42;
	v56 =	vadd.f32 v59, v56;
	v60 =	vmul.f32 v59, v59  }
0x49a: {  	v41 =	vadd.f32 v58, v41  }
0x49b: {  	v42 =	vadd.f32 v60, v42;
	v38 =	vadd.f32 v56, v38;
	_ =	sdelay $0x1  }
0x49c: {  	v41 =	vadd.f32 v42, v41;
	v61 =	vperm.xlane v38, v3;
	_ =	sdelay $0x1  }
0x49d: {  	v38 =	vadd.f32 v38, v61;
	v62 =	vperm.xlane v41, v3;
	_ =	sdelay $0x1  }
0x49e: {  	v41 =	vadd.f32 v62, v41;
	v63 =	vperm.xlane v38, v4;
	_ =	sdelay $0x1  }
0x49f: {  	v38 =	vadd.f32 v38, v63;
	v56 =	vperm.xlane v41, v4;
	_ =	sdelay $0x1  }
0x4a0: {  	v41 =	vadd.f32 v56, v41;
	v58 =	vperm.xlane v38, v5;
	_ =	sdelay $0x1  }
0x4a1: {  	v38 =	vadd.f32 v38, v58;
	v60 =	vperm.xlane v41, v5;
	_ =	sdelay $0x1  }
0x4a2: {  	v41 =	vadd.f32 v60, v41;
	v61 =	vperm.xlane v38, v6;
	_ =	sdelay $0x1  }
0x4a3: {  	v38 =	vadd.f32 v38, v61;
	v62 =	vperm.xlane v41, v6  }
0x4a4: {  	[tilespmem:s17+$0xD900] =	vst v7  }
0x4a5: {  	[tilespmem:s17+$0xD910] =	vst v8;
	v8 =	vadd.f32 v62, v41;
	v7 =	vmul.f32 $1.302083370e-03, v38  }
0x4a6: {  	[tilespmem:s17+$0xD920] =	vst v33  }
0x4a7: {  	[tilespmem:s17+$0xD950] =	vst v47;
	v8 =	vmul.f32 $1.302083370e-03, v8;
	v63 =	vmul.f32 v7, v7  }
0x4a8: {  	[tilespmem:s17+$0xD970] =	vst v53  }
0x4a9: {  	[tilespmem:s17+$0xD930] =	vst v34;
	v8 =	vsub.f32 v8, v63  }
0x4aa: {  	[tilespmem:s17+$0xDD00] =	vst v36  }
0x4ab: {  	[tilespmem:s17+$0xD940] =	vst v35;
	v8 =	vadd.f32 $9.999999960e-13, v8  }
0x4ac: {  	[tilespmem:s17+$0xD960] =	vst v45  }
0x4ad: {  	[tilespmem:s17+$0xDD10] =	vst v37;
	v38 =	vshra.s32 v8, $0x1;
	v8 =	vmul.f32 $5.000000000e-01, v8  }
0x4ae: {  	[tilespmem:s17+$0xDD20] =	vst v39;
	v33 =	vsub.s32 $0x5F3759DF, v38  }
0x4af: {  	[tilespmem:s17+$0xDD30] =	vst v43;
	v39 =	vmul.f32 v33, v8  }
0x4b0: {  	[tilespmem:s17+$0xDD40] =	vst v44  }
0x4b1: {  	[tilespmem:s17+$0xDD50] =	vst v48;
	v34 =	vmul.f32 v33, v39  }
0x4b2: {  	[tilespmem:s17+$0xE100] =	vst v40  }
0x4b3: {  	[tilespmem:s17+$0xDD60] =	vst v55;
	v34 =	vsub.f32 $1.500000000e+00, v34  }
0x4b4: {  	[tilespmem:s17+$0xDD70] =	vst v50  }
0x4b5: {  	[tilespmem:s17+$0xE130] =	vst v49;
	v33 =	vmul.f32 v33, v34  }
0x4b6: {  	[tilespmem:s17+$0xE110] =	vst v51  }
0x4b7: {  	[tilespmem:s17+$0xE120] =	vst v46;
	v8 =	vmul.f32 v33, v8  }
0x4b8: {  	[tilespmem:s17+$0xE140] =	vst v54  }
0x4b9: {  	[tilespmem:s17+$0xE160] =	vst v57;
	v8 =	vmul.f32 v8, v33  }
0x4ba: {  	[tilespmem:s17+$0xE150] =	vst v52  }
0x4bb: {  	[tilespmem:s17+$0xE170] =	vst v59;
	v8 =	vsub.f32 $1.500000000e+00, v8  }
0x4bc: {  	v40 =	vld [tilespmem:$0x3700]  }
0x4bd: {  	v32 =	vsub.f32 v32, v7;
	v8 =	vmul.f32 v8, v33  }
0x4be: {  	v41 =	vld [tilespmem:$0x3A00]  }
0x4bf: {  	v32 =	vmul.f32 v8, v32;
	_ =	sdelay $0x1  }
0x4c0: {  	v32 =	vmul.f32 v32, v40;
	_ =	sdelay $0x1  }
0x4c1: {  	v32 =	vadd.f32 v32, v41;
	_ =	sdelay $0x1  }
0x4c2: {  	[tilespmem:s17+$0xCD00] =	vst v32  }
0x4c3: {  	v32 =	vld [tilespmem:$0x3710]  }
0x4c4: {  	v31 =	vsub.f32 v31, v7  }
0x4c5: {  	v42 =	vld [tilespmem:$0x3A10]  }
0x4c6: {  	v31 =	vmul.f32 v8, v31;
	_ =	sdelay $0x1  }
0x4c7: {  	v31 =	vmul.f32 v31, v32;
	_ =	sdelay $0x1  }
0x4c8: {  	v31 =	vadd.f32 v31, v42;
	_ =	sdelay $0x1  }
0x4c9: {  	[tilespmem:s17+$0xCD10] =	vst v31  }
0x4ca: {  	v31 =	vld [tilespmem:$0x3720]  }
0x4cb: {  	v29 =	vsub.f32 v29, v7  }
0x4cc: {  	v43 =	vld [tilespmem:$0x3A20]  }
0x4cd: {  	v29 =	vmul.f32 v8, v29;
	_ =	sdelay $0x1  }
0x4ce: {  	v29 =	vmul.f32 v29, v31;
	_ =	sdelay $0x1  }
0x4cf: {  	v29 =	vadd.f32 v29, v43;
	_ =	sdelay $0x1  }
0x4d0: {  	[tilespmem:s17+$0xCD20] =	vst v29  }
0x4d1: {  	v29 =	vld [tilespmem:$0x3730]  }
0x4d2: {  	v30 =	vsub.f32 v30, v7  }
0x4d3: {  	v44 =	vld [tilespmem:$0x3A30]  }
0x4d4: {  	v30 =	vmul.f32 v8, v30;
	_ =	sdelay $0x1  }
0x4d5: {  	v29 =	vmul.f32 v30, v29;
	_ =	sdelay $0x1  }
0x4d6: {  	v29 =	vadd.f32 v29, v44;
	_ =	sdelay $0x1  }
0x4d7: {  	[tilespmem:s17+$0xCD30] =	vst v29  }
0x4d8: {  	v29 =	vld [tilespmem:$0x3740]  }
0x4d9: {  	v27 =	vsub.f32 v27, v7  }
0x4da: {  	v45 =	vld [tilespmem:$0x3A40]  }
0x4db: {  	v27 =	vmul.f32 v8, v27;
	_ =	sdelay $0x1  }
0x4dc: {  	v27 =	vmul.f32 v27, v29;
	_ =	sdelay $0x1  }
0x4dd: {  	v27 =	vadd.f32 v27, v45;
	_ =	sdelay $0x1  }
0x4de: {  	[tilespmem:s17+$0xCD40] =	vst v27  }
0x4df: {  	v27 =	vld [tilespmem:$0x3750]  }
0x4e0: {  	v28 =	vsub.f32 v28, v7  }
0x4e1: {  	v46 =	vld [tilespmem:$0x3A50]  }
0x4e2: {  	v28 =	vmul.f32 v8, v28;
	_ =	sdelay $0x1  }
0x4e3: {  	v27 =	vmul.f32 v28, v27;
	_ =	sdelay $0x1  }
0x4e4: {  	v27 =	vadd.f32 v27, v46;
	_ =	sdelay $0x1  }
0x4e5: {  	[tilespmem:s17+$0xCD50] =	vst v27  }
0x4e6: {  	v27 =	vld [tilespmem:$0x3760]  }
0x4e7: {  	v25 =	vsub.f32 v25, v7  }
0x4e8: {  	v47 =	vld [tilespmem:$0x3A60]  }
0x4e9: {  	v25 =	vmul.f32 v8, v25;
	_ =	sdelay $0x1  }
0x4ea: {  	v25 =	vmul.f32 v27, v25;
	_ =	sdelay $0x1  }
0x4eb: {  	v25 =	vadd.f32 v47, v25;
	_ =	sdelay $0x1  }
0x4ec: {  	[tilespmem:s17+$0xCD60] =	vst v25  }
0x4ed: {  	v25 =	vld [tilespmem:$0x3770]  }
0x4ee: {  	v26 =	vsub.f32 v26, v7  }
0x4ef: {  	v48 =	vld [tilespmem:$0x3A70]  }
0x4f0: {  	v26 =	vmul.f32 v8, v26;
	_ =	sdelay $0x1  }
0x4f1: {  	v25 =	vmul.f32 v25, v26;
	_ =	sdelay $0x1  }
0x4f2: {  	v25 =	vadd.f32 v48, v25;
	_ =	sdelay $0x1  }
0x4f3: {  	[tilespmem:s17+$0xCD70] =	vst v25  }
0x4f4: {  	v25 =	vld [tilespmem:$0x3780]  }
0x4f5: {  	v23 =	vsub.f32 v23, v7  }
0x4f6: {  	v49 =	vld [tilespmem:$0x3A80]  }
0x4f7: {  	v23 =	vmul.f32 v8, v23;
	_ =	sdelay $0x1  }
0x4f8: {  	v23 =	vmul.f32 v25, v23;
	_ =	sdelay $0x1  }
0x4f9: {  	v23 =	vadd.f32 v49, v23;
	_ =	sdelay $0x1  }
0x4fa: {  	[tilespmem:s17+$0xD100] =	vst v23  }
0x4fb: {  	v23 =	vld [tilespmem:$0x3790]  }
0x4fc: {  	v24 =	vsub.f32 v24, v7  }
0x4fd: {  	v50 =	vld [tilespmem:$0x3A90]  }
0x4fe: {  	v24 =	vmul.f32 v8, v24;
	_ =	sdelay $0x1  }
0x4ff: {  	v23 =	vmul.f32 v23, v24;
	_ =	sdelay $0x1  }
0x500: {  	v23 =	vadd.f32 v50, v23;
	_ =	sdelay $0x1  }
0x501: {  	[tilespmem:s17+$0xD110] =	vst v23  }
0x502: {  	v23 =	vld [tilespmem:$0x37A0]  }
0x503: {  	v21 =	vsub.f32 v21, v7  }
0x504: {  	v51 =	vld [tilespmem:$0x3AA0]  }
0x505: {  	v21 =	vmul.f32 v8, v21;
	_ =	sdelay $0x1  }
0x506: {  	v21 =	vmul.f32 v23, v21;
	_ =	sdelay $0x1  }
0x507: {  	v21 =	vadd.f32 v51, v21;
	_ =	sdelay $0x1  }
0x508: {  	[tilespmem:s17+$0xD120] =	vst v21  }
0x509: {  	v21 =	vld [tilespmem:$0x37B0]  }
0x50a: {  	v22 =	vsub.f32 v22, v7  }
0x50b: {  	v52 =	vld [tilespmem:$0x3AB0]  }
0x50c: {  	v22 =	vmul.f32 v8, v22;
	_ =	sdelay $0x1  }
0x50d: {  	v21 =	vmul.f32 v21, v22;
	_ =	sdelay $0x1  }
0x50e: {  	v21 =	vadd.f32 v52, v21;
	_ =	sdelay $0x1  }
0x50f: {  	[tilespmem:s17+$0xD130] =	vst v21  }
0x510: {  	v21 =	vld [tilespmem:$0x37C0]  }
0x511: {  	v19 =	vsub.f32 v19, v7  }
0x512: {  	v53 =	vld [tilespmem:$0x3AC0]  }
0x513: {  	v19 =	vmul.f32 v8, v19;
	_ =	sdelay $0x1  }
0x514: {  	v19 =	vmul.f32 v21, v19;
	_ =	sdelay $0x1  }
0x515: {  	v19 =	vadd.f32 v53, v19;
	_ =	sdelay $0x1  }
0x516: {  	[tilespmem:s17+$0xD140] =	vst v19  }
0x517: {  	v19 =	vld [tilespmem:$0x37D0]  }
0x518: {  	v20 =	vsub.f32 v20, v7  }
0x519: {  	v54 =	vld [tilespmem:$0x3AD0]  }
0x51a: {  	v20 =	vmul.f32 v8, v20;
	_ =	sdelay $0x1  }
0x51b: {  	v19 =	vmul.f32 v19, v20;
	_ =	sdelay $0x1  }
0x51c: {  	v19 =	vadd.f32 v54, v19;
	_ =	sdelay $0x1  }
0x51d: {  	[tilespmem:s17+$0xD150] =	vst v19  }
0x51e: {  	v19 =	vld [tilespmem:$0x37E0]  }
0x51f: {  	v17 =	vsub.f32 v17, v7  }
0x520: {  	v55 =	vld [tilespmem:$0x3AE0]  }
0x521: {  	v17 =	vmul.f32 v8, v17;
	_ =	sdelay $0x1  }
0x522: {  	v17 =	vmul.f32 v19, v17;
	_ =	sdelay $0x1  }
0x523: {  	v17 =	vadd.f32 v55, v17;
	_ =	sdelay $0x1  }
0x524: {  	[tilespmem:s17+$0xD160] =	vst v17  }
0x525: {  	v17 =	vld [tilespmem:$0x37F0]  }
0x526: {  	v18 =	vsub.f32 v18, v7  }
0x527: {  	v56 =	vld [tilespmem:$0x3AF0]  }
0x528: {  	v18 =	vmul.f32 v8, v18;
	_ =	sdelay $0x1  }
0x529: {  	v17 =	vmul.f32 v17, v18;
	_ =	sdelay $0x1  }
0x52a: {  	v17 =	vadd.f32 v56, v17;
	_ =	sdelay $0x1  }
0x52b: {  	[tilespmem:s17+$0xD170] =	vst v17  }
0x52c: {  	v17 =	vld [tilespmem:$0x3800]  }
0x52d: {  	v15 =	vsub.f32 v15, v7  }
0x52e: {  	v57 =	vld [tilespmem:$0x3B00]  }
0x52f: {  	v15 =	vmul.f32 v8, v15;
	_ =	sdelay $0x1  }
0x530: {  	v15 =	vmul.f32 v17, v15;
	_ =	sdelay $0x1  }
0x531: {  	v15 =	vadd.f32 v57, v15;
	_ =	sdelay $0x1  }
0x532: {  	[tilespmem:s17+$0xD500] =	vst v15  }
0x533: {  	v15 =	vld [tilespmem:$0x3810]  }
0x534: {  	v16 =	vsub.f32 v16, v7  }
0x535: {  	v58 =	vld [tilespmem:$0x3B10]  }
0x536: {  	v16 =	vmul.f32 v8, v16;
	_ =	sdelay $0x1  }
0x537: {  	v15 =	vmul.f32 v15, v16;
	_ =	sdelay $0x1  }
0x538: {  	v15 =	vadd.f32 v58, v15;
	_ =	sdelay $0x1  }
0x539: {  	[tilespmem:s17+$0xD510] =	vst v15  }
0x53a: {  	v15 =	vld [tilespmem:$0x3820]  }
0x53b: {  	v13 =	vsub.f32 v13, v7  }
0x53c: {  	v59 =	vld [tilespmem:$0x3B20]  }
0x53d: {  	v13 =	vmul.f32 v8, v13;
	_ =	sdelay $0x1  }
0x53e: {  	v13 =	vmul.f32 v15, v13;
	_ =	sdelay $0x1  }
0x53f: {  	v13 =	vadd.f32 v59, v13;
	_ =	sdelay $0x1  }
0x540: {  	[tilespmem:s17+$0xD520] =	vst v13  }
0x541: {  	v13 =	vld [tilespmem:$0x3830]  }
0x542: {  	v14 =	vsub.f32 v14, v7  }
0x543: {  	v60 =	vld [tilespmem:$0x3B30]  }
0x544: {  	v14 =	vmul.f32 v8, v14;
	_ =	sdelay $0x1  }
0x545: {  	v13 =	vmul.f32 v13, v14;
	_ =	sdelay $0x1  }
0x546: {  	v13 =	vadd.f32 v60, v13;
	_ =	sdelay $0x1  }
0x547: {  	[tilespmem:s17+$0xD530] =	vst v13  }
0x548: {  	v13 =	vld [tilespmem:$0x3840]  }
0x549: {  	v11 =	vsub.f32 v11, v7  }
0x54a: {  	v61 =	vld [tilespmem:$0x3B40]  }
0x54b: {  	v11 =	vmul.f32 v8, v11;
	_ =	sdelay $0x1  }
0x54c: {  	v11 =	vmul.f32 v13, v11;
	_ =	sdelay $0x1  }
0x54d: {  	v11 =	vadd.f32 v61, v11;
	_ =	sdelay $0x1  }
0x54e: {  	[tilespmem:s17+$0xD540] =	vst v11  }
0x54f: {  	v11 =	vld [tilespmem:$0x3850]  }
0x550: {  	v12 =	vsub.f32 v12, v7  }
0x551: {  	v62 =	vld [tilespmem:$0x3B50]  }
0x552: {  	v12 =	vmul.f32 v8, v12;
	_ =	sdelay $0x1  }
0x553: {  	v11 =	vmul.f32 v11, v12;
	_ =	sdelay $0x1  }
0x554: {  	v11 =	vadd.f32 v62, v11;
	_ =	sdelay $0x1  }
0x555: {  	[tilespmem:s17+$0xD550] =	vst v11  }
0x556: {  	v11 =	vld [tilespmem:$0x3860]  }
0x557: {  	v9 =	vsub.f32 v9, v7  }
0x558: {  	v63 =	vld [tilespmem:$0x3B60]  }
0x559: {  	v9 =	vmul.f32 v8, v9;
	_ =	sdelay $0x1  }
0x55a: {  	v9 =	vmul.f32 v11, v9;
	_ =	sdelay $0x1  }
0x55b: {  	v9 =	vadd.f32 v63, v9;
	_ =	sdelay $0x1  }
0x55c: {  	[tilespmem:s17+$0xD560] =	vst v9  }
0x55d: {  	v9 =	vld [tilespmem:$0x3870]  }
0x55e: {  	v10 =	vsub.f32 v10, v7  }
0x55f: {  	v15 =	vld [tilespmem:$0x3B70]  }
0x560: {  	v10 =	vmul.f32 v8, v10;
	_ =	sdelay $0x1  }
0x561: {  	v9 =	vmul.f32 v9, v10  }
0x562: {  	v16 =	vld [tilespmem:s17+$0xD900]  }
0x563: {  	v9 =	vadd.f32 v15, v9;
	_ =	sdelay $0x1  }
0x564: {  	[tilespmem:s17+$0xD570] =	vst v9  }
0x565: {  	v9 =	vld [tilespmem:$0x3880]  }
0x566: {  	v10 =	vsub.f32 v16, v7  }
0x567: {  	v17 =	vld [tilespmem:$0x3B80]  }
0x568: {  	v10 =	vmul.f32 v10, v8;
	_ =	sdelay $0x1  }
0x569: {  	v9 =	vmul.f32 v10, v9  }
0x56a: {  	v18 =	vld [tilespmem:s17+$0xD910]  }
0x56b: {  	v9 =	vadd.f32 v9, v17;
	_ =	sdelay $0x1  }
0x56c: {  	[tilespmem:s17+$0xD900] =	vst v9  }
0x56d: {  	v9 =	vld [tilespmem:$0x3890]  }
0x56e: {  	v10 =	vsub.f32 v18, v7  }
0x56f: {  	v19 =	vld [tilespmem:$0x3B90]  }
0x570: {  	v10 =	vmul.f32 v10, v8;
	_ =	sdelay $0x1  }
0x571: {  	v9 =	vmul.f32 v10, v9  }
0x572: {  	v20 =	vld [tilespmem:s17+$0xD920]  }
0x573: {  	v9 =	vadd.f32 v9, v19;
	_ =	sdelay $0x1  }
0x574: {  	[tilespmem:s17+$0xD910] =	vst v9  }
0x575: {  	v9 =	vld [tilespmem:$0x38A0]  }
0x576: {  	v10 =	vsub.f32 v20, v7  }
0x577: {  	v21 =	vld [tilespmem:$0x3BA0]  }
0x578: {  	v10 =	vmul.f32 v10, v8;
	_ =	sdelay $0x1  }
0x579: {  	v9 =	vmul.f32 v10, v9  }
0x57a: {  	v22 =	vld [tilespmem:s17+$0xD930]  }
0x57b: {  	v9 =	vadd.f32 v9, v21;
	_ =	sdelay $0x1  }
0x57c: {  	[tilespmem:s17+$0xD920] =	vst v9  }
0x57d: {  	v9 =	vld [tilespmem:$0x38B0]  }
0x57e: {  	v10 =	vsub.f32 v22, v7  }
0x57f: {  	v23 =	vld [tilespmem:$0x3BB0]  }
0x580: {  	v10 =	vmul.f32 v10, v8;
	_ =	sdelay $0x1  }
0x581: {  	v9 =	vmul.f32 v10, v9  }
0x582: {  	v24 =	vld [tilespmem:s17+$0xD940]  }
0x583: {  	v9 =	vadd.f32 v9, v23;
	_ =	sdelay $0x1  }
0x584: {  	[tilespmem:s17+$0xD930] =	vst v9  }
0x585: {  	v9 =	vld [tilespmem:$0x38C0]  }
0x586: {  	v10 =	vsub.f32 v24, v7  }
0x587: {  	v25 =	vld [tilespmem:$0x3BC0]  }
0x588: {  	v10 =	vmul.f32 v10, v8;
	_ =	sdelay $0x1  }
0x589: {  	v9 =	vmul.f32 v10, v9  }
0x58a: {  	v26 =	vld [tilespmem:s17+$0xD950]  }
0x58b: {  	v9 =	vadd.f32 v9, v25;
	_ =	sdelay $0x1  }
0x58c: {  	[tilespmem:s17+$0xD940] =	vst v9  }
0x58d: {  	v9 =	vld [tilespmem:$0x38D0]  }
0x58e: {  	v10 =	vsub.f32 v26, v7  }
0x58f: {  	v27 =	vld [tilespmem:$0x3BD0]  }
0x590: {  	v10 =	vmul.f32 v10, v8;
	_ =	sdelay $0x1  }
0x591: {  	v9 =	vmul.f32 v10, v9  }
0x592: {  	v28 =	vld [tilespmem:s17+$0xD960]  }
0x593: {  	v9 =	vadd.f32 v9, v27;
	_ =	sdelay $0x1  }
0x594: {  	[tilespmem:s17+$0xD950] =	vst v9  }
0x595: {  	v9 =	vld [tilespmem:$0x38E0]  }
0x596: {  	v10 =	vsub.f32 v28, v7  }
0x597: {  	v29 =	vld [tilespmem:$0x3BE0]  }
0x598: {  	v10 =	vmul.f32 v10, v8;
	_ =	sdelay $0x1  }
0x599: {  	v9 =	vmul.f32 v10, v9  }
0x59a: {  	v30 =	vld [tilespmem:s17+$0xD970]  }
0x59b: {  	v9 =	vadd.f32 v9, v29;
	_ =	sdelay $0x1  }
0x59c: {  	[tilespmem:s17+$0xD960] =	vst v9  }
0x59d: {  	v9 =	vld [tilespmem:$0x38F0]  }
0x59e: {  	v10 =	vsub.f32 v30, v7  }
0x59f: {  	v31 =	vld [tilespmem:$0x3BF0]  }
0x5a0: {  	v10 =	vmul.f32 v10, v8;
	_ =	sdelay $0x1  }
0x5a1: {  	v9 =	vmul.f32 v10, v9  }
0x5a2: {  	v32 =	vld [tilespmem:s17+$0xDD00]  }
0x5a3: {  	v9 =	vadd.f32 v9, v31;
	_ =	sdelay $0x1  }
0x5a4: {  	[tilespmem:s17+$0xD970] =	vst v9  }
0x5a5: {  	v9 =	vld [tilespmem:$0x3900]  }
0x5a6: {  	v10 =	vsub.f32 v32, v7  }
0x5a7: {  	v33 =	vld [tilespmem:$0x3C00]  }
0x5a8: {  	v10 =	vmul.f32 v10, v8;
	_ =	sdelay $0x1  }
0x5a9: {  	v9 =	vmul.f32 v10, v9  }
0x5aa: {  	v34 =	vld [tilespmem:s17+$0xDD10]  }
0x5ab: {  	v9 =	vadd.f32 v9, v33;
	_ =	sdelay $0x1  }
0x5ac: {  	[tilespmem:s17+$0xDD00] =	vst v9  }
0x5ad: {  	v9 =	vld [tilespmem:$0x3910]  }
0x5ae: {  	v10 =	vsub.f32 v34, v7  }
0x5af: {  	v35 =	vld [tilespmem:$0x3C10]  }
0x5b0: {  	v10 =	vmul.f32 v10, v8;
	_ =	sdelay $0x1  }
0x5b1: {  	v9 =	vmul.f32 v10, v9  }
0x5b2: {  	v36 =	vld [tilespmem:s17+$0xDD20]  }
0x5b3: {  	v9 =	vadd.f32 v9, v35;
	_ =	sdelay $0x1  }
0x5b4: {  	[tilespmem:s17+$0xDD10] =	vst v9  }
0x5b5: {  	v9 =	vld [tilespmem:$0x3920]  }
0x5b6: {  	v10 =	vsub.f32 v36, v7  }
0x5b7: {  	v37 =	vld [tilespmem:$0x3C20]  }
0x5b8: {  	v10 =	vmul.f32 v10, v8;
	_ =	sdelay $0x1  }
0x5b9: {  	v9 =	vmul.f32 v10, v9  }
0x5ba: {  	v38 =	vld [tilespmem:s17+$0xDD30]  }
0x5bb: {  	v9 =	vadd.f32 v9, v37;
	_ =	sdelay $0x1  }
0x5bc: {  	[tilespmem:s17+$0xDD20] =	vst v9  }
0x5bd: {  	v9 =	vld [tilespmem:$0x3930]  }
0x5be: {  	v10 =	vsub.f32 v38, v7  }
0x5bf: {  	v39 =	vld [tilespmem:$0x3C30]  }
0x5c0: {  	v10 =	vmul.f32 v10, v8;
	_ =	sdelay $0x1  }
0x5c1: {  	v9 =	vmul.f32 v10, v9  }
0x5c2: {  	v40 =	vld [tilespmem:s17+$0xDD40]  }
0x5c3: {  	v9 =	vadd.f32 v9, v39;
	_ =	sdelay $0x1  }
0x5c4: {  	[tilespmem:s17+$0xDD30] =	vst v9  }
0x5c5: {  	v9 =	vld [tilespmem:$0x3940]  }
0x5c6: {  	v10 =	vsub.f32 v40, v7  }
0x5c7: {  	v41 =	vld [tilespmem:$0x3C40]  }
0x5c8: {  	v10 =	vmul.f32 v10, v8;
	_ =	sdelay $0x1  }
0x5c9: {  	v9 =	vmul.f32 v10, v9  }
0x5ca: {  	v42 =	vld [tilespmem:s17+$0xDD50]  }
0x5cb: {  	v9 =	vadd.f32 v9, v41;
	_ =	sdelay $0x1  }
0x5cc: {  	[tilespmem:s17+$0xDD40] =	vst v9  }
0x5cd: {  	v9 =	vld [tilespmem:$0x3950]  }
0x5ce: {  	v10 =	vsub.f32 v42, v7  }
0x5cf: {  	v43 =	vld [tilespmem:$0x3C50]  }
0x5d0: {  	v10 =	vmul.f32 v10, v8;
	_ =	sdelay $0x1  }
0x5d1: {  	v9 =	vmul.f32 v10, v9  }
0x5d2: {  	v44 =	vld [tilespmem:s17+$0xDD60]  }
0x5d3: {  	v9 =	vadd.f32 v9, v43;
	_ =	sdelay $0x1  }
0x5d4: {  	[tilespmem:s17+$0xDD50] =	vst v9  }
0x5d5: {  	v9 =	vld [tilespmem:$0x3960]  }
0x5d6: {  	v10 =	vsub.f32 v44, v7  }
0x5d7: {  	v45 =	vld [tilespmem:$0x3C60]  }
0x5d8: {  	v10 =	vmul.f32 v10, v8;
	_ =	sdelay $0x1  }
0x5d9: {  	v9 =	vmul.f32 v10, v9  }
0x5da: {  	v46 =	vld [tilespmem:s17+$0xDD70]  }
0x5db: {  	v9 =	vadd.f32 v9, v45;
	_ =	sdelay $0x1  }
0x5dc: {  	[tilespmem:s17+$0xDD60] =	vst v9  }
0x5dd: {  	v9 =	vld [tilespmem:$0x3970]  }
0x5de: {  	v10 =	vsub.f32 v46, v7  }
0x5df: {  	v47 =	vld [tilespmem:$0x3C70]  }
0x5e0: {  	v10 =	vmul.f32 v10, v8;
	_ =	sdelay $0x1  }
0x5e1: {  	v9 =	vmul.f32 v10, v9  }
0x5e2: {  	v48 =	vld [tilespmem:s17+$0xE100]  }
0x5e3: {  	v9 =	vadd.f32 v9, v47;
	_ =	sdelay $0x1  }
0x5e4: {  	[tilespmem:s17+$0xDD70] =	vst v9  }
0x5e5: {  	v9 =	vld [tilespmem:$0x3980]  }
0x5e6: {  	v10 =	vsub.f32 v48, v7  }
0x5e7: {  	v49 =	vld [tilespmem:$0x3C80]  }
0x5e8: {  	v10 =	vmul.f32 v10, v8;
	_ =	sdelay $0x1  }
0x5e9: {  	v9 =	vmul.f32 v10, v9  }
0x5ea: {  	v50 =	vld [tilespmem:s17+$0xE110]  }
0x5eb: {  	v9 =	vadd.f32 v9, v49;
	_ =	sdelay $0x1  }
0x5ec: {  	[tilespmem:s17+$0xE100] =	vst v9  }
0x5ed: {  	v9 =	vld [tilespmem:$0x3990]  }
0x5ee: {  	v10 =	vsub.f32 v50, v7  }
0x5ef: {  	v51 =	vld [tilespmem:$0x3C90]  }
0x5f0: {  	v10 =	vmul.f32 v10, v8;
	_ =	sdelay $0x1  }
0x5f1: {  	v9 =	vmul.f32 v10, v9  }
0x5f2: {  	v52 =	vld [tilespmem:s17+$0xE120]  }
0x5f3: {  	v9 =	vadd.f32 v9, v51;
	_ =	sdelay $0x1  }
0x5f4: {  	[tilespmem:s17+$0xE110] =	vst v9  }
0x5f5: {  	v9 =	vld [tilespmem:$0x39A0]  }
0x5f6: {  	v10 =	vsub.f32 v52, v7  }
0x5f7: {  	v53 =	vld [tilespmem:$0x3CA0]  }
0x5f8: {  	v10 =	vmul.f32 v10, v8;
	_ =	sdelay $0x1  }
0x5f9: {  	v9 =	vmul.f32 v10, v9  }
0x5fa: {  	v54 =	vld [tilespmem:s17+$0xE130]  }
0x5fb: {  	v9 =	vadd.f32 v9, v53;
	_ =	sdelay $0x1  }
0x5fc: {  	[tilespmem:s17+$0xE120] =	vst v9  }
0x5fd: {  	v9 =	vld [tilespmem:$0x39B0]  }
0x5fe: {  	v10 =	vsub.f32 v54, v7  }
0x5ff: {  	v55 =	vld [tilespmem:$0x3CB0]  }
0x600: {  	v10 =	vmul.f32 v10, v8;
	_ =	sdelay $0x1  }
0x601: {  	v9 =	vmul.f32 v10, v9  }
0x602: {  	v56 =	vld [tilespmem:s17+$0xE140]  }
0x603: {  	v9 =	vadd.f32 v9, v55;
	_ =	sdelay $0x1  }
0x604: {  	[tilespmem:s17+$0xE130] =	vst v9  }
0x605: {  	v9 =	vld [tilespmem:$0x39C0]  }
0x606: {  	v10 =	vsub.f32 v56, v7  }
0x607: {  	v57 =	vld [tilespmem:$0x3CC0]  }
0x608: {  	v10 =	vmul.f32 v10, v8;
	_ =	sdelay $0x1  }
0x609: {  	v9 =	vmul.f32 v10, v9  }
0x60a: {  	v58 =	vld [tilespmem:s17+$0xE150]  }
0x60b: {  	v9 =	vadd.f32 v9, v57;
	_ =	sdelay $0x1  }
0x60c: {  	[tilespmem:s17+$0xE140] =	vst v9  }
0x60d: {  	v9 =	vld [tilespmem:$0x39D0]  }
0x60e: {  	v10 =	vsub.f32 v58, v7  }
0x60f: {  	v59 =	vld [tilespmem:$0x3CD0]  }
0x610: {  	v10 =	vmul.f32 v10, v8;
	_ =	sdelay $0x1  }
0x611: {  	v9 =	vmul.f32 v10, v9  }
0x612: {  	v60 =	vld [tilespmem:s17+$0xE160]  }
0x613: {  	v9 =	vadd.f32 v9, v59;
	_ =	sdelay $0x1  }
0x614: {  	[tilespmem:s17+$0xE150] =	vst v9  }
0x615: {  	v9 =	vld [tilespmem:$0x39E0]  }
0x616: {  	v10 =	vsub.f32 v60, v7  }
0x617: {  	v61 =	vld [tilespmem:$0x3CE0]  }
0x618: {  	v10 =	vmul.f32 v10, v8;
	_ =	sdelay $0x1  }
0x619: {  	v9 =	vmul.f32 v10, v9  }
0x61a: {  	v62 =	vld [tilespmem:s17+$0xE170]  }
0x61b: {  	v9 =	vadd.f32 v9, v61;
	_ =	sdelay $0x1  }
0x61c: {  	[tilespmem:s17+$0xE160] =	vst v9  }
0x61d: {  	v9 =	vld [tilespmem:$0x39F0]  }
0x61e: {  	v7 =	vsub.f32 v62, v7  }
0x61f: {  	v63 =	vld [tilespmem:$0x3CF0]  }
0x620: {  	v7 =	vmul.f32 v7, v8  }
0x621: {  	p0 =	sne.s32 s15, $0xF  }
.Ltmp2:
0x622: {  	v7 =	vmul.f32 v7, v9;
	(pc) =	sbr.rel @p0 .LBB2_7-.Ltmp2, $3  }
0x623: {  	_ = 	snop  }
0x624: {  	v7 =	vadd.f32 v7, v63;
	_ =	sdelay $0x1  }
0x625: {  	s10 =	sadd.s32 $0x80, s10;
	s15 =	sadd.s32 $0x1, s15;
	[tilespmem:s17+$0xE170] =	vst v7  }
0x626: {  	s6 =	sadd.s32 s8, s13  }
0x627: {  	[hbm4b:s6+s7] =	stream.linear.scatter [tilespmem:s5], [sflag:$0x4], $0x3000, $0x38;
	[tilespmem:$0xFD00] =	vst v63  }
0x628: {  	v7 =	vld [tilespmem:s14+$0x30];
	_ =	sdelay $0x4  }
0x629: {  	v8 =	vshrl.u32 v7, $0x3  }
0x62a: {  	v8 =	vmul.u32 $0x30, v8  }
0x62b: {  	v7 =	vand.u32 $0x7, v7  }
0x62c: {  	v7 =	vor.u32 v7, v8  }
0x62d: {  	v8 =	vperm.xlane v7, v0;
	_ =	sdelay $0x1  }
0x62e: {  	v8 =	vadd.s32 v1, v8;
	_ =	sdelay $0x3  }
0x62f: {  	v7 =	vperm.xlane v7, v2  }
0x630: {  	[tilespmem:s29], [sflag:$0x2] =	stream.indirect_vreg.gather [hbm4b:s1+s7], $0x80, v8, vm0, $0xb8;
	[tilespmem:$0xFD00] =	vst v63  }
0x631: {  	v7 =	vadd.s32 v1, v7  }
0x632: {  	[tilespmem:s30], [sflag:$0x2] =	stream.indirect_vreg.gather [hbm4b:s11+s7], $0x80, v8, vm0, $0xb8;
	[tilespmem:$0xFD00] =	vst v63  }
0x633: {  	s16 =	sadd.s32 $0x1, s16  }
0x634: {  	[tilespmem:s31], [sflag:$0x2] =	stream.indirect_vreg.gather [hbm4b:s12+s7], $0x80, v8, vm0, $0xb8;
	[tilespmem:$0xFD00] =	vst v63  }
0x635: {  	p0 =	sne.s32 s16, $0x20  }
0x636: {  	[tilespmem:s0], [sflag:$0x2] =	stream.indirect_vreg.gather [hbm4b:s1+s7], $0x80, v7, vm0, $0xb8;
	[tilespmem:$0xFD00] =	vst v63  }
.Ltmp3:
0x637: {  	_ = 	snop;
	(pc) =	sbr.rel @p0 .LBB2_4-.Ltmp3, $4  }
0x638: {  	_ = 	snop  }
0x639: {  	[tilespmem:s4], [sflag:$0x2] =	stream.indirect_vreg.gather [hbm4b:s11+s7], $0x80, v7, vm0, $0xb8;
	[tilespmem:$0xFD00] =	vst v63  }
0x63a: {  	_ = 	snop  }
0x63b: {  	[tilespmem:s2], [sflag:$0x2] =	stream.indirect_vreg.gather [hbm4b:s12+s7], $0x80, v7, vm0, $0xb8;
	[tilespmem:$0xFD00] =	vst v63  }
0x63c: {  	_ =	swait.ge [sflag:s18], $0x3000  }
0x63d: {  	[sflag:s18] =	ssyncset.done $0x0  }
0x63e: {  	[sflag:s18] =	ssyncadd.s32 $0xFFFFD000  }
0x63f: {  	_ =	swait.ge [sflag:s20], $0x3000  }
0x640: {  	[sflag:s20] =	ssyncset.done $0x0  }
0x641: {  	[sflag:s20] =	ssyncadd.s32 $0xFFFFD000  }
0x642: {  	_ =	swait.ge [sflag:s19], $0x3000  }
0x643: {  	[sflag:s19] =	ssyncset.done $0x0  }
0x644: {  	[sflag:s19] =	ssyncadd.s32 $0xFFFFD000  }
0x645: {  	_ =	swait.ge [sflag:s21], $0x3000  }
0x646: {  	s8 =	rddreg [dreg:$0xb]  }
0x647: {  	s6 =	rddreg [dreg:$0xa];
	s8 =	sadd.s32 $0x1, s8  }
0x648: {  	p0 =	sne.s32 s8, s6  }
.Ltmp4:
0x649: {  	_ = 	snop;
	(pc) =	sbr.rel @p0 .LBB2_1-.Ltmp4, $3  }
0x64a: {  	_ =	sdelay $0x1  }
0x64b: {  	[sflag:s21] =	ssyncset.done $0x0  }
0x64c: {  	s17 =	rddreg [dreg:$0x9];
	[sflag:s21] =	ssyncadd.s32 $0xFFFFD000  }
0x64d: {  	_ =	sfence.sel $0x180000  }
0x64e: {  	[bflag:$0x0] =	sbarrier.arrive $0xFFFF  }
0x64f: {  	_ =	strace $0x90000047  }
0x650: {  	s0 =	stileid.u32;
	[bflag:$0x2] =	sbarrier.arrive $0xFFFF  }
0x651: {  	p0 =	sne.s32 s0, $0x0;
	s0 =	rddreg [dreg:$0x7]  }
0x652: {  	s0 =	sadd.s32 @!p0 $0x100000, s0  }
0x653: {  	[sflag:s0] =	ssyncadd.tile.s32 @!p0 $0x1;
	_ =	shalt  }
.Lfunc_end2:
_tile_overlayer_lowered:
.L_overlay_start_2:
0x654: {  	(tag) =	ssettag $0x2  }
0x655: {  	s0 =	rddreg [dreg:$0x0];
	s2 =	stileid.u32  }
0x656: {  	s1 =	rddreg [dreg:$0x1];
	p0 =	sne.s32 s2, $0x0  }
0x657: {  	s3 =	rddreg [dreg:$0x2];
	[bflag:$0x3] =	sbarrier.arrive $0xFFFF;
	s2 =	simm.s32 @!p0 $0x1C05  }
0x658: {  	[timem:s3], [sflag:s2] =	dma.local @!p0 [hbm:s0], s1  }
0x659: {  	s0 =	simm.s32 @!p0 $0x5  }
0x65a: {  	_ =	swait.ge @!p0 [sflag:s0], s1  }
0x65b: {  	s1 =	ssub.s32 @!p0 $0x0, s1;
	[sflag:s0] =	ssyncset.done @!p0 $0x0  }
0x65c: {  	[sflag:s0] =	ssyncadd.s32 @!p0 s1  }
0x65d: {  	[bflag:$0x3] =	sbarrier.arrive $0xFFFF  }
0x65e: {  	_ =	shalt  }

</sc_bundles>
